<compile_context>
chip_gen: v7x
topology: tpu7x:2x2x1
jax: 0.10.2.dev20260603
libtpu: 0.0.44.dev20260713+nightly
codegen_flags: <defaults>
</compile_context>

<pallas_src>
import functools

import jax
import jax.numpy as jnp
from jax import lax
from jax.experimental import pallas as pl
from jax.experimental.pallas import tpu as pltpu
from jax.experimental.pallas import tpu_sc as plsc

N = 10000
D = 128
E = 320000

NC = 2
NS = 16
NW = NC * NS
NPAD = 10240
RPS = NPAD // NS
CHUNK = 128
CH = 80
EW = CH * CHUNK
EPAD = NW * EW

DC = 128
BM = 1024


def _sc_mesh():
    return plsc.VectorSubcoreMesh(core_axis_name="c", subcore_axis_name="s")



@functools.partial(
    pl.kernel,
    out_type=jax.ShapeDtypeStruct((NC, NPAD, D), jnp.float32),
    mesh=_sc_mesh(),
    scratch_types=[
        pltpu.VMEM((CH, CHUNK), jnp.int32),
        pltpu.VMEM((CHUNK, D), jnp.float32),
        pltpu.VMEM((CHUNK, D), jnp.float32),
        pltpu.VMEM((RPS // DC, DC), jnp.int32),
        pltpu.VMEM_SHARED((NPAD, D), jnp.float32),
    ],
)
def _deg_kernel(dst_hbm, out_hbm, dst_v, ones_v, bounce_v, iota_v, acc_sh):
    cid = lax.axis_index("c")
    sid = lax.axis_index("s")
    wid = sid * NC + cid
    pltpu.sync_copy(dst_hbm.at[wid], dst_v)

    def fill(r, c):
        for m in range(D // 16):
            ones_v[r, pl.ds(m * 16, 16)] = jnp.ones((16,), jnp.float32)
            bounce_v[r, pl.ds(m * 16, 16)] = jnp.zeros((16,), jnp.float32)
        return c
    lax.fori_loop(0, CHUNK, fill, 0)
    base = sid * RPS
    for k in range(RPS // DC):
        for m in range(DC // 16):
            iota_v[k, pl.ds(m * 16, 16)] = (
                lax.iota(jnp.int32, 16) + (base + k * DC + m * 16))

    for k in range(RPS // DC):
        pltpu.sync_copy(bounce_v.at[pl.ds(0, DC)], acc_sh.at[iota_v.at[k]])
    plsc.subcore_barrier()

    def body(j, c):
        pltpu.sync_copy(ones_v, acc_sh.at[dst_v.at[j]], add=True)
        return c
    lax.fori_loop(0, CH, body, 0)
    plsc.subcore_barrier()

    for k in range(RPS // DC):
        pltpu.sync_copy(acc_sh.at[iota_v.at[k]], bounce_v.at[pl.ds(0, DC)])
        pltpu.sync_copy(bounce_v.at[pl.ds(0, DC)],
                        out_hbm.at[cid, pl.ds(sid * RPS + k * DC, DC)])


@functools.partial(
    pl.kernel,
    out_type=jax.ShapeDtypeStruct((NC, NPAD, D), jnp.float32),
    mesh=_sc_mesh(),
    scratch_types=[
        pltpu.VMEM((CH, CHUNK), jnp.int32),
        pltpu.VMEM((CH, CHUNK), jnp.int32),
        pltpu.VMEM((CHUNK, D), jnp.float32),
        pltpu.VMEM((RPS // DC, DC), jnp.int32),
        pltpu.VMEM_SHARED((NPAD, D), jnp.float32),
        pltpu.SemaphoreType.DMA,
    ],
)
def _scatter_kernel(g_hbm, src_hbm, dst_hbm, out_hbm,
                    src_v, dst_v, buf_a, iota_v, acc_sh, gsem_a):
    cid = lax.axis_index("c")
    sid = lax.axis_index("s")
    wid = sid * NC + cid
    pltpu.sync_copy(src_hbm.at[wid], src_v)
    pltpu.sync_copy(dst_hbm.at[wid], dst_v)

    def zrow(r, c):
        for k in range(D // 16):
            buf_a[r, pl.ds(k * 16, 16)] = jnp.zeros((16,), jnp.float32)
        return c
    lax.fori_loop(0, CHUNK, zrow, 0)
    base = sid * RPS
    for k in range(RPS // DC):
        for m in range(DC // 16):
            iota_v[k, pl.ds(m * 16, 16)] = (
                lax.iota(jnp.int32, 16) + (base + k * DC + m * 16))
    for k in range(RPS // DC):
        pltpu.sync_copy(buf_a.at[pl.ds(0, DC)], acc_sh.at[iota_v.at[k]])
    plsc.subcore_barrier()

    def body(j, c):
        pltpu.async_copy(g_hbm.at[src_v.at[j]], buf_a, gsem_a).wait()
        pltpu.sync_copy(buf_a, acc_sh.at[dst_v.at[j]], add=True)
        return c
    lax.fori_loop(0, CH, body, 0)

    plsc.subcore_barrier()
    for k in range(RPS // DC):
        pltpu.sync_copy(acc_sh.at[iota_v.at[k]], buf_a.at[pl.ds(0, DC)])
        pltpu.sync_copy(buf_a.at[pl.ds(0, DC)], out_hbm.at[cid, pl.ds(sid * RPS + k * DC, DC)])



def _mm_body(x_ref, w_ref, o_ref):
    o_ref[...] = jnp.dot(x_ref[...], w_ref[...],
                         preferred_element_type=jnp.float32)


def _mm(x, w):
    return pl.pallas_call(
        _mm_body,
        grid=(NPAD // BM,),
        in_specs=[pl.BlockSpec((BM, D), lambda i: (i, 0)),
                  pl.BlockSpec((D, D), lambda i: (0, 0))],
        out_specs=pl.BlockSpec((BM, D), lambda i: (i, 0)),
        out_shape=jax.ShapeDtypeStruct((NPAD, D), jnp.float32),
    )(x, w)


def _dinv_of(cnt_blk):
    deg = cnt_blk[0][:, :1] + cnt_blk[1][:, :1] + 1.0
    return lax.rsqrt(deg)


def _fin1_body(cnt_ref, h_ref, g_ref):
    g_ref[...] = h_ref[...] * _dinv_of(cnt_ref[...])


def _fin1(counts, hraw):
    return pl.pallas_call(
        _fin1_body,
        grid=(NPAD // BM,),
        in_specs=[pl.BlockSpec((NC, BM, D), lambda i: (0, i, 0)),
                  pl.BlockSpec((BM, D), lambda i: (i, 0))],
        out_specs=pl.BlockSpec((BM, D), lambda i: (i, 0)),
        out_shape=jax.ShapeDtypeStruct((NPAD, D), jnp.float32),
    )(counts, hraw)


def _mid_body(cnt_ref, acc_ref, g1_ref, b_ref, w_ref, g2_ref):
    dinv = _dinv_of(cnt_ref[...])
    h = (acc_ref[0] + acc_ref[1] + g1_ref[...]) * dinv + b_ref[...]
    h = jnp.maximum(h, 0.0)
    g2_ref[...] = jnp.dot(h, w_ref[...],
                          preferred_element_type=jnp.float32) * dinv


def _mid(counts, acc, g1, b1, w2):
    return pl.pallas_call(
        _mid_body,
        grid=(NPAD // BM,),
        in_specs=[pl.BlockSpec((NC, BM, D), lambda i: (0, i, 0)),
                  pl.BlockSpec((NC, BM, D), lambda i: (0, i, 0)),
                  pl.BlockSpec((BM, D), lambda i: (i, 0)),
                  pl.BlockSpec((1, D), lambda i: (0, 0)),
                  pl.BlockSpec((D, D), lambda i: (0, 0))],
        out_specs=pl.BlockSpec((BM, D), lambda i: (i, 0)),
        out_shape=jax.ShapeDtypeStruct((NPAD, D), jnp.float32),
    )(counts, acc, g1, b1, w2)


def _final_body(cnt_ref, acc_ref, g2_ref, b_ref, o_ref):
    dinv = _dinv_of(cnt_ref[...])
    o_ref[...] = (acc_ref[0] + acc_ref[1] + g2_ref[...]) * dinv + b_ref[...]


def _final(counts, acc, g2, b2):
    return pl.pallas_call(
        _final_body,
        grid=(NPAD // BM,),
        in_specs=[pl.BlockSpec((NC, BM, D), lambda i: (0, i, 0)),
                  pl.BlockSpec((NC, BM, D), lambda i: (0, i, 0)),
                  pl.BlockSpec((BM, D), lambda i: (i, 0)),
                  pl.BlockSpec((1, D), lambda i: (0, 0))],
        out_specs=pl.BlockSpec((BM, D), lambda i: (i, 0)),
        out_shape=jax.ShapeDtypeStruct((NPAD, D), jnp.float32),
    )(counts, acc, g2, b2)



def kernel(x, edge_index, W1, b1, W2, b2):
    xpad = jnp.pad(x, ((0, NPAD - N), (0, 0)))
    pad = jnp.full((EPAD - E,), NPAD - 1, jnp.int32)
    srcp = jnp.concatenate([edge_index[0], pad]).reshape(NW, CH, CHUNK)
    dstp = jnp.concatenate([edge_index[1], pad]).reshape(NW, CH, CHUNK)

    counts = _deg_kernel(dstp)
    hraw1 = _mm(xpad, W1)
    g1 = _fin1(counts, hraw1)
    acc1 = _scatter_kernel(g1, srcp, dstp)
    g2 = _mid(counts, acc1, g1, b1.reshape(1, D), W2)
    acc2 = _scatter_kernel(g2, srcp, dstp)
    out = _final(counts, acc2, g2, b2.reshape(1, D))
    return out[:N]

# --- scband reference (transcript-rebuilt; emitter-appended) ---
"""Pipeline reference for scband-gcn-9122510536959 (READ-ONLY COPY).

The authoritative reference and input builder live on the scoring server;
editing this copy changes nothing except your own understanding.
"""

import jax, jax.numpy as jnp
import numpy as np

N = 10000
E = 320000
D = 128

def setup_inputs(seed: int = 0) -> dict:
    key = jax.random.key(seed)
    k1, k2, k3, k4 = jax.random.split(key, 4)
    x = jax.random.normal(k1, (N, D), dtype=jnp.float32)
    edge_index = jax.random.randint(k2, (2, E), 0, N, dtype=jnp.int32)
    # glorot-style init for GCNConv weights (PyG uses glorot + zero bias)
    lim = float(np.sqrt(6.0 / (D + D)))
    W1 = jax.random.uniform(k3, (D, D), minval=-lim, maxval=lim, dtype=jnp.float32)
    b1 = jnp.zeros((D,), dtype=jnp.float32)
    W2 = jax.random.uniform(k4, (D, D), minval=-lim, maxval=lim, dtype=jnp.float32)
    b2 = jnp.zeros((D,), dtype=jnp.float32)
    return {"x": x, "edge_index": edge_index, "W1": W1, "b1": b1, "W2": W2, "b2": b2}

def _gcn_norm(edge_index, num_nodes):
    # add self loops (PyG GCNConv default add_self_loops=True)
    loop = jnp.arange(num_nodes, dtype=edge_index.dtype)
    src = jnp.concatenate([edge_index[0], loop])
    dst = jnp.concatenate([edge_index[1], loop])
    ones = jnp.ones(src.shape[0], dtype=jnp.float32)
    deg = jax.ops.segment_sum(ones, dst, num_segments=num_nodes)
    deg_inv_sqrt = jnp.where(deg > 0, deg ** -0.5, 0.0)
    norm = deg_inv_sqrt[src] * deg_inv_sqrt[dst]
    return src, dst, norm

def _gcn_conv(x, src, dst, norm, W, b, num_nodes):
    h = x @ W
    msg = h[src] * norm[:, None]
    out = jax.ops.segment_sum(msg, dst, num_segments=num_nodes)
    return out + b

def reference(x, edge_index, W1, b1, W2, b2):
    num_nodes = x.shape[0]
    src, dst, norm = _gcn_norm(edge_index, num_nodes)
    # layer 1 + relu (dropout is identity at inference: training=False)
    h = _gcn_conv(x, src, dst, norm, W1, b1, num_nodes)
    h = jax.nn.relu(h)
    # final layer, no activation
    out = _gcn_conv(h, src, dst, norm, W2, b2, num_nodes)
    return out

if __name__ == "__main__":
    import jax
    _d = setup_inputs()
    print(jax.jit(kernel)(*tuple(_d.values())))

</pallas_src>

<mosaic_0001>
#map = affine_map<(d0, d1) -> (0, 0)>
#map1 = affine_map<(d0, d1) -> (0, 0, 0)>
module attributes {stable_mosaic.version = 14 : i64} {
  func.func @_scatter_kernel(%arg0: i32, %arg1: i32, %arg2: memref<10240x128xf32, #tpu.memory_space<hbm>>, %arg3: memref<32x80x128xi32, #tpu.memory_space<hbm>>, %arg4: memref<32x80x128xi32, #tpu.memory_space<hbm>>, %arg5: memref<2x10240x128xf32, #tpu.memory_space<hbm>>, %arg6: memref<80x128xi32, #tpu.memory_space<vmem>>, %arg7: memref<80x128xi32, #tpu.memory_space<vmem>>, %arg8: memref<128x128xf32, #tpu.memory_space<vmem>>, %arg9: memref<5x128xi32, #tpu.memory_space<vmem>>, %arg10: memref<10240x128xf32, #tpu.memory_space<vmem_shared>>, %arg11: memref<!tpu.dma_semaphore, #tpu.memory_space<semaphore_mem>>) attributes {dimension_semantics = [#tpu.dimension_semantics<core_parallel>, #tpu.dimension_semantics<subcore_parallel>], iteration_bounds = array<i64: 2, 16>, scalar_prefetch = 0 : i64, scratch_operands = 6 : i64, tpu.core_type = #tpu.core_type<sc_vector_subcore>, window_params = [{transform_indices = #map}, {transform_indices = #map1}, {transform_indices = #map1}, {transform_indices = #map1}]} {
    %mul3A = arith.constant 2 : i32
    %mul3A_0 = arith.muli %arg1, %mul3A : i32
    %add3A = arith.addi %mul3A_0, %arg0 : i32
    "tpu.region"() ({
      %run_scoped3A_562 = tpu.sem_alloc : memref<!tpu.dma_semaphore, #tpu.memory_space<semaphore_mem>>
      %dma_start3A = arith.constant 0 : i32
      %dma_start3A_563 = arith.constant 0 : i32
      %dma_start3A_564 = tpu.memref_slice %arg3[%add3A, %dma_start3A, %dma_start3A_563] : memref<32x80x128xi32, #tpu.memory_space<hbm>> -> memref<1x80x128xi32, #tpu.memory_space<hbm>>
      %dma_start3A_565 = tpu.memref_squeeze %dma_start3A_564 : memref<1x80x128xi32, #tpu.memory_space<hbm>> -> memref<80x128xi32, #tpu.memory_space<hbm>>
      %dma_start3A_566 = arith.constant 0 : i32
      %dma_start3A_567 = arith.constant 0 : i32
      %dma_start3A_568 = tpu.memref_slice %arg3[%add3A, %dma_start3A_566, %dma_start3A_567] : memref<32x80x128xi32, #tpu.memory_space<hbm>> -> memref<1x80x128xi32, #tpu.memory_space<hbm>>
      %dma_start3A_569 = tpu.memref_squeeze %dma_start3A_568 : memref<1x80x128xi32, #tpu.memory_space<hbm>> -> memref<80x128xi32, #tpu.memory_space<hbm>>
      tpu.enqueue_dma source(%dma_start3A_569 : memref<80x128xi32, #tpu.memory_space<hbm>>) target(%arg6 : memref<80x128xi32, #tpu.memory_space<vmem>>) target_semaphore(%run_scoped3A_562 : memref<!tpu.dma_semaphore, #tpu.memory_space<semaphore_mem>>)
      %dma_wait3A = arith.constant 0 : i32
      %dma_wait3A_570 = arith.constant 0 : i32
      %dma_wait3A_571 = tpu.memref_slice %arg3[%add3A, %dma_wait3A, %dma_wait3A_570] : memref<32x80x128xi32, #tpu.memory_space<hbm>> -> memref<1x80x128xi32, #tpu.memory_space<hbm>>
      %dma_wait3A_572 = tpu.memref_squeeze %dma_wait3A_571 : memref<1x80x128xi32, #tpu.memory_space<hbm>> -> memref<80x128xi32, #tpu.memory_space<hbm>>
      %dma_wait3A_573 = arith.constant 0 : i32
      %dma_wait3A_574 = arith.constant 0 : i32
      %dma_wait3A_575 = tpu.memref_slice %arg3[%add3A, %dma_wait3A_573, %dma_wait3A_574] : memref<32x80x128xi32, #tpu.memory_space<hbm>> -> memref<1x80x128xi32, #tpu.memory_space<hbm>>
      %dma_wait3A_576 = tpu.memref_squeeze %dma_wait3A_575 : memref<1x80x128xi32, #tpu.memory_space<hbm>> -> memref<80x128xi32, #tpu.memory_space<hbm>>
      tpu.wait_dma2 semaphore(%run_scoped3A_562 : memref<!tpu.dma_semaphore, #tpu.memory_space<semaphore_mem>>) src(%dma_wait3A_576 : memref<80x128xi32, #tpu.memory_space<hbm>>) dst(%arg6 : memref<80x128xi32, #tpu.memory_space<vmem>>)
      tpu.yield
    }) : () -> ()
    "tpu.region"() ({
      %run_scoped3A_562 = tpu.sem_alloc : memref<!tpu.dma_semaphore, #tpu.memory_space<semaphore_mem>>
      %dma_start3A = arith.constant 0 : i32
      %dma_start3A_563 = arith.constant 0 : i32
      %dma_start3A_564 = tpu.memref_slice %arg4[%add3A, %dma_start3A, %dma_start3A_563] : memref<32x80x128xi32, #tpu.memory_space<hbm>> -> memref<1x80x128xi32, #tpu.memory_space<hbm>>
      %dma_start3A_565 = tpu.memref_squeeze %dma_start3A_564 : memref<1x80x128xi32, #tpu.memory_space<hbm>> -> memref<80x128xi32, #tpu.memory_space<hbm>>
      %dma_start3A_566 = arith.constant 0 : i32
      %dma_start3A_567 = arith.constant 0 : i32
      %dma_start3A_568 = tpu.memref_slice %arg4[%add3A, %dma_start3A_566, %dma_start3A_567] : memref<32x80x128xi32, #tpu.memory_space<hbm>> -> memref<1x80x128xi32, #tpu.memory_space<hbm>>
      %dma_start3A_569 = tpu.memref_squeeze %dma_start3A_568 : memref<1x80x128xi32, #tpu.memory_space<hbm>> -> memref<80x128xi32, #tpu.memory_space<hbm>>
      tpu.enqueue_dma source(%dma_start3A_569 : memref<80x128xi32, #tpu.memory_space<hbm>>) target(%arg7 : memref<80x128xi32, #tpu.memory_space<vmem>>) target_semaphore(%run_scoped3A_562 : memref<!tpu.dma_semaphore, #tpu.memory_space<semaphore_mem>>)
      %dma_wait3A = arith.constant 0 : i32
      %dma_wait3A_570 = arith.constant 0 : i32
      %dma_wait3A_571 = tpu.memref_slice %arg4[%add3A, %dma_wait3A, %dma_wait3A_570] : memref<32x80x128xi32, #tpu.memory_space<hbm>> -> memref<1x80x128xi32, #tpu.memory_space<hbm>>
      %dma_wait3A_572 = tpu.memref_squeeze %dma_wait3A_571 : memref<1x80x128xi32, #tpu.memory_space<hbm>> -> memref<80x128xi32, #tpu.memory_space<hbm>>
      %dma_wait3A_573 = arith.constant 0 : i32
      %dma_wait3A_574 = arith.constant 0 : i32
      %dma_wait3A_575 = tpu.memref_slice %arg4[%add3A, %dma_wait3A_573, %dma_wait3A_574] : memref<32x80x128xi32, #tpu.memory_space<hbm>> -> memref<1x80x128xi32, #tpu.memory_space<hbm>>
      %dma_wait3A_576 = tpu.memref_squeeze %dma_wait3A_575 : memref<1x80x128xi32, #tpu.memory_space<hbm>> -> memref<80x128xi32, #tpu.memory_space<hbm>>
      tpu.wait_dma2 semaphore(%run_scoped3A_562 : memref<!tpu.dma_semaphore, #tpu.memory_space<semaphore_mem>>) src(%dma_wait3A_576 : memref<80x128xi32, #tpu.memory_space<hbm>>) dst(%arg7 : memref<80x128xi32, #tpu.memory_space<vmem>>)
      tpu.yield
    }) : () -> ()
    %scan3A = arith.constant 0 : i32
    %scan3A_1 = arith.constant 0 : i32
    %scan3A_2 = arith.constant 128 : i32
    %scan3A_3 = arith.addi %scan3A_1, %scan3A_2 : i32
    %scan3A_4 = arith.constant 1 : i32
    scf.for %scan3A_562 = %scan3A_1 to %scan3A_3 step %scan3A_4  : i32 {
      %broadcast_in_dim3A = arith.constant 0.000000e+00 : f32
      %broadcast_in_dim3A_563 = vector.broadcast %broadcast_in_dim3A : f32 to vector<16xf32>
      %swap3A_564 = arith.index_cast %scan3A_562 : i32 to index
      %swap3A_565 = arith.constant 0 : index
      %swap3A_566 = tpu.vector_load %arg8[%swap3A_564, %swap3A_565] {strides = array<i32>} : memref<128x128xf32, #tpu.memory_space<vmem>>, vector<1x16xf32>,
      %swap3A_567 = vector.shape_cast %swap3A_566 : vector<1x16xf32> to vector<16xf32>
      %swap3A_568 = vector.shape_cast %broadcast_in_dim3A_563 : vector<16xf32> to vector<1x16xf32>
      tpu.vector_store %arg8[%swap3A_564, %swap3A_565], %swap3A_568 {strides = array<i32>} : memref<128x128xf32, #tpu.memory_space<vmem>>, vector<1x16xf32>,
      %broadcast_in_dim3A_569 = arith.constant 0.000000e+00 : f32
      %broadcast_in_dim3A_570 = vector.broadcast %broadcast_in_dim3A_569 : f32 to vector<16xf32>
      %swap3A_571 = arith.index_cast %scan3A_562 : i32 to index
      %swap3A_572 = arith.constant 16 : index
      %swap3A_573 = tpu.vector_load %arg8[%swap3A_571, %swap3A_572] {strides = array<i32>} : memref<128x128xf32, #tpu.memory_space<vmem>>, vector<1x16xf32>,
      %swap3A_574 = vector.shape_cast %swap3A_573 : vector<1x16xf32> to vector<16xf32>
      %swap3A_575 = vector.shape_cast %broadcast_in_dim3A_570 : vector<16xf32> to vector<1x16xf32>
      tpu.vector_store %arg8[%swap3A_571, %swap3A_572], %swap3A_575 {strides = array<i32>} : memref<128x128xf32, #tpu.memory_space<vmem>>, vector<1x16xf32>,
      %broadcast_in_dim3A_576 = arith.constant 0.000000e+00 : f32
      %broadcast_in_dim3A_577 = vector.broadcast %broadcast_in_dim3A_576 : f32 to vector<16xf32>
      %swap3A_578 = arith.index_cast %scan3A_562 : i32 to index
      %swap3A_579 = arith.constant 32 : index
      %swap3A_580 = tpu.vector_load %arg8[%swap3A_578, %swap3A_579] {strides = array<i32>} : memref<128x128xf32, #tpu.memory_space<vmem>>, vector<1x16xf32>,
      %swap3A_581 = vector.shape_cast %swap3A_580 : vector<1x16xf32> to vector<16xf32>
      %swap3A_582 = vector.shape_cast %broadcast_in_dim3A_577 : vector<16xf32> to vector<1x16xf32>
      tpu.vector_store %arg8[%swap3A_578, %swap3A_579], %swap3A_582 {strides = array<i32>} : memref<128x128xf32, #tpu.memory_space<vmem>>, vector<1x16xf32>,
      %broadcast_in_dim3A_583 = arith.constant 0.000000e+00 : f32
      %broadcast_in_dim3A_584 = vector.broadcast %broadcast_in_dim3A_583 : f32 to vector<16xf32>
      %swap3A_585 = arith.index_cast %scan3A_562 : i32 to index
      %swap3A_586 = arith.constant 48 : index
      %swap3A_587 = tpu.vector_load %arg8[%swap3A_585, %swap3A_586] {strides = array<i32>} : memref<128x128xf32, #tpu.memory_space<vmem>>, vector<1x16xf32>,
      %swap3A_588 = vector.shape_cast %swap3A_587 : vector<1x16xf32> to vector<16xf32>
      %swap3A_589 = vector.shape_cast %broadcast_in_dim3A_584 : vector<16xf32> to vector<1x16xf32>
      tpu.vector_store %arg8[%swap3A_585, %swap3A_586], %swap3A_589 {strides = array<i32>} : memref<128x128xf32, #tpu.memory_space<vmem>>, vector<1x16xf32>,
      %broadcast_in_dim3A_590 = arith.constant 0.000000e+00 : f32
      %broadcast_in_dim3A_591 = vector.broadcast %broadcast_in_dim3A_590 : f32 to vector<16xf32>
      %swap3A_592 = arith.index_cast %scan3A_562 : i32 to index
      %swap3A_593 = arith.constant 64 : index
      %swap3A_594 = tpu.vector_load %arg8[%swap3A_592, %swap3A_593] {strides = array<i32>} : memref<128x128xf32, #tpu.memory_space<vmem>>, vector<1x16xf32>,
      %swap3A_595 = vector.shape_cast %swap3A_594 : vector<1x16xf32> to vector<16xf32>
      %swap3A_596 = vector.shape_cast %broadcast_in_dim3A_591 : vector<16xf32> to vector<1x16xf32>
      tpu.vector_store %arg8[%swap3A_592, %swap3A_593], %swap3A_596 {strides = array<i32>} : memref<128x128xf32, #tpu.memory_space<vmem>>, vector<1x16xf32>,
      %broadcast_in_dim3A_597 = arith.constant 0.000000e+00 : f32
      %broadcast_in_dim3A_598 = vector.broadcast %broadcast_in_dim3A_597 : f32 to vector<16xf32>
      %swap3A_599 = arith.index_cast %scan3A_562 : i32 to index
      %swap3A_600 = arith.constant 80 : index
      %swap3A_601 = tpu.vector_load %arg8[%swap3A_599, %swap3A_600] {strides = array<i32>} : memref<128x128xf32, #tpu.memory_space<vmem>>, vector<1x16xf32>,
      %swap3A_602 = vector.shape_cast %swap3A_601 : vector<1x16xf32> to vector<16xf32>
      %swap3A_603 = vector.shape_cast %broadcast_in_dim3A_598 : vector<16xf32> to vector<1x16xf32>
      tpu.vector_store %arg8[%swap3A_599, %swap3A_600], %swap3A_603 {strides = array<i32>} : memref<128x128xf32, #tpu.memory_space<vmem>>, vector<1x16xf32>,
      %broadcast_in_dim3A_604 = arith.constant 0.000000e+00 : f32
      %broadcast_in_dim3A_605 = vector.broadcast %broadcast_in_dim3A_604 : f32 to vector<16xf32>
      %swap3A_606 = arith.index_cast %scan3A_562 : i32 to index
      %swap3A_607 = arith.constant 96 : index
      %swap3A_608 = tpu.vector_load %arg8[%swap3A_606, %swap3A_607] {strides = array<i32>} : memref<128x128xf32, #tpu.memory_space<vmem>>, vector<1x16xf32>,
      %swap3A_609 = vector.shape_cast %swap3A_608 : vector<1x16xf32> to vector<16xf32>
      %swap3A_610 = vector.shape_cast %broadcast_in_dim3A_605 : vector<16xf32> to vector<1x16xf32>
      tpu.vector_store %arg8[%swap3A_606, %swap3A_607], %swap3A_610 {strides = array<i32>} : memref<128x128xf32, #tpu.memory_space<vmem>>, vector<1x16xf32>,
      %broadcast_in_dim3A_611 = arith.constant 0.000000e+00 : f32
      %broadcast_in_dim3A_612 = vector.broadcast %broadcast_in_dim3A_611 : f32 to vector<16xf32>
      %swap3A_613 = arith.index_cast %scan3A_562 : i32 to index
      %swap3A_614 = arith.constant 112 : index
      %swap3A_615 = tpu.vector_load %arg8[%swap3A_613, %swap3A_614] {strides = array<i32>} : memref<128x128xf32, #tpu.memory_space<vmem>>, vector<1x16xf32>,
      %swap3A_616 = vector.shape_cast %swap3A_615 : vector<1x16xf32> to vector<16xf32>
      %swap3A_617 = vector.shape_cast %broadcast_in_dim3A_612 : vector<16xf32> to vector<1x16xf32>
      tpu.vector_store %arg8[%swap3A_613, %swap3A_614], %swap3A_617 {strides = array<i32>} : memref<128x128xf32, #tpu.memory_space<vmem>>, vector<1x16xf32>,
    }
    %scan3A_5 = arith.constant 128 : i32
    %mul3A_6 = arith.constant 640 : i32
    %mul3A_7 = arith.muli %arg1, %mul3A_6 : i32
    %iota3A = tpu.iota {dimensions = array<i32: 0>} : vector<16xi32>
    %add3A_8 = arith.constant 0 : i32
    %add3A_9 = arith.addi %mul3A_7, %add3A_8 : i32
    %add3A_10 = arith.constant 0 : i32
    %add3A_11 = arith.addi %add3A_9, %add3A_10 : i32
    %add3A_12 = vector.broadcast %add3A_11 : i32 to vector<16xi32>
    %add3A_13 = arith.addi %iota3A, %add3A_12 : vector<16xi32>
    %swap3A = arith.constant 0 : i32
    %swap3A_14 = arith.index_cast %swap3A : i32 to index
    %swap3A_15 = arith.constant 0 : index
    %swap3A_16 = tpu.vector_load %arg9[%swap3A_14, %swap3A_15] {strides = array<i32>} : memref<5x128xi32, #tpu.memory_space<vmem>>, vector<1x16xi32>,
    %swap3A_17 = vector.shape_cast %swap3A_16 : vector<1x16xi32> to vector<16xi32>
    %swap3A_18 = vector.shape_cast %add3A_13 : vector<16xi32> to vector<1x16xi32>
    tpu.vector_store %arg9[%swap3A_14, %swap3A_15], %swap3A_18 {strides = array<i32>} : memref<5x128xi32, #tpu.memory_space<vmem>>, vector<1x16xi32>,
    %iota3A_19 = tpu.iota {dimensions = array<i32: 0>} : vector<16xi32>
    %add3A_20 = arith.constant 0 : i32
    %add3A_21 = arith.addi %mul3A_7, %add3A_20 : i32
    %add3A_22 = arith.constant 16 : i32
    %add3A_23 = arith.addi %add3A_21, %add3A_22 : i32
    %add3A_24 = vector.broadcast %add3A_23 : i32 to vector<16xi32>
    %add3A_25 = arith.addi %iota3A_19, %add3A_24 : vector<16xi32>
    %swap3A_26 = arith.constant 0 : i32
    %swap3A_27 = arith.index_cast %swap3A_26 : i32 to index
    %swap3A_28 = arith.constant 16 : index
    %swap3A_29 = tpu.vector_load %arg9[%swap3A_27, %swap3A_28] {strides = array<i32>} : memref<5x128xi32, #tpu.memory_space<vmem>>, vector<1x16xi32>,
    %swap3A_30 = vector.shape_cast %swap3A_29 : vector<1x16xi32> to vector<16xi32>
    %swap3A_31 = vector.shape_cast %add3A_25 : vector<16xi32> to vector<1x16xi32>
    tpu.vector_store %arg9[%swap3A_27, %swap3A_28], %swap3A_31 {strides = array<i32>} : memref<5x128xi32, #tpu.memory_space<vmem>>, vector<1x16xi32>,
    %iota3A_32 = tpu.iota {dimensions = array<i32: 0>} : vector<16xi32>
    %add3A_33 = arith.constant 0 : i32
    %add3A_34 = arith.addi %mul3A_7, %add3A_33 : i32
    %add3A_35 = arith.constant 32 : i32
    %add3A_36 = arith.addi %add3A_34, %add3A_35 : i32
    %add3A_37 = vector.broadcast %add3A_36 : i32 to vector<16xi32>
    %add3A_38 = arith.addi %iota3A_32, %add3A_37 : vector<16xi32>
    %swap3A_39 = arith.constant 0 : i32
    %swap3A_40 = arith.index_cast %swap3A_39 : i32 to index
    %swap3A_41 = arith.constant 32 : index
    %swap3A_42 = tpu.vector_load %arg9[%swap3A_40, %swap3A_41] {strides = array<i32>} : memref<5x128xi32, #tpu.memory_space<vmem>>, vector<1x16xi32>,
    %swap3A_43 = vector.shape_cast %swap3A_42 : vector<1x16xi32> to vector<16xi32>
    %swap3A_44 = vector.shape_cast %add3A_38 : vector<16xi32> to vector<1x16xi32>
    tpu.vector_store %arg9[%swap3A_40, %swap3A_41], %swap3A_44 {strides = array<i32>} : memref<5x128xi32, #tpu.memory_space<vmem>>, vector<1x16xi32>,
    %iota3A_45 = tpu.iota {dimensions = array<i32: 0>} : vector<16xi32>
    %add3A_46 = arith.constant 0 : i32
    %add3A_47 = arith.addi %mul3A_7, %add3A_46 : i32
    %add3A_48 = arith.constant 48 : i32
    %add3A_49 = arith.addi %add3A_47, %add3A_48 : i32
    %add3A_50 = vector.broadcast %add3A_49 : i32 to vector<16xi32>
    %add3A_51 = arith.addi %iota3A_45, %add3A_50 : vector<16xi32>
    %swap3A_52 = arith.constant 0 : i32
    %swap3A_53 = arith.index_cast %swap3A_52 : i32 to index
    %swap3A_54 = arith.constant 48 : index
    %swap3A_55 = tpu.vector_load %arg9[%swap3A_53, %swap3A_54] {strides = array<i32>} : memref<5x128xi32, #tpu.memory_space<vmem>>, vector<1x16xi32>,
    %swap3A_56 = vector.shape_cast %swap3A_55 : vector<1x16xi32> to vector<16xi32>
    %swap3A_57 = vector.shape_cast %add3A_51 : vector<16xi32> to vector<1x16xi32>
    tpu.vector_store %arg9[%swap3A_53, %swap3A_54], %swap3A_57 {strides = array<i32>} : memref<5x128xi32, #tpu.memory_space<vmem>>, vector<1x16xi32>,
    %iota3A_58 = tpu.iota {dimensions = array<i32: 0>} : vector<16xi32>
    %add3A_59 = arith.constant 0 : i32
    %add3A_60 = arith.addi %mul3A_7, %add3A_59 : i32
    %add3A_61 = arith.constant 64 : i32
    %add3A_62 = arith.addi %add3A_60, %add3A_61 : i32
    %add3A_63 = vector.broadcast %add3A_62 : i32 to vector<16xi32>
    %add3A_64 = arith.addi %iota3A_58, %add3A_63 : vector<16xi32>
    %swap3A_65 = arith.constant 0 : i32
    %swap3A_66 = arith.index_cast %swap3A_65 : i32 to index
    %swap3A_67 = arith.constant 64 : index
    %swap3A_68 = tpu.vector_load %arg9[%swap3A_66, %swap3A_67] {strides = array<i32>} : memref<5x128xi32, #tpu.memory_space<vmem>>, vector<1x16xi32>,
    %swap3A_69 = vector.shape_cast %swap3A_68 : vector<1x16xi32> to vector<16xi32>
    %swap3A_70 = vector.shape_cast %add3A_64 : vector<16xi32> to vector<1x16xi32>
    tpu.vector_store %arg9[%swap3A_66, %swap3A_67], %swap3A_70 {strides = array<i32>} : memref<5x128xi32, #tpu.memory_space<vmem>>, vector<1x16xi32>,
    %iota3A_71 = tpu.iota {dimensions = array<i32: 0>} : vector<16xi32>
    %add3A_72 = arith.constant 0 : i32
    %add3A_73 = arith.addi %mul3A_7, %add3A_72 : i32
    %add3A_74 = arith.constant 80 : i32
    %add3A_75 = arith.addi %add3A_73, %add3A_74 : i32
    %add3A_76 = vector.broadcast %add3A_75 : i32 to vector<16xi32>
    %add3A_77 = arith.addi %iota3A_71, %add3A_76 : vector<16xi32>
    %swap3A_78 = arith.constant 0 : i32
    %swap3A_79 = arith.index_cast %swap3A_78 : i32 to index
    %swap3A_80 = arith.constant 80 : index
    %swap3A_81 = tpu.vector_load %arg9[%swap3A_79, %swap3A_80] {strides = array<i32>} : memref<5x128xi32, #tpu.memory_space<vmem>>, vector<1x16xi32>,
    %swap3A_82 = vector.shape_cast %swap3A_81 : vector<1x16xi32> to vector<16xi32>
    %swap3A_83 = vector.shape_cast %add3A_77 : vector<16xi32> to vector<1x16xi32>
    tpu.vector_store %arg9[%swap3A_79, %swap3A_80], %swap3A_83 {strides = array<i32>} : memref<5x128xi32, #tpu.memory_space<vmem>>, vector<1x16xi32>,
    %iota3A_84 = tpu.iota {dimensions = array<i32: 0>} : vector<16xi32>
    %add3A_85 = arith.constant 0 : i32
    %add3A_86 = arith.addi %mul3A_7, %add3A_85 : i32
    %add3A_87 = arith.constant 96 : i32
    %add3A_88 = arith.addi %add3A_86, %add3A_87 : i32
    %add3A_89 = vector.broadcast %add3A_88 : i32 to vector<16xi32>
    %add3A_90 = arith.addi %iota3A_84, %add3A_89 : vector<16xi32>
    %swap3A_91 = arith.constant 0 : i32
    %swap3A_92 = arith.index_cast %swap3A_91 : i32 to index
    %swap3A_93 = arith.constant 96 : index
    %swap3A_94 = tpu.vector_load %arg9[%swap3A_92, %swap3A_93] {strides = array<i32>} : memref<5x128xi32, #tpu.memory_space<vmem>>, vector<1x16xi32>,
    %swap3A_95 = vector.shape_cast %swap3A_94 : vector<1x16xi32> to vector<16xi32>
    %swap3A_96 = vector.shape_cast %add3A_90 : vector<16xi32> to vector<1x16xi32>
    tpu.vector_store %arg9[%swap3A_92, %swap3A_93], %swap3A_96 {strides = array<i32>} : memref<5x128xi32, #tpu.memory_space<vmem>>, vector<1x16xi32>,
    %iota3A_97 = tpu.iota {dimensions = array<i32: 0>} : vector<16xi32>
    %add3A_98 = arith.constant 0 : i32
    %add3A_99 = arith.addi %mul3A_7, %add3A_98 : i32
    %add3A_100 = arith.constant 112 : i32
    %add3A_101 = arith.addi %add3A_99, %add3A_100 : i32
    %add3A_102 = vector.broadcast %add3A_101 : i32 to vector<16xi32>
    %add3A_103 = arith.addi %iota3A_97, %add3A_102 : vector<16xi32>
    %swap3A_104 = arith.constant 0 : i32
    %swap3A_105 = arith.index_cast %swap3A_104 : i32 to index
    %swap3A_106 = arith.constant 112 : index
    %swap3A_107 = tpu.vector_load %arg9[%swap3A_105, %swap3A_106] {strides = array<i32>} : memref<5x128xi32, #tpu.memory_space<vmem>>, vector<1x16xi32>,
    %swap3A_108 = vector.shape_cast %swap3A_107 : vector<1x16xi32> to vector<16xi32>
    %swap3A_109 = vector.shape_cast %add3A_103 : vector<16xi32> to vector<1x16xi32>
    tpu.vector_store %arg9[%swap3A_105, %swap3A_106], %swap3A_109 {strides = array<i32>} : memref<5x128xi32, #tpu.memory_space<vmem>>, vector<1x16xi32>,
    %iota3A_110 = tpu.iota {dimensions = array<i32: 0>} : vector<16xi32>
    %add3A_111 = arith.constant 128 : i32
    %add3A_112 = arith.addi %mul3A_7, %add3A_111 : i32
    %add3A_113 = arith.constant 0 : i32
    %add3A_114 = arith.addi %add3A_112, %add3A_113 : i32
    %add3A_115 = vector.broadcast %add3A_114 : i32 to vector<16xi32>
    %add3A_116 = arith.addi %iota3A_110, %add3A_115 : vector<16xi32>
    %swap3A_117 = arith.constant 1 : i32
    %swap3A_118 = arith.index_cast %swap3A_117 : i32 to index
    %swap3A_119 = arith.constant 0 : index
    %swap3A_120 = tpu.vector_load %arg9[%swap3A_118, %swap3A_119] {strides = array<i32>} : memref<5x128xi32, #tpu.memory_space<vmem>>, vector<1x16xi32>,
    %swap3A_121 = vector.shape_cast %swap3A_120 : vector<1x16xi32> to vector<16xi32>
    %swap3A_122 = vector.shape_cast %add3A_116 : vector<16xi32> to vector<1x16xi32>
    tpu.vector_store %arg9[%swap3A_118, %swap3A_119], %swap3A_122 {strides = array<i32>} : memref<5x128xi32, #tpu.memory_space<vmem>>, vector<1x16xi32>,
    %iota3A_123 = tpu.iota {dimensions = array<i32: 0>} : vector<16xi32>
    %add3A_124 = arith.constant 128 : i32
    %add3A_125 = arith.addi %mul3A_7, %add3A_124 : i32
    %add3A_126 = arith.constant 16 : i32
    %add3A_127 = arith.addi %add3A_125, %add3A_126 : i32
    %add3A_128 = vector.broadcast %add3A_127 : i32 to vector<16xi32>
    %add3A_129 = arith.addi %iota3A_123, %add3A_128 : vector<16xi32>
    %swap3A_130 = arith.constant 1 : i32
    %swap3A_131 = arith.index_cast %swap3A_130 : i32 to index
    %swap3A_132 = arith.constant 16 : index
    %swap3A_133 = tpu.vector_load %arg9[%swap3A_131, %swap3A_132] {strides = array<i32>} : memref<5x128xi32, #tpu.memory_space<vmem>>, vector<1x16xi32>,
    %swap3A_134 = vector.shape_cast %swap3A_133 : vector<1x16xi32> to vector<16xi32>
    %swap3A_135 = vector.shape_cast %add3A_129 : vector<16xi32> to vector<1x16xi32>
    tpu.vector_store %arg9[%swap3A_131, %swap3A_132], %swap3A_135 {strides = array<i32>} : memref<5x128xi32, #tpu.memory_space<vmem>>, vector<1x16xi32>,
    %iota3A_136 = tpu.iota {dimensions = array<i32: 0>} : vector<16xi32>
    %add3A_137 = arith.constant 128 : i32
    %add3A_138 = arith.addi %mul3A_7, %add3A_137 : i32
    %add3A_139 = arith.constant 32 : i32
    %add3A_140 = arith.addi %add3A_138, %add3A_139 : i32
    %add3A_141 = vector.broadcast %add3A_140 : i32 to vector<16xi32>
    %add3A_142 = arith.addi %iota3A_136, %add3A_141 : vector<16xi32>
    %swap3A_143 = arith.constant 1 : i32
    %swap3A_144 = arith.index_cast %swap3A_143 : i32 to index
    %swap3A_145 = arith.constant 32 : index
    %swap3A_146 = tpu.vector_load %arg9[%swap3A_144, %swap3A_145] {strides = array<i32>} : memref<5x128xi32, #tpu.memory_space<vmem>>, vector<1x16xi32>,
    %swap3A_147 = vector.shape_cast %swap3A_146 : vector<1x16xi32> to vector<16xi32>
    %swap3A_148 = vector.shape_cast %add3A_142 : vector<16xi32> to vector<1x16xi32>
    tpu.vector_store %arg9[%swap3A_144, %swap3A_145], %swap3A_148 {strides = array<i32>} : memref<5x128xi32, #tpu.memory_space<vmem>>, vector<1x16xi32>,
    %iota3A_149 = tpu.iota {dimensions = array<i32: 0>} : vector<16xi32>
    %add3A_150 = arith.constant 128 : i32
    %add3A_151 = arith.addi %mul3A_7, %add3A_150 : i32
    %add3A_152 = arith.constant 48 : i32
    %add3A_153 = arith.addi %add3A_151, %add3A_152 : i32
    %add3A_154 = vector.broadcast %add3A_153 : i32 to vector<16xi32>
    %add3A_155 = arith.addi %iota3A_149, %add3A_154 : vector<16xi32>
    %swap3A_156 = arith.constant 1 : i32
    %swap3A_157 = arith.index_cast %swap3A_156 : i32 to index
    %swap3A_158 = arith.constant 48 : index
    %swap3A_159 = tpu.vector_load %arg9[%swap3A_157, %swap3A_158] {strides = array<i32>} : memref<5x128xi32, #tpu.memory_space<vmem>>, vector<1x16xi32>,
    %swap3A_160 = vector.shape_cast %swap3A_159 : vector<1x16xi32> to vector<16xi32>
    %swap3A_161 = vector.shape_cast %add3A_155 : vector<16xi32> to vector<1x16xi32>
    tpu.vector_store %arg9[%swap3A_157, %swap3A_158], %swap3A_161 {strides = array<i32>} : memref<5x128xi32, #tpu.memory_space<vmem>>, vector<1x16xi32>,
    %iota3A_162 = tpu.iota {dimensions = array<i32: 0>} : vector<16xi32>
    %add3A_163 = arith.constant 128 : i32
    %add3A_164 = arith.addi %mul3A_7, %add3A_163 : i32
    %add3A_165 = arith.constant 64 : i32
    %add3A_166 = arith.addi %add3A_164, %add3A_165 : i32
    %add3A_167 = vector.broadcast %add3A_166 : i32 to vector<16xi32>
    %add3A_168 = arith.addi %iota3A_162, %add3A_167 : vector<16xi32>
    %swap3A_169 = arith.constant 1 : i32
    %swap3A_170 = arith.index_cast %swap3A_169 : i32 to index
    %swap3A_171 = arith.constant 64 : index
    %swap3A_172 = tpu.vector_load %arg9[%swap3A_170, %swap3A_171] {strides = array<i32>} : memref<5x128xi32, #tpu.memory_space<vmem>>, vector<1x16xi32>,
    %swap3A_173 = vector.shape_cast %swap3A_172 : vector<1x16xi32> to vector<16xi32>
    %swap3A_174 = vector.shape_cast %add3A_168 : vector<16xi32> to vector<1x16xi32>
    tpu.vector_store %arg9[%swap3A_170, %swap3A_171], %swap3A_174 {strides = array<i32>} : memref<5x128xi32, #tpu.memory_space<vmem>>, vector<1x16xi32>,
    %iota3A_175 = tpu.iota {dimensions = array<i32: 0>} : vector<16xi32>
    %add3A_176 = arith.constant 128 : i32
    %add3A_177 = arith.addi %mul3A_7, %add3A_176 : i32
    %add3A_178 = arith.constant 80 : i32
    %add3A_179 = arith.addi %add3A_177, %add3A_178 : i32
    %add3A_180 = vector.broadcast %add3A_179 : i32 to vector<16xi32>
    %add3A_181 = arith.addi %iota3A_175, %add3A_180 : vector<16xi32>
    %swap3A_182 = arith.constant 1 : i32
    %swap3A_183 = arith.index_cast %swap3A_182 : i32 to index
    %swap3A_184 = arith.constant 80 : index
    %swap3A_185 = tpu.vector_load %arg9[%swap3A_183, %swap3A_184] {strides = array<i32>} : memref<5x128xi32, #tpu.memory_space<vmem>>, vector<1x16xi32>,
    %swap3A_186 = vector.shape_cast %swap3A_185 : vector<1x16xi32> to vector<16xi32>
    %swap3A_187 = vector.shape_cast %add3A_181 : vector<16xi32> to vector<1x16xi32>
    tpu.vector_store %arg9[%swap3A_183, %swap3A_184], %swap3A_187 {strides = array<i32>} : memref<5x128xi32, #tpu.memory_space<vmem>>, vector<1x16xi32>,
    %iota3A_188 = tpu.iota {dimensions = array<i32: 0>} : vector<16xi32>
    %add3A_189 = arith.constant 128 : i32
    %add3A_190 = arith.addi %mul3A_7, %add3A_189 : i32
    %add3A_191 = arith.constant 96 : i32
    %add3A_192 = arith.addi %add3A_190, %add3A_191 : i32
    %add3A_193 = vector.broadcast %add3A_192 : i32 to vector<16xi32>
    %add3A_194 = arith.addi %iota3A_188, %add3A_193 : vector<16xi32>
    %swap3A_195 = arith.constant 1 : i32
    %swap3A_196 = arith.index_cast %swap3A_195 : i32 to index
    %swap3A_197 = arith.constant 96 : index
    %swap3A_198 = tpu.vector_load %arg9[%swap3A_196, %swap3A_197] {strides = array<i32>} : memref<5x128xi32, #tpu.memory_space<vmem>>, vector<1x16xi32>,
    %swap3A_199 = vector.shape_cast %swap3A_198 : vector<1x16xi32> to vector<16xi32>
    %swap3A_200 = vector.shape_cast %add3A_194 : vector<16xi32> to vector<1x16xi32>
    tpu.vector_store %arg9[%swap3A_196, %swap3A_197], %swap3A_200 {strides = array<i32>} : memref<5x128xi32, #tpu.memory_space<vmem>>, vector<1x16xi32>,
    %iota3A_201 = tpu.iota {dimensions = array<i32: 0>} : vector<16xi32>
    %add3A_202 = arith.constant 128 : i32
    %add3A_203 = arith.addi %mul3A_7, %add3A_202 : i32
    %add3A_204 = arith.constant 112 : i32
    %add3A_205 = arith.addi %add3A_203, %add3A_204 : i32
    %add3A_206 = vector.broadcast %add3A_205 : i32 to vector<16xi32>
    %add3A_207 = arith.addi %iota3A_201, %add3A_206 : vector<16xi32>
    %swap3A_208 = arith.constant 1 : i32
    %swap3A_209 = arith.index_cast %swap3A_208 : i32 to index
    %swap3A_210 = arith.constant 112 : index
    %swap3A_211 = tpu.vector_load %arg9[%swap3A_209, %swap3A_210] {strides = array<i32>} : memref<5x128xi32, #tpu.memory_space<vmem>>, vector<1x16xi32>,
    %swap3A_212 = vector.shape_cast %swap3A_211 : vector<1x16xi32> to vector<16xi32>
    %swap3A_213 = vector.shape_cast %add3A_207 : vector<16xi32> to vector<1x16xi32>
    tpu.vector_store %arg9[%swap3A_209, %swap3A_210], %swap3A_213 {strides = array<i32>} : memref<5x128xi32, #tpu.memory_space<vmem>>, vector<1x16xi32>,
    %iota3A_214 = tpu.iota {dimensions = array<i32: 0>} : vector<16xi32>
    %add3A_215 = arith.constant 256 : i32
    %add3A_216 = arith.addi %mul3A_7, %add3A_215 : i32
    %add3A_217 = arith.constant 0 : i32
    %add3A_218 = arith.addi %add3A_216, %add3A_217 : i32
    %add3A_219 = vector.broadcast %add3A_218 : i32 to vector<16xi32>
    %add3A_220 = arith.addi %iota3A_214, %add3A_219 : vector<16xi32>
    %swap3A_221 = arith.constant 2 : i32
    %swap3A_222 = arith.index_cast %swap3A_221 : i32 to index
    %swap3A_223 = arith.constant 0 : index
    %swap3A_224 = tpu.vector_load %arg9[%swap3A_222, %swap3A_223] {strides = array<i32>} : memref<5x128xi32, #tpu.memory_space<vmem>>, vector<1x16xi32>,
    %swap3A_225 = vector.shape_cast %swap3A_224 : vector<1x16xi32> to vector<16xi32>
    %swap3A_226 = vector.shape_cast %add3A_220 : vector<16xi32> to vector<1x16xi32>
    tpu.vector_store %arg9[%swap3A_222, %swap3A_223], %swap3A_226 {strides = array<i32>} : memref<5x128xi32, #tpu.memory_space<vmem>>, vector<1x16xi32>,
    %iota3A_227 = tpu.iota {dimensions = array<i32: 0>} : vector<16xi32>
    %add3A_228 = arith.constant 256 : i32
    %add3A_229 = arith.addi %mul3A_7, %add3A_228 : i32
    %add3A_230 = arith.constant 16 : i32
    %add3A_231 = arith.addi %add3A_229, %add3A_230 : i32
    %add3A_232 = vector.broadcast %add3A_231 : i32 to vector<16xi32>
    %add3A_233 = arith.addi %iota3A_227, %add3A_232 : vector<16xi32>
    %swap3A_234 = arith.constant 2 : i32
    %swap3A_235 = arith.index_cast %swap3A_234 : i32 to index
    %swap3A_236 = arith.constant 16 : index
    %swap3A_237 = tpu.vector_load %arg9[%swap3A_235, %swap3A_236] {strides = array<i32>} : memref<5x128xi32, #tpu.memory_space<vmem>>, vector<1x16xi32>,
    %swap3A_238 = vector.shape_cast %swap3A_237 : vector<1x16xi32> to vector<16xi32>
    %swap3A_239 = vector.shape_cast %add3A_233 : vector<16xi32> to vector<1x16xi32>
    tpu.vector_store %arg9[%swap3A_235, %swap3A_236], %swap3A_239 {strides = array<i32>} : memref<5x128xi32, #tpu.memory_space<vmem>>, vector<1x16xi32>,
    %iota3A_240 = tpu.iota {dimensions = array<i32: 0>} : vector<16xi32>
    %add3A_241 = arith.constant 256 : i32
    %add3A_242 = arith.addi %mul3A_7, %add3A_241 : i32
    %add3A_243 = arith.constant 32 : i32
    %add3A_244 = arith.addi %add3A_242, %add3A_243 : i32
    %add3A_245 = vector.broadcast %add3A_244 : i32 to vector<16xi32>
    %add3A_246 = arith.addi %iota3A_240, %add3A_245 : vector<16xi32>
    %swap3A_247 = arith.constant 2 : i32
    %swap3A_248 = arith.index_cast %swap3A_247 : i32 to index
    %swap3A_249 = arith.constant 32 : index
    %swap3A_250 = tpu.vector_load %arg9[%swap3A_248, %swap3A_249] {strides = array<i32>} : memref<5x128xi32, #tpu.memory_space<vmem>>, vector<1x16xi32>,
    %swap3A_251 = vector.shape_cast %swap3A_250 : vector<1x16xi32> to vector<16xi32>
    %swap3A_252 = vector.shape_cast %add3A_246 : vector<16xi32> to vector<1x16xi32>
    tpu.vector_store %arg9[%swap3A_248, %swap3A_249], %swap3A_252 {strides = array<i32>} : memref<5x128xi32, #tpu.memory_space<vmem>>, vector<1x16xi32>,
    %iota3A_253 = tpu.iota {dimensions = array<i32: 0>} : vector<16xi32>
    %add3A_254 = arith.constant 256 : i32
    %add3A_255 = arith.addi %mul3A_7, %add3A_254 : i32
    %add3A_256 = arith.constant 48 : i32
    %add3A_257 = arith.addi %add3A_255, %add3A_256 : i32
    %add3A_258 = vector.broadcast %add3A_257 : i32 to vector<16xi32>
    %add3A_259 = arith.addi %iota3A_253, %add3A_258 : vector<16xi32>
    %swap3A_260 = arith.constant 2 : i32
    %swap3A_261 = arith.index_cast %swap3A_260 : i32 to index
    %swap3A_262 = arith.constant 48 : index
    %swap3A_263 = tpu.vector_load %arg9[%swap3A_261, %swap3A_262] {strides = array<i32>} : memref<5x128xi32, #tpu.memory_space<vmem>>, vector<1x16xi32>,
    %swap3A_264 = vector.shape_cast %swap3A_263 : vector<1x16xi32> to vector<16xi32>
    %swap3A_265 = vector.shape_cast %add3A_259 : vector<16xi32> to vector<1x16xi32>
    tpu.vector_store %arg9[%swap3A_261, %swap3A_262], %swap3A_265 {strides = array<i32>} : memref<5x128xi32, #tpu.memory_space<vmem>>, vector<1x16xi32>,
    %iota3A_266 = tpu.iota {dimensions = array<i32: 0>} : vector<16xi32>
    %add3A_267 = arith.constant 256 : i32
    %add3A_268 = arith.addi %mul3A_7, %add3A_267 : i32
    %add3A_269 = arith.constant 64 : i32
    %add3A_270 = arith.addi %add3A_268, %add3A_269 : i32
    %add3A_271 = vector.broadcast %add3A_270 : i32 to vector<16xi32>
    %add3A_272 = arith.addi %iota3A_266, %add3A_271 : vector<16xi32>
    %swap3A_273 = arith.constant 2 : i32
    %swap3A_274 = arith.index_cast %swap3A_273 : i32 to index
    %swap3A_275 = arith.constant 64 : index
    %swap3A_276 = tpu.vector_load %arg9[%swap3A_274, %swap3A_275] {strides = array<i32>} : memref<5x128xi32, #tpu.memory_space<vmem>>, vector<1x16xi32>,
    %swap3A_277 = vector.shape_cast %swap3A_276 : vector<1x16xi32> to vector<16xi32>
    %swap3A_278 = vector.shape_cast %add3A_272 : vector<16xi32> to vector<1x16xi32>
    tpu.vector_store %arg9[%swap3A_274, %swap3A_275], %swap3A_278 {strides = array<i32>} : memref<5x128xi32, #tpu.memory_space<vmem>>, vector<1x16xi32>,
    %iota3A_279 = tpu.iota {dimensions = array<i32: 0>} : vector<16xi32>
    %add3A_280 = arith.constant 256 : i32
    %add3A_281 = arith.addi %mul3A_7, %add3A_280 : i32
    %add3A_282 = arith.constant 80 : i32
    %add3A_283 = arith.addi %add3A_281, %add3A_282 : i32
    %add3A_284 = vector.broadcast %add3A_283 : i32 to vector<16xi32>
    %add3A_285 = arith.addi %iota3A_279, %add3A_284 : vector<16xi32>
    %swap3A_286 = arith.constant 2 : i32
    %swap3A_287 = arith.index_cast %swap3A_286 : i32 to index
    %swap3A_288 = arith.constant 80 : index
    %swap3A_289 = tpu.vector_load %arg9[%swap3A_287, %swap3A_288] {strides = array<i32>} : memref<5x128xi32, #tpu.memory_space<vmem>>, vector<1x16xi32>,
    %swap3A_290 = vector.shape_cast %swap3A_289 : vector<1x16xi32> to vector<16xi32>
    %swap3A_291 = vector.shape_cast %add3A_285 : vector<16xi32> to vector<1x16xi32>
    tpu.vector_store %arg9[%swap3A_287, %swap3A_288], %swap3A_291 {strides = array<i32>} : memref<5x128xi32, #tpu.memory_space<vmem>>, vector<1x16xi32>,
    %iota3A_292 = tpu.iota {dimensions = array<i32: 0>} : vector<16xi32>
    %add3A_293 = arith.constant 256 : i32
    %add3A_294 = arith.addi %mul3A_7, %add3A_293 : i32
    %add3A_295 = arith.constant 96 : i32
    %add3A_296 = arith.addi %add3A_294, %add3A_295 : i32
    %add3A_297 = vector.broadcast %add3A_296 : i32 to vector<16xi32>
    %add3A_298 = arith.addi %iota3A_292, %add3A_297 : vector<16xi32>
    %swap3A_299 = arith.constant 2 : i32
    %swap3A_300 = arith.index_cast %swap3A_299 : i32 to index
    %swap3A_301 = arith.constant 96 : index
    %swap3A_302 = tpu.vector_load %arg9[%swap3A_300, %swap3A_301] {strides = array<i32>} : memref<5x128xi32, #tpu.memory_space<vmem>>, vector<1x16xi32>,
    %swap3A_303 = vector.shape_cast %swap3A_302 : vector<1x16xi32> to vector<16xi32>
    %swap3A_304 = vector.shape_cast %add3A_298 : vector<16xi32> to vector<1x16xi32>
    tpu.vector_store %arg9[%swap3A_300, %swap3A_301], %swap3A_304 {strides = array<i32>} : memref<5x128xi32, #tpu.memory_space<vmem>>, vector<1x16xi32>,
    %iota3A_305 = tpu.iota {dimensions = array<i32: 0>} : vector<16xi32>
    %add3A_306 = arith.constant 256 : i32
    %add3A_307 = arith.addi %mul3A_7, %add3A_306 : i32
    %add3A_308 = arith.constant 112 : i32
    %add3A_309 = arith.addi %add3A_307, %add3A_308 : i32
    %add3A_310 = vector.broadcast %add3A_309 : i32 to vector<16xi32>
    %add3A_311 = arith.addi %iota3A_305, %add3A_310 : vector<16xi32>
    %swap3A_312 = arith.constant 2 : i32
    %swap3A_313 = arith.index_cast %swap3A_312 : i32 to index
    %swap3A_314 = arith.constant 112 : index
    %swap3A_315 = tpu.vector_load %arg9[%swap3A_313, %swap3A_314] {strides = array<i32>} : memref<5x128xi32, #tpu.memory_space<vmem>>, vector<1x16xi32>,
    %swap3A_316 = vector.shape_cast %swap3A_315 : vector<1x16xi32> to vector<16xi32>
    %swap3A_317 = vector.shape_cast %add3A_311 : vector<16xi32> to vector<1x16xi32>
    tpu.vector_store %arg9[%swap3A_313, %swap3A_314], %swap3A_317 {strides = array<i32>} : memref<5x128xi32, #tpu.memory_space<vmem>>, vector<1x16xi32>,
    %iota3A_318 = tpu.iota {dimensions = array<i32: 0>} : vector<16xi32>
    %add3A_319 = arith.constant 384 : i32
    %add3A_320 = arith.addi %mul3A_7, %add3A_319 : i32
    %add3A_321 = arith.constant 0 : i32
    %add3A_322 = arith.addi %add3A_320, %add3A_321 : i32
    %add3A_323 = vector.broadcast %add3A_322 : i32 to vector<16xi32>
    %add3A_324 = arith.addi %iota3A_318, %add3A_323 : vector<16xi32>
    %swap3A_325 = arith.constant 3 : i32
    %swap3A_326 = arith.index_cast %swap3A_325 : i32 to index
    %swap3A_327 = arith.constant 0 : index
    %swap3A_328 = tpu.vector_load %arg9[%swap3A_326, %swap3A_327] {strides = array<i32>} : memref<5x128xi32, #tpu.memory_space<vmem>>, vector<1x16xi32>,
    %swap3A_329 = vector.shape_cast %swap3A_328 : vector<1x16xi32> to vector<16xi32>
    %swap3A_330 = vector.shape_cast %add3A_324 : vector<16xi32> to vector<1x16xi32>
    tpu.vector_store %arg9[%swap3A_326, %swap3A_327], %swap3A_330 {strides = array<i32>} : memref<5x128xi32, #tpu.memory_space<vmem>>, vector<1x16xi32>,
    %iota3A_331 = tpu.iota {dimensions = array<i32: 0>} : vector<16xi32>
    %add3A_332 = arith.constant 384 : i32
    %add3A_333 = arith.addi %mul3A_7, %add3A_332 : i32
    %add3A_334 = arith.constant 16 : i32
    %add3A_335 = arith.addi %add3A_333, %add3A_334 : i32
    %add3A_336 = vector.broadcast %add3A_335 : i32 to vector<16xi32>
    %add3A_337 = arith.addi %iota3A_331, %add3A_336 : vector<16xi32>
    %swap3A_338 = arith.constant 3 : i32
    %swap3A_339 = arith.index_cast %swap3A_338 : i32 to index
    %swap3A_340 = arith.constant 16 : index
    %swap3A_341 = tpu.vector_load %arg9[%swap3A_339, %swap3A_340] {strides = array<i32>} : memref<5x128xi32, #tpu.memory_space<vmem>>, vector<1x16xi32>,
    %swap3A_342 = vector.shape_cast %swap3A_341 : vector<1x16xi32> to vector<16xi32>
    %swap3A_343 = vector.shape_cast %add3A_337 : vector<16xi32> to vector<1x16xi32>
    tpu.vector_store %arg9[%swap3A_339, %swap3A_340], %swap3A_343 {strides = array<i32>} : memref<5x128xi32, #tpu.memory_space<vmem>>, vector<1x16xi32>,
    %iota3A_344 = tpu.iota {dimensions = array<i32: 0>} : vector<16xi32>
    %add3A_345 = arith.constant 384 : i32
    %add3A_346 = arith.addi %mul3A_7, %add3A_345 : i32
    %add3A_347 = arith.constant 32 : i32
    %add3A_348 = arith.addi %add3A_346, %add3A_347 : i32
    %add3A_349 = vector.broadcast %add3A_348 : i32 to vector<16xi32>
    %add3A_350 = arith.addi %iota3A_344, %add3A_349 : vector<16xi32>
    %swap3A_351 = arith.constant 3 : i32
    %swap3A_352 = arith.index_cast %swap3A_351 : i32 to index
    %swap3A_353 = arith.constant 32 : index
    %swap3A_354 = tpu.vector_load %arg9[%swap3A_352, %swap3A_353] {strides = array<i32>} : memref<5x128xi32, #tpu.memory_space<vmem>>, vector<1x16xi32>,
    %swap3A_355 = vector.shape_cast %swap3A_354 : vector<1x16xi32> to vector<16xi32>
    %swap3A_356 = vector.shape_cast %add3A_350 : vector<16xi32> to vector<1x16xi32>
    tpu.vector_store %arg9[%swap3A_352, %swap3A_353], %swap3A_356 {strides = array<i32>} : memref<5x128xi32, #tpu.memory_space<vmem>>, vector<1x16xi32>,
    %iota3A_357 = tpu.iota {dimensions = array<i32: 0>} : vector<16xi32>
    %add3A_358 = arith.constant 384 : i32
    %add3A_359 = arith.addi %mul3A_7, %add3A_358 : i32
    %add3A_360 = arith.constant 48 : i32
    %add3A_361 = arith.addi %add3A_359, %add3A_360 : i32
    %add3A_362 = vector.broadcast %add3A_361 : i32 to vector<16xi32>
    %add3A_363 = arith.addi %iota3A_357, %add3A_362 : vector<16xi32>
    %swap3A_364 = arith.constant 3 : i32
    %swap3A_365 = arith.index_cast %swap3A_364 : i32 to index
    %swap3A_366 = arith.constant 48 : index
    %swap3A_367 = tpu.vector_load %arg9[%swap3A_365, %swap3A_366] {strides = array<i32>} : memref<5x128xi32, #tpu.memory_space<vmem>>, vector<1x16xi32>,
    %swap3A_368 = vector.shape_cast %swap3A_367 : vector<1x16xi32> to vector<16xi32>
    %swap3A_369 = vector.shape_cast %add3A_363 : vector<16xi32> to vector<1x16xi32>
    tpu.vector_store %arg9[%swap3A_365, %swap3A_366], %swap3A_369 {strides = array<i32>} : memref<5x128xi32, #tpu.memory_space<vmem>>, vector<1x16xi32>,
    %iota3A_370 = tpu.iota {dimensions = array<i32: 0>} : vector<16xi32>
    %add3A_371 = arith.constant 384 : i32
    %add3A_372 = arith.addi %mul3A_7, %add3A_371 : i32
    %add3A_373 = arith.constant 64 : i32
    %add3A_374 = arith.addi %add3A_372, %add3A_373 : i32
    %add3A_375 = vector.broadcast %add3A_374 : i32 to vector<16xi32>
    %add3A_376 = arith.addi %iota3A_370, %add3A_375 : vector<16xi32>
    %swap3A_377 = arith.constant 3 : i32
    %swap3A_378 = arith.index_cast %swap3A_377 : i32 to index
    %swap3A_379 = arith.constant 64 : index
    %swap3A_380 = tpu.vector_load %arg9[%swap3A_378, %swap3A_379] {strides = array<i32>} : memref<5x128xi32, #tpu.memory_space<vmem>>, vector<1x16xi32>,
    %swap3A_381 = vector.shape_cast %swap3A_380 : vector<1x16xi32> to vector<16xi32>
    %swap3A_382 = vector.shape_cast %add3A_376 : vector<16xi32> to vector<1x16xi32>
    tpu.vector_store %arg9[%swap3A_378, %swap3A_379], %swap3A_382 {strides = array<i32>} : memref<5x128xi32, #tpu.memory_space<vmem>>, vector<1x16xi32>,
    %iota3A_383 = tpu.iota {dimensions = array<i32: 0>} : vector<16xi32>
    %add3A_384 = arith.constant 384 : i32
    %add3A_385 = arith.addi %mul3A_7, %add3A_384 : i32
    %add3A_386 = arith.constant 80 : i32
    %add3A_387 = arith.addi %add3A_385, %add3A_386 : i32
    %add3A_388 = vector.broadcast %add3A_387 : i32 to vector<16xi32>
    %add3A_389 = arith.addi %iota3A_383, %add3A_388 : vector<16xi32>
    %swap3A_390 = arith.constant 3 : i32
    %swap3A_391 = arith.index_cast %swap3A_390 : i32 to index
    %swap3A_392 = arith.constant 80 : index
    %swap3A_393 = tpu.vector_load %arg9[%swap3A_391, %swap3A_392] {strides = array<i32>} : memref<5x128xi32, #tpu.memory_space<vmem>>, vector<1x16xi32>,
    %swap3A_394 = vector.shape_cast %swap3A_393 : vector<1x16xi32> to vector<16xi32>
    %swap3A_395 = vector.shape_cast %add3A_389 : vector<16xi32> to vector<1x16xi32>
    tpu.vector_store %arg9[%swap3A_391, %swap3A_392], %swap3A_395 {strides = array<i32>} : memref<5x128xi32, #tpu.memory_space<vmem>>, vector<1x16xi32>,
    %iota3A_396 = tpu.iota {dimensions = array<i32: 0>} : vector<16xi32>
    %add3A_397 = arith.constant 384 : i32
    %add3A_398 = arith.addi %mul3A_7, %add3A_397 : i32
    %add3A_399 = arith.constant 96 : i32
    %add3A_400 = arith.addi %add3A_398, %add3A_399 : i32
    %add3A_401 = vector.broadcast %add3A_400 : i32 to vector<16xi32>
    %add3A_402 = arith.addi %iota3A_396, %add3A_401 : vector<16xi32>
    %swap3A_403 = arith.constant 3 : i32
    %swap3A_404 = arith.index_cast %swap3A_403 : i32 to index
    %swap3A_405 = arith.constant 96 : index
    %swap3A_406 = tpu.vector_load %arg9[%swap3A_404, %swap3A_405] {strides = array<i32>} : memref<5x128xi32, #tpu.memory_space<vmem>>, vector<1x16xi32>,
    %swap3A_407 = vector.shape_cast %swap3A_406 : vector<1x16xi32> to vector<16xi32>
    %swap3A_408 = vector.shape_cast %add3A_402 : vector<16xi32> to vector<1x16xi32>
    tpu.vector_store %arg9[%swap3A_404, %swap3A_405], %swap3A_408 {strides = array<i32>} : memref<5x128xi32, #tpu.memory_space<vmem>>, vector<1x16xi32>,
    %iota3A_409 = tpu.iota {dimensions = array<i32: 0>} : vector<16xi32>
    %add3A_410 = arith.constant 384 : i32
    %add3A_411 = arith.addi %mul3A_7, %add3A_410 : i32
    %add3A_412 = arith.constant 112 : i32
    %add3A_413 = arith.addi %add3A_411, %add3A_412 : i32
    %add3A_414 = vector.broadcast %add3A_413 : i32 to vector<16xi32>
    %add3A_415 = arith.addi %iota3A_409, %add3A_414 : vector<16xi32>
    %swap3A_416 = arith.constant 3 : i32
    %swap3A_417 = arith.index_cast %swap3A_416 : i32 to index
    %swap3A_418 = arith.constant 112 : index
    %swap3A_419 = tpu.vector_load %arg9[%swap3A_417, %swap3A_418] {strides = array<i32>} : memref<5x128xi32, #tpu.memory_space<vmem>>, vector<1x16xi32>,
    %swap3A_420 = vector.shape_cast %swap3A_419 : vector<1x16xi32> to vector<16xi32>
    %swap3A_421 = vector.shape_cast %add3A_415 : vector<16xi32> to vector<1x16xi32>
    tpu.vector_store %arg9[%swap3A_417, %swap3A_418], %swap3A_421 {strides = array<i32>} : memref<5x128xi32, #tpu.memory_space<vmem>>, vector<1x16xi32>,
    %iota3A_422 = tpu.iota {dimensions = array<i32: 0>} : vector<16xi32>
    %add3A_423 = arith.constant 512 : i32
    %add3A_424 = arith.addi %mul3A_7, %add3A_423 : i32
    %add3A_425 = arith.constant 0 : i32
    %add3A_426 = arith.addi %add3A_424, %add3A_425 : i32
    %add3A_427 = vector.broadcast %add3A_426 : i32 to vector<16xi32>
    %add3A_428 = arith.addi %iota3A_422, %add3A_427 : vector<16xi32>
    %swap3A_429 = arith.constant 4 : i32
    %swap3A_430 = arith.index_cast %swap3A_429 : i32 to index
    %swap3A_431 = arith.constant 0 : index
    %swap3A_432 = tpu.vector_load %arg9[%swap3A_430, %swap3A_431] {strides = array<i32>} : memref<5x128xi32, #tpu.memory_space<vmem>>, vector<1x16xi32>,
    %swap3A_433 = vector.shape_cast %swap3A_432 : vector<1x16xi32> to vector<16xi32>
    %swap3A_434 = vector.shape_cast %add3A_428 : vector<16xi32> to vector<1x16xi32>
    tpu.vector_store %arg9[%swap3A_430, %swap3A_431], %swap3A_434 {strides = array<i32>} : memref<5x128xi32, #tpu.memory_space<vmem>>, vector<1x16xi32>,
    %iota3A_435 = tpu.iota {dimensions = array<i32: 0>} : vector<16xi32>
    %add3A_436 = arith.constant 512 : i32
    %add3A_437 = arith.addi %mul3A_7, %add3A_436 : i32
    %add3A_438 = arith.constant 16 : i32
    %add3A_439 = arith.addi %add3A_437, %add3A_438 : i32
    %add3A_440 = vector.broadcast %add3A_439 : i32 to vector<16xi32>
    %add3A_441 = arith.addi %iota3A_435, %add3A_440 : vector<16xi32>
    %swap3A_442 = arith.constant 4 : i32
    %swap3A_443 = arith.index_cast %swap3A_442 : i32 to index
    %swap3A_444 = arith.constant 16 : index
    %swap3A_445 = tpu.vector_load %arg9[%swap3A_443, %swap3A_444] {strides = array<i32>} : memref<5x128xi32, #tpu.memory_space<vmem>>, vector<1x16xi32>,
    %swap3A_446 = vector.shape_cast %swap3A_445 : vector<1x16xi32> to vector<16xi32>
    %swap3A_447 = vector.shape_cast %add3A_441 : vector<16xi32> to vector<1x16xi32>
    tpu.vector_store %arg9[%swap3A_443, %swap3A_444], %swap3A_447 {strides = array<i32>} : memref<5x128xi32, #tpu.memory_space<vmem>>, vector<1x16xi32>,
    %iota3A_448 = tpu.iota {dimensions = array<i32: 0>} : vector<16xi32>
    %add3A_449 = arith.constant 512 : i32
    %add3A_450 = arith.addi %mul3A_7, %add3A_449 : i32
    %add3A_451 = arith.constant 32 : i32
    %add3A_452 = arith.addi %add3A_450, %add3A_451 : i32
    %add3A_453 = vector.broadcast %add3A_452 : i32 to vector<16xi32>
    %add3A_454 = arith.addi %iota3A_448, %add3A_453 : vector<16xi32>
    %swap3A_455 = arith.constant 4 : i32
    %swap3A_456 = arith.index_cast %swap3A_455 : i32 to index
    %swap3A_457 = arith.constant 32 : index
    %swap3A_458 = tpu.vector_load %arg9[%swap3A_456, %swap3A_457] {strides = array<i32>} : memref<5x128xi32, #tpu.memory_space<vmem>>, vector<1x16xi32>,
    %swap3A_459 = vector.shape_cast %swap3A_458 : vector<1x16xi32> to vector<16xi32>
    %swap3A_460 = vector.shape_cast %add3A_454 : vector<16xi32> to vector<1x16xi32>
    tpu.vector_store %arg9[%swap3A_456, %swap3A_457], %swap3A_460 {strides = array<i32>} : memref<5x128xi32, #tpu.memory_space<vmem>>, vector<1x16xi32>,
    %iota3A_461 = tpu.iota {dimensions = array<i32: 0>} : vector<16xi32>
    %add3A_462 = arith.constant 512 : i32
    %add3A_463 = arith.addi %mul3A_7, %add3A_462 : i32
    %add3A_464 = arith.constant 48 : i32
    %add3A_465 = arith.addi %add3A_463, %add3A_464 : i32
    %add3A_466 = vector.broadcast %add3A_465 : i32 to vector<16xi32>
    %add3A_467 = arith.addi %iota3A_461, %add3A_466 : vector<16xi32>
    %swap3A_468 = arith.constant 4 : i32
    %swap3A_469 = arith.index_cast %swap3A_468 : i32 to index
    %swap3A_470 = arith.constant 48 : index
    %swap3A_471 = tpu.vector_load %arg9[%swap3A_469, %swap3A_470] {strides = array<i32>} : memref<5x128xi32, #tpu.memory_space<vmem>>, vector<1x16xi32>,
    %swap3A_472 = vector.shape_cast %swap3A_471 : vector<1x16xi32> to vector<16xi32>
    %swap3A_473 = vector.shape_cast %add3A_467 : vector<16xi32> to vector<1x16xi32>
    tpu.vector_store %arg9[%swap3A_469, %swap3A_470], %swap3A_473 {strides = array<i32>} : memref<5x128xi32, #tpu.memory_space<vmem>>, vector<1x16xi32>,
    %iota3A_474 = tpu.iota {dimensions = array<i32: 0>} : vector<16xi32>
    %add3A_475 = arith.constant 512 : i32
    %add3A_476 = arith.addi %mul3A_7, %add3A_475 : i32
    %add3A_477 = arith.constant 64 : i32
    %add3A_478 = arith.addi %add3A_476, %add3A_477 : i32
    %add3A_479 = vector.broadcast %add3A_478 : i32 to vector<16xi32>
    %add3A_480 = arith.addi %iota3A_474, %add3A_479 : vector<16xi32>
    %swap3A_481 = arith.constant 4 : i32
    %swap3A_482 = arith.index_cast %swap3A_481 : i32 to index
    %swap3A_483 = arith.constant 64 : index
    %swap3A_484 = tpu.vector_load %arg9[%swap3A_482, %swap3A_483] {strides = array<i32>} : memref<5x128xi32, #tpu.memory_space<vmem>>, vector<1x16xi32>,
    %swap3A_485 = vector.shape_cast %swap3A_484 : vector<1x16xi32> to vector<16xi32>
    %swap3A_486 = vector.shape_cast %add3A_480 : vector<16xi32> to vector<1x16xi32>
    tpu.vector_store %arg9[%swap3A_482, %swap3A_483], %swap3A_486 {strides = array<i32>} : memref<5x128xi32, #tpu.memory_space<vmem>>, vector<1x16xi32>,
    %iota3A_487 = tpu.iota {dimensions = array<i32: 0>} : vector<16xi32>
    %add3A_488 = arith.constant 512 : i32
    %add3A_489 = arith.addi %mul3A_7, %add3A_488 : i32
    %add3A_490 = arith.constant 80 : i32
    %add3A_491 = arith.addi %add3A_489, %add3A_490 : i32
    %add3A_492 = vector.broadcast %add3A_491 : i32 to vector<16xi32>
    %add3A_493 = arith.addi %iota3A_487, %add3A_492 : vector<16xi32>
    %swap3A_494 = arith.constant 4 : i32
    %swap3A_495 = arith.index_cast %swap3A_494 : i32 to index
    %swap3A_496 = arith.constant 80 : index
    %swap3A_497 = tpu.vector_load %arg9[%swap3A_495, %swap3A_496] {strides = array<i32>} : memref<5x128xi32, #tpu.memory_space<vmem>>, vector<1x16xi32>,
    %swap3A_498 = vector.shape_cast %swap3A_497 : vector<1x16xi32> to vector<16xi32>
    %swap3A_499 = vector.shape_cast %add3A_493 : vector<16xi32> to vector<1x16xi32>
    tpu.vector_store %arg9[%swap3A_495, %swap3A_496], %swap3A_499 {strides = array<i32>} : memref<5x128xi32, #tpu.memory_space<vmem>>, vector<1x16xi32>,
    %iota3A_500 = tpu.iota {dimensions = array<i32: 0>} : vector<16xi32>
    %add3A_501 = arith.constant 512 : i32
    %add3A_502 = arith.addi %mul3A_7, %add3A_501 : i32
    %add3A_503 = arith.constant 96 : i32
    %add3A_504 = arith.addi %add3A_502, %add3A_503 : i32
    %add3A_505 = vector.broadcast %add3A_504 : i32 to vector<16xi32>
    %add3A_506 = arith.addi %iota3A_500, %add3A_505 : vector<16xi32>
    %swap3A_507 = arith.constant 4 : i32
    %swap3A_508 = arith.index_cast %swap3A_507 : i32 to index
    %swap3A_509 = arith.constant 96 : index
    %swap3A_510 = tpu.vector_load %arg9[%swap3A_508, %swap3A_509] {strides = array<i32>} : memref<5x128xi32, #tpu.memory_space<vmem>>, vector<1x16xi32>,
    %swap3A_511 = vector.shape_cast %swap3A_510 : vector<1x16xi32> to vector<16xi32>
    %swap3A_512 = vector.shape_cast %add3A_506 : vector<16xi32> to vector<1x16xi32>
    tpu.vector_store %arg9[%swap3A_508, %swap3A_509], %swap3A_512 {strides = array<i32>} : memref<5x128xi32, #tpu.memory_space<vmem>>, vector<1x16xi32>,
    %iota3A_513 = tpu.iota {dimensions = array<i32: 0>} : vector<16xi32>
    %add3A_514 = arith.constant 512 : i32
    %add3A_515 = arith.addi %mul3A_7, %add3A_514 : i32
    %add3A_516 = arith.constant 112 : i32
    %add3A_517 = arith.addi %add3A_515, %add3A_516 : i32
    %add3A_518 = vector.broadcast %add3A_517 : i32 to vector<16xi32>
    %add3A_519 = arith.addi %iota3A_513, %add3A_518 : vector<16xi32>
    %swap3A_520 = arith.constant 4 : i32
    %swap3A_521 = arith.index_cast %swap3A_520 : i32 to index
    %swap3A_522 = arith.constant 112 : index
    %swap3A_523 = tpu.vector_load %arg9[%swap3A_521, %swap3A_522] {strides = array<i32>} : memref<5x128xi32, #tpu.memory_space<vmem>>, vector<1x16xi32>,
    %swap3A_524 = vector.shape_cast %swap3A_523 : vector<1x16xi32> to vector<16xi32>
    %swap3A_525 = vector.shape_cast %add3A_519 : vector<16xi32> to vector<1x16xi32>
    tpu.vector_store %arg9[%swap3A_521, %swap3A_522], %swap3A_525 {strides = array<i32>} : memref<5x128xi32, #tpu.memory_space<vmem>>, vector<1x16xi32>,
    %run_scoped3A = arith.constant 0 : i32
    "tpu.region"() ({
      %run_scoped3A_562 = tpu.sem_alloc : memref<!tpu.dma_semaphore, #tpu.memory_space<semaphore_mem>>
      %dma_start3A = arith.constant 0 : i32
      %dma_start3A_563 = arith.constant 0 : i32
      %dma_start3A_564 = tpu.memref_slice %arg8[%dma_start3A, %dma_start3A_563] : memref<128x128xf32, #tpu.memory_space<vmem>> -> memref<128x128xf32, #tpu.memory_space<vmem>>
      %dma_start3A_565 = arith.constant 0 : i32
      %dma_start3A_566 = tpu.memref_slice %arg9[%run_scoped3A, %dma_start3A_565] : memref<5x128xi32, #tpu.memory_space<vmem>> -> memref<1x128xi32, #tpu.memory_space<vmem>>
      %dma_start3A_567 = tpu.memref_squeeze %dma_start3A_566 : memref<1x128xi32, #tpu.memory_space<vmem>> -> memref<128xi32, #tpu.memory_space<vmem>>
      %dma_start3A_568 = arith.constant 0 : i32
      %dma_start3A_569 = arith.constant 0 : i32
      %dma_start3A_570 = tpu.memref_slice %arg10[%dma_start3A_568, %dma_start3A_569] : memref<10240x128xf32, #tpu.memory_space<vmem_shared>> -> memref<10240x128xf32, #tpu.memory_space<vmem_shared>>
      tpu.enqueue_indirect_dma source(%dma_start3A_564 : memref<128x128xf32, #tpu.memory_space<vmem>>) target(%dma_start3A_570 : memref<10240x128xf32, #tpu.memory_space<vmem_shared>>) offsets(%dma_start3A_567 : memref<128xi32, #tpu.memory_space<vmem>>) semaphore(%run_scoped3A_562 : memref<!tpu.dma_semaphore, #tpu.memory_space<semaphore_mem>>)
      %dma_wait3A = arith.constant 0 : i32
      %dma_wait3A_571 = arith.constant 0 : i32
      %dma_wait3A_572 = tpu.memref_slice %arg8[%dma_wait3A, %dma_wait3A_571] : memref<128x128xf32, #tpu.memory_space<vmem>> -> memref<128x128xf32, #tpu.memory_space<vmem>>
      %dma_wait3A_573 = arith.constant 0 : i32
      %dma_wait3A_574 = tpu.memref_slice %arg9[%run_scoped3A, %dma_wait3A_573] : memref<5x128xi32, #tpu.memory_space<vmem>> -> memref<1x128xi32, #tpu.memory_space<vmem>>
      %dma_wait3A_575 = tpu.memref_squeeze %dma_wait3A_574 : memref<1x128xi32, #tpu.memory_space<vmem>> -> memref<128xi32, #tpu.memory_space<vmem>>
      %dma_wait3A_576 = arith.constant 0 : i32
      %dma_wait3A_577 = arith.constant 0 : i32
      %dma_wait3A_578 = tpu.memref_slice %arg10[%dma_wait3A_576, %dma_wait3A_577] : memref<10240x128xf32, #tpu.memory_space<vmem_shared>> -> memref<10240x128xf32, #tpu.memory_space<vmem_shared>>
      tpu.wait_indirect_dma semaphore(%run_scoped3A_562 : memref<!tpu.dma_semaphore, #tpu.memory_space<semaphore_mem>>) src(%dma_wait3A_572 : memref<128x128xf32, #tpu.memory_space<vmem>>) dst(%dma_wait3A_578 : memref<10240x128xf32, #tpu.memory_space<vmem_shared>>)
      tpu.yield
    }) : () -> ()
    %run_scoped3A_526 = arith.constant 1 : i32
    "tpu.region"() ({
      %run_scoped3A_562 = tpu.sem_alloc : memref<!tpu.dma_semaphore, #tpu.memory_space<semaphore_mem>>
      %dma_start3A = arith.constant 0 : i32
      %dma_start3A_563 = arith.constant 0 : i32
      %dma_start3A_564 = tpu.memref_slice %arg8[%dma_start3A, %dma_start3A_563] : memref<128x128xf32, #tpu.memory_space<vmem>> -> memref<128x128xf32, #tpu.memory_space<vmem>>
      %dma_start3A_565 = arith.constant 0 : i32
      %dma_start3A_566 = tpu.memref_slice %arg9[%run_scoped3A_526, %dma_start3A_565] : memref<5x128xi32, #tpu.memory_space<vmem>> -> memref<1x128xi32, #tpu.memory_space<vmem>>
      %dma_start3A_567 = tpu.memref_squeeze %dma_start3A_566 : memref<1x128xi32, #tpu.memory_space<vmem>> -> memref<128xi32, #tpu.memory_space<vmem>>
      %dma_start3A_568 = arith.constant 0 : i32
      %dma_start3A_569 = arith.constant 0 : i32
      %dma_start3A_570 = tpu.memref_slice %arg10[%dma_start3A_568, %dma_start3A_569] : memref<10240x128xf32, #tpu.memory_space<vmem_shared>> -> memref<10240x128xf32, #tpu.memory_space<vmem_shared>>
      tpu.enqueue_indirect_dma source(%dma_start3A_564 : memref<128x128xf32, #tpu.memory_space<vmem>>) target(%dma_start3A_570 : memref<10240x128xf32, #tpu.memory_space<vmem_shared>>) offsets(%dma_start3A_567 : memref<128xi32, #tpu.memory_space<vmem>>) semaphore(%run_scoped3A_562 : memref<!tpu.dma_semaphore, #tpu.memory_space<semaphore_mem>>)
      %dma_wait3A = arith.constant 0 : i32
      %dma_wait3A_571 = arith.constant 0 : i32
      %dma_wait3A_572 = tpu.memref_slice %arg8[%dma_wait3A, %dma_wait3A_571] : memref<128x128xf32, #tpu.memory_space<vmem>> -> memref<128x128xf32, #tpu.memory_space<vmem>>
      %dma_wait3A_573 = arith.constant 0 : i32
      %dma_wait3A_574 = tpu.memref_slice %arg9[%run_scoped3A_526, %dma_wait3A_573] : memref<5x128xi32, #tpu.memory_space<vmem>> -> memref<1x128xi32, #tpu.memory_space<vmem>>
      %dma_wait3A_575 = tpu.memref_squeeze %dma_wait3A_574 : memref<1x128xi32, #tpu.memory_space<vmem>> -> memref<128xi32, #tpu.memory_space<vmem>>
      %dma_wait3A_576 = arith.constant 0 : i32
      %dma_wait3A_577 = arith.constant 0 : i32
      %dma_wait3A_578 = tpu.memref_slice %arg10[%dma_wait3A_576, %dma_wait3A_577] : memref<10240x128xf32, #tpu.memory_space<vmem_shared>> -> memref<10240x128xf32, #tpu.memory_space<vmem_shared>>
      tpu.wait_indirect_dma semaphore(%run_scoped3A_562 : memref<!tpu.dma_semaphore, #tpu.memory_space<semaphore_mem>>) src(%dma_wait3A_572 : memref<128x128xf32, #tpu.memory_space<vmem>>) dst(%dma_wait3A_578 : memref<10240x128xf32, #tpu.memory_space<vmem_shared>>)
      tpu.yield
    }) : () -> ()
    %run_scoped3A_527 = arith.constant 2 : i32
    "tpu.region"() ({
      %run_scoped3A_562 = tpu.sem_alloc : memref<!tpu.dma_semaphore, #tpu.memory_space<semaphore_mem>>
      %dma_start3A = arith.constant 0 : i32
      %dma_start3A_563 = arith.constant 0 : i32
      %dma_start3A_564 = tpu.memref_slice %arg8[%dma_start3A, %dma_start3A_563] : memref<128x128xf32, #tpu.memory_space<vmem>> -> memref<128x128xf32, #tpu.memory_space<vmem>>
      %dma_start3A_565 = arith.constant 0 : i32
      %dma_start3A_566 = tpu.memref_slice %arg9[%run_scoped3A_527, %dma_start3A_565] : memref<5x128xi32, #tpu.memory_space<vmem>> -> memref<1x128xi32, #tpu.memory_space<vmem>>
      %dma_start3A_567 = tpu.memref_squeeze %dma_start3A_566 : memref<1x128xi32, #tpu.memory_space<vmem>> -> memref<128xi32, #tpu.memory_space<vmem>>
      %dma_start3A_568 = arith.constant 0 : i32
      %dma_start3A_569 = arith.constant 0 : i32
      %dma_start3A_570 = tpu.memref_slice %arg10[%dma_start3A_568, %dma_start3A_569] : memref<10240x128xf32, #tpu.memory_space<vmem_shared>> -> memref<10240x128xf32, #tpu.memory_space<vmem_shared>>
      tpu.enqueue_indirect_dma source(%dma_start3A_564 : memref<128x128xf32, #tpu.memory_space<vmem>>) target(%dma_start3A_570 : memref<10240x128xf32, #tpu.memory_space<vmem_shared>>) offsets(%dma_start3A_567 : memref<128xi32, #tpu.memory_space<vmem>>) semaphore(%run_scoped3A_562 : memref<!tpu.dma_semaphore, #tpu.memory_space<semaphore_mem>>)
      %dma_wait3A = arith.constant 0 : i32
      %dma_wait3A_571 = arith.constant 0 : i32
      %dma_wait3A_572 = tpu.memref_slice %arg8[%dma_wait3A, %dma_wait3A_571] : memref<128x128xf32, #tpu.memory_space<vmem>> -> memref<128x128xf32, #tpu.memory_space<vmem>>
      %dma_wait3A_573 = arith.constant 0 : i32
      %dma_wait3A_574 = tpu.memref_slice %arg9[%run_scoped3A_527, %dma_wait3A_573] : memref<5x128xi32, #tpu.memory_space<vmem>> -> memref<1x128xi32, #tpu.memory_space<vmem>>
      %dma_wait3A_575 = tpu.memref_squeeze %dma_wait3A_574 : memref<1x128xi32, #tpu.memory_space<vmem>> -> memref<128xi32, #tpu.memory_space<vmem>>
      %dma_wait3A_576 = arith.constant 0 : i32
      %dma_wait3A_577 = arith.constant 0 : i32
      %dma_wait3A_578 = tpu.memref_slice %arg10[%dma_wait3A_576, %dma_wait3A_577] : memref<10240x128xf32, #tpu.memory_space<vmem_shared>> -> memref<10240x128xf32, #tpu.memory_space<vmem_shared>>
      tpu.wait_indirect_dma semaphore(%run_scoped3A_562 : memref<!tpu.dma_semaphore, #tpu.memory_space<semaphore_mem>>) src(%dma_wait3A_572 : memref<128x128xf32, #tpu.memory_space<vmem>>) dst(%dma_wait3A_578 : memref<10240x128xf32, #tpu.memory_space<vmem_shared>>)
      tpu.yield
    }) : () -> ()
    %run_scoped3A_528 = arith.constant 3 : i32
    "tpu.region"() ({
      %run_scoped3A_562 = tpu.sem_alloc : memref<!tpu.dma_semaphore, #tpu.memory_space<semaphore_mem>>
      %dma_start3A = arith.constant 0 : i32
      %dma_start3A_563 = arith.constant 0 : i32
      %dma_start3A_564 = tpu.memref_slice %arg8[%dma_start3A, %dma_start3A_563] : memref<128x128xf32, #tpu.memory_space<vmem>> -> memref<128x128xf32, #tpu.memory_space<vmem>>
      %dma_start3A_565 = arith.constant 0 : i32
      %dma_start3A_566 = tpu.memref_slice %arg9[%run_scoped3A_528, %dma_start3A_565] : memref<5x128xi32, #tpu.memory_space<vmem>> -> memref<1x128xi32, #tpu.memory_space<vmem>>
      %dma_start3A_567 = tpu.memref_squeeze %dma_start3A_566 : memref<1x128xi32, #tpu.memory_space<vmem>> -> memref<128xi32, #tpu.memory_space<vmem>>
      %dma_start3A_568 = arith.constant 0 : i32
      %dma_start3A_569 = arith.constant 0 : i32
      %dma_start3A_570 = tpu.memref_slice %arg10[%dma_start3A_568, %dma_start3A_569] : memref<10240x128xf32, #tpu.memory_space<vmem_shared>> -> memref<10240x128xf32, #tpu.memory_space<vmem_shared>>
      tpu.enqueue_indirect_dma source(%dma_start3A_564 : memref<128x128xf32, #tpu.memory_space<vmem>>) target(%dma_start3A_570 : memref<10240x128xf32, #tpu.memory_space<vmem_shared>>) offsets(%dma_start3A_567 : memref<128xi32, #tpu.memory_space<vmem>>) semaphore(%run_scoped3A_562 : memref<!tpu.dma_semaphore, #tpu.memory_space<semaphore_mem>>)
      %dma_wait3A = arith.constant 0 : i32
      %dma_wait3A_571 = arith.constant 0 : i32
      %dma_wait3A_572 = tpu.memref_slice %arg8[%dma_wait3A, %dma_wait3A_571] : memref<128x128xf32, #tpu.memory_space<vmem>> -> memref<128x128xf32, #tpu.memory_space<vmem>>
      %dma_wait3A_573 = arith.constant 0 : i32
      %dma_wait3A_574 = tpu.memref_slice %arg9[%run_scoped3A_528, %dma_wait3A_573] : memref<5x128xi32, #tpu.memory_space<vmem>> -> memref<1x128xi32, #tpu.memory_space<vmem>>
      %dma_wait3A_575 = tpu.memref_squeeze %dma_wait3A_574 : memref<1x128xi32, #tpu.memory_space<vmem>> -> memref<128xi32, #tpu.memory_space<vmem>>
      %dma_wait3A_576 = arith.constant 0 : i32
      %dma_wait3A_577 = arith.constant 0 : i32
      %dma_wait3A_578 = tpu.memref_slice %arg10[%dma_wait3A_576, %dma_wait3A_577] : memref<10240x128xf32, #tpu.memory_space<vmem_shared>> -> memref<10240x128xf32, #tpu.memory_space<vmem_shared>>
      tpu.wait_indirect_dma semaphore(%run_scoped3A_562 : memref<!tpu.dma_semaphore, #tpu.memory_space<semaphore_mem>>) src(%dma_wait3A_572 : memref<128x128xf32, #tpu.memory_space<vmem>>) dst(%dma_wait3A_578 : memref<10240x128xf32, #tpu.memory_space<vmem_shared>>)
      tpu.yield
    }) : () -> ()
    %run_scoped3A_529 = arith.constant 4 : i32
    "tpu.region"() ({
      %run_scoped3A_562 = tpu.sem_alloc : memref<!tpu.dma_semaphore, #tpu.memory_space<semaphore_mem>>
      %dma_start3A = arith.constant 0 : i32
      %dma_start3A_563 = arith.constant 0 : i32
      %dma_start3A_564 = tpu.memref_slice %arg8[%dma_start3A, %dma_start3A_563] : memref<128x128xf32, #tpu.memory_space<vmem>> -> memref<128x128xf32, #tpu.memory_space<vmem>>
      %dma_start3A_565 = arith.constant 0 : i32
      %dma_start3A_566 = tpu.memref_slice %arg9[%run_scoped3A_529, %dma_start3A_565] : memref<5x128xi32, #tpu.memory_space<vmem>> -> memref<1x128xi32, #tpu.memory_space<vmem>>
      %dma_start3A_567 = tpu.memref_squeeze %dma_start3A_566 : memref<1x128xi32, #tpu.memory_space<vmem>> -> memref<128xi32, #tpu.memory_space<vmem>>
      %dma_start3A_568 = arith.constant 0 : i32
      %dma_start3A_569 = arith.constant 0 : i32
      %dma_start3A_570 = tpu.memref_slice %arg10[%dma_start3A_568, %dma_start3A_569] : memref<10240x128xf32, #tpu.memory_space<vmem_shared>> -> memref<10240x128xf32, #tpu.memory_space<vmem_shared>>
      tpu.enqueue_indirect_dma source(%dma_start3A_564 : memref<128x128xf32, #tpu.memory_space<vmem>>) target(%dma_start3A_570 : memref<10240x128xf32, #tpu.memory_space<vmem_shared>>) offsets(%dma_start3A_567 : memref<128xi32, #tpu.memory_space<vmem>>) semaphore(%run_scoped3A_562 : memref<!tpu.dma_semaphore, #tpu.memory_space<semaphore_mem>>)
      %dma_wait3A = arith.constant 0 : i32
      %dma_wait3A_571 = arith.constant 0 : i32
      %dma_wait3A_572 = tpu.memref_slice %arg8[%dma_wait3A, %dma_wait3A_571] : memref<128x128xf32, #tpu.memory_space<vmem>> -> memref<128x128xf32, #tpu.memory_space<vmem>>
      %dma_wait3A_573 = arith.constant 0 : i32
      %dma_wait3A_574 = tpu.memref_slice %arg9[%run_scoped3A_529, %dma_wait3A_573] : memref<5x128xi32, #tpu.memory_space<vmem>> -> memref<1x128xi32, #tpu.memory_space<vmem>>
      %dma_wait3A_575 = tpu.memref_squeeze %dma_wait3A_574 : memref<1x128xi32, #tpu.memory_space<vmem>> -> memref<128xi32, #tpu.memory_space<vmem>>
      %dma_wait3A_576 = arith.constant 0 : i32
      %dma_wait3A_577 = arith.constant 0 : i32
      %dma_wait3A_578 = tpu.memref_slice %arg10[%dma_wait3A_576, %dma_wait3A_577] : memref<10240x128xf32, #tpu.memory_space<vmem_shared>> -> memref<10240x128xf32, #tpu.memory_space<vmem_shared>>
      tpu.wait_indirect_dma semaphore(%run_scoped3A_562 : memref<!tpu.dma_semaphore, #tpu.memory_space<semaphore_mem>>) src(%dma_wait3A_572 : memref<128x128xf32, #tpu.memory_space<vmem>>) dst(%dma_wait3A_578 : memref<10240x128xf32, #tpu.memory_space<vmem_shared>>)
      tpu.yield
    }) : () -> ()
    %barrier3A = arith.constant 0 : index
    tpu.barrier barrier_id(%barrier3A)
    %scan3A_530 = arith.constant 0 : i32
    %scan3A_531 = arith.constant 0 : i32
    %scan3A_532 = arith.constant 80 : i32
    %scan3A_533 = arith.addi %scan3A_531, %scan3A_532 : i32
    %scan3A_534 = arith.constant 1 : i32
    scf.for %scan3A_562 = %scan3A_531 to %scan3A_533 step %scan3A_534  : i32 {
      %dma_start3A = arith.constant 0 : i32
      %dma_start3A_563 = tpu.memref_slice %arg6[%scan3A_562, %dma_start3A] : memref<80x128xi32, #tpu.memory_space<vmem>> -> memref<1x128xi32, #tpu.memory_space<vmem>>
      %dma_start3A_564 = tpu.memref_squeeze %dma_start3A_563 : memref<1x128xi32, #tpu.memory_space<vmem>> -> memref<128xi32, #tpu.memory_space<vmem>>
      %dma_start3A_565 = arith.constant 0 : i32
      %dma_start3A_566 = arith.constant 0 : i32
      %dma_start3A_567 = tpu.memref_slice %arg2[%dma_start3A_565, %dma_start3A_566] : memref<10240x128xf32, #tpu.memory_space<hbm>> -> memref<10240x128xf32, #tpu.memory_space<hbm>>
      tpu.enqueue_indirect_dma source(%dma_start3A_567 : memref<10240x128xf32, #tpu.memory_space<hbm>>) target(%arg8 : memref<128x128xf32, #tpu.memory_space<vmem>>) offsets(%dma_start3A_564 : memref<128xi32, #tpu.memory_space<vmem>>) semaphore(%arg11 : memref<!tpu.dma_semaphore, #tpu.memory_space<semaphore_mem>>)
      %dma_wait3A = arith.constant 0 : i32
      %dma_wait3A_568 = tpu.memref_slice %arg6[%scan3A_562, %dma_wait3A] : memref<80x128xi32, #tpu.memory_space<vmem>> -> memref<1x128xi32, #tpu.memory_space<vmem>>
      %dma_wait3A_569 = tpu.memref_squeeze %dma_wait3A_568 : memref<1x128xi32, #tpu.memory_space<vmem>> -> memref<128xi32, #tpu.memory_space<vmem>>
      %dma_wait3A_570 = arith.constant 0 : i32
      %dma_wait3A_571 = arith.constant 0 : i32
      %dma_wait3A_572 = tpu.memref_slice %arg2[%dma_wait3A_570, %dma_wait3A_571] : memref<10240x128xf32, #tpu.memory_space<hbm>> -> memref<10240x128xf32, #tpu.memory_space<hbm>>
      tpu.wait_indirect_dma semaphore(%arg11 : memref<!tpu.dma_semaphore, #tpu.memory_space<semaphore_mem>>) src(%dma_wait3A_572 : memref<10240x128xf32, #tpu.memory_space<hbm>>) dst(%arg8 : memref<128x128xf32, #tpu.memory_space<vmem>>)
      "tpu.region"() ({
        %run_scoped3A_573 = tpu.sem_alloc : memref<!tpu.dma_semaphore, #tpu.memory_space<semaphore_mem>>
        %dma_start3A_574 = arith.constant 0 : i32
        %dma_start3A_575 = tpu.memref_slice %arg7[%scan3A_562, %dma_start3A_574] : memref<80x128xi32, #tpu.memory_space<vmem>> -> memref<1x128xi32, #tpu.memory_space<vmem>>
        %dma_start3A_576 = tpu.memref_squeeze %dma_start3A_575 : memref<1x128xi32, #tpu.memory_space<vmem>> -> memref<128xi32, #tpu.memory_space<vmem>>
        %dma_start3A_577 = arith.constant 0 : i32
        %dma_start3A_578 = arith.constant 0 : i32
        %dma_start3A_579 = tpu.memref_slice %arg10[%dma_start3A_577, %dma_start3A_578] : memref<10240x128xf32, #tpu.memory_space<vmem_shared>> -> memref<10240x128xf32, #tpu.memory_space<vmem_shared>>
        tpu.enqueue_indirect_dma source(%arg8 : memref<128x128xf32, #tpu.memory_space<vmem>>) target(%dma_start3A_579 : memref<10240x128xf32, #tpu.memory_space<vmem_shared>>) offsets(%dma_start3A_576 : memref<128xi32, #tpu.memory_space<vmem>>) semaphore(%run_scoped3A_573 : memref<!tpu.dma_semaphore, #tpu.memory_space<semaphore_mem>>) {add = true}
        %dma_wait3A_580 = arith.constant 0 : i32
        %dma_wait3A_581 = tpu.memref_slice %arg7[%scan3A_562, %dma_wait3A_580] : memref<80x128xi32, #tpu.memory_space<vmem>> -> memref<1x128xi32, #tpu.memory_space<vmem>>
        %dma_wait3A_582 = tpu.memref_squeeze %dma_wait3A_581 : memref<1x128xi32, #tpu.memory_space<vmem>> -> memref<128xi32, #tpu.memory_space<vmem>>
        %dma_wait3A_583 = arith.constant 0 : i32
        %dma_wait3A_584 = arith.constant 0 : i32
        %dma_wait3A_585 = tpu.memref_slice %arg10[%dma_wait3A_583, %dma_wait3A_584] : memref<10240x128xf32, #tpu.memory_space<vmem_shared>> -> memref<10240x128xf32, #tpu.memory_space<vmem_shared>>
        tpu.wait_indirect_dma semaphore(%run_scoped3A_573 : memref<!tpu.dma_semaphore, #tpu.memory_space<semaphore_mem>>) src(%arg8 : memref<128x128xf32, #tpu.memory_space<vmem>>) dst(%dma_wait3A_585 : memref<10240x128xf32, #tpu.memory_space<vmem_shared>>)
        tpu.yield
      }) : () -> ()
    }
    %scan3A_535 = arith.constant 80 : i32
    %barrier3A_536 = arith.constant 0 : index
    tpu.barrier barrier_id(%barrier3A_536)
    %run_scoped3A_537 = arith.constant 0 : i32
    "tpu.region"() ({
      %run_scoped3A_562 = tpu.sem_alloc : memref<!tpu.dma_semaphore, #tpu.memory_space<semaphore_mem>>
      %dma_start3A = arith.constant 0 : i32
      %dma_start3A_563 = arith.constant 0 : i32
      %dma_start3A_564 = tpu.memref_slice %arg8[%dma_start3A, %dma_start3A_563] : memref<128x128xf32, #tpu.memory_space<vmem>> -> memref<128x128xf32, #tpu.memory_space<vmem>>
      %dma_start3A_565 = arith.constant 0 : i32
      %dma_start3A_566 = tpu.memref_slice %arg9[%run_scoped3A_537, %dma_start3A_565] : memref<5x128xi32, #tpu.memory_space<vmem>> -> memref<1x128xi32, #tpu.memory_space<vmem>>
      %dma_start3A_567 = tpu.memref_squeeze %dma_start3A_566 : memref<1x128xi32, #tpu.memory_space<vmem>> -> memref<128xi32, #tpu.memory_space<vmem>>
      %dma_start3A_568 = arith.constant 0 : i32
      %dma_start3A_569 = arith.constant 0 : i32
      %dma_start3A_570 = tpu.memref_slice %arg10[%dma_start3A_568, %dma_start3A_569] : memref<10240x128xf32, #tpu.memory_space<vmem_shared>> -> memref<10240x128xf32, #tpu.memory_space<vmem_shared>>
      tpu.enqueue_indirect_dma source(%dma_start3A_570 : memref<10240x128xf32, #tpu.memory_space<vmem_shared>>) target(%dma_start3A_564 : memref<128x128xf32, #tpu.memory_space<vmem>>) offsets(%dma_start3A_567 : memref<128xi32, #tpu.memory_space<vmem>>) semaphore(%run_scoped3A_562 : memref<!tpu.dma_semaphore, #tpu.memory_space<semaphore_mem>>)
      %dma_wait3A = arith.constant 0 : i32
      %dma_wait3A_571 = arith.constant 0 : i32
      %dma_wait3A_572 = tpu.memref_slice %arg8[%dma_wait3A, %dma_wait3A_571] : memref<128x128xf32, #tpu.memory_space<vmem>> -> memref<128x128xf32, #tpu.memory_space<vmem>>
      %dma_wait3A_573 = arith.constant 0 : i32
      %dma_wait3A_574 = tpu.memref_slice %arg9[%run_scoped3A_537, %dma_wait3A_573] : memref<5x128xi32, #tpu.memory_space<vmem>> -> memref<1x128xi32, #tpu.memory_space<vmem>>
      %dma_wait3A_575 = tpu.memref_squeeze %dma_wait3A_574 : memref<1x128xi32, #tpu.memory_space<vmem>> -> memref<128xi32, #tpu.memory_space<vmem>>
      %dma_wait3A_576 = arith.constant 0 : i32
      %dma_wait3A_577 = arith.constant 0 : i32
      %dma_wait3A_578 = tpu.memref_slice %arg10[%dma_wait3A_576, %dma_wait3A_577] : memref<10240x128xf32, #tpu.memory_space<vmem_shared>> -> memref<10240x128xf32, #tpu.memory_space<vmem_shared>>
      tpu.wait_indirect_dma semaphore(%run_scoped3A_562 : memref<!tpu.dma_semaphore, #tpu.memory_space<semaphore_mem>>) src(%dma_wait3A_578 : memref<10240x128xf32, #tpu.memory_space<vmem_shared>>) dst(%dma_wait3A_572 : memref<128x128xf32, #tpu.memory_space<vmem>>)
      tpu.yield
    }) : () -> ()
    %mul3A_538 = arith.constant 640 : i32
    %mul3A_539 = arith.muli %arg1, %mul3A_538 : i32
    %add3A_540 = arith.constant 0 : i32
    %add3A_541 = arith.addi %mul3A_539, %add3A_540 : i32
    "tpu.region"() ({
      %run_scoped3A_562 = tpu.sem_alloc : memref<!tpu.dma_semaphore, #tpu.memory_space<semaphore_mem>>
      %dma_start3A = arith.constant 0 : i32
      %dma_start3A_563 = arith.constant 0 : i32
      %dma_start3A_564 = tpu.memref_slice %arg8[%dma_start3A, %dma_start3A_563] : memref<128x128xf32, #tpu.memory_space<vmem>> -> memref<128x128xf32, #tpu.memory_space<vmem>>
      %dma_start3A_565 = arith.constant 0 : i32
      %dma_start3A_566 = tpu.memref_slice %arg5[%arg0, %add3A_541, %dma_start3A_565] : memref<2x10240x128xf32, #tpu.memory_space<hbm>> -> memref<1x128x128xf32, #tpu.memory_space<hbm>>
      %dma_start3A_567 = tpu.memref_squeeze %dma_start3A_566 : memref<1x128x128xf32, #tpu.memory_space<hbm>> -> memref<128x128xf32, #tpu.memory_space<hbm>>
      %dma_start3A_568 = arith.constant 0 : i32
      %dma_start3A_569 = tpu.memref_slice %arg5[%arg0, %add3A_541, %dma_start3A_568] : memref<2x10240x128xf32, #tpu.memory_space<hbm>> -> memref<1x128x128xf32, #tpu.memory_space<hbm>>
      %dma_start3A_570 = tpu.memref_squeeze %dma_start3A_569 : memref<1x128x128xf32, #tpu.memory_space<hbm>> -> memref<128x128xf32, #tpu.memory_space<hbm>>
      %dma_start3A_571 = arith.constant 0 : i32
      %dma_start3A_572 = arith.constant 0 : i32
      %dma_start3A_573 = tpu.memref_slice %arg8[%dma_start3A_571, %dma_start3A_572] : memref<128x128xf32, #tpu.memory_space<vmem>> -> memref<128x128xf32, #tpu.memory_space<vmem>>
      tpu.enqueue_dma source(%dma_start3A_573 : memref<128x128xf32, #tpu.memory_space<vmem>>) target(%dma_start3A_570 : memref<128x128xf32, #tpu.memory_space<hbm>>) target_semaphore(%run_scoped3A_562 : memref<!tpu.dma_semaphore, #tpu.memory_space<semaphore_mem>>)
      %dma_wait3A = arith.constant 0 : i32
      %dma_wait3A_574 = arith.constant 0 : i32
      %dma_wait3A_575 = tpu.memref_slice %arg8[%dma_wait3A, %dma_wait3A_574] : memref<128x128xf32, #tpu.memory_space<vmem>> -> memref<128x128xf32, #tpu.memory_space<vmem>>
      %dma_wait3A_576 = arith.constant 0 : i32
      %dma_wait3A_577 = tpu.memref_slice %arg5[%arg0, %add3A_541, %dma_wait3A_576] : memref<2x10240x128xf32, #tpu.memory_space<hbm>> -> memref<1x128x128xf32, #tpu.memory_space<hbm>>
      %dma_wait3A_578 = tpu.memref_squeeze %dma_wait3A_577 : memref<1x128x128xf32, #tpu.memory_space<hbm>> -> memref<128x128xf32, #tpu.memory_space<hbm>>
      %dma_wait3A_579 = arith.constant 0 : i32
      %dma_wait3A_580 = tpu.memref_slice %arg5[%arg0, %add3A_541, %dma_wait3A_579] : memref<2x10240x128xf32, #tpu.memory_space<hbm>> -> memref<1x128x128xf32, #tpu.memory_space<hbm>>
      %dma_wait3A_581 = tpu.memref_squeeze %dma_wait3A_580 : memref<1x128x128xf32, #tpu.memory_space<hbm>> -> memref<128x128xf32, #tpu.memory_space<hbm>>
      %dma_wait3A_582 = arith.constant 0 : i32
      %dma_wait3A_583 = arith.constant 0 : i32
      %dma_wait3A_584 = tpu.memref_slice %arg8[%dma_wait3A_582, %dma_wait3A_583] : memref<128x128xf32, #tpu.memory_space<vmem>> -> memref<128x128xf32, #tpu.memory_space<vmem>>
      tpu.wait_dma2 semaphore(%run_scoped3A_562 : memref<!tpu.dma_semaphore, #tpu.memory_space<semaphore_mem>>) src(%dma_wait3A_584 : memref<128x128xf32, #tpu.memory_space<vmem>>) dst(%dma_wait3A_581 : memref<128x128xf32, #tpu.memory_space<hbm>>)
      tpu.yield
    }) : () -> ()
    %run_scoped3A_542 = arith.constant 1 : i32
    "tpu.region"() ({
      %run_scoped3A_562 = tpu.sem_alloc : memref<!tpu.dma_semaphore, #tpu.memory_space<semaphore_mem>>
      %dma_start3A = arith.constant 0 : i32
      %dma_start3A_563 = arith.constant 0 : i32
      %dma_start3A_564 = tpu.memref_slice %arg8[%dma_start3A, %dma_start3A_563] : memref<128x128xf32, #tpu.memory_space<vmem>> -> memref<128x128xf32, #tpu.memory_space<vmem>>
      %dma_start3A_565 = arith.constant 0 : i32
      %dma_start3A_566 = tpu.memref_slice %arg9[%run_scoped3A_542, %dma_start3A_565] : memref<5x128xi32, #tpu.memory_space<vmem>> -> memref<1x128xi32, #tpu.memory_space<vmem>>
      %dma_start3A_567 = tpu.memref_squeeze %dma_start3A_566 : memref<1x128xi32, #tpu.memory_space<vmem>> -> memref<128xi32, #tpu.memory_space<vmem>>
      %dma_start3A_568 = arith.constant 0 : i32
      %dma_start3A_569 = arith.constant 0 : i32
      %dma_start3A_570 = tpu.memref_slice %arg10[%dma_start3A_568, %dma_start3A_569] : memref<10240x128xf32, #tpu.memory_space<vmem_shared>> -> memref<10240x128xf32, #tpu.memory_space<vmem_shared>>
      tpu.enqueue_indirect_dma source(%dma_start3A_570 : memref<10240x128xf32, #tpu.memory_space<vmem_shared>>) target(%dma_start3A_564 : memref<128x128xf32, #tpu.memory_space<vmem>>) offsets(%dma_start3A_567 : memref<128xi32, #tpu.memory_space<vmem>>) semaphore(%run_scoped3A_562 : memref<!tpu.dma_semaphore, #tpu.memory_space<semaphore_mem>>)
      %dma_wait3A = arith.constant 0 : i32
      %dma_wait3A_571 = arith.constant 0 : i32
      %dma_wait3A_572 = tpu.memref_slice %arg8[%dma_wait3A, %dma_wait3A_571] : memref<128x128xf32, #tpu.memory_space<vmem>> -> memref<128x128xf32, #tpu.memory_space<vmem>>
      %dma_wait3A_573 = arith.constant 0 : i32
      %dma_wait3A_574 = tpu.memref_slice %arg9[%run_scoped3A_542, %dma_wait3A_573] : memref<5x128xi32, #tpu.memory_space<vmem>> -> memref<1x128xi32, #tpu.memory_space<vmem>>
      %dma_wait3A_575 = tpu.memref_squeeze %dma_wait3A_574 : memref<1x128xi32, #tpu.memory_space<vmem>> -> memref<128xi32, #tpu.memory_space<vmem>>
      %dma_wait3A_576 = arith.constant 0 : i32
      %dma_wait3A_577 = arith.constant 0 : i32
      %dma_wait3A_578 = tpu.memref_slice %arg10[%dma_wait3A_576, %dma_wait3A_577] : memref<10240x128xf32, #tpu.memory_space<vmem_shared>> -> memref<10240x128xf32, #tpu.memory_space<vmem_shared>>
      tpu.wait_indirect_dma semaphore(%run_scoped3A_562 : memref<!tpu.dma_semaphore, #tpu.memory_space<semaphore_mem>>) src(%dma_wait3A_578 : memref<10240x128xf32, #tpu.memory_space<vmem_shared>>) dst(%dma_wait3A_572 : memref<128x128xf32, #tpu.memory_space<vmem>>)
      tpu.yield
    }) : () -> ()
    %mul3A_543 = arith.constant 640 : i32
    %mul3A_544 = arith.muli %arg1, %mul3A_543 : i32
    %add3A_545 = arith.constant 128 : i32
    %add3A_546 = arith.addi %mul3A_544, %add3A_545 : i32
    "tpu.region"() ({
      %run_scoped3A_562 = tpu.sem_alloc : memref<!tpu.dma_semaphore, #tpu.memory_space<semaphore_mem>>
      %dma_start3A = arith.constant 0 : i32
      %dma_start3A_563 = arith.constant 0 : i32
      %dma_start3A_564 = tpu.memref_slice %arg8[%dma_start3A, %dma_start3A_563] : memref<128x128xf32, #tpu.memory_space<vmem>> -> memref<128x128xf32, #tpu.memory_space<vmem>>
      %dma_start3A_565 = arith.constant 0 : i32
      %dma_start3A_566 = tpu.memref_slice %arg5[%arg0, %add3A_546, %dma_start3A_565] : memref<2x10240x128xf32, #tpu.memory_space<hbm>> -> memref<1x128x128xf32, #tpu.memory_space<hbm>>
      %dma_start3A_567 = tpu.memref_squeeze %dma_start3A_566 : memref<1x128x128xf32, #tpu.memory_space<hbm>> -> memref<128x128xf32, #tpu.memory_space<hbm>>
      %dma_start3A_568 = arith.constant 0 : i32
      %dma_start3A_569 = tpu.memref_slice %arg5[%arg0, %add3A_546, %dma_start3A_568] : memref<2x10240x128xf32, #tpu.memory_space<hbm>> -> memref<1x128x128xf32, #tpu.memory_space<hbm>>
      %dma_start3A_570 = tpu.memref_squeeze %dma_start3A_569 : memref<1x128x128xf32, #tpu.memory_space<hbm>> -> memref<128x128xf32, #tpu.memory_space<hbm>>
      %dma_start3A_571 = arith.constant 0 : i32
      %dma_start3A_572 = arith.constant 0 : i32
      %dma_start3A_573 = tpu.memref_slice %arg8[%dma_start3A_571, %dma_start3A_572] : memref<128x128xf32, #tpu.memory_space<vmem>> -> memref<128x128xf32, #tpu.memory_space<vmem>>
      tpu.enqueue_dma source(%dma_start3A_573 : memref<128x128xf32, #tpu.memory_space<vmem>>) target(%dma_start3A_570 : memref<128x128xf32, #tpu.memory_space<hbm>>) target_semaphore(%run_scoped3A_562 : memref<!tpu.dma_semaphore, #tpu.memory_space<semaphore_mem>>)
      %dma_wait3A = arith.constant 0 : i32
      %dma_wait3A_574 = arith.constant 0 : i32
      %dma_wait3A_575 = tpu.memref_slice %arg8[%dma_wait3A, %dma_wait3A_574] : memref<128x128xf32, #tpu.memory_space<vmem>> -> memref<128x128xf32, #tpu.memory_space<vmem>>
      %dma_wait3A_576 = arith.constant 0 : i32
      %dma_wait3A_577 = tpu.memref_slice %arg5[%arg0, %add3A_546, %dma_wait3A_576] : memref<2x10240x128xf32, #tpu.memory_space<hbm>> -> memref<1x128x128xf32, #tpu.memory_space<hbm>>
      %dma_wait3A_578 = tpu.memref_squeeze %dma_wait3A_577 : memref<1x128x128xf32, #tpu.memory_space<hbm>> -> memref<128x128xf32, #tpu.memory_space<hbm>>
      %dma_wait3A_579 = arith.constant 0 : i32
      %dma_wait3A_580 = tpu.memref_slice %arg5[%arg0, %add3A_546, %dma_wait3A_579] : memref<2x10240x128xf32, #tpu.memory_space<hbm>> -> memref<1x128x128xf32, #tpu.memory_space<hbm>>
      %dma_wait3A_581 = tpu.memref_squeeze %dma_wait3A_580 : memref<1x128x128xf32, #tpu.memory_space<hbm>> -> memref<128x128xf32, #tpu.memory_space<hbm>>
      %dma_wait3A_582 = arith.constant 0 : i32
      %dma_wait3A_583 = arith.constant 0 : i32
      %dma_wait3A_584 = tpu.memref_slice %arg8[%dma_wait3A_582, %dma_wait3A_583] : memref<128x128xf32, #tpu.memory_space<vmem>> -> memref<128x128xf32, #tpu.memory_space<vmem>>
      tpu.wait_dma2 semaphore(%run_scoped3A_562 : memref<!tpu.dma_semaphore, #tpu.memory_space<semaphore_mem>>) src(%dma_wait3A_584 : memref<128x128xf32, #tpu.memory_space<vmem>>) dst(%dma_wait3A_581 : memref<128x128xf32, #tpu.memory_space<hbm>>)
      tpu.yield
    }) : () -> ()
    %run_scoped3A_547 = arith.constant 2 : i32
    "tpu.region"() ({
      %run_scoped3A_562 = tpu.sem_alloc : memref<!tpu.dma_semaphore, #tpu.memory_space<semaphore_mem>>
      %dma_start3A = arith.constant 0 : i32
      %dma_start3A_563 = arith.constant 0 : i32
      %dma_start3A_564 = tpu.memref_slice %arg8[%dma_start3A, %dma_start3A_563] : memref<128x128xf32, #tpu.memory_space<vmem>> -> memref<128x128xf32, #tpu.memory_space<vmem>>
      %dma_start3A_565 = arith.constant 0 : i32
      %dma_start3A_566 = tpu.memref_slice %arg9[%run_scoped3A_547, %dma_start3A_565] : memref<5x128xi32, #tpu.memory_space<vmem>> -> memref<1x128xi32, #tpu.memory_space<vmem>>
      %dma_start3A_567 = tpu.memref_squeeze %dma_start3A_566 : memref<1x128xi32, #tpu.memory_space<vmem>> -> memref<128xi32, #tpu.memory_space<vmem>>
      %dma_start3A_568 = arith.constant 0 : i32
      %dma_start3A_569 = arith.constant 0 : i32
      %dma_start3A_570 = tpu.memref_slice %arg10[%dma_start3A_568, %dma_start3A_569] : memref<10240x128xf32, #tpu.memory_space<vmem_shared>> -> memref<10240x128xf32, #tpu.memory_space<vmem_shared>>
      tpu.enqueue_indirect_dma source(%dma_start3A_570 : memref<10240x128xf32, #tpu.memory_space<vmem_shared>>) target(%dma_start3A_564 : memref<128x128xf32, #tpu.memory_space<vmem>>) offsets(%dma_start3A_567 : memref<128xi32, #tpu.memory_space<vmem>>) semaphore(%run_scoped3A_562 : memref<!tpu.dma_semaphore, #tpu.memory_space<semaphore_mem>>)
      %dma_wait3A = arith.constant 0 : i32
      %dma_wait3A_571 = arith.constant 0 : i32
      %dma_wait3A_572 = tpu.memref_slice %arg8[%dma_wait3A, %dma_wait3A_571] : memref<128x128xf32, #tpu.memory_space<vmem>> -> memref<128x128xf32, #tpu.memory_space<vmem>>
      %dma_wait3A_573 = arith.constant 0 : i32
      %dma_wait3A_574 = tpu.memref_slice %arg9[%run_scoped3A_547, %dma_wait3A_573] : memref<5x128xi32, #tpu.memory_space<vmem>> -> memref<1x128xi32, #tpu.memory_space<vmem>>
      %dma_wait3A_575 = tpu.memref_squeeze %dma_wait3A_574 : memref<1x128xi32, #tpu.memory_space<vmem>> -> memref<128xi32, #tpu.memory_space<vmem>>
      %dma_wait3A_576 = arith.constant 0 : i32
      %dma_wait3A_577 = arith.constant 0 : i32
      %dma_wait3A_578 = tpu.memref_slice %arg10[%dma_wait3A_576, %dma_wait3A_577] : memref<10240x128xf32, #tpu.memory_space<vmem_shared>> -> memref<10240x128xf32, #tpu.memory_space<vmem_shared>>
      tpu.wait_indirect_dma semaphore(%run_scoped3A_562 : memref<!tpu.dma_semaphore, #tpu.memory_space<semaphore_mem>>) src(%dma_wait3A_578 : memref<10240x128xf32, #tpu.memory_space<vmem_shared>>) dst(%dma_wait3A_572 : memref<128x128xf32, #tpu.memory_space<vmem>>)
      tpu.yield
    }) : () -> ()
    %mul3A_548 = arith.constant 640 : i32
    %mul3A_549 = arith.muli %arg1, %mul3A_548 : i32
    %add3A_550 = arith.constant 256 : i32
    %add3A_551 = arith.addi %mul3A_549, %add3A_550 : i32
    "tpu.region"() ({
      %run_scoped3A_562 = tpu.sem_alloc : memref<!tpu.dma_semaphore, #tpu.memory_space<semaphore_mem>>
      %dma_start3A = arith.constant 0 : i32
      %dma_start3A_563 = arith.constant 0 : i32
      %dma_start3A_564 = tpu.memref_slice %arg8[%dma_start3A, %dma_start3A_563] : memref<128x128xf32, #tpu.memory_space<vmem>> -> memref<128x128xf32, #tpu.memory_space<vmem>>
      %dma_start3A_565 = arith.constant 0 : i32
      %dma_start3A_566 = tpu.memref_slice %arg5[%arg0, %add3A_551, %dma_start3A_565] : memref<2x10240x128xf32, #tpu.memory_space<hbm>> -> memref<1x128x128xf32, #tpu.memory_space<hbm>>
      %dma_start3A_567 = tpu.memref_squeeze %dma_start3A_566 : memref<1x128x128xf32, #tpu.memory_space<hbm>> -> memref<128x128xf32, #tpu.memory_space<hbm>>
      %dma_start3A_568 = arith.constant 0 : i32
      %dma_start3A_569 = tpu.memref_slice %arg5[%arg0, %add3A_551, %dma_start3A_568] : memref<2x10240x128xf32, #tpu.memory_space<hbm>> -> memref<1x128x128xf32, #tpu.memory_space<hbm>>
      %dma_start3A_570 = tpu.memref_squeeze %dma_start3A_569 : memref<1x128x128xf32, #tpu.memory_space<hbm>> -> memref<128x128xf32, #tpu.memory_space<hbm>>
      %dma_start3A_571 = arith.constant 0 : i32
      %dma_start3A_572 = arith.constant 0 : i32
      %dma_start3A_573 = tpu.memref_slice %arg8[%dma_start3A_571, %dma_start3A_572] : memref<128x128xf32, #tpu.memory_space<vmem>> -> memref<128x128xf32, #tpu.memory_space<vmem>>
      tpu.enqueue_dma source(%dma_start3A_573 : memref<128x128xf32, #tpu.memory_space<vmem>>) target(%dma_start3A_570 : memref<128x128xf32, #tpu.memory_space<hbm>>) target_semaphore(%run_scoped3A_562 : memref<!tpu.dma_semaphore, #tpu.memory_space<semaphore_mem>>)
      %dma_wait3A = arith.constant 0 : i32
      %dma_wait3A_574 = arith.constant 0 : i32
      %dma_wait3A_575 = tpu.memref_slice %arg8[%dma_wait3A, %dma_wait3A_574] : memref<128x128xf32, #tpu.memory_space<vmem>> -> memref<128x128xf32, #tpu.memory_space<vmem>>
      %dma_wait3A_576 = arith.constant 0 : i32
      %dma_wait3A_577 = tpu.memref_slice %arg5[%arg0, %add3A_551, %dma_wait3A_576] : memref<2x10240x128xf32, #tpu.memory_space<hbm>> -> memref<1x128x128xf32, #tpu.memory_space<hbm>>
      %dma_wait3A_578 = tpu.memref_squeeze %dma_wait3A_577 : memref<1x128x128xf32, #tpu.memory_space<hbm>> -> memref<128x128xf32, #tpu.memory_space<hbm>>
      %dma_wait3A_579 = arith.constant 0 : i32
      %dma_wait3A_580 = tpu.memref_slice %arg5[%arg0, %add3A_551, %dma_wait3A_579] : memref<2x10240x128xf32, #tpu.memory_space<hbm>> -> memref<1x128x128xf32, #tpu.memory_space<hbm>>
      %dma_wait3A_581 = tpu.memref_squeeze %dma_wait3A_580 : memref<1x128x128xf32, #tpu.memory_space<hbm>> -> memref<128x128xf32, #tpu.memory_space<hbm>>
      %dma_wait3A_582 = arith.constant 0 : i32
      %dma_wait3A_583 = arith.constant 0 : i32
      %dma_wait3A_584 = tpu.memref_slice %arg8[%dma_wait3A_582, %dma_wait3A_583] : memref<128x128xf32, #tpu.memory_space<vmem>> -> memref<128x128xf32, #tpu.memory_space<vmem>>
      tpu.wait_dma2 semaphore(%run_scoped3A_562 : memref<!tpu.dma_semaphore, #tpu.memory_space<semaphore_mem>>) src(%dma_wait3A_584 : memref<128x128xf32, #tpu.memory_space<vmem>>) dst(%dma_wait3A_581 : memref<128x128xf32, #tpu.memory_space<hbm>>)
      tpu.yield
    }) : () -> ()
    %run_scoped3A_552 = arith.constant 3 : i32
    "tpu.region"() ({
      %run_scoped3A_562 = tpu.sem_alloc : memref<!tpu.dma_semaphore, #tpu.memory_space<semaphore_mem>>
      %dma_start3A = arith.constant 0 : i32
      %dma_start3A_563 = arith.constant 0 : i32
      %dma_start3A_564 = tpu.memref_slice %arg8[%dma_start3A, %dma_start3A_563] : memref<128x128xf32, #tpu.memory_space<vmem>> -> memref<128x128xf32, #tpu.memory_space<vmem>>
      %dma_start3A_565 = arith.constant 0 : i32
      %dma_start3A_566 = tpu.memref_slice %arg9[%run_scoped3A_552, %dma_start3A_565] : memref<5x128xi32, #tpu.memory_space<vmem>> -> memref<1x128xi32, #tpu.memory_space<vmem>>
      %dma_start3A_567 = tpu.memref_squeeze %dma_start3A_566 : memref<1x128xi32, #tpu.memory_space<vmem>> -> memref<128xi32, #tpu.memory_space<vmem>>
      %dma_start3A_568 = arith.constant 0 : i32
      %dma_start3A_569 = arith.constant 0 : i32
      %dma_start3A_570 = tpu.memref_slice %arg10[%dma_start3A_568, %dma_start3A_569] : memref<10240x128xf32, #tpu.memory_space<vmem_shared>> -> memref<10240x128xf32, #tpu.memory_space<vmem_shared>>
      tpu.enqueue_indirect_dma source(%dma_start3A_570 : memref<10240x128xf32, #tpu.memory_space<vmem_shared>>) target(%dma_start3A_564 : memref<128x128xf32, #tpu.memory_space<vmem>>) offsets(%dma_start3A_567 : memref<128xi32, #tpu.memory_space<vmem>>) semaphore(%run_scoped3A_562 : memref<!tpu.dma_semaphore, #tpu.memory_space<semaphore_mem>>)
      %dma_wait3A = arith.constant 0 : i32
      %dma_wait3A_571 = arith.constant 0 : i32
      %dma_wait3A_572 = tpu.memref_slice %arg8[%dma_wait3A, %dma_wait3A_571] : memref<128x128xf32, #tpu.memory_space<vmem>> -> memref<128x128xf32, #tpu.memory_space<vmem>>
      %dma_wait3A_573 = arith.constant 0 : i32
      %dma_wait3A_574 = tpu.memref_slice %arg9[%run_scoped3A_552, %dma_wait3A_573] : memref<5x128xi32, #tpu.memory_space<vmem>> -> memref<1x128xi32, #tpu.memory_space<vmem>>
      %dma_wait3A_575 = tpu.memref_squeeze %dma_wait3A_574 : memref<1x128xi32, #tpu.memory_space<vmem>> -> memref<128xi32, #tpu.memory_space<vmem>>
      %dma_wait3A_576 = arith.constant 0 : i32
      %dma_wait3A_577 = arith.constant 0 : i32
      %dma_wait3A_578 = tpu.memref_slice %arg10[%dma_wait3A_576, %dma_wait3A_577] : memref<10240x128xf32, #tpu.memory_space<vmem_shared>> -> memref<10240x128xf32, #tpu.memory_space<vmem_shared>>
      tpu.wait_indirect_dma semaphore(%run_scoped3A_562 : memref<!tpu.dma_semaphore, #tpu.memory_space<semaphore_mem>>) src(%dma_wait3A_578 : memref<10240x128xf32, #tpu.memory_space<vmem_shared>>) dst(%dma_wait3A_572 : memref<128x128xf32, #tpu.memory_space<vmem>>)
      tpu.yield
    }) : () -> ()
    %mul3A_553 = arith.constant 640 : i32
    %mul3A_554 = arith.muli %arg1, %mul3A_553 : i32
    %add3A_555 = arith.constant 384 : i32
    %add3A_556 = arith.addi %mul3A_554, %add3A_555 : i32
    "tpu.region"() ({
      %run_scoped3A_562 = tpu.sem_alloc : memref<!tpu.dma_semaphore, #tpu.memory_space<semaphore_mem>>
      %dma_start3A = arith.constant 0 : i32
      %dma_start3A_563 = arith.constant 0 : i32
      %dma_start3A_564 = tpu.memref_slice %arg8[%dma_start3A, %dma_start3A_563] : memref<128x128xf32, #tpu.memory_space<vmem>> -> memref<128x128xf32, #tpu.memory_space<vmem>>
      %dma_start3A_565 = arith.constant 0 : i32
      %dma_start3A_566 = tpu.memref_slice %arg5[%arg0, %add3A_556, %dma_start3A_565] : memref<2x10240x128xf32, #tpu.memory_space<hbm>> -> memref<1x128x128xf32, #tpu.memory_space<hbm>>
      %dma_start3A_567 = tpu.memref_squeeze %dma_start3A_566 : memref<1x128x128xf32, #tpu.memory_space<hbm>> -> memref<128x128xf32, #tpu.memory_space<hbm>>
      %dma_start3A_568 = arith.constant 0 : i32
      %dma_start3A_569 = tpu.memref_slice %arg5[%arg0, %add3A_556, %dma_start3A_568] : memref<2x10240x128xf32, #tpu.memory_space<hbm>> -> memref<1x128x128xf32, #tpu.memory_space<hbm>>
      %dma_start3A_570 = tpu.memref_squeeze %dma_start3A_569 : memref<1x128x128xf32, #tpu.memory_space<hbm>> -> memref<128x128xf32, #tpu.memory_space<hbm>>
      %dma_start3A_571 = arith.constant 0 : i32
      %dma_start3A_572 = arith.constant 0 : i32
      %dma_start3A_573 = tpu.memref_slice %arg8[%dma_start3A_571, %dma_start3A_572] : memref<128x128xf32, #tpu.memory_space<vmem>> -> memref<128x128xf32, #tpu.memory_space<vmem>>
      tpu.enqueue_dma source(%dma_start3A_573 : memref<128x128xf32, #tpu.memory_space<vmem>>) target(%dma_start3A_570 : memref<128x128xf32, #tpu.memory_space<hbm>>) target_semaphore(%run_scoped3A_562 : memref<!tpu.dma_semaphore, #tpu.memory_space<semaphore_mem>>)
      %dma_wait3A = arith.constant 0 : i32
      %dma_wait3A_574 = arith.constant 0 : i32
      %dma_wait3A_575 = tpu.memref_slice %arg8[%dma_wait3A, %dma_wait3A_574] : memref<128x128xf32, #tpu.memory_space<vmem>> -> memref<128x128xf32, #tpu.memory_space<vmem>>
      %dma_wait3A_576 = arith.constant 0 : i32
      %dma_wait3A_577 = tpu.memref_slice %arg5[%arg0, %add3A_556, %dma_wait3A_576] : memref<2x10240x128xf32, #tpu.memory_space<hbm>> -> memref<1x128x128xf32, #tpu.memory_space<hbm>>
      %dma_wait3A_578 = tpu.memref_squeeze %dma_wait3A_577 : memref<1x128x128xf32, #tpu.memory_space<hbm>> -> memref<128x128xf32, #tpu.memory_space<hbm>>
      %dma_wait3A_579 = arith.constant 0 : i32
      %dma_wait3A_580 = tpu.memref_slice %arg5[%arg0, %add3A_556, %dma_wait3A_579] : memref<2x10240x128xf32, #tpu.memory_space<hbm>> -> memref<1x128x128xf32, #tpu.memory_space<hbm>>
      %dma_wait3A_581 = tpu.memref_squeeze %dma_wait3A_580 : memref<1x128x128xf32, #tpu.memory_space<hbm>> -> memref<128x128xf32, #tpu.memory_space<hbm>>
      %dma_wait3A_582 = arith.constant 0 : i32
      %dma_wait3A_583 = arith.constant 0 : i32
      %dma_wait3A_584 = tpu.memref_slice %arg8[%dma_wait3A_582, %dma_wait3A_583] : memref<128x128xf32, #tpu.memory_space<vmem>> -> memref<128x128xf32, #tpu.memory_space<vmem>>
      tpu.wait_dma2 semaphore(%run_scoped3A_562 : memref<!tpu.dma_semaphore, #tpu.memory_space<semaphore_mem>>) src(%dma_wait3A_584 : memref<128x128xf32, #tpu.memory_space<vmem>>) dst(%dma_wait3A_581 : memref<128x128xf32, #tpu.memory_space<hbm>>)
      tpu.yield
    }) : () -> ()
    %run_scoped3A_557 = arith.constant 4 : i32
    "tpu.region"() ({
      %run_scoped3A_562 = tpu.sem_alloc : memref<!tpu.dma_semaphore, #tpu.memory_space<semaphore_mem>>
      %dma_start3A = arith.constant 0 : i32
      %dma_start3A_563 = arith.constant 0 : i32
      %dma_start3A_564 = tpu.memref_slice %arg8[%dma_start3A, %dma_start3A_563] : memref<128x128xf32, #tpu.memory_space<vmem>> -> memref<128x128xf32, #tpu.memory_space<vmem>>
      %dma_start3A_565 = arith.constant 0 : i32
      %dma_start3A_566 = tpu.memref_slice %arg9[%run_scoped3A_557, %dma_start3A_565] : memref<5x128xi32, #tpu.memory_space<vmem>> -> memref<1x128xi32, #tpu.memory_space<vmem>>
      %dma_start3A_567 = tpu.memref_squeeze %dma_start3A_566 : memref<1x128xi32, #tpu.memory_space<vmem>> -> memref<128xi32, #tpu.memory_space<vmem>>
      %dma_start3A_568 = arith.constant 0 : i32
      %dma_start3A_569 = arith.constant 0 : i32
      %dma_start3A_570 = tpu.memref_slice %arg10[%dma_start3A_568, %dma_start3A_569] : memref<10240x128xf32, #tpu.memory_space<vmem_shared>> -> memref<10240x128xf32, #tpu.memory_space<vmem_shared>>
      tpu.enqueue_indirect_dma source(%dma_start3A_570 : memref<10240x128xf32, #tpu.memory_space<vmem_shared>>) target(%dma_start3A_564 : memref<128x128xf32, #tpu.memory_space<vmem>>) offsets(%dma_start3A_567 : memref<128xi32, #tpu.memory_space<vmem>>) semaphore(%run_scoped3A_562 : memref<!tpu.dma_semaphore, #tpu.memory_space<semaphore_mem>>)
      %dma_wait3A = arith.constant 0 : i32
      %dma_wait3A_571 = arith.constant 0 : i32
      %dma_wait3A_572 = tpu.memref_slice %arg8[%dma_wait3A, %dma_wait3A_571] : memref<128x128xf32, #tpu.memory_space<vmem>> -> memref<128x128xf32, #tpu.memory_space<vmem>>
      %dma_wait3A_573 = arith.constant 0 : i32
      %dma_wait3A_574 = tpu.memref_slice %arg9[%run_scoped3A_557, %dma_wait3A_573] : memref<5x128xi32, #tpu.memory_space<vmem>> -> memref<1x128xi32, #tpu.memory_space<vmem>>
      %dma_wait3A_575 = tpu.memref_squeeze %dma_wait3A_574 : memref<1x128xi32, #tpu.memory_space<vmem>> -> memref<128xi32, #tpu.memory_space<vmem>>
      %dma_wait3A_576 = arith.constant 0 : i32
      %dma_wait3A_577 = arith.constant 0 : i32
      %dma_wait3A_578 = tpu.memref_slice %arg10[%dma_wait3A_576, %dma_wait3A_577] : memref<10240x128xf32, #tpu.memory_space<vmem_shared>> -> memref<10240x128xf32, #tpu.memory_space<vmem_shared>>
      tpu.wait_indirect_dma semaphore(%run_scoped3A_562 : memref<!tpu.dma_semaphore, #tpu.memory_space<semaphore_mem>>) src(%dma_wait3A_578 : memref<10240x128xf32, #tpu.memory_space<vmem_shared>>) dst(%dma_wait3A_572 : memref<128x128xf32, #tpu.memory_space<vmem>>)
      tpu.yield
    }) : () -> ()
    %mul3A_558 = arith.constant 640 : i32
    %mul3A_559 = arith.muli %arg1, %mul3A_558 : i32
    %add3A_560 = arith.constant 512 : i32
    %add3A_561 = arith.addi %mul3A_559, %add3A_560 : i32
    "tpu.region"() ({
      %run_scoped3A_562 = tpu.sem_alloc : memref<!tpu.dma_semaphore, #tpu.memory_space<semaphore_mem>>
      %dma_start3A = arith.constant 0 : i32
      %dma_start3A_563 = arith.constant 0 : i32
      %dma_start3A_564 = tpu.memref_slice %arg8[%dma_start3A, %dma_start3A_563] : memref<128x128xf32, #tpu.memory_space<vmem>> -> memref<128x128xf32, #tpu.memory_space<vmem>>
      %dma_start3A_565 = arith.constant 0 : i32
      %dma_start3A_566 = tpu.memref_slice %arg5[%arg0, %add3A_561, %dma_start3A_565] : memref<2x10240x128xf32, #tpu.memory_space<hbm>> -> memref<1x128x128xf32, #tpu.memory_space<hbm>>
      %dma_start3A_567 = tpu.memref_squeeze %dma_start3A_566 : memref<1x128x128xf32, #tpu.memory_space<hbm>> -> memref<128x128xf32, #tpu.memory_space<hbm>>
      %dma_start3A_568 = arith.constant 0 : i32
      %dma_start3A_569 = tpu.memref_slice %arg5[%arg0, %add3A_561, %dma_start3A_568] : memref<2x10240x128xf32, #tpu.memory_space<hbm>> -> memref<1x128x128xf32, #tpu.memory_space<hbm>>
      %dma_start3A_570 = tpu.memref_squeeze %dma_start3A_569 : memref<1x128x128xf32, #tpu.memory_space<hbm>> -> memref<128x128xf32, #tpu.memory_space<hbm>>
      %dma_start3A_571 = arith.constant 0 : i32
      %dma_start3A_572 = arith.constant 0 : i32
      %dma_start3A_573 = tpu.memref_slice %arg8[%dma_start3A_571, %dma_start3A_572] : memref<128x128xf32, #tpu.memory_space<vmem>> -> memref<128x128xf32, #tpu.memory_space<vmem>>
      tpu.enqueue_dma source(%dma_start3A_573 : memref<128x128xf32, #tpu.memory_space<vmem>>) target(%dma_start3A_570 : memref<128x128xf32, #tpu.memory_space<hbm>>) target_semaphore(%run_scoped3A_562 : memref<!tpu.dma_semaphore, #tpu.memory_space<semaphore_mem>>)
      %dma_wait3A = arith.constant 0 : i32
      %dma_wait3A_574 = arith.constant 0 : i32
      %dma_wait3A_575 = tpu.memref_slice %arg8[%dma_wait3A, %dma_wait3A_574] : memref<128x128xf32, #tpu.memory_space<vmem>> -> memref<128x128xf32, #tpu.memory_space<vmem>>
      %dma_wait3A_576 = arith.constant 0 : i32
      %dma_wait3A_577 = tpu.memref_slice %arg5[%arg0, %add3A_561, %dma_wait3A_576] : memref<2x10240x128xf32, #tpu.memory_space<hbm>> -> memref<1x128x128xf32, #tpu.memory_space<hbm>>
      %dma_wait3A_578 = tpu.memref_squeeze %dma_wait3A_577 : memref<1x128x128xf32, #tpu.memory_space<hbm>> -> memref<128x128xf32, #tpu.memory_space<hbm>>
      %dma_wait3A_579 = arith.constant 0 : i32
      %dma_wait3A_580 = tpu.memref_slice %arg5[%arg0, %add3A_561, %dma_wait3A_579] : memref<2x10240x128xf32, #tpu.memory_space<hbm>> -> memref<1x128x128xf32, #tpu.memory_space<hbm>>
      %dma_wait3A_581 = tpu.memref_squeeze %dma_wait3A_580 : memref<1x128x128xf32, #tpu.memory_space<hbm>> -> memref<128x128xf32, #tpu.memory_space<hbm>>
      %dma_wait3A_582 = arith.constant 0 : i32
      %dma_wait3A_583 = arith.constant 0 : i32
      %dma_wait3A_584 = tpu.memref_slice %arg8[%dma_wait3A_582, %dma_wait3A_583] : memref<128x128xf32, #tpu.memory_space<vmem>> -> memref<128x128xf32, #tpu.memory_space<vmem>>
      tpu.wait_dma2 semaphore(%run_scoped3A_562 : memref<!tpu.dma_semaphore, #tpu.memory_space<semaphore_mem>>) src(%dma_wait3A_584 : memref<128x128xf32, #tpu.memory_space<vmem>>) dst(%dma_wait3A_581 : memref<128x128xf32, #tpu.memory_space<hbm>>)
      tpu.yield
    }) : () -> ()
    return
  }
}

#map = affine_map<(d0, d1) -> (0, 0, 0)>
module attributes {stable_mosaic.version = 14 : i64} {
  func.func @_deg_kernel(%arg0: i32, %arg1: i32, %arg2: memref<32x80x128xi32, #tpu.memory_space<hbm>>, %arg3: memref<2x10240x128xf32, #tpu.memory_space<hbm>>, %arg4: memref<80x128xi32, #tpu.memory_space<vmem>>, %arg5: memref<128x128xf32, #tpu.memory_space<vmem>>, %arg6: memref<128x128xf32, #tpu.memory_space<vmem>>, %arg7: memref<5x128xi32, #tpu.memory_space<vmem>>, %arg8: memref<10240x128xf32, #tpu.memory_space<vmem_shared>>) attributes {dimension_semantics = [#tpu.dimension_semantics<core_parallel>, #tpu.dimension_semantics<subcore_parallel>], iteration_bounds = array<i64: 2, 16>, scalar_prefetch = 0 : i64, scratch_operands = 5 : i64, tpu.core_type = #tpu.core_type<sc_vector_subcore>, window_params = [{transform_indices = #map}, {transform_indices = #map}]} {
    %mul3A = arith.constant 2 : i32
    %mul3A_0 = arith.muli %arg1, %mul3A : i32
    %add3A = arith.addi %mul3A_0, %arg0 : i32
    "tpu.region"() ({
      %run_scoped3A_562 = tpu.sem_alloc : memref<!tpu.dma_semaphore, #tpu.memory_space<semaphore_mem>>
      %dma_start3A = arith.constant 0 : i32
      %dma_start3A_563 = arith.constant 0 : i32
      %dma_start3A_564 = tpu.memref_slice %arg2[%add3A, %dma_start3A, %dma_start3A_563] : memref<32x80x128xi32, #tpu.memory_space<hbm>> -> memref<1x80x128xi32, #tpu.memory_space<hbm>>
      %dma_start3A_565 = tpu.memref_squeeze %dma_start3A_564 : memref<1x80x128xi32, #tpu.memory_space<hbm>> -> memref<80x128xi32, #tpu.memory_space<hbm>>
      %dma_start3A_566 = arith.constant 0 : i32
      %dma_start3A_567 = arith.constant 0 : i32
      %dma_start3A_568 = tpu.memref_slice %arg2[%add3A, %dma_start3A_566, %dma_start3A_567] : memref<32x80x128xi32, #tpu.memory_space<hbm>> -> memref<1x80x128xi32, #tpu.memory_space<hbm>>
      %dma_start3A_569 = tpu.memref_squeeze %dma_start3A_568 : memref<1x80x128xi32, #tpu.memory_space<hbm>> -> memref<80x128xi32, #tpu.memory_space<hbm>>
      tpu.enqueue_dma source(%dma_start3A_569 : memref<80x128xi32, #tpu.memory_space<hbm>>) target(%arg4 : memref<80x128xi32, #tpu.memory_space<vmem>>) target_semaphore(%run_scoped3A_562 : memref<!tpu.dma_semaphore, #tpu.memory_space<semaphore_mem>>)
      %dma_wait3A = arith.constant 0 : i32
      %dma_wait3A_570 = arith.constant 0 : i32
      %dma_wait3A_571 = tpu.memref_slice %arg2[%add3A, %dma_wait3A, %dma_wait3A_570] : memref<32x80x128xi32, #tpu.memory_space<hbm>> -> memref<1x80x128xi32, #tpu.memory_space<hbm>>
      %dma_wait3A_572 = tpu.memref_squeeze %dma_wait3A_571 : memref<1x80x128xi32, #tpu.memory_space<hbm>> -> memref<80x128xi32, #tpu.memory_space<hbm>>
      %dma_wait3A_573 = arith.constant 0 : i32
      %dma_wait3A_574 = arith.constant 0 : i32
      %dma_wait3A_575 = tpu.memref_slice %arg2[%add3A, %dma_wait3A_573, %dma_wait3A_574] : memref<32x80x128xi32, #tpu.memory_space<hbm>> -> memref<1x80x128xi32, #tpu.memory_space<hbm>>
      %dma_wait3A_576 = tpu.memref_squeeze %dma_wait3A_575 : memref<1x80x128xi32, #tpu.memory_space<hbm>> -> memref<80x128xi32, #tpu.memory_space<hbm>>
      tpu.wait_dma2 semaphore(%run_scoped3A_562 : memref<!tpu.dma_semaphore, #tpu.memory_space<semaphore_mem>>) src(%dma_wait3A_576 : memref<80x128xi32, #tpu.memory_space<hbm>>) dst(%arg4 : memref<80x128xi32, #tpu.memory_space<vmem>>)
      tpu.yield
    }) : () -> ()
    %scan3A = arith.constant 0 : i32
    %scan3A_1 = arith.constant 0 : i32
    %scan3A_2 = arith.constant 128 : i32
    %scan3A_3 = arith.addi %scan3A_1, %scan3A_2 : i32
    %scan3A_4 = arith.constant 1 : i32
    scf.for %scan3A_562 = %scan3A_1 to %scan3A_3 step %scan3A_4  : i32 {
      %broadcast_in_dim3A = arith.constant 1.000000e+00 : f32
      %broadcast_in_dim3A_563 = vector.broadcast %broadcast_in_dim3A : f32 to vector<16xf32>
      %swap3A_564 = arith.index_cast %scan3A_562 : i32 to index
      %swap3A_565 = arith.constant 0 : index
      %swap3A_566 = tpu.vector_load %arg5[%swap3A_564, %swap3A_565] {strides = array<i32>} : memref<128x128xf32, #tpu.memory_space<vmem>>, vector<1x16xf32>,
      %swap3A_567 = vector.shape_cast %swap3A_566 : vector<1x16xf32> to vector<16xf32>
      %swap3A_568 = vector.shape_cast %broadcast_in_dim3A_563 : vector<16xf32> to vector<1x16xf32>
      tpu.vector_store %arg5[%swap3A_564, %swap3A_565], %swap3A_568 {strides = array<i32>} : memref<128x128xf32, #tpu.memory_space<vmem>>, vector<1x16xf32>,
      %broadcast_in_dim3A_569 = arith.constant 0.000000e+00 : f32
      %broadcast_in_dim3A_570 = vector.broadcast %broadcast_in_dim3A_569 : f32 to vector<16xf32>
      %swap3A_571 = arith.index_cast %scan3A_562 : i32 to index
      %swap3A_572 = arith.constant 0 : index
      %swap3A_573 = tpu.vector_load %arg6[%swap3A_571, %swap3A_572] {strides = array<i32>} : memref<128x128xf32, #tpu.memory_space<vmem>>, vector<1x16xf32>,
      %swap3A_574 = vector.shape_cast %swap3A_573 : vector<1x16xf32> to vector<16xf32>
      %swap3A_575 = vector.shape_cast %broadcast_in_dim3A_570 : vector<16xf32> to vector<1x16xf32>
      tpu.vector_store %arg6[%swap3A_571, %swap3A_572], %swap3A_575 {strides = array<i32>} : memref<128x128xf32, #tpu.memory_space<vmem>>, vector<1x16xf32>,
      %broadcast_in_dim3A_576 = arith.constant 1.000000e+00 : f32
      %broadcast_in_dim3A_577 = vector.broadcast %broadcast_in_dim3A_576 : f32 to vector<16xf32>
      %swap3A_578 = arith.index_cast %scan3A_562 : i32 to index
      %swap3A_579 = arith.constant 16 : index
      %swap3A_580 = tpu.vector_load %arg5[%swap3A_578, %swap3A_579] {strides = array<i32>} : memref<128x128xf32, #tpu.memory_space<vmem>>, vector<1x16xf32>,
      %swap3A_581 = vector.shape_cast %swap3A_580 : vector<1x16xf32> to vector<16xf32>
      %swap3A_582 = vector.shape_cast %broadcast_in_dim3A_577 : vector<16xf32> to vector<1x16xf32>
      tpu.vector_store %arg5[%swap3A_578, %swap3A_579], %swap3A_582 {strides = array<i32>} : memref<128x128xf32, #tpu.memory_space<vmem>>, vector<1x16xf32>,
      %broadcast_in_dim3A_583 = arith.constant 0.000000e+00 : f32
      %broadcast_in_dim3A_584 = vector.broadcast %broadcast_in_dim3A_583 : f32 to vector<16xf32>
      %swap3A_585 = arith.index_cast %scan3A_562 : i32 to index
      %swap3A_586 = arith.constant 16 : index
      %swap3A_587 = tpu.vector_load %arg6[%swap3A_585, %swap3A_586] {strides = array<i32>} : memref<128x128xf32, #tpu.memory_space<vmem>>, vector<1x16xf32>,
      %swap3A_588 = vector.shape_cast %swap3A_587 : vector<1x16xf32> to vector<16xf32>
      %swap3A_589 = vector.shape_cast %broadcast_in_dim3A_584 : vector<16xf32> to vector<1x16xf32>
      tpu.vector_store %arg6[%swap3A_585, %swap3A_586], %swap3A_589 {strides = array<i32>} : memref<128x128xf32, #tpu.memory_space<vmem>>, vector<1x16xf32>,
      %broadcast_in_dim3A_590 = arith.constant 1.000000e+00 : f32
      %broadcast_in_dim3A_591 = vector.broadcast %broadcast_in_dim3A_590 : f32 to vector<16xf32>
      %swap3A_592 = arith.index_cast %scan3A_562 : i32 to index
      %swap3A_593 = arith.constant 32 : index
      %swap3A_594 = tpu.vector_load %arg5[%swap3A_592, %swap3A_593] {strides = array<i32>} : memref<128x128xf32, #tpu.memory_space<vmem>>, vector<1x16xf32>,
      %swap3A_595 = vector.shape_cast %swap3A_594 : vector<1x16xf32> to vector<16xf32>
      %swap3A_596 = vector.shape_cast %broadcast_in_dim3A_591 : vector<16xf32> to vector<1x16xf32>
      tpu.vector_store %arg5[%swap3A_592, %swap3A_593], %swap3A_596 {strides = array<i32>} : memref<128x128xf32, #tpu.memory_space<vmem>>, vector<1x16xf32>,
      %broadcast_in_dim3A_597 = arith.constant 0.000000e+00 : f32
      %broadcast_in_dim3A_598 = vector.broadcast %broadcast_in_dim3A_597 : f32 to vector<16xf32>
      %swap3A_599 = arith.index_cast %scan3A_562 : i32 to index
      %swap3A_600 = arith.constant 32 : index
      %swap3A_601 = tpu.vector_load %arg6[%swap3A_599, %swap3A_600] {strides = array<i32>} : memref<128x128xf32, #tpu.memory_space<vmem>>, vector<1x16xf32>,
      %swap3A_602 = vector.shape_cast %swap3A_601 : vector<1x16xf32> to vector<16xf32>
      %swap3A_603 = vector.shape_cast %broadcast_in_dim3A_598 : vector<16xf32> to vector<1x16xf32>
      tpu.vector_store %arg6[%swap3A_599, %swap3A_600], %swap3A_603 {strides = array<i32>} : memref<128x128xf32, #tpu.memory_space<vmem>>, vector<1x16xf32>,
      %broadcast_in_dim3A_604 = arith.constant 1.000000e+00 : f32
      %broadcast_in_dim3A_605 = vector.broadcast %broadcast_in_dim3A_604 : f32 to vector<16xf32>
      %swap3A_606 = arith.index_cast %scan3A_562 : i32 to index
      %swap3A_607 = arith.constant 48 : index
      %swap3A_608 = tpu.vector_load %arg5[%swap3A_606, %swap3A_607] {strides = array<i32>} : memref<128x128xf32, #tpu.memory_space<vmem>>, vector<1x16xf32>,
      %swap3A_609 = vector.shape_cast %swap3A_608 : vector<1x16xf32> to vector<16xf32>
      %swap3A_610 = vector.shape_cast %broadcast_in_dim3A_605 : vector<16xf32> to vector<1x16xf32>
      tpu.vector_store %arg5[%swap3A_606, %swap3A_607], %swap3A_610 {strides = array<i32>} : memref<128x128xf32, #tpu.memory_space<vmem>>, vector<1x16xf32>,
      %broadcast_in_dim3A_611 = arith.constant 0.000000e+00 : f32
      %broadcast_in_dim3A_612 = vector.broadcast %broadcast_in_dim3A_611 : f32 to vector<16xf32>
      %swap3A_613 = arith.index_cast %scan3A_562 : i32 to index
      %swap3A_614 = arith.constant 48 : index
      %swap3A_615 = tpu.vector_load %arg6[%swap3A_613, %swap3A_614] {strides = array<i32>} : memref<128x128xf32, #tpu.memory_space<vmem>>, vector<1x16xf32>,
      %swap3A_616 = vector.shape_cast %swap3A_615 : vector<1x16xf32> to vector<16xf32>
      %swap3A_617 = vector.shape_cast %broadcast_in_dim3A_612 : vector<16xf32> to vector<1x16xf32>
      tpu.vector_store %arg6[%swap3A_613, %swap3A_614], %swap3A_617 {strides = array<i32>} : memref<128x128xf32, #tpu.memory_space<vmem>>, vector<1x16xf32>,
      %broadcast_in_dim3A_618 = arith.constant 1.000000e+00 : f32
      %broadcast_in_dim3A_619 = vector.broadcast %broadcast_in_dim3A_618 : f32 to vector<16xf32>
      %swap3A_620 = arith.index_cast %scan3A_562 : i32 to index
      %swap3A_621 = arith.constant 64 : index
      %swap3A_622 = tpu.vector_load %arg5[%swap3A_620, %swap3A_621] {strides = array<i32>} : memref<128x128xf32, #tpu.memory_space<vmem>>, vector<1x16xf32>,
      %swap3A_623 = vector.shape_cast %swap3A_622 : vector<1x16xf32> to vector<16xf32>
      %swap3A_624 = vector.shape_cast %broadcast_in_dim3A_619 : vector<16xf32> to vector<1x16xf32>
      tpu.vector_store %arg5[%swap3A_620, %swap3A_621], %swap3A_624 {strides = array<i32>} : memref<128x128xf32, #tpu.memory_space<vmem>>, vector<1x16xf32>,
      %broadcast_in_dim3A_625 = arith.constant 0.000000e+00 : f32
      %broadcast_in_dim3A_626 = vector.broadcast %broadcast_in_dim3A_625 : f32 to vector<16xf32>
      %swap3A_627 = arith.index_cast %scan3A_562 : i32 to index
      %swap3A_628 = arith.constant 64 : index
      %swap3A_629 = tpu.vector_load %arg6[%swap3A_627, %swap3A_628] {strides = array<i32>} : memref<128x128xf32, #tpu.memory_space<vmem>>, vector<1x16xf32>,
      %swap3A_630 = vector.shape_cast %swap3A_629 : vector<1x16xf32> to vector<16xf32>
      %swap3A_631 = vector.shape_cast %broadcast_in_dim3A_626 : vector<16xf32> to vector<1x16xf32>
      tpu.vector_store %arg6[%swap3A_627, %swap3A_628], %swap3A_631 {strides = array<i32>} : memref<128x128xf32, #tpu.memory_space<vmem>>, vector<1x16xf32>,
      %broadcast_in_dim3A_632 = arith.constant 1.000000e+00 : f32
      %broadcast_in_dim3A_633 = vector.broadcast %broadcast_in_dim3A_632 : f32 to vector<16xf32>
      %swap3A_634 = arith.index_cast %scan3A_562 : i32 to index
      %swap3A_635 = arith.constant 80 : index
      %swap3A_636 = tpu.vector_load %arg5[%swap3A_634, %swap3A_635] {strides = array<i32>} : memref<128x128xf32, #tpu.memory_space<vmem>>, vector<1x16xf32>,
      %swap3A_637 = vector.shape_cast %swap3A_636 : vector<1x16xf32> to vector<16xf32>
      %swap3A_638 = vector.shape_cast %broadcast_in_dim3A_633 : vector<16xf32> to vector<1x16xf32>
      tpu.vector_store %arg5[%swap3A_634, %swap3A_635], %swap3A_638 {strides = array<i32>} : memref<128x128xf32, #tpu.memory_space<vmem>>, vector<1x16xf32>,
      %broadcast_in_dim3A_639 = arith.constant 0.000000e+00 : f32
      %broadcast_in_dim3A_640 = vector.broadcast %broadcast_in_dim3A_639 : f32 to vector<16xf32>
      %swap3A_641 = arith.index_cast %scan3A_562 : i32 to index
      %swap3A_642 = arith.constant 80 : index
      %swap3A_643 = tpu.vector_load %arg6[%swap3A_641, %swap3A_642] {strides = array<i32>} : memref<128x128xf32, #tpu.memory_space<vmem>>, vector<1x16xf32>,
      %swap3A_644 = vector.shape_cast %swap3A_643 : vector<1x16xf32> to vector<16xf32>
      %swap3A_645 = vector.shape_cast %broadcast_in_dim3A_640 : vector<16xf32> to vector<1x16xf32>
      tpu.vector_store %arg6[%swap3A_641, %swap3A_642], %swap3A_645 {strides = array<i32>} : memref<128x128xf32, #tpu.memory_space<vmem>>, vector<1x16xf32>,
      %broadcast_in_dim3A_646 = arith.constant 1.000000e+00 : f32
      %broadcast_in_dim3A_647 = vector.broadcast %broadcast_in_dim3A_646 : f32 to vector<16xf32>
      %swap3A_648 = arith.index_cast %scan3A_562 : i32 to index
      %swap3A_649 = arith.constant 96 : index
      %swap3A_650 = tpu.vector_load %arg5[%swap3A_648, %swap3A_649] {strides = array<i32>} : memref<128x128xf32, #tpu.memory_space<vmem>>, vector<1x16xf32>,
      %swap3A_651 = vector.shape_cast %swap3A_650 : vector<1x16xf32> to vector<16xf32>
      %swap3A_652 = vector.shape_cast %broadcast_in_dim3A_647 : vector<16xf32> to vector<1x16xf32>
      tpu.vector_store %arg5[%swap3A_648, %swap3A_649], %swap3A_652 {strides = array<i32>} : memref<128x128xf32, #tpu.memory_space<vmem>>, vector<1x16xf32>,
      %broadcast_in_dim3A_653 = arith.constant 0.000000e+00 : f32
      %broadcast_in_dim3A_654 = vector.broadcast %broadcast_in_dim3A_653 : f32 to vector<16xf32>
      %swap3A_655 = arith.index_cast %scan3A_562 : i32 to index
      %swap3A_656 = arith.constant 96 : index
      %swap3A_657 = tpu.vector_load %arg6[%swap3A_655, %swap3A_656] {strides = array<i32>} : memref<128x128xf32, #tpu.memory_space<vmem>>, vector<1x16xf32>,
      %swap3A_658 = vector.shape_cast %swap3A_657 : vector<1x16xf32> to vector<16xf32>
      %swap3A_659 = vector.shape_cast %broadcast_in_dim3A_654 : vector<16xf32> to vector<1x16xf32>
      tpu.vector_store %arg6[%swap3A_655, %swap3A_656], %swap3A_659 {strides = array<i32>} : memref<128x128xf32, #tpu.memory_space<vmem>>, vector<1x16xf32>,
      %broadcast_in_dim3A_660 = arith.constant 1.000000e+00 : f32
      %broadcast_in_dim3A_661 = vector.broadcast %broadcast_in_dim3A_660 : f32 to vector<16xf32>
      %swap3A_662 = arith.index_cast %scan3A_562 : i32 to index
      %swap3A_663 = arith.constant 112 : index
      %swap3A_664 = tpu.vector_load %arg5[%swap3A_662, %swap3A_663] {strides = array<i32>} : memref<128x128xf32, #tpu.memory_space<vmem>>, vector<1x16xf32>,
      %swap3A_665 = vector.shape_cast %swap3A_664 : vector<1x16xf32> to vector<16xf32>
      %swap3A_666 = vector.shape_cast %broadcast_in_dim3A_661 : vector<16xf32> to vector<1x16xf32>
      tpu.vector_store %arg5[%swap3A_662, %swap3A_663], %swap3A_666 {strides = array<i32>} : memref<128x128xf32, #tpu.memory_space<vmem>>, vector<1x16xf32>,
      %broadcast_in_dim3A_667 = arith.constant 0.000000e+00 : f32
      %broadcast_in_dim3A_668 = vector.broadcast %broadcast_in_dim3A_667 : f32 to vector<16xf32>
      %swap3A_669 = arith.index_cast %scan3A_562 : i32 to index
      %swap3A_670 = arith.constant 112 : index
      %swap3A_671 = tpu.vector_load %arg6[%swap3A_669, %swap3A_670] {strides = array<i32>} : memref<128x128xf32, #tpu.memory_space<vmem>>, vector<1x16xf32>,
      %swap3A_672 = vector.shape_cast %swap3A_671 : vector<1x16xf32> to vector<16xf32>
      %swap3A_673 = vector.shape_cast %broadcast_in_dim3A_668 : vector<16xf32> to vector<1x16xf32>
      tpu.vector_store %arg6[%swap3A_669, %swap3A_670], %swap3A_673 {strides = array<i32>} : memref<128x128xf32, #tpu.memory_space<vmem>>, vector<1x16xf32>,
    }
    %scan3A_5 = arith.constant 128 : i32
    %mul3A_6 = arith.constant 640 : i32
    %mul3A_7 = arith.muli %arg1, %mul3A_6 : i32
    %iota3A = tpu.iota {dimensions = array<i32: 0>} : vector<16xi32>
    %add3A_8 = arith.constant 0 : i32
    %add3A_9 = arith.addi %mul3A_7, %add3A_8 : i32
    %add3A_10 = arith.constant 0 : i32
    %add3A_11 = arith.addi %add3A_9, %add3A_10 : i32
    %add3A_12 = vector.broadcast %add3A_11 : i32 to vector<16xi32>
    %add3A_13 = arith.addi %iota3A, %add3A_12 : vector<16xi32>
    %swap3A = arith.constant 0 : i32
    %swap3A_14 = arith.index_cast %swap3A : i32 to index
    %swap3A_15 = arith.constant 0 : index
    %swap3A_16 = tpu.vector_load %arg7[%swap3A_14, %swap3A_15] {strides = array<i32>} : memref<5x128xi32, #tpu.memory_space<vmem>>, vector<1x16xi32>,
    %swap3A_17 = vector.shape_cast %swap3A_16 : vector<1x16xi32> to vector<16xi32>
    %swap3A_18 = vector.shape_cast %add3A_13 : vector<16xi32> to vector<1x16xi32>
    tpu.vector_store %arg7[%swap3A_14, %swap3A_15], %swap3A_18 {strides = array<i32>} : memref<5x128xi32, #tpu.memory_space<vmem>>, vector<1x16xi32>,
    %iota3A_19 = tpu.iota {dimensions = array<i32: 0>} : vector<16xi32>
    %add3A_20 = arith.constant 0 : i32
    %add3A_21 = arith.addi %mul3A_7, %add3A_20 : i32
    %add3A_22 = arith.constant 16 : i32
    %add3A_23 = arith.addi %add3A_21, %add3A_22 : i32
    %add3A_24 = vector.broadcast %add3A_23 : i32 to vector<16xi32>
    %add3A_25 = arith.addi %iota3A_19, %add3A_24 : vector<16xi32>
    %swap3A_26 = arith.constant 0 : i32
    %swap3A_27 = arith.index_cast %swap3A_26 : i32 to index
    %swap3A_28 = arith.constant 16 : index
    %swap3A_29 = tpu.vector_load %arg7[%swap3A_27, %swap3A_28] {strides = array<i32>} : memref<5x128xi32, #tpu.memory_space<vmem>>, vector<1x16xi32>,
    %swap3A_30 = vector.shape_cast %swap3A_29 : vector<1x16xi32> to vector<16xi32>
    %swap3A_31 = vector.shape_cast %add3A_25 : vector<16xi32> to vector<1x16xi32>
    tpu.vector_store %arg7[%swap3A_27, %swap3A_28], %swap3A_31 {strides = array<i32>} : memref<5x128xi32, #tpu.memory_space<vmem>>, vector<1x16xi32>,
    %iota3A_32 = tpu.iota {dimensions = array<i32: 0>} : vector<16xi32>
    %add3A_33 = arith.constant 0 : i32
    %add3A_34 = arith.addi %mul3A_7, %add3A_33 : i32
    %add3A_35 = arith.constant 32 : i32
    %add3A_36 = arith.addi %add3A_34, %add3A_35 : i32
    %add3A_37 = vector.broadcast %add3A_36 : i32 to vector<16xi32>
    %add3A_38 = arith.addi %iota3A_32, %add3A_37 : vector<16xi32>
    %swap3A_39 = arith.constant 0 : i32
    %swap3A_40 = arith.index_cast %swap3A_39 : i32 to index
    %swap3A_41 = arith.constant 32 : index
    %swap3A_42 = tpu.vector_load %arg7[%swap3A_40, %swap3A_41] {strides = array<i32>} : memref<5x128xi32, #tpu.memory_space<vmem>>, vector<1x16xi32>,
    %swap3A_43 = vector.shape_cast %swap3A_42 : vector<1x16xi32> to vector<16xi32>
    %swap3A_44 = vector.shape_cast %add3A_38 : vector<16xi32> to vector<1x16xi32>
    tpu.vector_store %arg7[%swap3A_40, %swap3A_41], %swap3A_44 {strides = array<i32>} : memref<5x128xi32, #tpu.memory_space<vmem>>, vector<1x16xi32>,
    %iota3A_45 = tpu.iota {dimensions = array<i32: 0>} : vector<16xi32>
    %add3A_46 = arith.constant 0 : i32
    %add3A_47 = arith.addi %mul3A_7, %add3A_46 : i32
    %add3A_48 = arith.constant 48 : i32
    %add3A_49 = arith.addi %add3A_47, %add3A_48 : i32
    %add3A_50 = vector.broadcast %add3A_49 : i32 to vector<16xi32>
    %add3A_51 = arith.addi %iota3A_45, %add3A_50 : vector<16xi32>
    %swap3A_52 = arith.constant 0 : i32
    %swap3A_53 = arith.index_cast %swap3A_52 : i32 to index
    %swap3A_54 = arith.constant 48 : index
    %swap3A_55 = tpu.vector_load %arg7[%swap3A_53, %swap3A_54] {strides = array<i32>} : memref<5x128xi32, #tpu.memory_space<vmem>>, vector<1x16xi32>,
    %swap3A_56 = vector.shape_cast %swap3A_55 : vector<1x16xi32> to vector<16xi32>
    %swap3A_57 = vector.shape_cast %add3A_51 : vector<16xi32> to vector<1x16xi32>
    tpu.vector_store %arg7[%swap3A_53, %swap3A_54], %swap3A_57 {strides = array<i32>} : memref<5x128xi32, #tpu.memory_space<vmem>>, vector<1x16xi32>,
    %iota3A_58 = tpu.iota {dimensions = array<i32: 0>} : vector<16xi32>
    %add3A_59 = arith.constant 0 : i32
    %add3A_60 = arith.addi %mul3A_7, %add3A_59 : i32
    %add3A_61 = arith.constant 64 : i32
    %add3A_62 = arith.addi %add3A_60, %add3A_61 : i32
    %add3A_63 = vector.broadcast %add3A_62 : i32 to vector<16xi32>
    %add3A_64 = arith.addi %iota3A_58, %add3A_63 : vector<16xi32>
    %swap3A_65 = arith.constant 0 : i32
    %swap3A_66 = arith.index_cast %swap3A_65 : i32 to index
    %swap3A_67 = arith.constant 64 : index
    %swap3A_68 = tpu.vector_load %arg7[%swap3A_66, %swap3A_67] {strides = array<i32>} : memref<5x128xi32, #tpu.memory_space<vmem>>, vector<1x16xi32>,
    %swap3A_69 = vector.shape_cast %swap3A_68 : vector<1x16xi32> to vector<16xi32>
    %swap3A_70 = vector.shape_cast %add3A_64 : vector<16xi32> to vector<1x16xi32>
    tpu.vector_store %arg7[%swap3A_66, %swap3A_67], %swap3A_70 {strides = array<i32>} : memref<5x128xi32, #tpu.memory_space<vmem>>, vector<1x16xi32>,
    %iota3A_71 = tpu.iota {dimensions = array<i32: 0>} : vector<16xi32>
    %add3A_72 = arith.constant 0 : i32
    %add3A_73 = arith.addi %mul3A_7, %add3A_72 : i32
    %add3A_74 = arith.constant 80 : i32
    %add3A_75 = arith.addi %add3A_73, %add3A_74 : i32
    %add3A_76 = vector.broadcast %add3A_75 : i32 to vector<16xi32>
    %add3A_77 = arith.addi %iota3A_71, %add3A_76 : vector<16xi32>
    %swap3A_78 = arith.constant 0 : i32
    %swap3A_79 = arith.index_cast %swap3A_78 : i32 to index
    %swap3A_80 = arith.constant 80 : index
    %swap3A_81 = tpu.vector_load %arg7[%swap3A_79, %swap3A_80] {strides = array<i32>} : memref<5x128xi32, #tpu.memory_space<vmem>>, vector<1x16xi32>,
    %swap3A_82 = vector.shape_cast %swap3A_81 : vector<1x16xi32> to vector<16xi32>
    %swap3A_83 = vector.shape_cast %add3A_77 : vector<16xi32> to vector<1x16xi32>
    tpu.vector_store %arg7[%swap3A_79, %swap3A_80], %swap3A_83 {strides = array<i32>} : memref<5x128xi32, #tpu.memory_space<vmem>>, vector<1x16xi32>,
    %iota3A_84 = tpu.iota {dimensions = array<i32: 0>} : vector<16xi32>
    %add3A_85 = arith.constant 0 : i32
    %add3A_86 = arith.addi %mul3A_7, %add3A_85 : i32
    %add3A_87 = arith.constant 96 : i32
    %add3A_88 = arith.addi %add3A_86, %add3A_87 : i32
    %add3A_89 = vector.broadcast %add3A_88 : i32 to vector<16xi32>
    %add3A_90 = arith.addi %iota3A_84, %add3A_89 : vector<16xi32>
    %swap3A_91 = arith.constant 0 : i32
    %swap3A_92 = arith.index_cast %swap3A_91 : i32 to index
    %swap3A_93 = arith.constant 96 : index
    %swap3A_94 = tpu.vector_load %arg7[%swap3A_92, %swap3A_93] {strides = array<i32>} : memref<5x128xi32, #tpu.memory_space<vmem>>, vector<1x16xi32>,
    %swap3A_95 = vector.shape_cast %swap3A_94 : vector<1x16xi32> to vector<16xi32>
    %swap3A_96 = vector.shape_cast %add3A_90 : vector<16xi32> to vector<1x16xi32>
    tpu.vector_store %arg7[%swap3A_92, %swap3A_93], %swap3A_96 {strides = array<i32>} : memref<5x128xi32, #tpu.memory_space<vmem>>, vector<1x16xi32>,
    %iota3A_97 = tpu.iota {dimensions = array<i32: 0>} : vector<16xi32>
    %add3A_98 = arith.constant 0 : i32
    %add3A_99 = arith.addi %mul3A_7, %add3A_98 : i32
    %add3A_100 = arith.constant 112 : i32
    %add3A_101 = arith.addi %add3A_99, %add3A_100 : i32
    %add3A_102 = vector.broadcast %add3A_101 : i32 to vector<16xi32>
    %add3A_103 = arith.addi %iota3A_97, %add3A_102 : vector<16xi32>
    %swap3A_104 = arith.constant 0 : i32
    %swap3A_105 = arith.index_cast %swap3A_104 : i32 to index
    %swap3A_106 = arith.constant 112 : index
    %swap3A_107 = tpu.vector_load %arg7[%swap3A_105, %swap3A_106] {strides = array<i32>} : memref<5x128xi32, #tpu.memory_space<vmem>>, vector<1x16xi32>,
    %swap3A_108 = vector.shape_cast %swap3A_107 : vector<1x16xi32> to vector<16xi32>
    %swap3A_109 = vector.shape_cast %add3A_103 : vector<16xi32> to vector<1x16xi32>
    tpu.vector_store %arg7[%swap3A_105, %swap3A_106], %swap3A_109 {strides = array<i32>} : memref<5x128xi32, #tpu.memory_space<vmem>>, vector<1x16xi32>,
    %iota3A_110 = tpu.iota {dimensions = array<i32: 0>} : vector<16xi32>
    %add3A_111 = arith.constant 128 : i32
    %add3A_112 = arith.addi %mul3A_7, %add3A_111 : i32
    %add3A_113 = arith.constant 0 : i32
    %add3A_114 = arith.addi %add3A_112, %add3A_113 : i32
    %add3A_115 = vector.broadcast %add3A_114 : i32 to vector<16xi32>
    %add3A_116 = arith.addi %iota3A_110, %add3A_115 : vector<16xi32>
    %swap3A_117 = arith.constant 1 : i32
    %swap3A_118 = arith.index_cast %swap3A_117 : i32 to index
    %swap3A_119 = arith.constant 0 : index
    %swap3A_120 = tpu.vector_load %arg7[%swap3A_118, %swap3A_119] {strides = array<i32>} : memref<5x128xi32, #tpu.memory_space<vmem>>, vector<1x16xi32>,
    %swap3A_121 = vector.shape_cast %swap3A_120 : vector<1x16xi32> to vector<16xi32>
    %swap3A_122 = vector.shape_cast %add3A_116 : vector<16xi32> to vector<1x16xi32>
    tpu.vector_store %arg7[%swap3A_118, %swap3A_119], %swap3A_122 {strides = array<i32>} : memref<5x128xi32, #tpu.memory_space<vmem>>, vector<1x16xi32>,
    %iota3A_123 = tpu.iota {dimensions = array<i32: 0>} : vector<16xi32>
    %add3A_124 = arith.constant 128 : i32
    %add3A_125 = arith.addi %mul3A_7, %add3A_124 : i32
    %add3A_126 = arith.constant 16 : i32
    %add3A_127 = arith.addi %add3A_125, %add3A_126 : i32
    %add3A_128 = vector.broadcast %add3A_127 : i32 to vector<16xi32>
    %add3A_129 = arith.addi %iota3A_123, %add3A_128 : vector<16xi32>
    %swap3A_130 = arith.constant 1 : i32
    %swap3A_131 = arith.index_cast %swap3A_130 : i32 to index
    %swap3A_132 = arith.constant 16 : index
    %swap3A_133 = tpu.vector_load %arg7[%swap3A_131, %swap3A_132] {strides = array<i32>} : memref<5x128xi32, #tpu.memory_space<vmem>>, vector<1x16xi32>,
    %swap3A_134 = vector.shape_cast %swap3A_133 : vector<1x16xi32> to vector<16xi32>
    %swap3A_135 = vector.shape_cast %add3A_129 : vector<16xi32> to vector<1x16xi32>
    tpu.vector_store %arg7[%swap3A_131, %swap3A_132], %swap3A_135 {strides = array<i32>} : memref<5x128xi32, #tpu.memory_space<vmem>>, vector<1x16xi32>,
    %iota3A_136 = tpu.iota {dimensions = array<i32: 0>} : vector<16xi32>
    %add3A_137 = arith.constant 128 : i32
    %add3A_138 = arith.addi %mul3A_7, %add3A_137 : i32
    %add3A_139 = arith.constant 32 : i32
    %add3A_140 = arith.addi %add3A_138, %add3A_139 : i32
    %add3A_141 = vector.broadcast %add3A_140 : i32 to vector<16xi32>
    %add3A_142 = arith.addi %iota3A_136, %add3A_141 : vector<16xi32>
    %swap3A_143 = arith.constant 1 : i32
    %swap3A_144 = arith.index_cast %swap3A_143 : i32 to index
    %swap3A_145 = arith.constant 32 : index
    %swap3A_146 = tpu.vector_load %arg7[%swap3A_144, %swap3A_145] {strides = array<i32>} : memref<5x128xi32, #tpu.memory_space<vmem>>, vector<1x16xi32>,
    %swap3A_147 = vector.shape_cast %swap3A_146 : vector<1x16xi32> to vector<16xi32>
    %swap3A_148 = vector.shape_cast %add3A_142 : vector<16xi32> to vector<1x16xi32>
    tpu.vector_store %arg7[%swap3A_144, %swap3A_145], %swap3A_148 {strides = array<i32>} : memref<5x128xi32, #tpu.memory_space<vmem>>, vector<1x16xi32>,
    %iota3A_149 = tpu.iota {dimensions = array<i32: 0>} : vector<16xi32>
    %add3A_150 = arith.constant 128 : i32
    %add3A_151 = arith.addi %mul3A_7, %add3A_150 : i32
    %add3A_152 = arith.constant 48 : i32
    %add3A_153 = arith.addi %add3A_151, %add3A_152 : i32
    %add3A_154 = vector.broadcast %add3A_153 : i32 to vector<16xi32>
    %add3A_155 = arith.addi %iota3A_149, %add3A_154 : vector<16xi32>
    %swap3A_156 = arith.constant 1 : i32
    %swap3A_157 = arith.index_cast %swap3A_156 : i32 to index
    %swap3A_158 = arith.constant 48 : index
    %swap3A_159 = tpu.vector_load %arg7[%swap3A_157, %swap3A_158] {strides = array<i32>} : memref<5x128xi32, #tpu.memory_space<vmem>>, vector<1x16xi32>,
    %swap3A_160 = vector.shape_cast %swap3A_159 : vector<1x16xi32> to vector<16xi32>
    %swap3A_161 = vector.shape_cast %add3A_155 : vector<16xi32> to vector<1x16xi32>
    tpu.vector_store %arg7[%swap3A_157, %swap3A_158], %swap3A_161 {strides = array<i32>} : memref<5x128xi32, #tpu.memory_space<vmem>>, vector<1x16xi32>,
    %iota3A_162 = tpu.iota {dimensions = array<i32: 0>} : vector<16xi32>
    %add3A_163 = arith.constant 128 : i32
    %add3A_164 = arith.addi %mul3A_7, %add3A_163 : i32
    %add3A_165 = arith.constant 64 : i32
    %add3A_166 = arith.addi %add3A_164, %add3A_165 : i32
    %add3A_167 = vector.broadcast %add3A_166 : i32 to vector<16xi32>
    %add3A_168 = arith.addi %iota3A_162, %add3A_167 : vector<16xi32>
    %swap3A_169 = arith.constant 1 : i32
    %swap3A_170 = arith.index_cast %swap3A_169 : i32 to index
    %swap3A_171 = arith.constant 64 : index
    %swap3A_172 = tpu.vector_load %arg7[%swap3A_170, %swap3A_171] {strides = array<i32>} : memref<5x128xi32, #tpu.memory_space<vmem>>, vector<1x16xi32>,
    %swap3A_173 = vector.shape_cast %swap3A_172 : vector<1x16xi32> to vector<16xi32>
    %swap3A_174 = vector.shape_cast %add3A_168 : vector<16xi32> to vector<1x16xi32>
    tpu.vector_store %arg7[%swap3A_170, %swap3A_171], %swap3A_174 {strides = array<i32>} : memref<5x128xi32, #tpu.memory_space<vmem>>, vector<1x16xi32>,
    %iota3A_175 = tpu.iota {dimensions = array<i32: 0>} : vector<16xi32>
    %add3A_176 = arith.constant 128 : i32
    %add3A_177 = arith.addi %mul3A_7, %add3A_176 : i32
    %add3A_178 = arith.constant 80 : i32
    %add3A_179 = arith.addi %add3A_177, %add3A_178 : i32
    %add3A_180 = vector.broadcast %add3A_179 : i32 to vector<16xi32>
    %add3A_181 = arith.addi %iota3A_175, %add3A_180 : vector<16xi32>
    %swap3A_182 = arith.constant 1 : i32
    %swap3A_183 = arith.index_cast %swap3A_182 : i32 to index
    %swap3A_184 = arith.constant 80 : index
    %swap3A_185 = tpu.vector_load %arg7[%swap3A_183, %swap3A_184] {strides = array<i32>} : memref<5x128xi32, #tpu.memory_space<vmem>>, vector<1x16xi32>,
    %swap3A_186 = vector.shape_cast %swap3A_185 : vector<1x16xi32> to vector<16xi32>
    %swap3A_187 = vector.shape_cast %add3A_181 : vector<16xi32> to vector<1x16xi32>
    tpu.vector_store %arg7[%swap3A_183, %swap3A_184], %swap3A_187 {strides = array<i32>} : memref<5x128xi32, #tpu.memory_space<vmem>>, vector<1x16xi32>,
    %iota3A_188 = tpu.iota {dimensions = array<i32: 0>} : vector<16xi32>
    %add3A_189 = arith.constant 128 : i32
    %add3A_190 = arith.addi %mul3A_7, %add3A_189 : i32
    %add3A_191 = arith.constant 96 : i32
    %add3A_192 = arith.addi %add3A_190, %add3A_191 : i32
    %add3A_193 = vector.broadcast %add3A_192 : i32 to vector<16xi32>
    %add3A_194 = arith.addi %iota3A_188, %add3A_193 : vector<16xi32>
    %swap3A_195 = arith.constant 1 : i32
    %swap3A_196 = arith.index_cast %swap3A_195 : i32 to index
    %swap3A_197 = arith.constant 96 : index
    %swap3A_198 = tpu.vector_load %arg7[%swap3A_196, %swap3A_197] {strides = array<i32>} : memref<5x128xi32, #tpu.memory_space<vmem>>, vector<1x16xi32>,
    %swap3A_199 = vector.shape_cast %swap3A_198 : vector<1x16xi32> to vector<16xi32>
    %swap3A_200 = vector.shape_cast %add3A_194 : vector<16xi32> to vector<1x16xi32>
    tpu.vector_store %arg7[%swap3A_196, %swap3A_197], %swap3A_200 {strides = array<i32>} : memref<5x128xi32, #tpu.memory_space<vmem>>, vector<1x16xi32>,
    %iota3A_201 = tpu.iota {dimensions = array<i32: 0>} : vector<16xi32>
    %add3A_202 = arith.constant 128 : i32
    %add3A_203 = arith.addi %mul3A_7, %add3A_202 : i32
    %add3A_204 = arith.constant 112 : i32
    %add3A_205 = arith.addi %add3A_203, %add3A_204 : i32
    %add3A_206 = vector.broadcast %add3A_205 : i32 to vector<16xi32>
    %add3A_207 = arith.addi %iota3A_201, %add3A_206 : vector<16xi32>
    %swap3A_208 = arith.constant 1 : i32
    %swap3A_209 = arith.index_cast %swap3A_208 : i32 to index
    %swap3A_210 = arith.constant 112 : index
    %swap3A_211 = tpu.vector_load %arg7[%swap3A_209, %swap3A_210] {strides = array<i32>} : memref<5x128xi32, #tpu.memory_space<vmem>>, vector<1x16xi32>,
    %swap3A_212 = vector.shape_cast %swap3A_211 : vector<1x16xi32> to vector<16xi32>
    %swap3A_213 = vector.shape_cast %add3A_207 : vector<16xi32> to vector<1x16xi32>
    tpu.vector_store %arg7[%swap3A_209, %swap3A_210], %swap3A_213 {strides = array<i32>} : memref<5x128xi32, #tpu.memory_space<vmem>>, vector<1x16xi32>,
    %iota3A_214 = tpu.iota {dimensions = array<i32: 0>} : vector<16xi32>
    %add3A_215 = arith.constant 256 : i32
    %add3A_216 = arith.addi %mul3A_7, %add3A_215 : i32
    %add3A_217 = arith.constant 0 : i32
    %add3A_218 = arith.addi %add3A_216, %add3A_217 : i32
    %add3A_219 = vector.broadcast %add3A_218 : i32 to vector<16xi32>
    %add3A_220 = arith.addi %iota3A_214, %add3A_219 : vector<16xi32>
    %swap3A_221 = arith.constant 2 : i32
    %swap3A_222 = arith.index_cast %swap3A_221 : i32 to index
    %swap3A_223 = arith.constant 0 : index
    %swap3A_224 = tpu.vector_load %arg7[%swap3A_222, %swap3A_223] {strides = array<i32>} : memref<5x128xi32, #tpu.memory_space<vmem>>, vector<1x16xi32>,
    %swap3A_225 = vector.shape_cast %swap3A_224 : vector<1x16xi32> to vector<16xi32>
    %swap3A_226 = vector.shape_cast %add3A_220 : vector<16xi32> to vector<1x16xi32>
    tpu.vector_store %arg7[%swap3A_222, %swap3A_223], %swap3A_226 {strides = array<i32>} : memref<5x128xi32, #tpu.memory_space<vmem>>, vector<1x16xi32>,
    %iota3A_227 = tpu.iota {dimensions = array<i32: 0>} : vector<16xi32>
    %add3A_228 = arith.constant 256 : i32
    %add3A_229 = arith.addi %mul3A_7, %add3A_228 : i32
    %add3A_230 = arith.constant 16 : i32
    %add3A_231 = arith.addi %add3A_229, %add3A_230 : i32
    %add3A_232 = vector.broadcast %add3A_231 : i32 to vector<16xi32>
    %add3A_233 = arith.addi %iota3A_227, %add3A_232 : vector<16xi32>
    %swap3A_234 = arith.constant 2 : i32
    %swap3A_235 = arith.index_cast %swap3A_234 : i32 to index
    %swap3A_236 = arith.constant 16 : index
    %swap3A_237 = tpu.vector_load %arg7[%swap3A_235, %swap3A_236] {strides = array<i32>} : memref<5x128xi32, #tpu.memory_space<vmem>>, vector<1x16xi32>,
    %swap3A_238 = vector.shape_cast %swap3A_237 : vector<1x16xi32> to vector<16xi32>
    %swap3A_239 = vector.shape_cast %add3A_233 : vector<16xi32> to vector<1x16xi32>
    tpu.vector_store %arg7[%swap3A_235, %swap3A_236], %swap3A_239 {strides = array<i32>} : memref<5x128xi32, #tpu.memory_space<vmem>>, vector<1x16xi32>,
    %iota3A_240 = tpu.iota {dimensions = array<i32: 0>} : vector<16xi32>
    %add3A_241 = arith.constant 256 : i32
    %add3A_242 = arith.addi %mul3A_7, %add3A_241 : i32
    %add3A_243 = arith.constant 32 : i32
    %add3A_244 = arith.addi %add3A_242, %add3A_243 : i32
    %add3A_245 = vector.broadcast %add3A_244 : i32 to vector<16xi32>
    %add3A_246 = arith.addi %iota3A_240, %add3A_245 : vector<16xi32>
    %swap3A_247 = arith.constant 2 : i32
    %swap3A_248 = arith.index_cast %swap3A_247 : i32 to index
    %swap3A_249 = arith.constant 32 : index
    %swap3A_250 = tpu.vector_load %arg7[%swap3A_248, %swap3A_249] {strides = array<i32>} : memref<5x128xi32, #tpu.memory_space<vmem>>, vector<1x16xi32>,
    %swap3A_251 = vector.shape_cast %swap3A_250 : vector<1x16xi32> to vector<16xi32>
    %swap3A_252 = vector.shape_cast %add3A_246 : vector<16xi32> to vector<1x16xi32>
    tpu.vector_store %arg7[%swap3A_248, %swap3A_249], %swap3A_252 {strides = array<i32>} : memref<5x128xi32, #tpu.memory_space<vmem>>, vector<1x16xi32>,
    %iota3A_253 = tpu.iota {dimensions = array<i32: 0>} : vector<16xi32>
    %add3A_254 = arith.constant 256 : i32
    %add3A_255 = arith.addi %mul3A_7, %add3A_254 : i32
    %add3A_256 = arith.constant 48 : i32
    %add3A_257 = arith.addi %add3A_255, %add3A_256 : i32
    %add3A_258 = vector.broadcast %add3A_257 : i32 to vector<16xi32>
    %add3A_259 = arith.addi %iota3A_253, %add3A_258 : vector<16xi32>
    %swap3A_260 = arith.constant 2 : i32
    %swap3A_261 = arith.index_cast %swap3A_260 : i32 to index
    %swap3A_262 = arith.constant 48 : index
    %swap3A_263 = tpu.vector_load %arg7[%swap3A_261, %swap3A_262] {strides = array<i32>} : memref<5x128xi32, #tpu.memory_space<vmem>>, vector<1x16xi32>,
    %swap3A_264 = vector.shape_cast %swap3A_263 : vector<1x16xi32> to vector<16xi32>
    %swap3A_265 = vector.shape_cast %add3A_259 : vector<16xi32> to vector<1x16xi32>
    tpu.vector_store %arg7[%swap3A_261, %swap3A_262], %swap3A_265 {strides = array<i32>} : memref<5x128xi32, #tpu.memory_space<vmem>>, vector<1x16xi32>,
    %iota3A_266 = tpu.iota {dimensions = array<i32: 0>} : vector<16xi32>
    %add3A_267 = arith.constant 256 : i32
    %add3A_268 = arith.addi %mul3A_7, %add3A_267 : i32
    %add3A_269 = arith.constant 64 : i32
    %add3A_270 = arith.addi %add3A_268, %add3A_269 : i32
    %add3A_271 = vector.broadcast %add3A_270 : i32 to vector<16xi32>
    %add3A_272 = arith.addi %iota3A_266, %add3A_271 : vector<16xi32>
    %swap3A_273 = arith.constant 2 : i32
    %swap3A_274 = arith.index_cast %swap3A_273 : i32 to index
    %swap3A_275 = arith.constant 64 : index
    %swap3A_276 = tpu.vector_load %arg7[%swap3A_274, %swap3A_275] {strides = array<i32>} : memref<5x128xi32, #tpu.memory_space<vmem>>, vector<1x16xi32>,
    %swap3A_277 = vector.shape_cast %swap3A_276 : vector<1x16xi32> to vector<16xi32>
    %swap3A_278 = vector.shape_cast %add3A_272 : vector<16xi32> to vector<1x16xi32>
    tpu.vector_store %arg7[%swap3A_274, %swap3A_275], %swap3A_278 {strides = array<i32>} : memref<5x128xi32, #tpu.memory_space<vmem>>, vector<1x16xi32>,
    %iota3A_279 = tpu.iota {dimensions = array<i32: 0>} : vector<16xi32>
    %add3A_280 = arith.constant 256 : i32
    %add3A_281 = arith.addi %mul3A_7, %add3A_280 : i32
    %add3A_282 = arith.constant 80 : i32
    %add3A_283 = arith.addi %add3A_281, %add3A_282 : i32
    %add3A_284 = vector.broadcast %add3A_283 : i32 to vector<16xi32>
    %add3A_285 = arith.addi %iota3A_279, %add3A_284 : vector<16xi32>
    %swap3A_286 = arith.constant 2 : i32
    %swap3A_287 = arith.index_cast %swap3A_286 : i32 to index
    %swap3A_288 = arith.constant 80 : index
    %swap3A_289 = tpu.vector_load %arg7[%swap3A_287, %swap3A_288] {strides = array<i32>} : memref<5x128xi32, #tpu.memory_space<vmem>>, vector<1x16xi32>,
    %swap3A_290 = vector.shape_cast %swap3A_289 : vector<1x16xi32> to vector<16xi32>
    %swap3A_291 = vector.shape_cast %add3A_285 : vector<16xi32> to vector<1x16xi32>
    tpu.vector_store %arg7[%swap3A_287, %swap3A_288], %swap3A_291 {strides = array<i32>} : memref<5x128xi32, #tpu.memory_space<vmem>>, vector<1x16xi32>,
    %iota3A_292 = tpu.iota {dimensions = array<i32: 0>} : vector<16xi32>
    %add3A_293 = arith.constant 256 : i32
    %add3A_294 = arith.addi %mul3A_7, %add3A_293 : i32
    %add3A_295 = arith.constant 96 : i32
    %add3A_296 = arith.addi %add3A_294, %add3A_295 : i32
    %add3A_297 = vector.broadcast %add3A_296 : i32 to vector<16xi32>
    %add3A_298 = arith.addi %iota3A_292, %add3A_297 : vector<16xi32>
    %swap3A_299 = arith.constant 2 : i32
    %swap3A_300 = arith.index_cast %swap3A_299 : i32 to index
    %swap3A_301 = arith.constant 96 : index
    %swap3A_302 = tpu.vector_load %arg7[%swap3A_300, %swap3A_301] {strides = array<i32>} : memref<5x128xi32, #tpu.memory_space<vmem>>, vector<1x16xi32>,
    %swap3A_303 = vector.shape_cast %swap3A_302 : vector<1x16xi32> to vector<16xi32>
    %swap3A_304 = vector.shape_cast %add3A_298 : vector<16xi32> to vector<1x16xi32>
    tpu.vector_store %arg7[%swap3A_300, %swap3A_301], %swap3A_304 {strides = array<i32>} : memref<5x128xi32, #tpu.memory_space<vmem>>, vector<1x16xi32>,
    %iota3A_305 = tpu.iota {dimensions = array<i32: 0>} : vector<16xi32>
    %add3A_306 = arith.constant 256 : i32
    %add3A_307 = arith.addi %mul3A_7, %add3A_306 : i32
    %add3A_308 = arith.constant 112 : i32
    %add3A_309 = arith.addi %add3A_307, %add3A_308 : i32
    %add3A_310 = vector.broadcast %add3A_309 : i32 to vector<16xi32>
    %add3A_311 = arith.addi %iota3A_305, %add3A_310 : vector<16xi32>
    %swap3A_312 = arith.constant 2 : i32
    %swap3A_313 = arith.index_cast %swap3A_312 : i32 to index
    %swap3A_314 = arith.constant 112 : index
    %swap3A_315 = tpu.vector_load %arg7[%swap3A_313, %swap3A_314] {strides = array<i32>} : memref<5x128xi32, #tpu.memory_space<vmem>>, vector<1x16xi32>,
    %swap3A_316 = vector.shape_cast %swap3A_315 : vector<1x16xi32> to vector<16xi32>
    %swap3A_317 = vector.shape_cast %add3A_311 : vector<16xi32> to vector<1x16xi32>
    tpu.vector_store %arg7[%swap3A_313, %swap3A_314], %swap3A_317 {strides = array<i32>} : memref<5x128xi32, #tpu.memory_space<vmem>>, vector<1x16xi32>,
    %iota3A_318 = tpu.iota {dimensions = array<i32: 0>} : vector<16xi32>
    %add3A_319 = arith.constant 384 : i32
    %add3A_320 = arith.addi %mul3A_7, %add3A_319 : i32
    %add3A_321 = arith.constant 0 : i32
    %add3A_322 = arith.addi %add3A_320, %add3A_321 : i32
    %add3A_323 = vector.broadcast %add3A_322 : i32 to vector<16xi32>
    %add3A_324 = arith.addi %iota3A_318, %add3A_323 : vector<16xi32>
    %swap3A_325 = arith.constant 3 : i32
    %swap3A_326 = arith.index_cast %swap3A_325 : i32 to index
    %swap3A_327 = arith.constant 0 : index
    %swap3A_328 = tpu.vector_load %arg7[%swap3A_326, %swap3A_327] {strides = array<i32>} : memref<5x128xi32, #tpu.memory_space<vmem>>, vector<1x16xi32>,
    %swap3A_329 = vector.shape_cast %swap3A_328 : vector<1x16xi32> to vector<16xi32>
    %swap3A_330 = vector.shape_cast %add3A_324 : vector<16xi32> to vector<1x16xi32>
    tpu.vector_store %arg7[%swap3A_326, %swap3A_327], %swap3A_330 {strides = array<i32>} : memref<5x128xi32, #tpu.memory_space<vmem>>, vector<1x16xi32>,
    %iota3A_331 = tpu.iota {dimensions = array<i32: 0>} : vector<16xi32>
    %add3A_332 = arith.constant 384 : i32
    %add3A_333 = arith.addi %mul3A_7, %add3A_332 : i32
    %add3A_334 = arith.constant 16 : i32
    %add3A_335 = arith.addi %add3A_333, %add3A_334 : i32
    %add3A_336 = vector.broadcast %add3A_335 : i32 to vector<16xi32>
    %add3A_337 = arith.addi %iota3A_331, %add3A_336 : vector<16xi32>
    %swap3A_338 = arith.constant 3 : i32
    %swap3A_339 = arith.index_cast %swap3A_338 : i32 to index
    %swap3A_340 = arith.constant 16 : index
    %swap3A_341 = tpu.vector_load %arg7[%swap3A_339, %swap3A_340] {strides = array<i32>} : memref<5x128xi32, #tpu.memory_space<vmem>>, vector<1x16xi32>,
    %swap3A_342 = vector.shape_cast %swap3A_341 : vector<1x16xi32> to vector<16xi32>
    %swap3A_343 = vector.shape_cast %add3A_337 : vector<16xi32> to vector<1x16xi32>
    tpu.vector_store %arg7[%swap3A_339, %swap3A_340], %swap3A_343 {strides = array<i32>} : memref<5x128xi32, #tpu.memory_space<vmem>>, vector<1x16xi32>,
    %iota3A_344 = tpu.iota {dimensions = array<i32: 0>} : vector<16xi32>
    %add3A_345 = arith.constant 384 : i32
    %add3A_346 = arith.addi %mul3A_7, %add3A_345 : i32
    %add3A_347 = arith.constant 32 : i32
    %add3A_348 = arith.addi %add3A_346, %add3A_347 : i32
    %add3A_349 = vector.broadcast %add3A_348 : i32 to vector<16xi32>
    %add3A_350 = arith.addi %iota3A_344, %add3A_349 : vector<16xi32>
    %swap3A_351 = arith.constant 3 : i32
    %swap3A_352 = arith.index_cast %swap3A_351 : i32 to index
    %swap3A_353 = arith.constant 32 : index
    %swap3A_354 = tpu.vector_load %arg7[%swap3A_352, %swap3A_353] {strides = array<i32>} : memref<5x128xi32, #tpu.memory_space<vmem>>, vector<1x16xi32>,
    %swap3A_355 = vector.shape_cast %swap3A_354 : vector<1x16xi32> to vector<16xi32>
    %swap3A_356 = vector.shape_cast %add3A_350 : vector<16xi32> to vector<1x16xi32>
    tpu.vector_store %arg7[%swap3A_352, %swap3A_353], %swap3A_356 {strides = array<i32>} : memref<5x128xi32, #tpu.memory_space<vmem>>, vector<1x16xi32>,
    %iota3A_357 = tpu.iota {dimensions = array<i32: 0>} : vector<16xi32>
    %add3A_358 = arith.constant 384 : i32
    %add3A_359 = arith.addi %mul3A_7, %add3A_358 : i32
    %add3A_360 = arith.constant 48 : i32
    %add3A_361 = arith.addi %add3A_359, %add3A_360 : i32
    %add3A_362 = vector.broadcast %add3A_361 : i32 to vector<16xi32>
    %add3A_363 = arith.addi %iota3A_357, %add3A_362 : vector<16xi32>
    %swap3A_364 = arith.constant 3 : i32
    %swap3A_365 = arith.index_cast %swap3A_364 : i32 to index
    %swap3A_366 = arith.constant 48 : index
    %swap3A_367 = tpu.vector_load %arg7[%swap3A_365, %swap3A_366] {strides = array<i32>} : memref<5x128xi32, #tpu.memory_space<vmem>>, vector<1x16xi32>,
    %swap3A_368 = vector.shape_cast %swap3A_367 : vector<1x16xi32> to vector<16xi32>
    %swap3A_369 = vector.shape_cast %add3A_363 : vector<16xi32> to vector<1x16xi32>
    tpu.vector_store %arg7[%swap3A_365, %swap3A_366], %swap3A_369 {strides = array<i32>} : memref<5x128xi32, #tpu.memory_space<vmem>>, vector<1x16xi32>,
    %iota3A_370 = tpu.iota {dimensions = array<i32: 0>} : vector<16xi32>
    %add3A_371 = arith.constant 384 : i32
    %add3A_372 = arith.addi %mul3A_7, %add3A_371 : i32
    %add3A_373 = arith.constant 64 : i32
    %add3A_374 = arith.addi %add3A_372, %add3A_373 : i32
    %add3A_375 = vector.broadcast %add3A_374 : i32 to vector<16xi32>
    %add3A_376 = arith.addi %iota3A_370, %add3A_375 : vector<16xi32>
    %swap3A_377 = arith.constant 3 : i32
    %swap3A_378 = arith.index_cast %swap3A_377 : i32 to index
    %swap3A_379 = arith.constant 64 : index
    %swap3A_380 = tpu.vector_load %arg7[%swap3A_378, %swap3A_379] {strides = array<i32>} : memref<5x128xi32, #tpu.memory_space<vmem>>, vector<1x16xi32>,
    %swap3A_381 = vector.shape_cast %swap3A_380 : vector<1x16xi32> to vector<16xi32>
    %swap3A_382 = vector.shape_cast %add3A_376 : vector<16xi32> to vector<1x16xi32>
    tpu.vector_store %arg7[%swap3A_378, %swap3A_379], %swap3A_382 {strides = array<i32>} : memref<5x128xi32, #tpu.memory_space<vmem>>, vector<1x16xi32>,
    %iota3A_383 = tpu.iota {dimensions = array<i32: 0>} : vector<16xi32>
    %add3A_384 = arith.constant 384 : i32
    %add3A_385 = arith.addi %mul3A_7, %add3A_384 : i32
    %add3A_386 = arith.constant 80 : i32
    %add3A_387 = arith.addi %add3A_385, %add3A_386 : i32
    %add3A_388 = vector.broadcast %add3A_387 : i32 to vector<16xi32>
    %add3A_389 = arith.addi %iota3A_383, %add3A_388 : vector<16xi32>
    %swap3A_390 = arith.constant 3 : i32
    %swap3A_391 = arith.index_cast %swap3A_390 : i32 to index
    %swap3A_392 = arith.constant 80 : index
    %swap3A_393 = tpu.vector_load %arg7[%swap3A_391, %swap3A_392] {strides = array<i32>} : memref<5x128xi32, #tpu.memory_space<vmem>>, vector<1x16xi32>,
    %swap3A_394 = vector.shape_cast %swap3A_393 : vector<1x16xi32> to vector<16xi32>
    %swap3A_395 = vector.shape_cast %add3A_389 : vector<16xi32> to vector<1x16xi32>
    tpu.vector_store %arg7[%swap3A_391, %swap3A_392], %swap3A_395 {strides = array<i32>} : memref<5x128xi32, #tpu.memory_space<vmem>>, vector<1x16xi32>,
    %iota3A_396 = tpu.iota {dimensions = array<i32: 0>} : vector<16xi32>
    %add3A_397 = arith.constant 384 : i32
    %add3A_398 = arith.addi %mul3A_7, %add3A_397 : i32
    %add3A_399 = arith.constant 96 : i32
    %add3A_400 = arith.addi %add3A_398, %add3A_399 : i32
    %add3A_401 = vector.broadcast %add3A_400 : i32 to vector<16xi32>
    %add3A_402 = arith.addi %iota3A_396, %add3A_401 : vector<16xi32>
    %swap3A_403 = arith.constant 3 : i32
    %swap3A_404 = arith.index_cast %swap3A_403 : i32 to index
    %swap3A_405 = arith.constant 96 : index
    %swap3A_406 = tpu.vector_load %arg7[%swap3A_404, %swap3A_405] {strides = array<i32>} : memref<5x128xi32, #tpu.memory_space<vmem>>, vector<1x16xi32>,
    %swap3A_407 = vector.shape_cast %swap3A_406 : vector<1x16xi32> to vector<16xi32>
    %swap3A_408 = vector.shape_cast %add3A_402 : vector<16xi32> to vector<1x16xi32>
    tpu.vector_store %arg7[%swap3A_404, %swap3A_405], %swap3A_408 {strides = array<i32>} : memref<5x128xi32, #tpu.memory_space<vmem>>, vector<1x16xi32>,
    %iota3A_409 = tpu.iota {dimensions = array<i32: 0>} : vector<16xi32>
    %add3A_410 = arith.constant 384 : i32
    %add3A_411 = arith.addi %mul3A_7, %add3A_410 : i32
    %add3A_412 = arith.constant 112 : i32
    %add3A_413 = arith.addi %add3A_411, %add3A_412 : i32
    %add3A_414 = vector.broadcast %add3A_413 : i32 to vector<16xi32>
    %add3A_415 = arith.addi %iota3A_409, %add3A_414 : vector<16xi32>
    %swap3A_416 = arith.constant 3 : i32
    %swap3A_417 = arith.index_cast %swap3A_416 : i32 to index
    %swap3A_418 = arith.constant 112 : index
    %swap3A_419 = tpu.vector_load %arg7[%swap3A_417, %swap3A_418] {strides = array<i32>} : memref<5x128xi32, #tpu.memory_space<vmem>>, vector<1x16xi32>,
    %swap3A_420 = vector.shape_cast %swap3A_419 : vector<1x16xi32> to vector<16xi32>
    %swap3A_421 = vector.shape_cast %add3A_415 : vector<16xi32> to vector<1x16xi32>
    tpu.vector_store %arg7[%swap3A_417, %swap3A_418], %swap3A_421 {strides = array<i32>} : memref<5x128xi32, #tpu.memory_space<vmem>>, vector<1x16xi32>,
    %iota3A_422 = tpu.iota {dimensions = array<i32: 0>} : vector<16xi32>
    %add3A_423 = arith.constant 512 : i32
    %add3A_424 = arith.addi %mul3A_7, %add3A_423 : i32
    %add3A_425 = arith.constant 0 : i32
    %add3A_426 = arith.addi %add3A_424, %add3A_425 : i32
    %add3A_427 = vector.broadcast %add3A_426 : i32 to vector<16xi32>
    %add3A_428 = arith.addi %iota3A_422, %add3A_427 : vector<16xi32>
    %swap3A_429 = arith.constant 4 : i32
    %swap3A_430 = arith.index_cast %swap3A_429 : i32 to index
    %swap3A_431 = arith.constant 0 : index
    %swap3A_432 = tpu.vector_load %arg7[%swap3A_430, %swap3A_431] {strides = array<i32>} : memref<5x128xi32, #tpu.memory_space<vmem>>, vector<1x16xi32>,
    %swap3A_433 = vector.shape_cast %swap3A_432 : vector<1x16xi32> to vector<16xi32>
    %swap3A_434 = vector.shape_cast %add3A_428 : vector<16xi32> to vector<1x16xi32>
    tpu.vector_store %arg7[%swap3A_430, %swap3A_431], %swap3A_434 {strides = array<i32>} : memref<5x128xi32, #tpu.memory_space<vmem>>, vector<1x16xi32>,
    %iota3A_435 = tpu.iota {dimensions = array<i32: 0>} : vector<16xi32>
    %add3A_436 = arith.constant 512 : i32
    %add3A_437 = arith.addi %mul3A_7, %add3A_436 : i32
    %add3A_438 = arith.constant 16 : i32
    %add3A_439 = arith.addi %add3A_437, %add3A_438 : i32
    %add3A_440 = vector.broadcast %add3A_439 : i32 to vector<16xi32>
    %add3A_441 = arith.addi %iota3A_435, %add3A_440 : vector<16xi32>
    %swap3A_442 = arith.constant 4 : i32
    %swap3A_443 = arith.index_cast %swap3A_442 : i32 to index
    %swap3A_444 = arith.constant 16 : index
    %swap3A_445 = tpu.vector_load %arg7[%swap3A_443, %swap3A_444] {strides = array<i32>} : memref<5x128xi32, #tpu.memory_space<vmem>>, vector<1x16xi32>,
    %swap3A_446 = vector.shape_cast %swap3A_445 : vector<1x16xi32> to vector<16xi32>
    %swap3A_447 = vector.shape_cast %add3A_441 : vector<16xi32> to vector<1x16xi32>
    tpu.vector_store %arg7[%swap3A_443, %swap3A_444], %swap3A_447 {strides = array<i32>} : memref<5x128xi32, #tpu.memory_space<vmem>>, vector<1x16xi32>,
    %iota3A_448 = tpu.iota {dimensions = array<i32: 0>} : vector<16xi32>
    %add3A_449 = arith.constant 512 : i32
    %add3A_450 = arith.addi %mul3A_7, %add3A_449 : i32
    %add3A_451 = arith.constant 32 : i32
    %add3A_452 = arith.addi %add3A_450, %add3A_451 : i32
    %add3A_453 = vector.broadcast %add3A_452 : i32 to vector<16xi32>
    %add3A_454 = arith.addi %iota3A_448, %add3A_453 : vector<16xi32>
    %swap3A_455 = arith.constant 4 : i32
    %swap3A_456 = arith.index_cast %swap3A_455 : i32 to index
    %swap3A_457 = arith.constant 32 : index
    %swap3A_458 = tpu.vector_load %arg7[%swap3A_456, %swap3A_457] {strides = array<i32>} : memref<5x128xi32, #tpu.memory_space<vmem>>, vector<1x16xi32>,
    %swap3A_459 = vector.shape_cast %swap3A_458 : vector<1x16xi32> to vector<16xi32>
    %swap3A_460 = vector.shape_cast %add3A_454 : vector<16xi32> to vector<1x16xi32>
    tpu.vector_store %arg7[%swap3A_456, %swap3A_457], %swap3A_460 {strides = array<i32>} : memref<5x128xi32, #tpu.memory_space<vmem>>, vector<1x16xi32>,
    %iota3A_461 = tpu.iota {dimensions = array<i32: 0>} : vector<16xi32>
    %add3A_462 = arith.constant 512 : i32
    %add3A_463 = arith.addi %mul3A_7, %add3A_462 : i32
    %add3A_464 = arith.constant 48 : i32
    %add3A_465 = arith.addi %add3A_463, %add3A_464 : i32
    %add3A_466 = vector.broadcast %add3A_465 : i32 to vector<16xi32>
    %add3A_467 = arith.addi %iota3A_461, %add3A_466 : vector<16xi32>
    %swap3A_468 = arith.constant 4 : i32
    %swap3A_469 = arith.index_cast %swap3A_468 : i32 to index
    %swap3A_470 = arith.constant 48 : index
    %swap3A_471 = tpu.vector_load %arg7[%swap3A_469, %swap3A_470] {strides = array<i32>} : memref<5x128xi32, #tpu.memory_space<vmem>>, vector<1x16xi32>,
    %swap3A_472 = vector.shape_cast %swap3A_471 : vector<1x16xi32> to vector<16xi32>
    %swap3A_473 = vector.shape_cast %add3A_467 : vector<16xi32> to vector<1x16xi32>
    tpu.vector_store %arg7[%swap3A_469, %swap3A_470], %swap3A_473 {strides = array<i32>} : memref<5x128xi32, #tpu.memory_space<vmem>>, vector<1x16xi32>,
    %iota3A_474 = tpu.iota {dimensions = array<i32: 0>} : vector<16xi32>
    %add3A_475 = arith.constant 512 : i32
    %add3A_476 = arith.addi %mul3A_7, %add3A_475 : i32
    %add3A_477 = arith.constant 64 : i32
    %add3A_478 = arith.addi %add3A_476, %add3A_477 : i32
    %add3A_479 = vector.broadcast %add3A_478 : i32 to vector<16xi32>
    %add3A_480 = arith.addi %iota3A_474, %add3A_479 : vector<16xi32>
    %swap3A_481 = arith.constant 4 : i32
    %swap3A_482 = arith.index_cast %swap3A_481 : i32 to index
    %swap3A_483 = arith.constant 64 : index
    %swap3A_484 = tpu.vector_load %arg7[%swap3A_482, %swap3A_483] {strides = array<i32>} : memref<5x128xi32, #tpu.memory_space<vmem>>, vector<1x16xi32>,
    %swap3A_485 = vector.shape_cast %swap3A_484 : vector<1x16xi32> to vector<16xi32>
    %swap3A_486 = vector.shape_cast %add3A_480 : vector<16xi32> to vector<1x16xi32>
    tpu.vector_store %arg7[%swap3A_482, %swap3A_483], %swap3A_486 {strides = array<i32>} : memref<5x128xi32, #tpu.memory_space<vmem>>, vector<1x16xi32>,
    %iota3A_487 = tpu.iota {dimensions = array<i32: 0>} : vector<16xi32>
    %add3A_488 = arith.constant 512 : i32
    %add3A_489 = arith.addi %mul3A_7, %add3A_488 : i32
    %add3A_490 = arith.constant 80 : i32
    %add3A_491 = arith.addi %add3A_489, %add3A_490 : i32
    %add3A_492 = vector.broadcast %add3A_491 : i32 to vector<16xi32>
    %add3A_493 = arith.addi %iota3A_487, %add3A_492 : vector<16xi32>
    %swap3A_494 = arith.constant 4 : i32
    %swap3A_495 = arith.index_cast %swap3A_494 : i32 to index
    %swap3A_496 = arith.constant 80 : index
    %swap3A_497 = tpu.vector_load %arg7[%swap3A_495, %swap3A_496] {strides = array<i32>} : memref<5x128xi32, #tpu.memory_space<vmem>>, vector<1x16xi32>,
    %swap3A_498 = vector.shape_cast %swap3A_497 : vector<1x16xi32> to vector<16xi32>
    %swap3A_499 = vector.shape_cast %add3A_493 : vector<16xi32> to vector<1x16xi32>
    tpu.vector_store %arg7[%swap3A_495, %swap3A_496], %swap3A_499 {strides = array<i32>} : memref<5x128xi32, #tpu.memory_space<vmem>>, vector<1x16xi32>,
    %iota3A_500 = tpu.iota {dimensions = array<i32: 0>} : vector<16xi32>
    %add3A_501 = arith.constant 512 : i32
    %add3A_502 = arith.addi %mul3A_7, %add3A_501 : i32
    %add3A_503 = arith.constant 96 : i32
    %add3A_504 = arith.addi %add3A_502, %add3A_503 : i32
    %add3A_505 = vector.broadcast %add3A_504 : i32 to vector<16xi32>
    %add3A_506 = arith.addi %iota3A_500, %add3A_505 : vector<16xi32>
    %swap3A_507 = arith.constant 4 : i32
    %swap3A_508 = arith.index_cast %swap3A_507 : i32 to index
    %swap3A_509 = arith.constant 96 : index
    %swap3A_510 = tpu.vector_load %arg7[%swap3A_508, %swap3A_509] {strides = array<i32>} : memref<5x128xi32, #tpu.memory_space<vmem>>, vector<1x16xi32>,
    %swap3A_511 = vector.shape_cast %swap3A_510 : vector<1x16xi32> to vector<16xi32>
    %swap3A_512 = vector.shape_cast %add3A_506 : vector<16xi32> to vector<1x16xi32>
    tpu.vector_store %arg7[%swap3A_508, %swap3A_509], %swap3A_512 {strides = array<i32>} : memref<5x128xi32, #tpu.memory_space<vmem>>, vector<1x16xi32>,
    %iota3A_513 = tpu.iota {dimensions = array<i32: 0>} : vector<16xi32>
    %add3A_514 = arith.constant 512 : i32
    %add3A_515 = arith.addi %mul3A_7, %add3A_514 : i32
    %add3A_516 = arith.constant 112 : i32
    %add3A_517 = arith.addi %add3A_515, %add3A_516 : i32
    %add3A_518 = vector.broadcast %add3A_517 : i32 to vector<16xi32>
    %add3A_519 = arith.addi %iota3A_513, %add3A_518 : vector<16xi32>
    %swap3A_520 = arith.constant 4 : i32
    %swap3A_521 = arith.index_cast %swap3A_520 : i32 to index
    %swap3A_522 = arith.constant 112 : index
    %swap3A_523 = tpu.vector_load %arg7[%swap3A_521, %swap3A_522] {strides = array<i32>} : memref<5x128xi32, #tpu.memory_space<vmem>>, vector<1x16xi32>,
    %swap3A_524 = vector.shape_cast %swap3A_523 : vector<1x16xi32> to vector<16xi32>
    %swap3A_525 = vector.shape_cast %add3A_519 : vector<16xi32> to vector<1x16xi32>
    tpu.vector_store %arg7[%swap3A_521, %swap3A_522], %swap3A_525 {strides = array<i32>} : memref<5x128xi32, #tpu.memory_space<vmem>>, vector<1x16xi32>,
    %run_scoped3A = arith.constant 0 : i32
    "tpu.region"() ({
      %run_scoped3A_562 = tpu.sem_alloc : memref<!tpu.dma_semaphore, #tpu.memory_space<semaphore_mem>>
      %dma_start3A = arith.constant 0 : i32
      %dma_start3A_563 = arith.constant 0 : i32
      %dma_start3A_564 = tpu.memref_slice %arg6[%dma_start3A, %dma_start3A_563] : memref<128x128xf32, #tpu.memory_space<vmem>> -> memref<128x128xf32, #tpu.memory_space<vmem>>
      %dma_start3A_565 = arith.constant 0 : i32
      %dma_start3A_566 = tpu.memref_slice %arg7[%run_scoped3A, %dma_start3A_565] : memref<5x128xi32, #tpu.memory_space<vmem>> -> memref<1x128xi32, #tpu.memory_space<vmem>>
      %dma_start3A_567 = tpu.memref_squeeze %dma_start3A_566 : memref<1x128xi32, #tpu.memory_space<vmem>> -> memref<128xi32, #tpu.memory_space<vmem>>
      %dma_start3A_568 = arith.constant 0 : i32
      %dma_start3A_569 = arith.constant 0 : i32
      %dma_start3A_570 = tpu.memref_slice %arg8[%dma_start3A_568, %dma_start3A_569] : memref<10240x128xf32, #tpu.memory_space<vmem_shared>> -> memref<10240x128xf32, #tpu.memory_space<vmem_shared>>
      tpu.enqueue_indirect_dma source(%dma_start3A_564 : memref<128x128xf32, #tpu.memory_space<vmem>>) target(%dma_start3A_570 : memref<10240x128xf32, #tpu.memory_space<vmem_shared>>) offsets(%dma_start3A_567 : memref<128xi32, #tpu.memory_space<vmem>>) semaphore(%run_scoped3A_562 : memref<!tpu.dma_semaphore, #tpu.memory_space<semaphore_mem>>)
      %dma_wait3A = arith.constant 0 : i32
      %dma_wait3A_571 = arith.constant 0 : i32
      %dma_wait3A_572 = tpu.memref_slice %arg6[%dma_wait3A, %dma_wait3A_571] : memref<128x128xf32, #tpu.memory_space<vmem>> -> memref<128x128xf32, #tpu.memory_space<vmem>>
      %dma_wait3A_573 = arith.constant 0 : i32
      %dma_wait3A_574 = tpu.memref_slice %arg7[%run_scoped3A, %dma_wait3A_573] : memref<5x128xi32, #tpu.memory_space<vmem>> -> memref<1x128xi32, #tpu.memory_space<vmem>>
      %dma_wait3A_575 = tpu.memref_squeeze %dma_wait3A_574 : memref<1x128xi32, #tpu.memory_space<vmem>> -> memref<128xi32, #tpu.memory_space<vmem>>
      %dma_wait3A_576 = arith.constant 0 : i32
      %dma_wait3A_577 = arith.constant 0 : i32
      %dma_wait3A_578 = tpu.memref_slice %arg8[%dma_wait3A_576, %dma_wait3A_577] : memref<10240x128xf32, #tpu.memory_space<vmem_shared>> -> memref<10240x128xf32, #tpu.memory_space<vmem_shared>>
      tpu.wait_indirect_dma semaphore(%run_scoped3A_562 : memref<!tpu.dma_semaphore, #tpu.memory_space<semaphore_mem>>) src(%dma_wait3A_572 : memref<128x128xf32, #tpu.memory_space<vmem>>) dst(%dma_wait3A_578 : memref<10240x128xf32, #tpu.memory_space<vmem_shared>>)
      tpu.yield
    }) : () -> ()
    %run_scoped3A_526 = arith.constant 1 : i32
    "tpu.region"() ({
      %run_scoped3A_562 = tpu.sem_alloc : memref<!tpu.dma_semaphore, #tpu.memory_space<semaphore_mem>>
      %dma_start3A = arith.constant 0 : i32
      %dma_start3A_563 = arith.constant 0 : i32
      %dma_start3A_564 = tpu.memref_slice %arg6[%dma_start3A, %dma_start3A_563] : memref<128x128xf32, #tpu.memory_space<vmem>> -> memref<128x128xf32, #tpu.memory_space<vmem>>
      %dma_start3A_565 = arith.constant 0 : i32
      %dma_start3A_566 = tpu.memref_slice %arg7[%run_scoped3A_526, %dma_start3A_565] : memref<5x128xi32, #tpu.memory_space<vmem>> -> memref<1x128xi32, #tpu.memory_space<vmem>>
      %dma_start3A_567 = tpu.memref_squeeze %dma_start3A_566 : memref<1x128xi32, #tpu.memory_space<vmem>> -> memref<128xi32, #tpu.memory_space<vmem>>
      %dma_start3A_568 = arith.constant 0 : i32
      %dma_start3A_569 = arith.constant 0 : i32
      %dma_start3A_570 = tpu.memref_slice %arg8[%dma_start3A_568, %dma_start3A_569] : memref<10240x128xf32, #tpu.memory_space<vmem_shared>> -> memref<10240x128xf32, #tpu.memory_space<vmem_shared>>
      tpu.enqueue_indirect_dma source(%dma_start3A_564 : memref<128x128xf32, #tpu.memory_space<vmem>>) target(%dma_start3A_570 : memref<10240x128xf32, #tpu.memory_space<vmem_shared>>) offsets(%dma_start3A_567 : memref<128xi32, #tpu.memory_space<vmem>>) semaphore(%run_scoped3A_562 : memref<!tpu.dma_semaphore, #tpu.memory_space<semaphore_mem>>)
      %dma_wait3A = arith.constant 0 : i32
      %dma_wait3A_571 = arith.constant 0 : i32
      %dma_wait3A_572 = tpu.memref_slice %arg6[%dma_wait3A, %dma_wait3A_571] : memref<128x128xf32, #tpu.memory_space<vmem>> -> memref<128x128xf32, #tpu.memory_space<vmem>>
      %dma_wait3A_573 = arith.constant 0 : i32
      %dma_wait3A_574 = tpu.memref_slice %arg7[%run_scoped3A_526, %dma_wait3A_573] : memref<5x128xi32, #tpu.memory_space<vmem>> -> memref<1x128xi32, #tpu.memory_space<vmem>>
      %dma_wait3A_575 = tpu.memref_squeeze %dma_wait3A_574 : memref<1x128xi32, #tpu.memory_space<vmem>> -> memref<128xi32, #tpu.memory_space<vmem>>
      %dma_wait3A_576 = arith.constant 0 : i32
      %dma_wait3A_577 = arith.constant 0 : i32
      %dma_wait3A_578 = tpu.memref_slice %arg8[%dma_wait3A_576, %dma_wait3A_577] : memref<10240x128xf32, #tpu.memory_space<vmem_shared>> -> memref<10240x128xf32, #tpu.memory_space<vmem_shared>>
      tpu.wait_indirect_dma semaphore(%run_scoped3A_562 : memref<!tpu.dma_semaphore, #tpu.memory_space<semaphore_mem>>) src(%dma_wait3A_572 : memref<128x128xf32, #tpu.memory_space<vmem>>) dst(%dma_wait3A_578 : memref<10240x128xf32, #tpu.memory_space<vmem_shared>>)
      tpu.yield
    }) : () -> ()
    %run_scoped3A_527 = arith.constant 2 : i32
    "tpu.region"() ({
      %run_scoped3A_562 = tpu.sem_alloc : memref<!tpu.dma_semaphore, #tpu.memory_space<semaphore_mem>>
      %dma_start3A = arith.constant 0 : i32
      %dma_start3A_563 = arith.constant 0 : i32
      %dma_start3A_564 = tpu.memref_slice %arg6[%dma_start3A, %dma_start3A_563] : memref<128x128xf32, #tpu.memory_space<vmem>> -> memref<128x128xf32, #tpu.memory_space<vmem>>
      %dma_start3A_565 = arith.constant 0 : i32
      %dma_start3A_566 = tpu.memref_slice %arg7[%run_scoped3A_527, %dma_start3A_565] : memref<5x128xi32, #tpu.memory_space<vmem>> -> memref<1x128xi32, #tpu.memory_space<vmem>>
      %dma_start3A_567 = tpu.memref_squeeze %dma_start3A_566 : memref<1x128xi32, #tpu.memory_space<vmem>> -> memref<128xi32, #tpu.memory_space<vmem>>
      %dma_start3A_568 = arith.constant 0 : i32
      %dma_start3A_569 = arith.constant 0 : i32
      %dma_start3A_570 = tpu.memref_slice %arg8[%dma_start3A_568, %dma_start3A_569] : memref<10240x128xf32, #tpu.memory_space<vmem_shared>> -> memref<10240x128xf32, #tpu.memory_space<vmem_shared>>
      tpu.enqueue_indirect_dma source(%dma_start3A_564 : memref<128x128xf32, #tpu.memory_space<vmem>>) target(%dma_start3A_570 : memref<10240x128xf32, #tpu.memory_space<vmem_shared>>) offsets(%dma_start3A_567 : memref<128xi32, #tpu.memory_space<vmem>>) semaphore(%run_scoped3A_562 : memref<!tpu.dma_semaphore, #tpu.memory_space<semaphore_mem>>)
      %dma_wait3A = arith.constant 0 : i32
      %dma_wait3A_571 = arith.constant 0 : i32
      %dma_wait3A_572 = tpu.memref_slice %arg6[%dma_wait3A, %dma_wait3A_571] : memref<128x128xf32, #tpu.memory_space<vmem>> -> memref<128x128xf32, #tpu.memory_space<vmem>>
      %dma_wait3A_573 = arith.constant 0 : i32
      %dma_wait3A_574 = tpu.memref_slice %arg7[%run_scoped3A_527, %dma_wait3A_573] : memref<5x128xi32, #tpu.memory_space<vmem>> -> memref<1x128xi32, #tpu.memory_space<vmem>>
      %dma_wait3A_575 = tpu.memref_squeeze %dma_wait3A_574 : memref<1x128xi32, #tpu.memory_space<vmem>> -> memref<128xi32, #tpu.memory_space<vmem>>
      %dma_wait3A_576 = arith.constant 0 : i32
      %dma_wait3A_577 = arith.constant 0 : i32
      %dma_wait3A_578 = tpu.memref_slice %arg8[%dma_wait3A_576, %dma_wait3A_577] : memref<10240x128xf32, #tpu.memory_space<vmem_shared>> -> memref<10240x128xf32, #tpu.memory_space<vmem_shared>>
      tpu.wait_indirect_dma semaphore(%run_scoped3A_562 : memref<!tpu.dma_semaphore, #tpu.memory_space<semaphore_mem>>) src(%dma_wait3A_572 : memref<128x128xf32, #tpu.memory_space<vmem>>) dst(%dma_wait3A_578 : memref<10240x128xf32, #tpu.memory_space<vmem_shared>>)
      tpu.yield
    }) : () -> ()
    %run_scoped3A_528 = arith.constant 3 : i32
    "tpu.region"() ({
      %run_scoped3A_562 = tpu.sem_alloc : memref<!tpu.dma_semaphore, #tpu.memory_space<semaphore_mem>>
      %dma_start3A = arith.constant 0 : i32
      %dma_start3A_563 = arith.constant 0 : i32
      %dma_start3A_564 = tpu.memref_slice %arg6[%dma_start3A, %dma_start3A_563] : memref<128x128xf32, #tpu.memory_space<vmem>> -> memref<128x128xf32, #tpu.memory_space<vmem>>
      %dma_start3A_565 = arith.constant 0 : i32
      %dma_start3A_566 = tpu.memref_slice %arg7[%run_scoped3A_528, %dma_start3A_565] : memref<5x128xi32, #tpu.memory_space<vmem>> -> memref<1x128xi32, #tpu.memory_space<vmem>>
      %dma_start3A_567 = tpu.memref_squeeze %dma_start3A_566 : memref<1x128xi32, #tpu.memory_space<vmem>> -> memref<128xi32, #tpu.memory_space<vmem>>
      %dma_start3A_568 = arith.constant 0 : i32
      %dma_start3A_569 = arith.constant 0 : i32
      %dma_start3A_570 = tpu.memref_slice %arg8[%dma_start3A_568, %dma_start3A_569] : memref<10240x128xf32, #tpu.memory_space<vmem_shared>> -> memref<10240x128xf32, #tpu.memory_space<vmem_shared>>
      tpu.enqueue_indirect_dma source(%dma_start3A_564 : memref<128x128xf32, #tpu.memory_space<vmem>>) target(%dma_start3A_570 : memref<10240x128xf32, #tpu.memory_space<vmem_shared>>) offsets(%dma_start3A_567 : memref<128xi32, #tpu.memory_space<vmem>>) semaphore(%run_scoped3A_562 : memref<!tpu.dma_semaphore, #tpu.memory_space<semaphore_mem>>)
      %dma_wait3A = arith.constant 0 : i32
      %dma_wait3A_571 = arith.constant 0 : i32
      %dma_wait3A_572 = tpu.memref_slice %arg6[%dma_wait3A, %dma_wait3A_571] : memref<128x128xf32, #tpu.memory_space<vmem>> -> memref<128x128xf32, #tpu.memory_space<vmem>>
      %dma_wait3A_573 = arith.constant 0 : i32
      %dma_wait3A_574 = tpu.memref_slice %arg7[%run_scoped3A_528, %dma_wait3A_573] : memref<5x128xi32, #tpu.memory_space<vmem>> -> memref<1x128xi32, #tpu.memory_space<vmem>>
      %dma_wait3A_575 = tpu.memref_squeeze %dma_wait3A_574 : memref<1x128xi32, #tpu.memory_space<vmem>> -> memref<128xi32, #tpu.memory_space<vmem>>
      %dma_wait3A_576 = arith.constant 0 : i32
      %dma_wait3A_577 = arith.constant 0 : i32
      %dma_wait3A_578 = tpu.memref_slice %arg8[%dma_wait3A_576, %dma_wait3A_577] : memref<10240x128xf32, #tpu.memory_space<vmem_shared>> -> memref<10240x128xf32, #tpu.memory_space<vmem_shared>>
      tpu.wait_indirect_dma semaphore(%run_scoped3A_562 : memref<!tpu.dma_semaphore, #tpu.memory_space<semaphore_mem>>) src(%dma_wait3A_572 : memref<128x128xf32, #tpu.memory_space<vmem>>) dst(%dma_wait3A_578 : memref<10240x128xf32, #tpu.memory_space<vmem_shared>>)
      tpu.yield
    }) : () -> ()
    %run_scoped3A_529 = arith.constant 4 : i32
    "tpu.region"() ({
      %run_scoped3A_562 = tpu.sem_alloc : memref<!tpu.dma_semaphore, #tpu.memory_space<semaphore_mem>>
      %dma_start3A = arith.constant 0 : i32
      %dma_start3A_563 = arith.constant 0 : i32
      %dma_start3A_564 = tpu.memref_slice %arg6[%dma_start3A, %dma_start3A_563] : memref<128x128xf32, #tpu.memory_space<vmem>> -> memref<128x128xf32, #tpu.memory_space<vmem>>
      %dma_start3A_565 = arith.constant 0 : i32
      %dma_start3A_566 = tpu.memref_slice %arg7[%run_scoped3A_529, %dma_start3A_565] : memref<5x128xi32, #tpu.memory_space<vmem>> -> memref<1x128xi32, #tpu.memory_space<vmem>>
      %dma_start3A_567 = tpu.memref_squeeze %dma_start3A_566 : memref<1x128xi32, #tpu.memory_space<vmem>> -> memref<128xi32, #tpu.memory_space<vmem>>
      %dma_start3A_568 = arith.constant 0 : i32
      %dma_start3A_569 = arith.constant 0 : i32
      %dma_start3A_570 = tpu.memref_slice %arg8[%dma_start3A_568, %dma_start3A_569] : memref<10240x128xf32, #tpu.memory_space<vmem_shared>> -> memref<10240x128xf32, #tpu.memory_space<vmem_shared>>
      tpu.enqueue_indirect_dma source(%dma_start3A_564 : memref<128x128xf32, #tpu.memory_space<vmem>>) target(%dma_start3A_570 : memref<10240x128xf32, #tpu.memory_space<vmem_shared>>) offsets(%dma_start3A_567 : memref<128xi32, #tpu.memory_space<vmem>>) semaphore(%run_scoped3A_562 : memref<!tpu.dma_semaphore, #tpu.memory_space<semaphore_mem>>)
      %dma_wait3A = arith.constant 0 : i32
      %dma_wait3A_571 = arith.constant 0 : i32
      %dma_wait3A_572 = tpu.memref_slice %arg6[%dma_wait3A, %dma_wait3A_571] : memref<128x128xf32, #tpu.memory_space<vmem>> -> memref<128x128xf32, #tpu.memory_space<vmem>>
      %dma_wait3A_573 = arith.constant 0 : i32
      %dma_wait3A_574 = tpu.memref_slice %arg7[%run_scoped3A_529, %dma_wait3A_573] : memref<5x128xi32, #tpu.memory_space<vmem>> -> memref<1x128xi32, #tpu.memory_space<vmem>>
      %dma_wait3A_575 = tpu.memref_squeeze %dma_wait3A_574 : memref<1x128xi32, #tpu.memory_space<vmem>> -> memref<128xi32, #tpu.memory_space<vmem>>
      %dma_wait3A_576 = arith.constant 0 : i32
      %dma_wait3A_577 = arith.constant 0 : i32
      %dma_wait3A_578 = tpu.memref_slice %arg8[%dma_wait3A_576, %dma_wait3A_577] : memref<10240x128xf32, #tpu.memory_space<vmem_shared>> -> memref<10240x128xf32, #tpu.memory_space<vmem_shared>>
      tpu.wait_indirect_dma semaphore(%run_scoped3A_562 : memref<!tpu.dma_semaphore, #tpu.memory_space<semaphore_mem>>) src(%dma_wait3A_572 : memref<128x128xf32, #tpu.memory_space<vmem>>) dst(%dma_wait3A_578 : memref<10240x128xf32, #tpu.memory_space<vmem_shared>>)
      tpu.yield
    }) : () -> ()
    %barrier3A = arith.constant 0 : index
    tpu.barrier barrier_id(%barrier3A)
    %scan3A_530 = arith.constant 0 : i32
    %scan3A_531 = arith.constant 0 : i32
    %scan3A_532 = arith.constant 80 : i32
    %scan3A_533 = arith.addi %scan3A_531, %scan3A_532 : i32
    %scan3A_534 = arith.constant 1 : i32
    scf.for %scan3A_562 = %scan3A_531 to %scan3A_533 step %scan3A_534  : i32 {
      "tpu.region"() ({
        %run_scoped3A_563 = tpu.sem_alloc : memref<!tpu.dma_semaphore, #tpu.memory_space<semaphore_mem>>
        %dma_start3A = arith.constant 0 : i32
        %dma_start3A_564 = tpu.memref_slice %arg4[%scan3A_562, %dma_start3A] : memref<80x128xi32, #tpu.memory_space<vmem>> -> memref<1x128xi32, #tpu.memory_space<vmem>>
        %dma_start3A_565 = tpu.memref_squeeze %dma_start3A_564 : memref<1x128xi32, #tpu.memory_space<vmem>> -> memref<128xi32, #tpu.memory_space<vmem>>
        %dma_start3A_566 = arith.constant 0 : i32
        %dma_start3A_567 = arith.constant 0 : i32
        %dma_start3A_568 = tpu.memref_slice %arg8[%dma_start3A_566, %dma_start3A_567] : memref<10240x128xf32, #tpu.memory_space<vmem_shared>> -> memref<10240x128xf32, #tpu.memory_space<vmem_shared>>
        tpu.enqueue_indirect_dma source(%arg5 : memref<128x128xf32, #tpu.memory_space<vmem>>) target(%dma_start3A_568 : memref<10240x128xf32, #tpu.memory_space<vmem_shared>>) offsets(%dma_start3A_565 : memref<128xi32, #tpu.memory_space<vmem>>) semaphore(%run_scoped3A_563 : memref<!tpu.dma_semaphore, #tpu.memory_space<semaphore_mem>>) {add = true}
        %dma_wait3A = arith.constant 0 : i32
        %dma_wait3A_569 = tpu.memref_slice %arg4[%scan3A_562, %dma_wait3A] : memref<80x128xi32, #tpu.memory_space<vmem>> -> memref<1x128xi32, #tpu.memory_space<vmem>>
        %dma_wait3A_570 = tpu.memref_squeeze %dma_wait3A_569 : memref<1x128xi32, #tpu.memory_space<vmem>> -> memref<128xi32, #tpu.memory_space<vmem>>
        %dma_wait3A_571 = arith.constant 0 : i32
        %dma_wait3A_572 = arith.constant 0 : i32
        %dma_wait3A_573 = tpu.memref_slice %arg8[%dma_wait3A_571, %dma_wait3A_572] : memref<10240x128xf32, #tpu.memory_space<vmem_shared>> -> memref<10240x128xf32, #tpu.memory_space<vmem_shared>>
        tpu.wait_indirect_dma semaphore(%run_scoped3A_563 : memref<!tpu.dma_semaphore, #tpu.memory_space<semaphore_mem>>) src(%arg5 : memref<128x128xf32, #tpu.memory_space<vmem>>) dst(%dma_wait3A_573 : memref<10240x128xf32, #tpu.memory_space<vmem_shared>>)
        tpu.yield
      }) : () -> ()
    }
    %scan3A_535 = arith.constant 80 : i32
    %barrier3A_536 = arith.constant 0 : index
    tpu.barrier barrier_id(%barrier3A_536)
    %run_scoped3A_537 = arith.constant 0 : i32
    "tpu.region"() ({
      %run_scoped3A_562 = tpu.sem_alloc : memref<!tpu.dma_semaphore, #tpu.memory_space<semaphore_mem>>
      %dma_start3A = arith.constant 0 : i32
      %dma_start3A_563 = arith.constant 0 : i32
      %dma_start3A_564 = tpu.memref_slice %arg6[%dma_start3A, %dma_start3A_563] : memref<128x128xf32, #tpu.memory_space<vmem>> -> memref<128x128xf32, #tpu.memory_space<vmem>>
      %dma_start3A_565 = arith.constant 0 : i32
      %dma_start3A_566 = tpu.memref_slice %arg7[%run_scoped3A_537, %dma_start3A_565] : memref<5x128xi32, #tpu.memory_space<vmem>> -> memref<1x128xi32, #tpu.memory_space<vmem>>
      %dma_start3A_567 = tpu.memref_squeeze %dma_start3A_566 : memref<1x128xi32, #tpu.memory_space<vmem>> -> memref<128xi32, #tpu.memory_space<vmem>>
      %dma_start3A_568 = arith.constant 0 : i32
      %dma_start3A_569 = arith.constant 0 : i32
      %dma_start3A_570 = tpu.memref_slice %arg8[%dma_start3A_568, %dma_start3A_569] : memref<10240x128xf32, #tpu.memory_space<vmem_shared>> -> memref<10240x128xf32, #tpu.memory_space<vmem_shared>>
      tpu.enqueue_indirect_dma source(%dma_start3A_570 : memref<10240x128xf32, #tpu.memory_space<vmem_shared>>) target(%dma_start3A_564 : memref<128x128xf32, #tpu.memory_space<vmem>>) offsets(%dma_start3A_567 : memref<128xi32, #tpu.memory_space<vmem>>) semaphore(%run_scoped3A_562 : memref<!tpu.dma_semaphore, #tpu.memory_space<semaphore_mem>>)
      %dma_wait3A = arith.constant 0 : i32
      %dma_wait3A_571 = arith.constant 0 : i32
      %dma_wait3A_572 = tpu.memref_slice %arg6[%dma_wait3A, %dma_wait3A_571] : memref<128x128xf32, #tpu.memory_space<vmem>> -> memref<128x128xf32, #tpu.memory_space<vmem>>
      %dma_wait3A_573 = arith.constant 0 : i32
      %dma_wait3A_574 = tpu.memref_slice %arg7[%run_scoped3A_537, %dma_wait3A_573] : memref<5x128xi32, #tpu.memory_space<vmem>> -> memref<1x128xi32, #tpu.memory_space<vmem>>
      %dma_wait3A_575 = tpu.memref_squeeze %dma_wait3A_574 : memref<1x128xi32, #tpu.memory_space<vmem>> -> memref<128xi32, #tpu.memory_space<vmem>>
      %dma_wait3A_576 = arith.constant 0 : i32
      %dma_wait3A_577 = arith.constant 0 : i32
      %dma_wait3A_578 = tpu.memref_slice %arg8[%dma_wait3A_576, %dma_wait3A_577] : memref<10240x128xf32, #tpu.memory_space<vmem_shared>> -> memref<10240x128xf32, #tpu.memory_space<vmem_shared>>
      tpu.wait_indirect_dma semaphore(%run_scoped3A_562 : memref<!tpu.dma_semaphore, #tpu.memory_space<semaphore_mem>>) src(%dma_wait3A_578 : memref<10240x128xf32, #tpu.memory_space<vmem_shared>>) dst(%dma_wait3A_572 : memref<128x128xf32, #tpu.memory_space<vmem>>)
      tpu.yield
    }) : () -> ()
    %mul3A_538 = arith.constant 640 : i32
    %mul3A_539 = arith.muli %arg1, %mul3A_538 : i32
    %add3A_540 = arith.constant 0 : i32
    %add3A_541 = arith.addi %mul3A_539, %add3A_540 : i32
    "tpu.region"() ({
      %run_scoped3A_562 = tpu.sem_alloc : memref<!tpu.dma_semaphore, #tpu.memory_space<semaphore_mem>>
      %dma_start3A = arith.constant 0 : i32
      %dma_start3A_563 = arith.constant 0 : i32
      %dma_start3A_564 = tpu.memref_slice %arg6[%dma_start3A, %dma_start3A_563] : memref<128x128xf32, #tpu.memory_space<vmem>> -> memref<128x128xf32, #tpu.memory_space<vmem>>
      %dma_start3A_565 = arith.constant 0 : i32
      %dma_start3A_566 = tpu.memref_slice %arg3[%arg0, %add3A_541, %dma_start3A_565] : memref<2x10240x128xf32, #tpu.memory_space<hbm>> -> memref<1x128x128xf32, #tpu.memory_space<hbm>>
      %dma_start3A_567 = tpu.memref_squeeze %dma_start3A_566 : memref<1x128x128xf32, #tpu.memory_space<hbm>> -> memref<128x128xf32, #tpu.memory_space<hbm>>
      %dma_start3A_568 = arith.constant 0 : i32
      %dma_start3A_569 = tpu.memref_slice %arg3[%arg0, %add3A_541, %dma_start3A_568] : memref<2x10240x128xf32, #tpu.memory_space<hbm>> -> memref<1x128x128xf32, #tpu.memory_space<hbm>>
      %dma_start3A_570 = tpu.memref_squeeze %dma_start3A_569 : memref<1x128x128xf32, #tpu.memory_space<hbm>> -> memref<128x128xf32, #tpu.memory_space<hbm>>
      %dma_start3A_571 = arith.constant 0 : i32
      %dma_start3A_572 = arith.constant 0 : i32
      %dma_start3A_573 = tpu.memref_slice %arg6[%dma_start3A_571, %dma_start3A_572] : memref<128x128xf32, #tpu.memory_space<vmem>> -> memref<128x128xf32, #tpu.memory_space<vmem>>
      tpu.enqueue_dma source(%dma_start3A_573 : memref<128x128xf32, #tpu.memory_space<vmem>>) target(%dma_start3A_570 : memref<128x128xf32, #tpu.memory_space<hbm>>) target_semaphore(%run_scoped3A_562 : memref<!tpu.dma_semaphore, #tpu.memory_space<semaphore_mem>>)
      %dma_wait3A = arith.constant 0 : i32
      %dma_wait3A_574 = arith.constant 0 : i32
      %dma_wait3A_575 = tpu.memref_slice %arg6[%dma_wait3A, %dma_wait3A_574] : memref<128x128xf32, #tpu.memory_space<vmem>> -> memref<128x128xf32, #tpu.memory_space<vmem>>
      %dma_wait3A_576 = arith.constant 0 : i32
      %dma_wait3A_577 = tpu.memref_slice %arg3[%arg0, %add3A_541, %dma_wait3A_576] : memref<2x10240x128xf32, #tpu.memory_space<hbm>> -> memref<1x128x128xf32, #tpu.memory_space<hbm>>
      %dma_wait3A_578 = tpu.memref_squeeze %dma_wait3A_577 : memref<1x128x128xf32, #tpu.memory_space<hbm>> -> memref<128x128xf32, #tpu.memory_space<hbm>>
      %dma_wait3A_579 = arith.constant 0 : i32
      %dma_wait3A_580 = tpu.memref_slice %arg3[%arg0, %add3A_541, %dma_wait3A_579] : memref<2x10240x128xf32, #tpu.memory_space<hbm>> -> memref<1x128x128xf32, #tpu.memory_space<hbm>>
      %dma_wait3A_581 = tpu.memref_squeeze %dma_wait3A_580 : memref<1x128x128xf32, #tpu.memory_space<hbm>> -> memref<128x128xf32, #tpu.memory_space<hbm>>
      %dma_wait3A_582 = arith.constant 0 : i32
      %dma_wait3A_583 = arith.constant 0 : i32
      %dma_wait3A_584 = tpu.memref_slice %arg6[%dma_wait3A_582, %dma_wait3A_583] : memref<128x128xf32, #tpu.memory_space<vmem>> -> memref<128x128xf32, #tpu.memory_space<vmem>>
      tpu.wait_dma2 semaphore(%run_scoped3A_562 : memref<!tpu.dma_semaphore, #tpu.memory_space<semaphore_mem>>) src(%dma_wait3A_584 : memref<128x128xf32, #tpu.memory_space<vmem>>) dst(%dma_wait3A_581 : memref<128x128xf32, #tpu.memory_space<hbm>>)
      tpu.yield
    }) : () -> ()
    %run_scoped3A_542 = arith.constant 1 : i32
    "tpu.region"() ({
      %run_scoped3A_562 = tpu.sem_alloc : memref<!tpu.dma_semaphore, #tpu.memory_space<semaphore_mem>>
      %dma_start3A = arith.constant 0 : i32
      %dma_start3A_563 = arith.constant 0 : i32
      %dma_start3A_564 = tpu.memref_slice %arg6[%dma_start3A, %dma_start3A_563] : memref<128x128xf32, #tpu.memory_space<vmem>> -> memref<128x128xf32, #tpu.memory_space<vmem>>
      %dma_start3A_565 = arith.constant 0 : i32
      %dma_start3A_566 = tpu.memref_slice %arg7[%run_scoped3A_542, %dma_start3A_565] : memref<5x128xi32, #tpu.memory_space<vmem>> -> memref<1x128xi32, #tpu.memory_space<vmem>>
      %dma_start3A_567 = tpu.memref_squeeze %dma_start3A_566 : memref<1x128xi32, #tpu.memory_space<vmem>> -> memref<128xi32, #tpu.memory_space<vmem>>
      %dma_start3A_568 = arith.constant 0 : i32
      %dma_start3A_569 = arith.constant 0 : i32
      %dma_start3A_570 = tpu.memref_slice %arg8[%dma_start3A_568, %dma_start3A_569] : memref<10240x128xf32, #tpu.memory_space<vmem_shared>> -> memref<10240x128xf32, #tpu.memory_space<vmem_shared>>
      tpu.enqueue_indirect_dma source(%dma_start3A_570 : memref<10240x128xf32, #tpu.memory_space<vmem_shared>>) target(%dma_start3A_564 : memref<128x128xf32, #tpu.memory_space<vmem>>) offsets(%dma_start3A_567 : memref<128xi32, #tpu.memory_space<vmem>>) semaphore(%run_scoped3A_562 : memref<!tpu.dma_semaphore, #tpu.memory_space<semaphore_mem>>)
      %dma_wait3A = arith.constant 0 : i32
      %dma_wait3A_571 = arith.constant 0 : i32
      %dma_wait3A_572 = tpu.memref_slice %arg6[%dma_wait3A, %dma_wait3A_571] : memref<128x128xf32, #tpu.memory_space<vmem>> -> memref<128x128xf32, #tpu.memory_space<vmem>>
      %dma_wait3A_573 = arith.constant 0 : i32
      %dma_wait3A_574 = tpu.memref_slice %arg7[%run_scoped3A_542, %dma_wait3A_573] : memref<5x128xi32, #tpu.memory_space<vmem>> -> memref<1x128xi32, #tpu.memory_space<vmem>>
      %dma_wait3A_575 = tpu.memref_squeeze %dma_wait3A_574 : memref<1x128xi32, #tpu.memory_space<vmem>> -> memref<128xi32, #tpu.memory_space<vmem>>
      %dma_wait3A_576 = arith.constant 0 : i32
      %dma_wait3A_577 = arith.constant 0 : i32
      %dma_wait3A_578 = tpu.memref_slice %arg8[%dma_wait3A_576, %dma_wait3A_577] : memref<10240x128xf32, #tpu.memory_space<vmem_shared>> -> memref<10240x128xf32, #tpu.memory_space<vmem_shared>>
      tpu.wait_indirect_dma semaphore(%run_scoped3A_562 : memref<!tpu.dma_semaphore, #tpu.memory_space<semaphore_mem>>) src(%dma_wait3A_578 : memref<10240x128xf32, #tpu.memory_space<vmem_shared>>) dst(%dma_wait3A_572 : memref<128x128xf32, #tpu.memory_space<vmem>>)
      tpu.yield
    }) : () -> ()
    %mul3A_543 = arith.constant 640 : i32
    %mul3A_544 = arith.muli %arg1, %mul3A_543 : i32
    %add3A_545 = arith.constant 128 : i32
    %add3A_546 = arith.addi %mul3A_544, %add3A_545 : i32
    "tpu.region"() ({
      %run_scoped3A_562 = tpu.sem_alloc : memref<!tpu.dma_semaphore, #tpu.memory_space<semaphore_mem>>
      %dma_start3A = arith.constant 0 : i32
      %dma_start3A_563 = arith.constant 0 : i32
      %dma_start3A_564 = tpu.memref_slice %arg6[%dma_start3A, %dma_start3A_563] : memref<128x128xf32, #tpu.memory_space<vmem>> -> memref<128x128xf32, #tpu.memory_space<vmem>>
      %dma_start3A_565 = arith.constant 0 : i32
      %dma_start3A_566 = tpu.memref_slice %arg3[%arg0, %add3A_546, %dma_start3A_565] : memref<2x10240x128xf32, #tpu.memory_space<hbm>> -> memref<1x128x128xf32, #tpu.memory_space<hbm>>
      %dma_start3A_567 = tpu.memref_squeeze %dma_start3A_566 : memref<1x128x128xf32, #tpu.memory_space<hbm>> -> memref<128x128xf32, #tpu.memory_space<hbm>>
      %dma_start3A_568 = arith.constant 0 : i32
      %dma_start3A_569 = tpu.memref_slice %arg3[%arg0, %add3A_546, %dma_start3A_568] : memref<2x10240x128xf32, #tpu.memory_space<hbm>> -> memref<1x128x128xf32, #tpu.memory_space<hbm>>
      %dma_start3A_570 = tpu.memref_squeeze %dma_start3A_569 : memref<1x128x128xf32, #tpu.memory_space<hbm>> -> memref<128x128xf32, #tpu.memory_space<hbm>>
      %dma_start3A_571 = arith.constant 0 : i32
      %dma_start3A_572 = arith.constant 0 : i32
      %dma_start3A_573 = tpu.memref_slice %arg6[%dma_start3A_571, %dma_start3A_572] : memref<128x128xf32, #tpu.memory_space<vmem>> -> memref<128x128xf32, #tpu.memory_space<vmem>>
      tpu.enqueue_dma source(%dma_start3A_573 : memref<128x128xf32, #tpu.memory_space<vmem>>) target(%dma_start3A_570 : memref<128x128xf32, #tpu.memory_space<hbm>>) target_semaphore(%run_scoped3A_562 : memref<!tpu.dma_semaphore, #tpu.memory_space<semaphore_mem>>)
      %dma_wait3A = arith.constant 0 : i32
      %dma_wait3A_574 = arith.constant 0 : i32
      %dma_wait3A_575 = tpu.memref_slice %arg6[%dma_wait3A, %dma_wait3A_574] : memref<128x128xf32, #tpu.memory_space<vmem>> -> memref<128x128xf32, #tpu.memory_space<vmem>>
      %dma_wait3A_576 = arith.constant 0 : i32
      %dma_wait3A_577 = tpu.memref_slice %arg3[%arg0, %add3A_546, %dma_wait3A_576] : memref<2x10240x128xf32, #tpu.memory_space<hbm>> -> memref<1x128x128xf32, #tpu.memory_space<hbm>>
      %dma_wait3A_578 = tpu.memref_squeeze %dma_wait3A_577 : memref<1x128x128xf32, #tpu.memory_space<hbm>> -> memref<128x128xf32, #tpu.memory_space<hbm>>
      %dma_wait3A_579 = arith.constant 0 : i32
      %dma_wait3A_580 = tpu.memref_slice %arg3[%arg0, %add3A_546, %dma_wait3A_579] : memref<2x10240x128xf32, #tpu.memory_space<hbm>> -> memref<1x128x128xf32, #tpu.memory_space<hbm>>
      %dma_wait3A_581 = tpu.memref_squeeze %dma_wait3A_580 : memref<1x128x128xf32, #tpu.memory_space<hbm>> -> memref<128x128xf32, #tpu.memory_space<hbm>>
      %dma_wait3A_582 = arith.constant 0 : i32
      %dma_wait3A_583 = arith.constant 0 : i32
      %dma_wait3A_584 = tpu.memref_slice %arg6[%dma_wait3A_582, %dma_wait3A_583] : memref<128x128xf32, #tpu.memory_space<vmem>> -> memref<128x128xf32, #tpu.memory_space<vmem>>
      tpu.wait_dma2 semaphore(%run_scoped3A_562 : memref<!tpu.dma_semaphore, #tpu.memory_space<semaphore_mem>>) src(%dma_wait3A_584 : memref<128x128xf32, #tpu.memory_space<vmem>>) dst(%dma_wait3A_581 : memref<128x128xf32, #tpu.memory_space<hbm>>)
      tpu.yield
    }) : () -> ()
    %run_scoped3A_547 = arith.constant 2 : i32
    "tpu.region"() ({
      %run_scoped3A_562 = tpu.sem_alloc : memref<!tpu.dma_semaphore, #tpu.memory_space<semaphore_mem>>
      %dma_start3A = arith.constant 0 : i32
      %dma_start3A_563 = arith.constant 0 : i32
      %dma_start3A_564 = tpu.memref_slice %arg6[%dma_start3A, %dma_start3A_563] : memref<128x128xf32, #tpu.memory_space<vmem>> -> memref<128x128xf32, #tpu.memory_space<vmem>>
      %dma_start3A_565 = arith.constant 0 : i32
      %dma_start3A_566 = tpu.memref_slice %arg7[%run_scoped3A_547, %dma_start3A_565] : memref<5x128xi32, #tpu.memory_space<vmem>> -> memref<1x128xi32, #tpu.memory_space<vmem>>
      %dma_start3A_567 = tpu.memref_squeeze %dma_start3A_566 : memref<1x128xi32, #tpu.memory_space<vmem>> -> memref<128xi32, #tpu.memory_space<vmem>>
      %dma_start3A_568 = arith.constant 0 : i32
      %dma_start3A_569 = arith.constant 0 : i32
      %dma_start3A_570 = tpu.memref_slice %arg8[%dma_start3A_568, %dma_start3A_569] : memref<10240x128xf32, #tpu.memory_space<vmem_shared>> -> memref<10240x128xf32, #tpu.memory_space<vmem_shared>>
      tpu.enqueue_indirect_dma source(%dma_start3A_570 : memref<10240x128xf32, #tpu.memory_space<vmem_shared>>) target(%dma_start3A_564 : memref<128x128xf32, #tpu.memory_space<vmem>>) offsets(%dma_start3A_567 : memref<128xi32, #tpu.memory_space<vmem>>) semaphore(%run_scoped3A_562 : memref<!tpu.dma_semaphore, #tpu.memory_space<semaphore_mem>>)
      %dma_wait3A = arith.constant 0 : i32
      %dma_wait3A_571 = arith.constant 0 : i32
      %dma_wait3A_572 = tpu.memref_slice %arg6[%dma_wait3A, %dma_wait3A_571] : memref<128x128xf32, #tpu.memory_space<vmem>> -> memref<128x128xf32, #tpu.memory_space<vmem>>
      %dma_wait3A_573 = arith.constant 0 : i32
      %dma_wait3A_574 = tpu.memref_slice %arg7[%run_scoped3A_547, %dma_wait3A_573] : memref<5x128xi32, #tpu.memory_space<vmem>> -> memref<1x128xi32, #tpu.memory_space<vmem>>
      %dma_wait3A_575 = tpu.memref_squeeze %dma_wait3A_574 : memref<1x128xi32, #tpu.memory_space<vmem>> -> memref<128xi32, #tpu.memory_space<vmem>>
      %dma_wait3A_576 = arith.constant 0 : i32
      %dma_wait3A_577 = arith.constant 0 : i32
      %dma_wait3A_578 = tpu.memref_slice %arg8[%dma_wait3A_576, %dma_wait3A_577] : memref<10240x128xf32, #tpu.memory_space<vmem_shared>> -> memref<10240x128xf32, #tpu.memory_space<vmem_shared>>
      tpu.wait_indirect_dma semaphore(%run_scoped3A_562 : memref<!tpu.dma_semaphore, #tpu.memory_space<semaphore_mem>>) src(%dma_wait3A_578 : memref<10240x128xf32, #tpu.memory_space<vmem_shared>>) dst(%dma_wait3A_572 : memref<128x128xf32, #tpu.memory_space<vmem>>)
      tpu.yield
    }) : () -> ()
    %mul3A_548 = arith.constant 640 : i32
    %mul3A_549 = arith.muli %arg1, %mul3A_548 : i32
    %add3A_550 = arith.constant 256 : i32
    %add3A_551 = arith.addi %mul3A_549, %add3A_550 : i32
    "tpu.region"() ({
      %run_scoped3A_562 = tpu.sem_alloc : memref<!tpu.dma_semaphore, #tpu.memory_space<semaphore_mem>>
      %dma_start3A = arith.constant 0 : i32
      %dma_start3A_563 = arith.constant 0 : i32
      %dma_start3A_564 = tpu.memref_slice %arg6[%dma_start3A, %dma_start3A_563] : memref<128x128xf32, #tpu.memory_space<vmem>> -> memref<128x128xf32, #tpu.memory_space<vmem>>
      %dma_start3A_565 = arith.constant 0 : i32
      %dma_start3A_566 = tpu.memref_slice %arg3[%arg0, %add3A_551, %dma_start3A_565] : memref<2x10240x128xf32, #tpu.memory_space<hbm>> -> memref<1x128x128xf32, #tpu.memory_space<hbm>>
      %dma_start3A_567 = tpu.memref_squeeze %dma_start3A_566 : memref<1x128x128xf32, #tpu.memory_space<hbm>> -> memref<128x128xf32, #tpu.memory_space<hbm>>
      %dma_start3A_568 = arith.constant 0 : i32
      %dma_start3A_569 = tpu.memref_slice %arg3[%arg0, %add3A_551, %dma_start3A_568] : memref<2x10240x128xf32, #tpu.memory_space<hbm>> -> memref<1x128x128xf32, #tpu.memory_space<hbm>>
      %dma_start3A_570 = tpu.memref_squeeze %dma_start3A_569 : memref<1x128x128xf32, #tpu.memory_space<hbm>> -> memref<128x128xf32, #tpu.memory_space<hbm>>
      %dma_start3A_571 = arith.constant 0 : i32
      %dma_start3A_572 = arith.constant 0 : i32
      %dma_start3A_573 = tpu.memref_slice %arg6[%dma_start3A_571, %dma_start3A_572] : memref<128x128xf32, #tpu.memory_space<vmem>> -> memref<128x128xf32, #tpu.memory_space<vmem>>
      tpu.enqueue_dma source(%dma_start3A_573 : memref<128x128xf32, #tpu.memory_space<vmem>>) target(%dma_start3A_570 : memref<128x128xf32, #tpu.memory_space<hbm>>) target_semaphore(%run_scoped3A_562 : memref<!tpu.dma_semaphore, #tpu.memory_space<semaphore_mem>>)
      %dma_wait3A = arith.constant 0 : i32
      %dma_wait3A_574 = arith.constant 0 : i32
      %dma_wait3A_575 = tpu.memref_slice %arg6[%dma_wait3A, %dma_wait3A_574] : memref<128x128xf32, #tpu.memory_space<vmem>> -> memref<128x128xf32, #tpu.memory_space<vmem>>
      %dma_wait3A_576 = arith.constant 0 : i32
      %dma_wait3A_577 = tpu.memref_slice %arg3[%arg0, %add3A_551, %dma_wait3A_576] : memref<2x10240x128xf32, #tpu.memory_space<hbm>> -> memref<1x128x128xf32, #tpu.memory_space<hbm>>
      %dma_wait3A_578 = tpu.memref_squeeze %dma_wait3A_577 : memref<1x128x128xf32, #tpu.memory_space<hbm>> -> memref<128x128xf32, #tpu.memory_space<hbm>>
      %dma_wait3A_579 = arith.constant 0 : i32
      %dma_wait3A_580 = tpu.memref_slice %arg3[%arg0, %add3A_551, %dma_wait3A_579] : memref<2x10240x128xf32, #tpu.memory_space<hbm>> -> memref<1x128x128xf32, #tpu.memory_space<hbm>>
      %dma_wait3A_581 = tpu.memref_squeeze %dma_wait3A_580 : memref<1x128x128xf32, #tpu.memory_space<hbm>> -> memref<128x128xf32, #tpu.memory_space<hbm>>
      %dma_wait3A_582 = arith.constant 0 : i32
      %dma_wait3A_583 = arith.constant 0 : i32
      %dma_wait3A_584 = tpu.memref_slice %arg6[%dma_wait3A_582, %dma_wait3A_583] : memref<128x128xf32, #tpu.memory_space<vmem>> -> memref<128x128xf32, #tpu.memory_space<vmem>>
      tpu.wait_dma2 semaphore(%run_scoped3A_562 : memref<!tpu.dma_semaphore, #tpu.memory_space<semaphore_mem>>) src(%dma_wait3A_584 : memref<128x128xf32, #tpu.memory_space<vmem>>) dst(%dma_wait3A_581 : memref<128x128xf32, #tpu.memory_space<hbm>>)
      tpu.yield
    }) : () -> ()
    %run_scoped3A_552 = arith.constant 3 : i32
    "tpu.region"() ({
      %run_scoped3A_562 = tpu.sem_alloc : memref<!tpu.dma_semaphore, #tpu.memory_space<semaphore_mem>>
      %dma_start3A = arith.constant 0 : i32
      %dma_start3A_563 = arith.constant 0 : i32
      %dma_start3A_564 = tpu.memref_slice %arg6[%dma_start3A, %dma_start3A_563] : memref<128x128xf32, #tpu.memory_space<vmem>> -> memref<128x128xf32, #tpu.memory_space<vmem>>
      %dma_start3A_565 = arith.constant 0 : i32
      %dma_start3A_566 = tpu.memref_slice %arg7[%run_scoped3A_552, %dma_start3A_565] : memref<5x128xi32, #tpu.memory_space<vmem>> -> memref<1x128xi32, #tpu.memory_space<vmem>>
      %dma_start3A_567 = tpu.memref_squeeze %dma_start3A_566 : memref<1x128xi32, #tpu.memory_space<vmem>> -> memref<128xi32, #tpu.memory_space<vmem>>
      %dma_start3A_568 = arith.constant 0 : i32
      %dma_start3A_569 = arith.constant 0 : i32
      %dma_start3A_570 = tpu.memref_slice %arg8[%dma_start3A_568, %dma_start3A_569] : memref<10240x128xf32, #tpu.memory_space<vmem_shared>> -> memref<10240x128xf32, #tpu.memory_space<vmem_shared>>
      tpu.enqueue_indirect_dma source(%dma_start3A_570 : memref<10240x128xf32, #tpu.memory_space<vmem_shared>>) target(%dma_start3A_564 : memref<128x128xf32, #tpu.memory_space<vmem>>) offsets(%dma_start3A_567 : memref<128xi32, #tpu.memory_space<vmem>>) semaphore(%run_scoped3A_562 : memref<!tpu.dma_semaphore, #tpu.memory_space<semaphore_mem>>)
      %dma_wait3A = arith.constant 0 : i32
      %dma_wait3A_571 = arith.constant 0 : i32
      %dma_wait3A_572 = tpu.memref_slice %arg6[%dma_wait3A, %dma_wait3A_571] : memref<128x128xf32, #tpu.memory_space<vmem>> -> memref<128x128xf32, #tpu.memory_space<vmem>>
      %dma_wait3A_573 = arith.constant 0 : i32
      %dma_wait3A_574 = tpu.memref_slice %arg7[%run_scoped3A_552, %dma_wait3A_573] : memref<5x128xi32, #tpu.memory_space<vmem>> -> memref<1x128xi32, #tpu.memory_space<vmem>>
      %dma_wait3A_575 = tpu.memref_squeeze %dma_wait3A_574 : memref<1x128xi32, #tpu.memory_space<vmem>> -> memref<128xi32, #tpu.memory_space<vmem>>
      %dma_wait3A_576 = arith.constant 0 : i32
      %dma_wait3A_577 = arith.constant 0 : i32
      %dma_wait3A_578 = tpu.memref_slice %arg8[%dma_wait3A_576, %dma_wait3A_577] : memref<10240x128xf32, #tpu.memory_space<vmem_shared>> -> memref<10240x128xf32, #tpu.memory_space<vmem_shared>>
      tpu.wait_indirect_dma semaphore(%run_scoped3A_562 : memref<!tpu.dma_semaphore, #tpu.memory_space<semaphore_mem>>) src(%dma_wait3A_578 : memref<10240x128xf32, #tpu.memory_space<vmem_shared>>) dst(%dma_wait3A_572 : memref<128x128xf32, #tpu.memory_space<vmem>>)
      tpu.yield
    }) : () -> ()
    %mul3A_553 = arith.constant 640 : i32
    %mul3A_554 = arith.muli %arg1, %mul3A_553 : i32
    %add3A_555 = arith.constant 384 : i32
    %add3A_556 = arith.addi %mul3A_554, %add3A_555 : i32
    "tpu.region"() ({
      %run_scoped3A_562 = tpu.sem_alloc : memref<!tpu.dma_semaphore, #tpu.memory_space<semaphore_mem>>
      %dma_start3A = arith.constant 0 : i32
      %dma_start3A_563 = arith.constant 0 : i32
      %dma_start3A_564 = tpu.memref_slice %arg6[%dma_start3A, %dma_start3A_563] : memref<128x128xf32, #tpu.memory_space<vmem>> -> memref<128x128xf32, #tpu.memory_space<vmem>>
      %dma_start3A_565 = arith.constant 0 : i32
      %dma_start3A_566 = tpu.memref_slice %arg3[%arg0, %add3A_556, %dma_start3A_565] : memref<2x10240x128xf32, #tpu.memory_space<hbm>> -> memref<1x128x128xf32, #tpu.memory_space<hbm>>
      %dma_start3A_567 = tpu.memref_squeeze %dma_start3A_566 : memref<1x128x128xf32, #tpu.memory_space<hbm>> -> memref<128x128xf32, #tpu.memory_space<hbm>>
      %dma_start3A_568 = arith.constant 0 : i32
      %dma_start3A_569 = tpu.memref_slice %arg3[%arg0, %add3A_556, %dma_start3A_568] : memref<2x10240x128xf32, #tpu.memory_space<hbm>> -> memref<1x128x128xf32, #tpu.memory_space<hbm>>
      %dma_start3A_570 = tpu.memref_squeeze %dma_start3A_569 : memref<1x128x128xf32, #tpu.memory_space<hbm>> -> memref<128x128xf32, #tpu.memory_space<hbm>>
      %dma_start3A_571 = arith.constant 0 : i32
      %dma_start3A_572 = arith.constant 0 : i32
      %dma_start3A_573 = tpu.memref_slice %arg6[%dma_start3A_571, %dma_start3A_572] : memref<128x128xf32, #tpu.memory_space<vmem>> -> memref<128x128xf32, #tpu.memory_space<vmem>>
      tpu.enqueue_dma source(%dma_start3A_573 : memref<128x128xf32, #tpu.memory_space<vmem>>) target(%dma_start3A_570 : memref<128x128xf32, #tpu.memory_space<hbm>>) target_semaphore(%run_scoped3A_562 : memref<!tpu.dma_semaphore, #tpu.memory_space<semaphore_mem>>)
      %dma_wait3A = arith.constant 0 : i32
      %dma_wait3A_574 = arith.constant 0 : i32
      %dma_wait3A_575 = tpu.memref_slice %arg6[%dma_wait3A, %dma_wait3A_574] : memref<128x128xf32, #tpu.memory_space<vmem>> -> memref<128x128xf32, #tpu.memory_space<vmem>>
      %dma_wait3A_576 = arith.constant 0 : i32
      %dma_wait3A_577 = tpu.memref_slice %arg3[%arg0, %add3A_556, %dma_wait3A_576] : memref<2x10240x128xf32, #tpu.memory_space<hbm>> -> memref<1x128x128xf32, #tpu.memory_space<hbm>>
      %dma_wait3A_578 = tpu.memref_squeeze %dma_wait3A_577 : memref<1x128x128xf32, #tpu.memory_space<hbm>> -> memref<128x128xf32, #tpu.memory_space<hbm>>
      %dma_wait3A_579 = arith.constant 0 : i32
      %dma_wait3A_580 = tpu.memref_slice %arg3[%arg0, %add3A_556, %dma_wait3A_579] : memref<2x10240x128xf32, #tpu.memory_space<hbm>> -> memref<1x128x128xf32, #tpu.memory_space<hbm>>
      %dma_wait3A_581 = tpu.memref_squeeze %dma_wait3A_580 : memref<1x128x128xf32, #tpu.memory_space<hbm>> -> memref<128x128xf32, #tpu.memory_space<hbm>>
      %dma_wait3A_582 = arith.constant 0 : i32
      %dma_wait3A_583 = arith.constant 0 : i32
      %dma_wait3A_584 = tpu.memref_slice %arg6[%dma_wait3A_582, %dma_wait3A_583] : memref<128x128xf32, #tpu.memory_space<vmem>> -> memref<128x128xf32, #tpu.memory_space<vmem>>
      tpu.wait_dma2 semaphore(%run_scoped3A_562 : memref<!tpu.dma_semaphore, #tpu.memory_space<semaphore_mem>>) src(%dma_wait3A_584 : memref<128x128xf32, #tpu.memory_space<vmem>>) dst(%dma_wait3A_581 : memref<128x128xf32, #tpu.memory_space<hbm>>)
      tpu.yield
    }) : () -> ()
    %run_scoped3A_557 = arith.constant 4 : i32
    "tpu.region"() ({
      %run_scoped3A_562 = tpu.sem_alloc : memref<!tpu.dma_semaphore, #tpu.memory_space<semaphore_mem>>
      %dma_start3A = arith.constant 0 : i32
      %dma_start3A_563 = arith.constant 0 : i32
      %dma_start3A_564 = tpu.memref_slice %arg6[%dma_start3A, %dma_start3A_563] : memref<128x128xf32, #tpu.memory_space<vmem>> -> memref<128x128xf32, #tpu.memory_space<vmem>>
      %dma_start3A_565 = arith.constant 0 : i32
      %dma_start3A_566 = tpu.memref_slice %arg7[%run_scoped3A_557, %dma_start3A_565] : memref<5x128xi32, #tpu.memory_space<vmem>> -> memref<1x128xi32, #tpu.memory_space<vmem>>
      %dma_start3A_567 = tpu.memref_squeeze %dma_start3A_566 : memref<1x128xi32, #tpu.memory_space<vmem>> -> memref<128xi32, #tpu.memory_space<vmem>>
      %dma_start3A_568 = arith.constant 0 : i32
      %dma_start3A_569 = arith.constant 0 : i32
      %dma_start3A_570 = tpu.memref_slice %arg8[%dma_start3A_568, %dma_start3A_569] : memref<10240x128xf32, #tpu.memory_space<vmem_shared>> -> memref<10240x128xf32, #tpu.memory_space<vmem_shared>>
      tpu.enqueue_indirect_dma source(%dma_start3A_570 : memref<10240x128xf32, #tpu.memory_space<vmem_shared>>) target(%dma_start3A_564 : memref<128x128xf32, #tpu.memory_space<vmem>>) offsets(%dma_start3A_567 : memref<128xi32, #tpu.memory_space<vmem>>) semaphore(%run_scoped3A_562 : memref<!tpu.dma_semaphore, #tpu.memory_space<semaphore_mem>>)
      %dma_wait3A = arith.constant 0 : i32
      %dma_wait3A_571 = arith.constant 0 : i32
      %dma_wait3A_572 = tpu.memref_slice %arg6[%dma_wait3A, %dma_wait3A_571] : memref<128x128xf32, #tpu.memory_space<vmem>> -> memref<128x128xf32, #tpu.memory_space<vmem>>
      %dma_wait3A_573 = arith.constant 0 : i32
      %dma_wait3A_574 = tpu.memref_slice %arg7[%run_scoped3A_557, %dma_wait3A_573] : memref<5x128xi32, #tpu.memory_space<vmem>> -> memref<1x128xi32, #tpu.memory_space<vmem>>
      %dma_wait3A_575 = tpu.memref_squeeze %dma_wait3A_574 : memref<1x128xi32, #tpu.memory_space<vmem>> -> memref<128xi32, #tpu.memory_space<vmem>>
      %dma_wait3A_576 = arith.constant 0 : i32
      %dma_wait3A_577 = arith.constant 0 : i32
      %dma_wait3A_578 = tpu.memref_slice %arg8[%dma_wait3A_576, %dma_wait3A_577] : memref<10240x128xf32, #tpu.memory_space<vmem_shared>> -> memref<10240x128xf32, #tpu.memory_space<vmem_shared>>
      tpu.wait_indirect_dma semaphore(%run_scoped3A_562 : memref<!tpu.dma_semaphore, #tpu.memory_space<semaphore_mem>>) src(%dma_wait3A_578 : memref<10240x128xf32, #tpu.memory_space<vmem_shared>>) dst(%dma_wait3A_572 : memref<128x128xf32, #tpu.memory_space<vmem>>)
      tpu.yield
    }) : () -> ()
    %mul3A_558 = arith.constant 640 : i32
    %mul3A_559 = arith.muli %arg1, %mul3A_558 : i32
    %add3A_560 = arith.constant 512 : i32
    %add3A_561 = arith.addi %mul3A_559, %add3A_560 : i32
    "tpu.region"() ({
      %run_scoped3A_562 = tpu.sem_alloc : memref<!tpu.dma_semaphore, #tpu.memory_space<semaphore_mem>>
      %dma_start3A = arith.constant 0 : i32
      %dma_start3A_563 = arith.constant 0 : i32
      %dma_start3A_564 = tpu.memref_slice %arg6[%dma_start3A, %dma_start3A_563] : memref<128x128xf32, #tpu.memory_space<vmem>> -> memref<128x128xf32, #tpu.memory_space<vmem>>
      %dma_start3A_565 = arith.constant 0 : i32
      %dma_start3A_566 = tpu.memref_slice %arg3[%arg0, %add3A_561, %dma_start3A_565] : memref<2x10240x128xf32, #tpu.memory_space<hbm>> -> memref<1x128x128xf32, #tpu.memory_space<hbm>>
      %dma_start3A_567 = tpu.memref_squeeze %dma_start3A_566 : memref<1x128x128xf32, #tpu.memory_space<hbm>> -> memref<128x128xf32, #tpu.memory_space<hbm>>
      %dma_start3A_568 = arith.constant 0 : i32
      %dma_start3A_569 = tpu.memref_slice %arg3[%arg0, %add3A_561, %dma_start3A_568] : memref<2x10240x128xf32, #tpu.memory_space<hbm>> -> memref<1x128x128xf32, #tpu.memory_space<hbm>>
      %dma_start3A_570 = tpu.memref_squeeze %dma_start3A_569 : memref<1x128x128xf32, #tpu.memory_space<hbm>> -> memref<128x128xf32, #tpu.memory_space<hbm>>
      %dma_start3A_571 = arith.constant 0 : i32
      %dma_start3A_572 = arith.constant 0 : i32
      %dma_start3A_573 = tpu.memref_slice %arg6[%dma_start3A_571, %dma_start3A_572] : memref<128x128xf32, #tpu.memory_space<vmem>> -> memref<128x128xf32, #tpu.memory_space<vmem>>
      tpu.enqueue_dma source(%dma_start3A_573 : memref<128x128xf32, #tpu.memory_space<vmem>>) target(%dma_start3A_570 : memref<128x128xf32, #tpu.memory_space<hbm>>) target_semaphore(%run_scoped3A_562 : memref<!tpu.dma_semaphore, #tpu.memory_space<semaphore_mem>>)
      %dma_wait3A = arith.constant 0 : i32
      %dma_wait3A_574 = arith.constant 0 : i32
      %dma_wait3A_575 = tpu.memref_slice %arg6[%dma_wait3A, %dma_wait3A_574] : memref<128x128xf32, #tpu.memory_space<vmem>> -> memref<128x128xf32, #tpu.memory_space<vmem>>
      %dma_wait3A_576 = arith.constant 0 : i32
      %dma_wait3A_577 = tpu.memref_slice %arg3[%arg0, %add3A_561, %dma_wait3A_576] : memref<2x10240x128xf32, #tpu.memory_space<hbm>> -> memref<1x128x128xf32, #tpu.memory_space<hbm>>
      %dma_wait3A_578 = tpu.memref_squeeze %dma_wait3A_577 : memref<1x128x128xf32, #tpu.memory_space<hbm>> -> memref<128x128xf32, #tpu.memory_space<hbm>>
      %dma_wait3A_579 = arith.constant 0 : i32
      %dma_wait3A_580 = tpu.memref_slice %arg3[%arg0, %add3A_561, %dma_wait3A_579] : memref<2x10240x128xf32, #tpu.memory_space<hbm>> -> memref<1x128x128xf32, #tpu.memory_space<hbm>>
      %dma_wait3A_581 = tpu.memref_squeeze %dma_wait3A_580 : memref<1x128x128xf32, #tpu.memory_space<hbm>> -> memref<128x128xf32, #tpu.memory_space<hbm>>
      %dma_wait3A_582 = arith.constant 0 : i32
      %dma_wait3A_583 = arith.constant 0 : i32
      %dma_wait3A_584 = tpu.memref_slice %arg6[%dma_wait3A_582, %dma_wait3A_583] : memref<128x128xf32, #tpu.memory_space<vmem>> -> memref<128x128xf32, #tpu.memory_space<vmem>>
      tpu.wait_dma2 semaphore(%run_scoped3A_562 : memref<!tpu.dma_semaphore, #tpu.memory_space<semaphore_mem>>) src(%dma_wait3A_584 : memref<128x128xf32, #tpu.memory_space<vmem>>) dst(%dma_wait3A_581 : memref<128x128xf32, #tpu.memory_space<hbm>>)
      tpu.yield
    }) : () -> ()
    return
  }
}

#map = affine_map<(d0, d1) -> (0, 0)>
#map1 = affine_map<(d0, d1) -> (0, 0, 0)>
module attributes {stable_mosaic.version = 14 : i64} {
  func.func @_scatter_kernel(%arg0: i32, %arg1: i32, %arg2: memref<10240x128xf32, #tpu.memory_space<hbm>>, %arg3: memref<32x80x128xi32, #tpu.memory_space<hbm>>, %arg4: memref<32x80x128xi32, #tpu.memory_space<hbm>>, %arg5: memref<2x10240x128xf32, #tpu.memory_space<hbm>>, %arg6: memref<80x128xi32, #tpu.memory_space<vmem>>, %arg7: memref<80x128xi32, #tpu.memory_space<vmem>>, %arg8: memref<128x128xf32, #tpu.memory_space<vmem>>, %arg9: memref<5x128xi32, #tpu.memory_space<vmem>>, %arg10: memref<10240x128xf32, #tpu.memory_space<vmem_shared>>, %arg11: memref<!tpu.dma_semaphore, #tpu.memory_space<semaphore_mem>>) attributes {dimension_semantics = [#tpu.dimension_semantics<core_parallel>, #tpu.dimension_semantics<subcore_parallel>], iteration_bounds = array<i64: 2, 16>, scalar_prefetch = 0 : i64, scratch_operands = 6 : i64, tpu.core_type = #tpu.core_type<sc_vector_subcore>, window_params = [{transform_indices = #map}, {transform_indices = #map1}, {transform_indices = #map1}, {transform_indices = #map1}]} {
    %mul3A = arith.constant 2 : i32
    %mul3A_0 = arith.muli %arg1, %mul3A : i32
    %add3A = arith.addi %mul3A_0, %arg0 : i32
    "tpu.region"() ({
      %run_scoped3A_562 = tpu.sem_alloc : memref<!tpu.dma_semaphore, #tpu.memory_space<semaphore_mem>>
      %dma_start3A = arith.constant 0 : i32
      %dma_start3A_563 = arith.constant 0 : i32
      %dma_start3A_564 = tpu.memref_slice %arg3[%add3A, %dma_start3A, %dma_start3A_563] : memref<32x80x128xi32, #tpu.memory_space<hbm>> -> memref<1x80x128xi32, #tpu.memory_space<hbm>>
      %dma_start3A_565 = tpu.memref_squeeze %dma_start3A_564 : memref<1x80x128xi32, #tpu.memory_space<hbm>> -> memref<80x128xi32, #tpu.memory_space<hbm>>
      %dma_start3A_566 = arith.constant 0 : i32
      %dma_start3A_567 = arith.constant 0 : i32
      %dma_start3A_568 = tpu.memref_slice %arg3[%add3A, %dma_start3A_566, %dma_start3A_567] : memref<32x80x128xi32, #tpu.memory_space<hbm>> -> memref<1x80x128xi32, #tpu.memory_space<hbm>>
      %dma_start3A_569 = tpu.memref_squeeze %dma_start3A_568 : memref<1x80x128xi32, #tpu.memory_space<hbm>> -> memref<80x128xi32, #tpu.memory_space<hbm>>
      tpu.enqueue_dma source(%dma_start3A_569 : memref<80x128xi32, #tpu.memory_space<hbm>>) target(%arg6 : memref<80x128xi32, #tpu.memory_space<vmem>>) target_semaphore(%run_scoped3A_562 : memref<!tpu.dma_semaphore, #tpu.memory_space<semaphore_mem>>)
      %dma_wait3A = arith.constant 0 : i32
      %dma_wait3A_570 = arith.constant 0 : i32
      %dma_wait3A_571 = tpu.memref_slice %arg3[%add3A, %dma_wait3A, %dma_wait3A_570] : memref<32x80x128xi32, #tpu.memory_space<hbm>> -> memref<1x80x128xi32, #tpu.memory_space<hbm>>
      %dma_wait3A_572 = tpu.memref_squeeze %dma_wait3A_571 : memref<1x80x128xi32, #tpu.memory_space<hbm>> -> memref<80x128xi32, #tpu.memory_space<hbm>>
      %dma_wait3A_573 = arith.constant 0 : i32
      %dma_wait3A_574 = arith.constant 0 : i32
      %dma_wait3A_575 = tpu.memref_slice %arg3[%add3A, %dma_wait3A_573, %dma_wait3A_574] : memref<32x80x128xi32, #tpu.memory_space<hbm>> -> memref<1x80x128xi32, #tpu.memory_space<hbm>>
      %dma_wait3A_576 = tpu.memref_squeeze %dma_wait3A_575 : memref<1x80x128xi32, #tpu.memory_space<hbm>> -> memref<80x128xi32, #tpu.memory_space<hbm>>
      tpu.wait_dma2 semaphore(%run_scoped3A_562 : memref<!tpu.dma_semaphore, #tpu.memory_space<semaphore_mem>>) src(%dma_wait3A_576 : memref<80x128xi32, #tpu.memory_space<hbm>>) dst(%arg6 : memref<80x128xi32, #tpu.memory_space<vmem>>)
      tpu.yield
    }) : () -> ()
    "tpu.region"() ({
      %run_scoped3A_562 = tpu.sem_alloc : memref<!tpu.dma_semaphore, #tpu.memory_space<semaphore_mem>>
      %dma_start3A = arith.constant 0 : i32
      %dma_start3A_563 = arith.constant 0 : i32
      %dma_start3A_564 = tpu.memref_slice %arg4[%add3A, %dma_start3A, %dma_start3A_563] : memref<32x80x128xi32, #tpu.memory_space<hbm>> -> memref<1x80x128xi32, #tpu.memory_space<hbm>>
      %dma_start3A_565 = tpu.memref_squeeze %dma_start3A_564 : memref<1x80x128xi32, #tpu.memory_space<hbm>> -> memref<80x128xi32, #tpu.memory_space<hbm>>
      %dma_start3A_566 = arith.constant 0 : i32
      %dma_start3A_567 = arith.constant 0 : i32
      %dma_start3A_568 = tpu.memref_slice %arg4[%add3A, %dma_start3A_566, %dma_start3A_567] : memref<32x80x128xi32, #tpu.memory_space<hbm>> -> memref<1x80x128xi32, #tpu.memory_space<hbm>>
      %dma_start3A_569 = tpu.memref_squeeze %dma_start3A_568 : memref<1x80x128xi32, #tpu.memory_space<hbm>> -> memref<80x128xi32, #tpu.memory_space<hbm>>
      tpu.enqueue_dma source(%dma_start3A_569 : memref<80x128xi32, #tpu.memory_space<hbm>>) target(%arg7 : memref<80x128xi32, #tpu.memory_space<vmem>>) target_semaphore(%run_scoped3A_562 : memref<!tpu.dma_semaphore, #tpu.memory_space<semaphore_mem>>)
      %dma_wait3A = arith.constant 0 : i32
      %dma_wait3A_570 = arith.constant 0 : i32
      %dma_wait3A_571 = tpu.memref_slice %arg4[%add3A, %dma_wait3A, %dma_wait3A_570] : memref<32x80x128xi32, #tpu.memory_space<hbm>> -> memref<1x80x128xi32, #tpu.memory_space<hbm>>
      %dma_wait3A_572 = tpu.memref_squeeze %dma_wait3A_571 : memref<1x80x128xi32, #tpu.memory_space<hbm>> -> memref<80x128xi32, #tpu.memory_space<hbm>>
      %dma_wait3A_573 = arith.constant 0 : i32
      %dma_wait3A_574 = arith.constant 0 : i32
      %dma_wait3A_575 = tpu.memref_slice %arg4[%add3A, %dma_wait3A_573, %dma_wait3A_574] : memref<32x80x128xi32, #tpu.memory_space<hbm>> -> memref<1x80x128xi32, #tpu.memory_space<hbm>>
      %dma_wait3A_576 = tpu.memref_squeeze %dma_wait3A_575 : memref<1x80x128xi32, #tpu.memory_space<hbm>> -> memref<80x128xi32, #tpu.memory_space<hbm>>
      tpu.wait_dma2 semaphore(%run_scoped3A_562 : memref<!tpu.dma_semaphore, #tpu.memory_space<semaphore_mem>>) src(%dma_wait3A_576 : memref<80x128xi32, #tpu.memory_space<hbm>>) dst(%arg7 : memref<80x128xi32, #tpu.memory_space<vmem>>)
      tpu.yield
    }) : () -> ()
    %scan3A = arith.constant 0 : i32
    %scan3A_1 = arith.constant 0 : i32
    %scan3A_2 = arith.constant 128 : i32
    %scan3A_3 = arith.addi %scan3A_1, %scan3A_2 : i32
    %scan3A_4 = arith.constant 1 : i32
    scf.for %scan3A_562 = %scan3A_1 to %scan3A_3 step %scan3A_4  : i32 {
      %broadcast_in_dim3A = arith.constant 0.000000e+00 : f32
      %broadcast_in_dim3A_563 = vector.broadcast %broadcast_in_dim3A : f32 to vector<16xf32>
      %swap3A_564 = arith.index_cast %scan3A_562 : i32 to index
      %swap3A_565 = arith.constant 0 : index
      %swap3A_566 = tpu.vector_load %arg8[%swap3A_564, %swap3A_565] {strides = array<i32>} : memref<128x128xf32, #tpu.memory_space<vmem>>, vector<1x16xf32>,
      %swap3A_567 = vector.shape_cast %swap3A_566 : vector<1x16xf32> to vector<16xf32>
      %swap3A_568 = vector.shape_cast %broadcast_in_dim3A_563 : vector<16xf32> to vector<1x16xf32>
      tpu.vector_store %arg8[%swap3A_564, %swap3A_565], %swap3A_568 {strides = array<i32>} : memref<128x128xf32, #tpu.memory_space<vmem>>, vector<1x16xf32>,
      %broadcast_in_dim3A_569 = arith.constant 0.000000e+00 : f32
      %broadcast_in_dim3A_570 = vector.broadcast %broadcast_in_dim3A_569 : f32 to vector<16xf32>
      %swap3A_571 = arith.index_cast %scan3A_562 : i32 to index
      %swap3A_572 = arith.constant 16 : index
      %swap3A_573 = tpu.vector_load %arg8[%swap3A_571, %swap3A_572] {strides = array<i32>} : memref<128x128xf32, #tpu.memory_space<vmem>>, vector<1x16xf32>,
      %swap3A_574 = vector.shape_cast %swap3A_573 : vector<1x16xf32> to vector<16xf32>
      %swap3A_575 = vector.shape_cast %broadcast_in_dim3A_570 : vector<16xf32> to vector<1x16xf32>
      tpu.vector_store %arg8[%swap3A_571, %swap3A_572], %swap3A_575 {strides = array<i32>} : memref<128x128xf32, #tpu.memory_space<vmem>>, vector<1x16xf32>,
      %broadcast_in_dim3A_576 = arith.constant 0.000000e+00 : f32
      %broadcast_in_dim3A_577 = vector.broadcast %broadcast_in_dim3A_576 : f32 to vector<16xf32>
      %swap3A_578 = arith.index_cast %scan3A_562 : i32 to index
      %swap3A_579 = arith.constant 32 : index
      %swap3A_580 = tpu.vector_load %arg8[%swap3A_578, %swap3A_579] {strides = array<i32>} : memref<128x128xf32, #tpu.memory_space<vmem>>, vector<1x16xf32>,
      %swap3A_581 = vector.shape_cast %swap3A_580 : vector<1x16xf32> to vector<16xf32>
      %swap3A_582 = vector.shape_cast %broadcast_in_dim3A_577 : vector<16xf32> to vector<1x16xf32>
      tpu.vector_store %arg8[%swap3A_578, %swap3A_579], %swap3A_582 {strides = array<i32>} : memref<128x128xf32, #tpu.memory_space<vmem>>, vector<1x16xf32>,
      %broadcast_in_dim3A_583 = arith.constant 0.000000e+00 : f32
      %broadcast_in_dim3A_584 = vector.broadcast %broadcast_in_dim3A_583 : f32 to vector<16xf32>
      %swap3A_585 = arith.index_cast %scan3A_562 : i32 to index
      %swap3A_586 = arith.constant 48 : index
      %swap3A_587 = tpu.vector_load %arg8[%swap3A_585, %swap3A_586] {strides = array<i32>} : memref<128x128xf32, #tpu.memory_space<vmem>>, vector<1x16xf32>,
      %swap3A_588 = vector.shape_cast %swap3A_587 : vector<1x16xf32> to vector<16xf32>
      %swap3A_589 = vector.shape_cast %broadcast_in_dim3A_584 : vector<16xf32> to vector<1x16xf32>
      tpu.vector_store %arg8[%swap3A_585, %swap3A_586], %swap3A_589 {strides = array<i32>} : memref<128x128xf32, #tpu.memory_space<vmem>>, vector<1x16xf32>,
      %broadcast_in_dim3A_590 = arith.constant 0.000000e+00 : f32
      %broadcast_in_dim3A_591 = vector.broadcast %broadcast_in_dim3A_590 : f32 to vector<16xf32>
      %swap3A_592 = arith.index_cast %scan3A_562 : i32 to index
      %swap3A_593 = arith.constant 64 : index
      %swap3A_594 = tpu.vector_load %arg8[%swap3A_592, %swap3A_593] {strides = array<i32>} : memref<128x128xf32, #tpu.memory_space<vmem>>, vector<1x16xf32>,
      %swap3A_595 = vector.shape_cast %swap3A_594 : vector<1x16xf32> to vector<16xf32>
      %swap3A_596 = vector.shape_cast %broadcast_in_dim3A_591 : vector<16xf32> to vector<1x16xf32>
      tpu.vector_store %arg8[%swap3A_592, %swap3A_593], %swap3A_596 {strides = array<i32>} : memref<128x128xf32, #tpu.memory_space<vmem>>, vector<1x16xf32>,
      %broadcast_in_dim3A_597 = arith.constant 0.000000e+00 : f32
      %broadcast_in_dim3A_598 = vector.broadcast %broadcast_in_dim3A_597 : f32 to vector<16xf32>
      %swap3A_599 = arith.index_cast %scan3A_562 : i32 to index
      %swap3A_600 = arith.constant 80 : index
      %swap3A_601 = tpu.vector_load %arg8[%swap3A_599, %swap3A_600] {strides = array<i32>} : memref<128x128xf32, #tpu.memory_space<vmem>>, vector<1x16xf32>,
      %swap3A_602 = vector.shape_cast %swap3A_601 : vector<1x16xf32> to vector<16xf32>
      %swap3A_603 = vector.shape_cast %broadcast_in_dim3A_598 : vector<16xf32> to vector<1x16xf32>
      tpu.vector_store %arg8[%swap3A_599, %swap3A_600], %swap3A_603 {strides = array<i32>} : memref<128x128xf32, #tpu.memory_space<vmem>>, vector<1x16xf32>,
      %broadcast_in_dim3A_604 = arith.constant 0.000000e+00 : f32
      %broadcast_in_dim3A_605 = vector.broadcast %broadcast_in_dim3A_604 : f32 to vector<16xf32>
      %swap3A_606 = arith.index_cast %scan3A_562 : i32 to index
      %swap3A_607 = arith.constant 96 : index
      %swap3A_608 = tpu.vector_load %arg8[%swap3A_606, %swap3A_607] {strides = array<i32>} : memref<128x128xf32, #tpu.memory_space<vmem>>, vector<1x16xf32>,
      %swap3A_609 = vector.shape_cast %swap3A_608 : vector<1x16xf32> to vector<16xf32>
      %swap3A_610 = vector.shape_cast %broadcast_in_dim3A_605 : vector<16xf32> to vector<1x16xf32>
      tpu.vector_store %arg8[%swap3A_606, %swap3A_607], %swap3A_610 {strides = array<i32>} : memref<128x128xf32, #tpu.memory_space<vmem>>, vector<1x16xf32>,
      %broadcast_in_dim3A_611 = arith.constant 0.000000e+00 : f32
      %broadcast_in_dim3A_612 = vector.broadcast %broadcast_in_dim3A_611 : f32 to vector<16xf32>
      %swap3A_613 = arith.index_cast %scan3A_562 : i32 to index
      %swap3A_614 = arith.constant 112 : index
      %swap3A_615 = tpu.vector_load %arg8[%swap3A_613, %swap3A_614] {strides = array<i32>} : memref<128x128xf32, #tpu.memory_space<vmem>>, vector<1x16xf32>,
      %swap3A_616 = vector.shape_cast %swap3A_615 : vector<1x16xf32> to vector<16xf32>
      %swap3A_617 = vector.shape_cast %broadcast_in_dim3A_612 : vector<16xf32> to vector<1x16xf32>
      tpu.vector_store %arg8[%swap3A_613, %swap3A_614], %swap3A_617 {strides = array<i32>} : memref<128x128xf32, #tpu.memory_space<vmem>>, vector<1x16xf32>,
    }
    %scan3A_5 = arith.constant 128 : i32
    %mul3A_6 = arith.constant 640 : i32
    %mul3A_7 = arith.muli %arg1, %mul3A_6 : i32
    %iota3A = tpu.iota {dimensions = array<i32: 0>} : vector<16xi32>
    %add3A_8 = arith.constant 0 : i32
    %add3A_9 = arith.addi %mul3A_7, %add3A_8 : i32
    %add3A_10 = arith.constant 0 : i32
    %add3A_11 = arith.addi %add3A_9, %add3A_10 : i32
    %add3A_12 = vector.broadcast %add3A_11 : i32 to vector<16xi32>
    %add3A_13 = arith.addi %iota3A, %add3A_12 : vector<16xi32>
    %swap3A = arith.constant 0 : i32
    %swap3A_14 = arith.index_cast %swap3A : i32 to index
    %swap3A_15 = arith.constant 0 : index
    %swap3A_16 = tpu.vector_load %arg9[%swap3A_14, %swap3A_15] {strides = array<i32>} : memref<5x128xi32, #tpu.memory_space<vmem>>, vector<1x16xi32>,
    %swap3A_17 = vector.shape_cast %swap3A_16 : vector<1x16xi32> to vector<16xi32>
    %swap3A_18 = vector.shape_cast %add3A_13 : vector<16xi32> to vector<1x16xi32>
    tpu.vector_store %arg9[%swap3A_14, %swap3A_15], %swap3A_18 {strides = array<i32>} : memref<5x128xi32, #tpu.memory_space<vmem>>, vector<1x16xi32>,
    %iota3A_19 = tpu.iota {dimensions = array<i32: 0>} : vector<16xi32>
    %add3A_20 = arith.constant 0 : i32
    %add3A_21 = arith.addi %mul3A_7, %add3A_20 : i32
    %add3A_22 = arith.constant 16 : i32
    %add3A_23 = arith.addi %add3A_21, %add3A_22 : i32
    %add3A_24 = vector.broadcast %add3A_23 : i32 to vector<16xi32>
    %add3A_25 = arith.addi %iota3A_19, %add3A_24 : vector<16xi32>
    %swap3A_26 = arith.constant 0 : i32
    %swap3A_27 = arith.index_cast %swap3A_26 : i32 to index
    %swap3A_28 = arith.constant 16 : index
    %swap3A_29 = tpu.vector_load %arg9[%swap3A_27, %swap3A_28] {strides = array<i32>} : memref<5x128xi32, #tpu.memory_space<vmem>>, vector<1x16xi32>,
    %swap3A_30 = vector.shape_cast %swap3A_29 : vector<1x16xi32> to vector<16xi32>
    %swap3A_31 = vector.shape_cast %add3A_25 : vector<16xi32> to vector<1x16xi32>
    tpu.vector_store %arg9[%swap3A_27, %swap3A_28], %swap3A_31 {strides = array<i32>} : memref<5x128xi32, #tpu.memory_space<vmem>>, vector<1x16xi32>,
    %iota3A_32 = tpu.iota {dimensions = array<i32: 0>} : vector<16xi32>
    %add3A_33 = arith.constant 0 : i32
    %add3A_34 = arith.addi %mul3A_7, %add3A_33 : i32
    %add3A_35 = arith.constant 32 : i32
    %add3A_36 = arith.addi %add3A_34, %add3A_35 : i32
    %add3A_37 = vector.broadcast %add3A_36 : i32 to vector<16xi32>
    %add3A_38 = arith.addi %iota3A_32, %add3A_37 : vector<16xi32>
    %swap3A_39 = arith.constant 0 : i32
    %swap3A_40 = arith.index_cast %swap3A_39 : i32 to index
    %swap3A_41 = arith.constant 32 : index
    %swap3A_42 = tpu.vector_load %arg9[%swap3A_40, %swap3A_41] {strides = array<i32>} : memref<5x128xi32, #tpu.memory_space<vmem>>, vector<1x16xi32>,
    %swap3A_43 = vector.shape_cast %swap3A_42 : vector<1x16xi32> to vector<16xi32>
    %swap3A_44 = vector.shape_cast %add3A_38 : vector<16xi32> to vector<1x16xi32>
    tpu.vector_store %arg9[%swap3A_40, %swap3A_41], %swap3A_44 {strides = array<i32>} : memref<5x128xi32, #tpu.memory_space<vmem>>, vector<1x16xi32>,
    %iota3A_45 = tpu.iota {dimensions = array<i32: 0>} : vector<16xi32>
    %add3A_46 = arith.constant 0 : i32
    %add3A_47 = arith.addi %mul3A_7, %add3A_46 : i32
    %add3A_48 = arith.constant 48 : i32
    %add3A_49 = arith.addi %add3A_47, %add3A_48 : i32
    %add3A_50 = vector.broadcast %add3A_49 : i32 to vector<16xi32>
    %add3A_51 = arith.addi %iota3A_45, %add3A_50 : vector<16xi32>
    %swap3A_52 = arith.constant 0 : i32
    %swap3A_53 = arith.index_cast %swap3A_52 : i32 to index
    %swap3A_54 = arith.constant 48 : index
    %swap3A_55 = tpu.vector_load %arg9[%swap3A_53, %swap3A_54] {strides = array<i32>} : memref<5x128xi32, #tpu.memory_space<vmem>>, vector<1x16xi32>,
    %swap3A_56 = vector.shape_cast %swap3A_55 : vector<1x16xi32> to vector<16xi32>
    %swap3A_57 = vector.shape_cast %add3A_51 : vector<16xi32> to vector<1x16xi32>
    tpu.vector_store %arg9[%swap3A_53, %swap3A_54], %swap3A_57 {strides = array<i32>} : memref<5x128xi32, #tpu.memory_space<vmem>>, vector<1x16xi32>,
    %iota3A_58 = tpu.iota {dimensions = array<i32: 0>} : vector<16xi32>
    %add3A_59 = arith.constant 0 : i32
    %add3A_60 = arith.addi %mul3A_7, %add3A_59 : i32
    %add3A_61 = arith.constant 64 : i32
    %add3A_62 = arith.addi %add3A_60, %add3A_61 : i32
    %add3A_63 = vector.broadcast %add3A_62 : i32 to vector<16xi32>
    %add3A_64 = arith.addi %iota3A_58, %add3A_63 : vector<16xi32>
    %swap3A_65 = arith.constant 0 : i32
    %swap3A_66 = arith.index_cast %swap3A_65 : i32 to index
    %swap3A_67 = arith.constant 64 : index
    %swap3A_68 = tpu.vector_load %arg9[%swap3A_66, %swap3A_67] {strides = array<i32>} : memref<5x128xi32, #tpu.memory_space<vmem>>, vector<1x16xi32>,
    %swap3A_69 = vector.shape_cast %swap3A_68 : vector<1x16xi32> to vector<16xi32>
    %swap3A_70 = vector.shape_cast %add3A_64 : vector<16xi32> to vector<1x16xi32>
    tpu.vector_store %arg9[%swap3A_66, %swap3A_67], %swap3A_70 {strides = array<i32>} : memref<5x128xi32, #tpu.memory_space<vmem>>, vector<1x16xi32>,
    %iota3A_71 = tpu.iota {dimensions = array<i32: 0>} : vector<16xi32>
    %add3A_72 = arith.constant 0 : i32
    %add3A_73 = arith.addi %mul3A_7, %add3A_72 : i32
    %add3A_74 = arith.constant 80 : i32
    %add3A_75 = arith.addi %add3A_73, %add3A_74 : i32
    %add3A_76 = vector.broadcast %add3A_75 : i32 to vector<16xi32>
    %add3A_77 = arith.addi %iota3A_71, %add3A_76 : vector<16xi32>
    %swap3A_78 = arith.constant 0 : i32
    %swap3A_79 = arith.index_cast %swap3A_78 : i32 to index
    %swap3A_80 = arith.constant 80 : index
    %swap3A_81 = tpu.vector_load %arg9[%swap3A_79, %swap3A_80] {strides = array<i32>} : memref<5x128xi32, #tpu.memory_space<vmem>>, vector<1x16xi32>,
    %swap3A_82 = vector.shape_cast %swap3A_81 : vector<1x16xi32> to vector<16xi32>
    %swap3A_83 = vector.shape_cast %add3A_77 : vector<16xi32> to vector<1x16xi32>
    tpu.vector_store %arg9[%swap3A_79, %swap3A_80], %swap3A_83 {strides = array<i32>} : memref<5x128xi32, #tpu.memory_space<vmem>>, vector<1x16xi32>,
    %iota3A_84 = tpu.iota {dimensions = array<i32: 0>} : vector<16xi32>
    %add3A_85 = arith.constant 0 : i32
    %add3A_86 = arith.addi %mul3A_7, %add3A_85 : i32
    %add3A_87 = arith.constant 96 : i32
    %add3A_88 = arith.addi %add3A_86, %add3A_87 : i32
    %add3A_89 = vector.broadcast %add3A_88 : i32 to vector<16xi32>
    %add3A_90 = arith.addi %iota3A_84, %add3A_89 : vector<16xi32>
    %swap3A_91 = arith.constant 0 : i32
    %swap3A_92 = arith.index_cast %swap3A_91 : i32 to index
    %swap3A_93 = arith.constant 96 : index
    %swap3A_94 = tpu.vector_load %arg9[%swap3A_92, %swap3A_93] {strides = array<i32>} : memref<5x128xi32, #tpu.memory_space<vmem>>, vector<1x16xi32>,
    %swap3A_95 = vector.shape_cast %swap3A_94 : vector<1x16xi32> to vector<16xi32>
    %swap3A_96 = vector.shape_cast %add3A_90 : vector<16xi32> to vector<1x16xi32>
    tpu.vector_store %arg9[%swap3A_92, %swap3A_93], %swap3A_96 {strides = array<i32>} : memref<5x128xi32, #tpu.memory_space<vmem>>, vector<1x16xi32>,
    %iota3A_97 = tpu.iota {dimensions = array<i32: 0>} : vector<16xi32>
    %add3A_98 = arith.constant 0 : i32
    %add3A_99 = arith.addi %mul3A_7, %add3A_98 : i32
    %add3A_100 = arith.constant 112 : i32
    %add3A_101 = arith.addi %add3A_99, %add3A_100 : i32
    %add3A_102 = vector.broadcast %add3A_101 : i32 to vector<16xi32>
    %add3A_103 = arith.addi %iota3A_97, %add3A_102 : vector<16xi32>
    %swap3A_104 = arith.constant 0 : i32
    %swap3A_105 = arith.index_cast %swap3A_104 : i32 to index
    %swap3A_106 = arith.constant 112 : index
    %swap3A_107 = tpu.vector_load %arg9[%swap3A_105, %swap3A_106] {strides = array<i32>} : memref<5x128xi32, #tpu.memory_space<vmem>>, vector<1x16xi32>,
    %swap3A_108 = vector.shape_cast %swap3A_107 : vector<1x16xi32> to vector<16xi32>
    %swap3A_109 = vector.shape_cast %add3A_103 : vector<16xi32> to vector<1x16xi32>
    tpu.vector_store %arg9[%swap3A_105, %swap3A_106], %swap3A_109 {strides = array<i32>} : memref<5x128xi32, #tpu.memory_space<vmem>>, vector<1x16xi32>,
    %iota3A_110 = tpu.iota {dimensions = array<i32: 0>} : vector<16xi32>
    %add3A_111 = arith.constant 128 : i32
    %add3A_112 = arith.addi %mul3A_7, %add3A_111 : i32
    %add3A_113 = arith.constant 0 : i32
    %add3A_114 = arith.addi %add3A_112, %add3A_113 : i32
    %add3A_115 = vector.broadcast %add3A_114 : i32 to vector<16xi32>
    %add3A_116 = arith.addi %iota3A_110, %add3A_115 : vector<16xi32>
    %swap3A_117 = arith.constant 1 : i32
    %swap3A_118 = arith.index_cast %swap3A_117 : i32 to index
    %swap3A_119 = arith.constant 0 : index
    %swap3A_120 = tpu.vector_load %arg9[%swap3A_118, %swap3A_119] {strides = array<i32>} : memref<5x128xi32, #tpu.memory_space<vmem>>, vector<1x16xi32>,
    %swap3A_121 = vector.shape_cast %swap3A_120 : vector<1x16xi32> to vector<16xi32>
    %swap3A_122 = vector.shape_cast %add3A_116 : vector<16xi32> to vector<1x16xi32>
    tpu.vector_store %arg9[%swap3A_118, %swap3A_119], %swap3A_122 {strides = array<i32>} : memref<5x128xi32, #tpu.memory_space<vmem>>, vector<1x16xi32>,
    %iota3A_123 = tpu.iota {dimensions = array<i32: 0>} : vector<16xi32>
    %add3A_124 = arith.constant 128 : i32
    %add3A_125 = arith.addi %mul3A_7, %add3A_124 : i32
    %add3A_126 = arith.constant 16 : i32
    %add3A_127 = arith.addi %add3A_125, %add3A_126 : i32
    %add3A_128 = vector.broadcast %add3A_127 : i32 to vector<16xi32>
    %add3A_129 = arith.addi %iota3A_123, %add3A_128 : vector<16xi32>
    %swap3A_130 = arith.constant 1 : i32
    %swap3A_131 = arith.index_cast %swap3A_130 : i32 to index
    %swap3A_132 = arith.constant 16 : index
    %swap3A_133 = tpu.vector_load %arg9[%swap3A_131, %swap3A_132] {strides = array<i32>} : memref<5x128xi32, #tpu.memory_space<vmem>>, vector<1x16xi32>,
    %swap3A_134 = vector.shape_cast %swap3A_133 : vector<1x16xi32> to vector<16xi32>
    %swap3A_135 = vector.shape_cast %add3A_129 : vector<16xi32> to vector<1x16xi32>
    tpu.vector_store %arg9[%swap3A_131, %swap3A_132], %swap3A_135 {strides = array<i32>} : memref<5x128xi32, #tpu.memory_space<vmem>>, vector<1x16xi32>,
    %iota3A_136 = tpu.iota {dimensions = array<i32: 0>} : vector<16xi32>
    %add3A_137 = arith.constant 128 : i32
    %add3A_138 = arith.addi %mul3A_7, %add3A_137 : i32
    %add3A_139 = arith.constant 32 : i32
    %add3A_140 = arith.addi %add3A_138, %add3A_139 : i32
    %add3A_141 = vector.broadcast %add3A_140 : i32 to vector<16xi32>
    %add3A_142 = arith.addi %iota3A_136, %add3A_141 : vector<16xi32>
    %swap3A_143 = arith.constant 1 : i32
    %swap3A_144 = arith.index_cast %swap3A_143 : i32 to index
    %swap3A_145 = arith.constant 32 : index
    %swap3A_146 = tpu.vector_load %arg9[%swap3A_144, %swap3A_145] {strides = array<i32>} : memref<5x128xi32, #tpu.memory_space<vmem>>, vector<1x16xi32>,
    %swap3A_147 = vector.shape_cast %swap3A_146 : vector<1x16xi32> to vector<16xi32>
    %swap3A_148 = vector.shape_cast %add3A_142 : vector<16xi32> to vector<1x16xi32>
    tpu.vector_store %arg9[%swap3A_144, %swap3A_145], %swap3A_148 {strides = array<i32>} : memref<5x128xi32, #tpu.memory_space<vmem>>, vector<1x16xi32>,
    %iota3A_149 = tpu.iota {dimensions = array<i32: 0>} : vector<16xi32>
    %add3A_150 = arith.constant 128 : i32
    %add3A_151 = arith.addi %mul3A_7, %add3A_150 : i32
    %add3A_152 = arith.constant 48 : i32
    %add3A_153 = arith.addi %add3A_151, %add3A_152 : i32
    %add3A_154 = vector.broadcast %add3A_153 : i32 to vector<16xi32>
    %add3A_155 = arith.addi %iota3A_149, %add3A_154 : vector<16xi32>
    %swap3A_156 = arith.constant 1 : i32
    %swap3A_157 = arith.index_cast %swap3A_156 : i32 to index
    %swap3A_158 = arith.constant 48 : index
    %swap3A_159 = tpu.vector_load %arg9[%swap3A_157, %swap3A_158] {strides = array<i32>} : memref<5x128xi32, #tpu.memory_space<vmem>>, vector<1x16xi32>,
    %swap3A_160 = vector.shape_cast %swap3A_159 : vector<1x16xi32> to vector<16xi32>
    %swap3A_161 = vector.shape_cast %add3A_155 : vector<16xi32> to vector<1x16xi32>
    tpu.vector_store %arg9[%swap3A_157, %swap3A_158], %swap3A_161 {strides = array<i32>} : memref<5x128xi32, #tpu.memory_space<vmem>>, vector<1x16xi32>,
    %iota3A_162 = tpu.iota {dimensions = array<i32: 0>} : vector<16xi32>
    %add3A_163 = arith.constant 128 : i32
    %add3A_164 = arith.addi %mul3A_7, %add3A_163 : i32
    %add3A_165 = arith.constant 64 : i32
    %add3A_166 = arith.addi %add3A_164, %add3A_165 : i32
    %add3A_167 = vector.broadcast %add3A_166 : i32 to vector<16xi32>
    %add3A_168 = arith.addi %iota3A_162, %add3A_167 : vector<16xi32>
    %swap3A_169 = arith.constant 1 : i32
    %swap3A_170 = arith.index_cast %swap3A_169 : i32 to index
    %swap3A_171 = arith.constant 64 : index
    %swap3A_172 = tpu.vector_load %arg9[%swap3A_170, %swap3A_171] {strides = array<i32>} : memref<5x128xi32, #tpu.memory_space<vmem>>, vector<1x16xi32>,
    %swap3A_173 = vector.shape_cast %swap3A_172 : vector<1x16xi32> to vector<16xi32>
    %swap3A_174 = vector.shape_cast %add3A_168 : vector<16xi32> to vector<1x16xi32>
    tpu.vector_store %arg9[%swap3A_170, %swap3A_171], %swap3A_174 {strides = array<i32>} : memref<5x128xi32, #tpu.memory_space<vmem>>, vector<1x16xi32>,
    %iota3A_175 = tpu.iota {dimensions = array<i32: 0>} : vector<16xi32>
    %add3A_176 = arith.constant 128 : i32
    %add3A_177 = arith.addi %mul3A_7, %add3A_176 : i32
    %add3A_178 = arith.constant 80 : i32
    %add3A_179 = arith.addi %add3A_177, %add3A_178 : i32
    %add3A_180 = vector.broadcast %add3A_179 : i32 to vector<16xi32>
    %add3A_181 = arith.addi %iota3A_175, %add3A_180 : vector<16xi32>
    %swap3A_182 = arith.constant 1 : i32
    %swap3A_183 = arith.index_cast %swap3A_182 : i32 to index
    %swap3A_184 = arith.constant 80 : index
    %swap3A_185 = tpu.vector_load %arg9[%swap3A_183, %swap3A_184] {strides = array<i32>} : memref<5x128xi32, #tpu.memory_space<vmem>>, vector<1x16xi32>,
    %swap3A_186 = vector.shape_cast %swap3A_185 : vector<1x16xi32> to vector<16xi32>
    %swap3A_187 = vector.shape_cast %add3A_181 : vector<16xi32> to vector<1x16xi32>
    tpu.vector_store %arg9[%swap3A_183, %swap3A_184], %swap3A_187 {strides = array<i32>} : memref<5x128xi32, #tpu.memory_space<vmem>>, vector<1x16xi32>,
    %iota3A_188 = tpu.iota {dimensions = array<i32: 0>} : vector<16xi32>
    %add3A_189 = arith.constant 128 : i32
    %add3A_190 = arith.addi %mul3A_7, %add3A_189 : i32
    %add3A_191 = arith.constant 96 : i32
    %add3A_192 = arith.addi %add3A_190, %add3A_191 : i32
    %add3A_193 = vector.broadcast %add3A_192 : i32 to vector<16xi32>
    %add3A_194 = arith.addi %iota3A_188, %add3A_193 : vector<16xi32>
    %swap3A_195 = arith.constant 1 : i32
    %swap3A_196 = arith.index_cast %swap3A_195 : i32 to index
    %swap3A_197 = arith.constant 96 : index
    %swap3A_198 = tpu.vector_load %arg9[%swap3A_196, %swap3A_197] {strides = array<i32>} : memref<5x128xi32, #tpu.memory_space<vmem>>, vector<1x16xi32>,
    %swap3A_199 = vector.shape_cast %swap3A_198 : vector<1x16xi32> to vector<16xi32>
    %swap3A_200 = vector.shape_cast %add3A_194 : vector<16xi32> to vector<1x16xi32>
    tpu.vector_store %arg9[%swap3A_196, %swap3A_197], %swap3A_200 {strides = array<i32>} : memref<5x128xi32, #tpu.memory_space<vmem>>, vector<1x16xi32>,
    %iota3A_201 = tpu.iota {dimensions = array<i32: 0>} : vector<16xi32>
    %add3A_202 = arith.constant 128 : i32
    %add3A_203 = arith.addi %mul3A_7, %add3A_202 : i32
    %add3A_204 = arith.constant 112 : i32
    %add3A_205 = arith.addi %add3A_203, %add3A_204 : i32
    %add3A_206 = vector.broadcast %add3A_205 : i32 to vector<16xi32>
    %add3A_207 = arith.addi %iota3A_201, %add3A_206 : vector<16xi32>
    %swap3A_208 = arith.constant 1 : i32
    %swap3A_209 = arith.index_cast %swap3A_208 : i32 to index
    %swap3A_210 = arith.constant 112 : index
    %swap3A_211 = tpu.vector_load %arg9[%swap3A_209, %swap3A_210] {strides = array<i32>} : memref<5x128xi32, #tpu.memory_space<vmem>>, vector<1x16xi32>,
    %swap3A_212 = vector.shape_cast %swap3A_211 : vector<1x16xi32> to vector<16xi32>
    %swap3A_213 = vector.shape_cast %add3A_207 : vector<16xi32> to vector<1x16xi32>
    tpu.vector_store %arg9[%swap3A_209, %swap3A_210], %swap3A_213 {strides = array<i32>} : memref<5x128xi32, #tpu.memory_space<vmem>>, vector<1x16xi32>,
    %iota3A_214 = tpu.iota {dimensions = array<i32: 0>} : vector<16xi32>
    %add3A_215 = arith.constant 256 : i32
    %add3A_216 = arith.addi %mul3A_7, %add3A_215 : i32
    %add3A_217 = arith.constant 0 : i32
    %add3A_218 = arith.addi %add3A_216, %add3A_217 : i32
    %add3A_219 = vector.broadcast %add3A_218 : i32 to vector<16xi32>
    %add3A_220 = arith.addi %iota3A_214, %add3A_219 : vector<16xi32>
    %swap3A_221 = arith.constant 2 : i32
    %swap3A_222 = arith.index_cast %swap3A_221 : i32 to index
    %swap3A_223 = arith.constant 0 : index
    %swap3A_224 = tpu.vector_load %arg9[%swap3A_222, %swap3A_223] {strides = array<i32>} : memref<5x128xi32, #tpu.memory_space<vmem>>, vector<1x16xi32>,
    %swap3A_225 = vector.shape_cast %swap3A_224 : vector<1x16xi32> to vector<16xi32>
    %swap3A_226 = vector.shape_cast %add3A_220 : vector<16xi32> to vector<1x16xi32>
    tpu.vector_store %arg9[%swap3A_222, %swap3A_223], %swap3A_226 {strides = array<i32>} : memref<5x128xi32, #tpu.memory_space<vmem>>, vector<1x16xi32>,
    %iota3A_227 = tpu.iota {dimensions = array<i32: 0>} : vector<16xi32>
    %add3A_228 = arith.constant 256 : i32
    %add3A_229 = arith.addi %mul3A_7, %add3A_228 : i32
    %add3A_230 = arith.constant 16 : i32
    %add3A_231 = arith.addi %add3A_229, %add3A_230 : i32
    %add3A_232 = vector.broadcast %add3A_231 : i32 to vector<16xi32>
    %add3A_233 = arith.addi %iota3A_227, %add3A_232 : vector<16xi32>
    %swap3A_234 = arith.constant 2 : i32
    %swap3A_235 = arith.index_cast %swap3A_234 : i32 to index
    %swap3A_236 = arith.constant 16 : index
    %swap3A_237 = tpu.vector_load %arg9[%swap3A_235, %swap3A_236] {strides = array<i32>} : memref<5x128xi32, #tpu.memory_space<vmem>>, vector<1x16xi32>,
    %swap3A_238 = vector.shape_cast %swap3A_237 : vector<1x16xi32> to vector<16xi32>
    %swap3A_239 = vector.shape_cast %add3A_233 : vector<16xi32> to vector<1x16xi32>
    tpu.vector_store %arg9[%swap3A_235, %swap3A_236], %swap3A_239 {strides = array<i32>} : memref<5x128xi32, #tpu.memory_space<vmem>>, vector<1x16xi32>,
    %iota3A_240 = tpu.iota {dimensions = array<i32: 0>} : vector<16xi32>
    %add3A_241 = arith.constant 256 : i32
    %add3A_242 = arith.addi %mul3A_7, %add3A_241 : i32
    %add3A_243 = arith.constant 32 : i32
    %add3A_244 = arith.addi %add3A_242, %add3A_243 : i32
    %add3A_245 = vector.broadcast %add3A_244 : i32 to vector<16xi32>
    %add3A_246 = arith.addi %iota3A_240, %add3A_245 : vector<16xi32>
    %swap3A_247 = arith.constant 2 : i32
    %swap3A_248 = arith.index_cast %swap3A_247 : i32 to index
    %swap3A_249 = arith.constant 32 : index
    %swap3A_250 = tpu.vector_load %arg9[%swap3A_248, %swap3A_249] {strides = array<i32>} : memref<5x128xi32, #tpu.memory_space<vmem>>, vector<1x16xi32>,
    %swap3A_251 = vector.shape_cast %swap3A_250 : vector<1x16xi32> to vector<16xi32>
    %swap3A_252 = vector.shape_cast %add3A_246 : vector<16xi32> to vector<1x16xi32>
    tpu.vector_store %arg9[%swap3A_248, %swap3A_249], %swap3A_252 {strides = array<i32>} : memref<5x128xi32, #tpu.memory_space<vmem>>, vector<1x16xi32>,
    %iota3A_253 = tpu.iota {dimensions = array<i32: 0>} : vector<16xi32>
    %add3A_254 = arith.constant 256 : i32
    %add3A_255 = arith.addi %mul3A_7, %add3A_254 : i32
    %add3A_256 = arith.constant 48 : i32
    %add3A_257 = arith.addi %add3A_255, %add3A_256 : i32
    %add3A_258 = vector.broadcast %add3A_257 : i32 to vector<16xi32>
    %add3A_259 = arith.addi %iota3A_253, %add3A_258 : vector<16xi32>
    %swap3A_260 = arith.constant 2 : i32
    %swap3A_261 = arith.index_cast %swap3A_260 : i32 to index
    %swap3A_262 = arith.constant 48 : index
    %swap3A_263 = tpu.vector_load %arg9[%swap3A_261, %swap3A_262] {strides = array<i32>} : memref<5x128xi32, #tpu.memory_space<vmem>>, vector<1x16xi32>,
    %swap3A_264 = vector.shape_cast %swap3A_263 : vector<1x16xi32> to vector<16xi32>
    %swap3A_265 = vector.shape_cast %add3A_259 : vector<16xi32> to vector<1x16xi32>
    tpu.vector_store %arg9[%swap3A_261, %swap3A_262], %swap3A_265 {strides = array<i32>} : memref<5x128xi32, #tpu.memory_space<vmem>>, vector<1x16xi32>,
    %iota3A_266 = tpu.iota {dimensions = array<i32: 0>} : vector<16xi32>
    %add3A_267 = arith.constant 256 : i32
    %add3A_268 = arith.addi %mul3A_7, %add3A_267 : i32
    %add3A_269 = arith.constant 64 : i32
    %add3A_270 = arith.addi %add3A_268, %add3A_269 : i32
    %add3A_271 = vector.broadcast %add3A_270 : i32 to vector<16xi32>
    %add3A_272 = arith.addi %iota3A_266, %add3A_271 : vector<16xi32>
    %swap3A_273 = arith.constant 2 : i32
    %swap3A_274 = arith.index_cast %swap3A_273 : i32 to index
    %swap3A_275 = arith.constant 64 : index
    %swap3A_276 = tpu.vector_load %arg9[%swap3A_274, %swap3A_275] {strides = array<i32>} : memref<5x128xi32, #tpu.memory_space<vmem>>, vector<1x16xi32>,
    %swap3A_277 = vector.shape_cast %swap3A_276 : vector<1x16xi32> to vector<16xi32>
    %swap3A_278 = vector.shape_cast %add3A_272 : vector<16xi32> to vector<1x16xi32>
    tpu.vector_store %arg9[%swap3A_274, %swap3A_275], %swap3A_278 {strides = array<i32>} : memref<5x128xi32, #tpu.memory_space<vmem>>, vector<1x16xi32>,
    %iota3A_279 = tpu.iota {dimensions = array<i32: 0>} : vector<16xi32>
    %add3A_280 = arith.constant 256 : i32
    %add3A_281 = arith.addi %mul3A_7, %add3A_280 : i32
    %add3A_282 = arith.constant 80 : i32
    %add3A_283 = arith.addi %add3A_281, %add3A_282 : i32
    %add3A_284 = vector.broadcast %add3A_283 : i32 to vector<16xi32>
    %add3A_285 = arith.addi %iota3A_279, %add3A_284 : vector<16xi32>
    %swap3A_286 = arith.constant 2 : i32
    %swap3A_287 = arith.index_cast %swap3A_286 : i32 to index
    %swap3A_288 = arith.constant 80 : index
    %swap3A_289 = tpu.vector_load %arg9[%swap3A_287, %swap3A_288] {strides = array<i32>} : memref<5x128xi32, #tpu.memory_space<vmem>>, vector<1x16xi32>,
    %swap3A_290 = vector.shape_cast %swap3A_289 : vector<1x16xi32> to vector<16xi32>
    %swap3A_291 = vector.shape_cast %add3A_285 : vector<16xi32> to vector<1x16xi32>
    tpu.vector_store %arg9[%swap3A_287, %swap3A_288], %swap3A_291 {strides = array<i32>} : memref<5x128xi32, #tpu.memory_space<vmem>>, vector<1x16xi32>,
    %iota3A_292 = tpu.iota {dimensions = array<i32: 0>} : vector<16xi32>
    %add3A_293 = arith.constant 256 : i32
    %add3A_294 = arith.addi %mul3A_7, %add3A_293 : i32
    %add3A_295 = arith.constant 96 : i32
    %add3A_296 = arith.addi %add3A_294, %add3A_295 : i32
    %add3A_297 = vector.broadcast %add3A_296 : i32 to vector<16xi32>
    %add3A_298 = arith.addi %iota3A_292, %add3A_297 : vector<16xi32>
    %swap3A_299 = arith.constant 2 : i32
    %swap3A_300 = arith.index_cast %swap3A_299 : i32 to index
    %swap3A_301 = arith.constant 96 : index
    %swap3A_302 = tpu.vector_load %arg9[%swap3A_300, %swap3A_301] {strides = array<i32>} : memref<5x128xi32, #tpu.memory_space<vmem>>, vector<1x16xi32>,
    %swap3A_303 = vector.shape_cast %swap3A_302 : vector<1x16xi32> to vector<16xi32>
    %swap3A_304 = vector.shape_cast %add3A_298 : vector<16xi32> to vector<1x16xi32>
    tpu.vector_store %arg9[%swap3A_300, %swap3A_301], %swap3A_304 {strides = array<i32>} : memref<5x128xi32, #tpu.memory_space<vmem>>, vector<1x16xi32>,
    %iota3A_305 = tpu.iota {dimensions = array<i32: 0>} : vector<16xi32>
    %add3A_306 = arith.constant 256 : i32
    %add3A_307 = arith.addi %mul3A_7, %add3A_306 : i32
    %add3A_308 = arith.constant 112 : i32
    %add3A_309 = arith.addi %add3A_307, %add3A_308 : i32
    %add3A_310 = vector.broadcast %add3A_309 : i32 to vector<16xi32>
    %add3A_311 = arith.addi %iota3A_305, %add3A_310 : vector<16xi32>
    %swap3A_312 = arith.constant 2 : i32
    %swap3A_313 = arith.index_cast %swap3A_312 : i32 to index
    %swap3A_314 = arith.constant 112 : index
    %swap3A_315 = tpu.vector_load %arg9[%swap3A_313, %swap3A_314] {strides = array<i32>} : memref<5x128xi32, #tpu.memory_space<vmem>>, vector<1x16xi32>,
    %swap3A_316 = vector.shape_cast %swap3A_315 : vector<1x16xi32> to vector<16xi32>
    %swap3A_317 = vector.shape_cast %add3A_311 : vector<16xi32> to vector<1x16xi32>
    tpu.vector_store %arg9[%swap3A_313, %swap3A_314], %swap3A_317 {strides = array<i32>} : memref<5x128xi32, #tpu.memory_space<vmem>>, vector<1x16xi32>,
    %iota3A_318 = tpu.iota {dimensions = array<i32: 0>} : vector<16xi32>
    %add3A_319 = arith.constant 384 : i32
    %add3A_320 = arith.addi %mul3A_7, %add3A_319 : i32
    %add3A_321 = arith.constant 0 : i32
    %add3A_322 = arith.addi %add3A_320, %add3A_321 : i32
    %add3A_323 = vector.broadcast %add3A_322 : i32 to vector<16xi32>
    %add3A_324 = arith.addi %iota3A_318, %add3A_323 : vector<16xi32>
    %swap3A_325 = arith.constant 3 : i32
    %swap3A_326 = arith.index_cast %swap3A_325 : i32 to index
    %swap3A_327 = arith.constant 0 : index
    %swap3A_328 = tpu.vector_load %arg9[%swap3A_326, %swap3A_327] {strides = array<i32>} : memref<5x128xi32, #tpu.memory_space<vmem>>, vector<1x16xi32>,
    %swap3A_329 = vector.shape_cast %swap3A_328 : vector<1x16xi32> to vector<16xi32>
    %swap3A_330 = vector.shape_cast %add3A_324 : vector<16xi32> to vector<1x16xi32>
    tpu.vector_store %arg9[%swap3A_326, %swap3A_327], %swap3A_330 {strides = array<i32>} : memref<5x128xi32, #tpu.memory_space<vmem>>, vector<1x16xi32>,
    %iota3A_331 = tpu.iota {dimensions = array<i32: 0>} : vector<16xi32>
    %add3A_332 = arith.constant 384 : i32
    %add3A_333 = arith.addi %mul3A_7, %add3A_332 : i32
    %add3A_334 = arith.constant 16 : i32
    %add3A_335 = arith.addi %add3A_333, %add3A_334 : i32
    %add3A_336 = vector.broadcast %add3A_335 : i32 to vector<16xi32>
    %add3A_337 = arith.addi %iota3A_331, %add3A_336 : vector<16xi32>
    %swap3A_338 = arith.constant 3 : i32
    %swap3A_339 = arith.index_cast %swap3A_338 : i32 to index
    %swap3A_340 = arith.constant 16 : index
    %swap3A_341 = tpu.vector_load %arg9[%swap3A_339, %swap3A_340] {strides = array<i32>} : memref<5x128xi32, #tpu.memory_space<vmem>>, vector<1x16xi32>,
    %swap3A_342 = vector.shape_cast %swap3A_341 : vector<1x16xi32> to vector<16xi32>
    %swap3A_343 = vector.shape_cast %add3A_337 : vector<16xi32> to vector<1x16xi32>
    tpu.vector_store %arg9[%swap3A_339, %swap3A_340], %swap3A_343 {strides = array<i32>} : memref<5x128xi32, #tpu.memory_space<vmem>>, vector<1x16xi32>,
    %iota3A_344 = tpu.iota {dimensions = array<i32: 0>} : vector<16xi32>
    %add3A_345 = arith.constant 384 : i32
    %add3A_346 = arith.addi %mul3A_7, %add3A_345 : i32
    %add3A_347 = arith.constant 32 : i32
    %add3A_348 = arith.addi %add3A_346, %add3A_347 : i32
    %add3A_349 = vector.broadcast %add3A_348 : i32 to vector<16xi32>
    %add3A_350 = arith.addi %iota3A_344, %add3A_349 : vector<16xi32>
    %swap3A_351 = arith.constant 3 : i32
    %swap3A_352 = arith.index_cast %swap3A_351 : i32 to index
    %swap3A_353 = arith.constant 32 : index
    %swap3A_354 = tpu.vector_load %arg9[%swap3A_352, %swap3A_353] {strides = array<i32>} : memref<5x128xi32, #tpu.memory_space<vmem>>, vector<1x16xi32>,
    %swap3A_355 = vector.shape_cast %swap3A_354 : vector<1x16xi32> to vector<16xi32>
    %swap3A_356 = vector.shape_cast %add3A_350 : vector<16xi32> to vector<1x16xi32>
    tpu.vector_store %arg9[%swap3A_352, %swap3A_353], %swap3A_356 {strides = array<i32>} : memref<5x128xi32, #tpu.memory_space<vmem>>, vector<1x16xi32>,
    %iota3A_357 = tpu.iota {dimensions = array<i32: 0>} : vector<16xi32>
    %add3A_358 = arith.constant 384 : i32
    %add3A_359 = arith.addi %mul3A_7, %add3A_358 : i32
    %add3A_360 = arith.constant 48 : i32
    %add3A_361 = arith.addi %add3A_359, %add3A_360 : i32
    %add3A_362 = vector.broadcast %add3A_361 : i32 to vector<16xi32>
    %add3A_363 = arith.addi %iota3A_357, %add3A_362 : vector<16xi32>
    %swap3A_364 = arith.constant 3 : i32
    %swap3A_365 = arith.index_cast %swap3A_364 : i32 to index
    %swap3A_366 = arith.constant 48 : index
    %swap3A_367 = tpu.vector_load %arg9[%swap3A_365, %swap3A_366] {strides = array<i32>} : memref<5x128xi32, #tpu.memory_space<vmem>>, vector<1x16xi32>,
    %swap3A_368 = vector.shape_cast %swap3A_367 : vector<1x16xi32> to vector<16xi32>
    %swap3A_369 = vector.shape_cast %add3A_363 : vector<16xi32> to vector<1x16xi32>
    tpu.vector_store %arg9[%swap3A_365, %swap3A_366], %swap3A_369 {strides = array<i32>} : memref<5x128xi32, #tpu.memory_space<vmem>>, vector<1x16xi32>,
    %iota3A_370 = tpu.iota {dimensions = array<i32: 0>} : vector<16xi32>
    %add3A_371 = arith.constant 384 : i32
    %add3A_372 = arith.addi %mul3A_7, %add3A_371 : i32
    %add3A_373 = arith.constant 64 : i32
    %add3A_374 = arith.addi %add3A_372, %add3A_373 : i32
    %add3A_375 = vector.broadcast %add3A_374 : i32 to vector<16xi32>
    %add3A_376 = arith.addi %iota3A_370, %add3A_375 : vector<16xi32>
    %swap3A_377 = arith.constant 3 : i32
    %swap3A_378 = arith.index_cast %swap3A_377 : i32 to index
    %swap3A_379 = arith.constant 64 : index
    %swap3A_380 = tpu.vector_load %arg9[%swap3A_378, %swap3A_379] {strides = array<i32>} : memref<5x128xi32, #tpu.memory_space<vmem>>, vector<1x16xi32>,
    %swap3A_381 = vector.shape_cast %swap3A_380 : vector<1x16xi32> to vector<16xi32>
    %swap3A_382 = vector.shape_cast %add3A_376 : vector<16xi32> to vector<1x16xi32>
    tpu.vector_store %arg9[%swap3A_378, %swap3A_379], %swap3A_382 {strides = array<i32>} : memref<5x128xi32, #tpu.memory_space<vmem>>, vector<1x16xi32>,
    %iota3A_383 = tpu.iota {dimensions = array<i32: 0>} : vector<16xi32>
    %add3A_384 = arith.constant 384 : i32
    %add3A_385 = arith.addi %mul3A_7, %add3A_384 : i32
    %add3A_386 = arith.constant 80 : i32
    %add3A_387 = arith.addi %add3A_385, %add3A_386 : i32
    %add3A_388 = vector.broadcast %add3A_387 : i32 to vector<16xi32>
    %add3A_389 = arith.addi %iota3A_383, %add3A_388 : vector<16xi32>
    %swap3A_390 = arith.constant 3 : i32
    %swap3A_391 = arith.index_cast %swap3A_390 : i32 to index
    %swap3A_392 = arith.constant 80 : index
    %swap3A_393 = tpu.vector_load %arg9[%swap3A_391, %swap3A_392] {strides = array<i32>} : memref<5x128xi32, #tpu.memory_space<vmem>>, vector<1x16xi32>,
    %swap3A_394 = vector.shape_cast %swap3A_393 : vector<1x16xi32> to vector<16xi32>
    %swap3A_395 = vector.shape_cast %add3A_389 : vector<16xi32> to vector<1x16xi32>
    tpu.vector_store %arg9[%swap3A_391, %swap3A_392], %swap3A_395 {strides = array<i32>} : memref<5x128xi32, #tpu.memory_space<vmem>>, vector<1x16xi32>,
    %iota3A_396 = tpu.iota {dimensions = array<i32: 0>} : vector<16xi32>
    %add3A_397 = arith.constant 384 : i32
    %add3A_398 = arith.addi %mul3A_7, %add3A_397 : i32
    %add3A_399 = arith.constant 96 : i32
    %add3A_400 = arith.addi %add3A_398, %add3A_399 : i32
    %add3A_401 = vector.broadcast %add3A_400 : i32 to vector<16xi32>
    %add3A_402 = arith.addi %iota3A_396, %add3A_401 : vector<16xi32>
    %swap3A_403 = arith.constant 3 : i32
    %swap3A_404 = arith.index_cast %swap3A_403 : i32 to index
    %swap3A_405 = arith.constant 96 : index
    %swap3A_406 = tpu.vector_load %arg9[%swap3A_404, %swap3A_405] {strides = array<i32>} : memref<5x128xi32, #tpu.memory_space<vmem>>, vector<1x16xi32>,
    %swap3A_407 = vector.shape_cast %swap3A_406 : vector<1x16xi32> to vector<16xi32>
    %swap3A_408 = vector.shape_cast %add3A_402 : vector<16xi32> to vector<1x16xi32>
    tpu.vector_store %arg9[%swap3A_404, %swap3A_405], %swap3A_408 {strides = array<i32>} : memref<5x128xi32, #tpu.memory_space<vmem>>, vector<1x16xi32>,
    %iota3A_409 = tpu.iota {dimensions = array<i32: 0>} : vector<16xi32>
    %add3A_410 = arith.constant 384 : i32
    %add3A_411 = arith.addi %mul3A_7, %add3A_410 : i32
    %add3A_412 = arith.constant 112 : i32
    %add3A_413 = arith.addi %add3A_411, %add3A_412 : i32
    %add3A_414 = vector.broadcast %add3A_413 : i32 to vector<16xi32>
    %add3A_415 = arith.addi %iota3A_409, %add3A_414 : vector<16xi32>
    %swap3A_416 = arith.constant 3 : i32
    %swap3A_417 = arith.index_cast %swap3A_416 : i32 to index
    %swap3A_418 = arith.constant 112 : index
    %swap3A_419 = tpu.vector_load %arg9[%swap3A_417, %swap3A_418] {strides = array<i32>} : memref<5x128xi32, #tpu.memory_space<vmem>>, vector<1x16xi32>,
    %swap3A_420 = vector.shape_cast %swap3A_419 : vector<1x16xi32> to vector<16xi32>
    %swap3A_421 = vector.shape_cast %add3A_415 : vector<16xi32> to vector<1x16xi32>
    tpu.vector_store %arg9[%swap3A_417, %swap3A_418], %swap3A_421 {strides = array<i32>} : memref<5x128xi32, #tpu.memory_space<vmem>>, vector<1x16xi32>,
    %iota3A_422 = tpu.iota {dimensions = array<i32: 0>} : vector<16xi32>
    %add3A_423 = arith.constant 512 : i32
    %add3A_424 = arith.addi %mul3A_7, %add3A_423 : i32
    %add3A_425 = arith.constant 0 : i32
    %add3A_426 = arith.addi %add3A_424, %add3A_425 : i32
    %add3A_427 = vector.broadcast %add3A_426 : i32 to vector<16xi32>
    %add3A_428 = arith.addi %iota3A_422, %add3A_427 : vector<16xi32>
    %swap3A_429 = arith.constant 4 : i32
    %swap3A_430 = arith.index_cast %swap3A_429 : i32 to index
    %swap3A_431 = arith.constant 0 : index
    %swap3A_432 = tpu.vector_load %arg9[%swap3A_430, %swap3A_431] {strides = array<i32>} : memref<5x128xi32, #tpu.memory_space<vmem>>, vector<1x16xi32>,
    %swap3A_433 = vector.shape_cast %swap3A_432 : vector<1x16xi32> to vector<16xi32>
    %swap3A_434 = vector.shape_cast %add3A_428 : vector<16xi32> to vector<1x16xi32>
    tpu.vector_store %arg9[%swap3A_430, %swap3A_431], %swap3A_434 {strides = array<i32>} : memref<5x128xi32, #tpu.memory_space<vmem>>, vector<1x16xi32>,
    %iota3A_435 = tpu.iota {dimensions = array<i32: 0>} : vector<16xi32>
    %add3A_436 = arith.constant 512 : i32
    %add3A_437 = arith.addi %mul3A_7, %add3A_436 : i32
    %add3A_438 = arith.constant 16 : i32
    %add3A_439 = arith.addi %add3A_437, %add3A_438 : i32
    %add3A_440 = vector.broadcast %add3A_439 : i32 to vector<16xi32>
    %add3A_441 = arith.addi %iota3A_435, %add3A_440 : vector<16xi32>
    %swap3A_442 = arith.constant 4 : i32
    %swap3A_443 = arith.index_cast %swap3A_442 : i32 to index
    %swap3A_444 = arith.constant 16 : index
    %swap3A_445 = tpu.vector_load %arg9[%swap3A_443, %swap3A_444] {strides = array<i32>} : memref<5x128xi32, #tpu.memory_space<vmem>>, vector<1x16xi32>,
    %swap3A_446 = vector.shape_cast %swap3A_445 : vector<1x16xi32> to vector<16xi32>
    %swap3A_447 = vector.shape_cast %add3A_441 : vector<16xi32> to vector<1x16xi32>
    tpu.vector_store %arg9[%swap3A_443, %swap3A_444], %swap3A_447 {strides = array<i32>} : memref<5x128xi32, #tpu.memory_space<vmem>>, vector<1x16xi32>,
    %iota3A_448 = tpu.iota {dimensions = array<i32: 0>} : vector<16xi32>
    %add3A_449 = arith.constant 512 : i32
    %add3A_450 = arith.addi %mul3A_7, %add3A_449 : i32
    %add3A_451 = arith.constant 32 : i32
    %add3A_452 = arith.addi %add3A_450, %add3A_451 : i32
    %add3A_453 = vector.broadcast %add3A_452 : i32 to vector<16xi32>
    %add3A_454 = arith.addi %iota3A_448, %add3A_453 : vector<16xi32>
    %swap3A_455 = arith.constant 4 : i32
    %swap3A_456 = arith.index_cast %swap3A_455 : i32 to index
    %swap3A_457 = arith.constant 32 : index
    %swap3A_458 = tpu.vector_load %arg9[%swap3A_456, %swap3A_457] {strides = array<i32>} : memref<5x128xi32, #tpu.memory_space<vmem>>, vector<1x16xi32>,
    %swap3A_459 = vector.shape_cast %swap3A_458 : vector<1x16xi32> to vector<16xi32>
    %swap3A_460 = vector.shape_cast %add3A_454 : vector<16xi32> to vector<1x16xi32>
    tpu.vector_store %arg9[%swap3A_456, %swap3A_457], %swap3A_460 {strides = array<i32>} : memref<5x128xi32, #tpu.memory_space<vmem>>, vector<1x16xi32>,
    %iota3A_461 = tpu.iota {dimensions = array<i32: 0>} : vector<16xi32>
    %add3A_462 = arith.constant 512 : i32
    %add3A_463 = arith.addi %mul3A_7, %add3A_462 : i32
    %add3A_464 = arith.constant 48 : i32
    %add3A_465 = arith.addi %add3A_463, %add3A_464 : i32
    %add3A_466 = vector.broadcast %add3A_465 : i32 to vector<16xi32>
    %add3A_467 = arith.addi %iota3A_461, %add3A_466 : vector<16xi32>
    %swap3A_468 = arith.constant 4 : i32
    %swap3A_469 = arith.index_cast %swap3A_468 : i32 to index
    %swap3A_470 = arith.constant 48 : index
    %swap3A_471 = tpu.vector_load %arg9[%swap3A_469, %swap3A_470] {strides = array<i32>} : memref<5x128xi32, #tpu.memory_space<vmem>>, vector<1x16xi32>,
    %swap3A_472 = vector.shape_cast %swap3A_471 : vector<1x16xi32> to vector<16xi32>
    %swap3A_473 = vector.shape_cast %add3A_467 : vector<16xi32> to vector<1x16xi32>
    tpu.vector_store %arg9[%swap3A_469, %swap3A_470], %swap3A_473 {strides = array<i32>} : memref<5x128xi32, #tpu.memory_space<vmem>>, vector<1x16xi32>,
    %iota3A_474 = tpu.iota {dimensions = array<i32: 0>} : vector<16xi32>
    %add3A_475 = arith.constant 512 : i32
    %add3A_476 = arith.addi %mul3A_7, %add3A_475 : i32
    %add3A_477 = arith.constant 64 : i32
    %add3A_478 = arith.addi %add3A_476, %add3A_477 : i32
    %add3A_479 = vector.broadcast %add3A_478 : i32 to vector<16xi32>
    %add3A_480 = arith.addi %iota3A_474, %add3A_479 : vector<16xi32>
    %swap3A_481 = arith.constant 4 : i32
    %swap3A_482 = arith.index_cast %swap3A_481 : i32 to index
    %swap3A_483 = arith.constant 64 : index
    %swap3A_484 = tpu.vector_load %arg9[%swap3A_482, %swap3A_483] {strides = array<i32>} : memref<5x128xi32, #tpu.memory_space<vmem>>, vector<1x16xi32>,
    %swap3A_485 = vector.shape_cast %swap3A_484 : vector<1x16xi32> to vector<16xi32>
    %swap3A_486 = vector.shape_cast %add3A_480 : vector<16xi32> to vector<1x16xi32>
    tpu.vector_store %arg9[%swap3A_482, %swap3A_483], %swap3A_486 {strides = array<i32>} : memref<5x128xi32, #tpu.memory_space<vmem>>, vector<1x16xi32>,
    %iota3A_487 = tpu.iota {dimensions = array<i32: 0>} : vector<16xi32>
    %add3A_488 = arith.constant 512 : i32
    %add3A_489 = arith.addi %mul3A_7, %add3A_488 : i32
    %add3A_490 = arith.constant 80 : i32
    %add3A_491 = arith.addi %add3A_489, %add3A_490 : i32
    %add3A_492 = vector.broadcast %add3A_491 : i32 to vector<16xi32>
    %add3A_493 = arith.addi %iota3A_487, %add3A_492 : vector<16xi32>
    %swap3A_494 = arith.constant 4 : i32
    %swap3A_495 = arith.index_cast %swap3A_494 : i32 to index
    %swap3A_496 = arith.constant 80 : index
    %swap3A_497 = tpu.vector_load %arg9[%swap3A_495, %swap3A_496] {strides = array<i32>} : memref<5x128xi32, #tpu.memory_space<vmem>>, vector<1x16xi32>,
    %swap3A_498 = vector.shape_cast %swap3A_497 : vector<1x16xi32> to vector<16xi32>
    %swap3A_499 = vector.shape_cast %add3A_493 : vector<16xi32> to vector<1x16xi32>
    tpu.vector_store %arg9[%swap3A_495, %swap3A_496], %swap3A_499 {strides = array<i32>} : memref<5x128xi32, #tpu.memory_space<vmem>>, vector<1x16xi32>,
    %iota3A_500 = tpu.iota {dimensions = array<i32: 0>} : vector<16xi32>
    %add3A_501 = arith.constant 512 : i32
    %add3A_502 = arith.addi %mul3A_7, %add3A_501 : i32
    %add3A_503 = arith.constant 96 : i32
    %add3A_504 = arith.addi %add3A_502, %add3A_503 : i32
    %add3A_505 = vector.broadcast %add3A_504 : i32 to vector<16xi32>
    %add3A_506 = arith.addi %iota3A_500, %add3A_505 : vector<16xi32>
    %swap3A_507 = arith.constant 4 : i32
    %swap3A_508 = arith.index_cast %swap3A_507 : i32 to index
    %swap3A_509 = arith.constant 96 : index
    %swap3A_510 = tpu.vector_load %arg9[%swap3A_508, %swap3A_509] {strides = array<i32>} : memref<5x128xi32, #tpu.memory_space<vmem>>, vector<1x16xi32>,
    %swap3A_511 = vector.shape_cast %swap3A_510 : vector<1x16xi32> to vector<16xi32>
    %swap3A_512 = vector.shape_cast %add3A_506 : vector<16xi32> to vector<1x16xi32>
    tpu.vector_store %arg9[%swap3A_508, %swap3A_509], %swap3A_512 {strides = array<i32>} : memref<5x128xi32, #tpu.memory_space<vmem>>, vector<1x16xi32>,
    %iota3A_513 = tpu.iota {dimensions = array<i32: 0>} : vector<16xi32>
    %add3A_514 = arith.constant 512 : i32
    %add3A_515 = arith.addi %mul3A_7, %add3A_514 : i32
    %add3A_516 = arith.constant 112 : i32
    %add3A_517 = arith.addi %add3A_515, %add3A_516 : i32
    %add3A_518 = vector.broadcast %add3A_517 : i32 to vector<16xi32>
    %add3A_519 = arith.addi %iota3A_513, %add3A_518 : vector<16xi32>
    %swap3A_520 = arith.constant 4 : i32
    %swap3A_521 = arith.index_cast %swap3A_520 : i32 to index
    %swap3A_522 = arith.constant 112 : index
    %swap3A_523 = tpu.vector_load %arg9[%swap3A_521, %swap3A_522] {strides = array<i32>} : memref<5x128xi32, #tpu.memory_space<vmem>>, vector<1x16xi32>,
    %swap3A_524 = vector.shape_cast %swap3A_523 : vector<1x16xi32> to vector<16xi32>
    %swap3A_525 = vector.shape_cast %add3A_519 : vector<16xi32> to vector<1x16xi32>
    tpu.vector_store %arg9[%swap3A_521, %swap3A_522], %swap3A_525 {strides = array<i32>} : memref<5x128xi32, #tpu.memory_space<vmem>>, vector<1x16xi32>,
    %run_scoped3A = arith.constant 0 : i32
    "tpu.region"() ({
      %run_scoped3A_562 = tpu.sem_alloc : memref<!tpu.dma_semaphore, #tpu.memory_space<semaphore_mem>>
      %dma_start3A = arith.constant 0 : i32
      %dma_start3A_563 = arith.constant 0 : i32
      %dma_start3A_564 = tpu.memref_slice %arg8[%dma_start3A, %dma_start3A_563] : memref<128x128xf32, #tpu.memory_space<vmem>> -> memref<128x128xf32, #tpu.memory_space<vmem>>
      %dma_start3A_565 = arith.constant 0 : i32
      %dma_start3A_566 = tpu.memref_slice %arg9[%run_scoped3A, %dma_start3A_565] : memref<5x128xi32, #tpu.memory_space<vmem>> -> memref<1x128xi32, #tpu.memory_space<vmem>>
      %dma_start3A_567 = tpu.memref_squeeze %dma_start3A_566 : memref<1x128xi32, #tpu.memory_space<vmem>> -> memref<128xi32, #tpu.memory_space<vmem>>
      %dma_start3A_568 = arith.constant 0 : i32
      %dma_start3A_569 = arith.constant 0 : i32
      %dma_start3A_570 = tpu.memref_slice %arg10[%dma_start3A_568, %dma_start3A_569] : memref<10240x128xf32, #tpu.memory_space<vmem_shared>> -> memref<10240x128xf32, #tpu.memory_space<vmem_shared>>
      tpu.enqueue_indirect_dma source(%dma_start3A_564 : memref<128x128xf32, #tpu.memory_space<vmem>>) target(%dma_start3A_570 : memref<10240x128xf32, #tpu.memory_space<vmem_shared>>) offsets(%dma_start3A_567 : memref<128xi32, #tpu.memory_space<vmem>>) semaphore(%run_scoped3A_562 : memref<!tpu.dma_semaphore, #tpu.memory_space<semaphore_mem>>)
      %dma_wait3A = arith.constant 0 : i32
      %dma_wait3A_571 = arith.constant 0 : i32
      %dma_wait3A_572 = tpu.memref_slice %arg8[%dma_wait3A, %dma_wait3A_571] : memref<128x128xf32, #tpu.memory_space<vmem>> -> memref<128x128xf32, #tpu.memory_space<vmem>>
      %dma_wait3A_573 = arith.constant 0 : i32
      %dma_wait3A_574 = tpu.memref_slice %arg9[%run_scoped3A, %dma_wait3A_573] : memref<5x128xi32, #tpu.memory_space<vmem>> -> memref<1x128xi32, #tpu.memory_space<vmem>>
      %dma_wait3A_575 = tpu.memref_squeeze %dma_wait3A_574 : memref<1x128xi32, #tpu.memory_space<vmem>> -> memref<128xi32, #tpu.memory_space<vmem>>
      %dma_wait3A_576 = arith.constant 0 : i32
      %dma_wait3A_577 = arith.constant 0 : i32
      %dma_wait3A_578 = tpu.memref_slice %arg10[%dma_wait3A_576, %dma_wait3A_577] : memref<10240x128xf32, #tpu.memory_space<vmem_shared>> -> memref<10240x128xf32, #tpu.memory_space<vmem_shared>>
      tpu.wait_indirect_dma semaphore(%run_scoped3A_562 : memref<!tpu.dma_semaphore, #tpu.memory_space<semaphore_mem>>) src(%dma_wait3A_572 : memref<128x128xf32, #tpu.memory_space<vmem>>) dst(%dma_wait3A_578 : memref<10240x128xf32, #tpu.memory_space<vmem_shared>>)
      tpu.yield
    }) : () -> ()
    %run_scoped3A_526 = arith.constant 1 : i32
    "tpu.region"() ({
      %run_scoped3A_562 = tpu.sem_alloc : memref<!tpu.dma_semaphore, #tpu.memory_space<semaphore_mem>>
      %dma_start3A = arith.constant 0 : i32
      %dma_start3A_563 = arith.constant 0 : i32
      %dma_start3A_564 = tpu.memref_slice %arg8[%dma_start3A, %dma_start3A_563] : memref<128x128xf32, #tpu.memory_space<vmem>> -> memref<128x128xf32, #tpu.memory_space<vmem>>
      %dma_start3A_565 = arith.constant 0 : i32
      %dma_start3A_566 = tpu.memref_slice %arg9[%run_scoped3A_526, %dma_start3A_565] : memref<5x128xi32, #tpu.memory_space<vmem>> -> memref<1x128xi32, #tpu.memory_space<vmem>>
      %dma_start3A_567 = tpu.memref_squeeze %dma_start3A_566 : memref<1x128xi32, #tpu.memory_space<vmem>> -> memref<128xi32, #tpu.memory_space<vmem>>
      %dma_start3A_568 = arith.constant 0 : i32
      %dma_start3A_569 = arith.constant 0 : i32
      %dma_start3A_570 = tpu.memref_slice %arg10[%dma_start3A_568, %dma_start3A_569] : memref<10240x128xf32, #tpu.memory_space<vmem_shared>> -> memref<10240x128xf32, #tpu.memory_space<vmem_shared>>
      tpu.enqueue_indirect_dma source(%dma_start3A_564 : memref<128x128xf32, #tpu.memory_space<vmem>>) target(%dma_start3A_570 : memref<10240x128xf32, #tpu.memory_space<vmem_shared>>) offsets(%dma_start3A_567 : memref<128xi32, #tpu.memory_space<vmem>>) semaphore(%run_scoped3A_562 : memref<!tpu.dma_semaphore, #tpu.memory_space<semaphore_mem>>)
      %dma_wait3A = arith.constant 0 : i32
      %dma_wait3A_571 = arith.constant 0 : i32
      %dma_wait3A_572 = tpu.memref_slice %arg8[%dma_wait3A, %dma_wait3A_571] : memref<128x128xf32, #tpu.memory_space<vmem>> -> memref<128x128xf32, #tpu.memory_space<vmem>>
      %dma_wait3A_573 = arith.constant 0 : i32
      %dma_wait3A_574 = tpu.memref_slice %arg9[%run_scoped3A_526, %dma_wait3A_573] : memref<5x128xi32, #tpu.memory_space<vmem>> -> memref<1x128xi32, #tpu.memory_space<vmem>>
      %dma_wait3A_575 = tpu.memref_squeeze %dma_wait3A_574 : memref<1x128xi32, #tpu.memory_space<vmem>> -> memref<128xi32, #tpu.memory_space<vmem>>
      %dma_wait3A_576 = arith.constant 0 : i32
      %dma_wait3A_577 = arith.constant 0 : i32
      %dma_wait3A_578 = tpu.memref_slice %arg10[%dma_wait3A_576, %dma_wait3A_577] : memref<10240x128xf32, #tpu.memory_space<vmem_shared>> -> memref<10240x128xf32, #tpu.memory_space<vmem_shared>>
      tpu.wait_indirect_dma semaphore(%run_scoped3A_562 : memref<!tpu.dma_semaphore, #tpu.memory_space<semaphore_mem>>) src(%dma_wait3A_572 : memref<128x128xf32, #tpu.memory_space<vmem>>) dst(%dma_wait3A_578 : memref<10240x128xf32, #tpu.memory_space<vmem_shared>>)
      tpu.yield
    }) : () -> ()
    %run_scoped3A_527 = arith.constant 2 : i32
    "tpu.region"() ({
      %run_scoped3A_562 = tpu.sem_alloc : memref<!tpu.dma_semaphore, #tpu.memory_space<semaphore_mem>>
      %dma_start3A = arith.constant 0 : i32
      %dma_start3A_563 = arith.constant 0 : i32
      %dma_start3A_564 = tpu.memref_slice %arg8[%dma_start3A, %dma_start3A_563] : memref<128x128xf32, #tpu.memory_space<vmem>> -> memref<128x128xf32, #tpu.memory_space<vmem>>
      %dma_start3A_565 = arith.constant 0 : i32
      %dma_start3A_566 = tpu.memref_slice %arg9[%run_scoped3A_527, %dma_start3A_565] : memref<5x128xi32, #tpu.memory_space<vmem>> -> memref<1x128xi32, #tpu.memory_space<vmem>>
      %dma_start3A_567 = tpu.memref_squeeze %dma_start3A_566 : memref<1x128xi32, #tpu.memory_space<vmem>> -> memref<128xi32, #tpu.memory_space<vmem>>
      %dma_start3A_568 = arith.constant 0 : i32
      %dma_start3A_569 = arith.constant 0 : i32
      %dma_start3A_570 = tpu.memref_slice %arg10[%dma_start3A_568, %dma_start3A_569] : memref<10240x128xf32, #tpu.memory_space<vmem_shared>> -> memref<10240x128xf32, #tpu.memory_space<vmem_shared>>
      tpu.enqueue_indirect_dma source(%dma_start3A_564 : memref<128x128xf32, #tpu.memory_space<vmem>>) target(%dma_start3A_570 : memref<10240x128xf32, #tpu.memory_space<vmem_shared>>) offsets(%dma_start3A_567 : memref<128xi32, #tpu.memory_space<vmem>>) semaphore(%run_scoped3A_562 : memref<!tpu.dma_semaphore, #tpu.memory_space<semaphore_mem>>)
      %dma_wait3A = arith.constant 0 : i32
      %dma_wait3A_571 = arith.constant 0 : i32
      %dma_wait3A_572 = tpu.memref_slice %arg8[%dma_wait3A, %dma_wait3A_571] : memref<128x128xf32, #tpu.memory_space<vmem>> -> memref<128x128xf32, #tpu.memory_space<vmem>>
      %dma_wait3A_573 = arith.constant 0 : i32
      %dma_wait3A_574 = tpu.memref_slice %arg9[%run_scoped3A_527, %dma_wait3A_573] : memref<5x128xi32, #tpu.memory_space<vmem>> -> memref<1x128xi32, #tpu.memory_space<vmem>>
      %dma_wait3A_575 = tpu.memref_squeeze %dma_wait3A_574 : memref<1x128xi32, #tpu.memory_space<vmem>> -> memref<128xi32, #tpu.memory_space<vmem>>
      %dma_wait3A_576 = arith.constant 0 : i32
      %dma_wait3A_577 = arith.constant 0 : i32
      %dma_wait3A_578 = tpu.memref_slice %arg10[%dma_wait3A_576, %dma_wait3A_577] : memref<10240x128xf32, #tpu.memory_space<vmem_shared>> -> memref<10240x128xf32, #tpu.memory_space<vmem_shared>>
      tpu.wait_indirect_dma semaphore(%run_scoped3A_562 : memref<!tpu.dma_semaphore, #tpu.memory_space<semaphore_mem>>) src(%dma_wait3A_572 : memref<128x128xf32, #tpu.memory_space<vmem>>) dst(%dma_wait3A_578 : memref<10240x128xf32, #tpu.memory_space<vmem_shared>>)
      tpu.yield
    }) : () -> ()
    %run_scoped3A_528 = arith.constant 3 : i32
    "tpu.region"() ({
      %run_scoped3A_562 = tpu.sem_alloc : memref<!tpu.dma_semaphore, #tpu.memory_space<semaphore_mem>>
      %dma_start3A = arith.constant 0 : i32
      %dma_start3A_563 = arith.constant 0 : i32
      %dma_start3A_564 = tpu.memref_slice %arg8[%dma_start3A, %dma_start3A_563] : memref<128x128xf32, #tpu.memory_space<vmem>> -> memref<128x128xf32, #tpu.memory_space<vmem>>
      %dma_start3A_565 = arith.constant 0 : i32
      %dma_start3A_566 = tpu.memref_slice %arg9[%run_scoped3A_528, %dma_start3A_565] : memref<5x128xi32, #tpu.memory_space<vmem>> -> memref<1x128xi32, #tpu.memory_space<vmem>>
      %dma_start3A_567 = tpu.memref_squeeze %dma_start3A_566 : memref<1x128xi32, #tpu.memory_space<vmem>> -> memref<128xi32, #tpu.memory_space<vmem>>
      %dma_start3A_568 = arith.constant 0 : i32
      %dma_start3A_569 = arith.constant 0 : i32
      %dma_start3A_570 = tpu.memref_slice %arg10[%dma_start3A_568, %dma_start3A_569] : memref<10240x128xf32, #tpu.memory_space<vmem_shared>> -> memref<10240x128xf32, #tpu.memory_space<vmem_shared>>
      tpu.enqueue_indirect_dma source(%dma_start3A_564 : memref<128x128xf32, #tpu.memory_space<vmem>>) target(%dma_start3A_570 : memref<10240x128xf32, #tpu.memory_space<vmem_shared>>) offsets(%dma_start3A_567 : memref<128xi32, #tpu.memory_space<vmem>>) semaphore(%run_scoped3A_562 : memref<!tpu.dma_semaphore, #tpu.memory_space<semaphore_mem>>)
      %dma_wait3A = arith.constant 0 : i32
      %dma_wait3A_571 = arith.constant 0 : i32
      %dma_wait3A_572 = tpu.memref_slice %arg8[%dma_wait3A, %dma_wait3A_571] : memref<128x128xf32, #tpu.memory_space<vmem>> -> memref<128x128xf32, #tpu.memory_space<vmem>>
      %dma_wait3A_573 = arith.constant 0 : i32
      %dma_wait3A_574 = tpu.memref_slice %arg9[%run_scoped3A_528, %dma_wait3A_573] : memref<5x128xi32, #tpu.memory_space<vmem>> -> memref<1x128xi32, #tpu.memory_space<vmem>>
      %dma_wait3A_575 = tpu.memref_squeeze %dma_wait3A_574 : memref<1x128xi32, #tpu.memory_space<vmem>> -> memref<128xi32, #tpu.memory_space<vmem>>
      %dma_wait3A_576 = arith.constant 0 : i32
      %dma_wait3A_577 = arith.constant 0 : i32
      %dma_wait3A_578 = tpu.memref_slice %arg10[%dma_wait3A_576, %dma_wait3A_577] : memref<10240x128xf32, #tpu.memory_space<vmem_shared>> -> memref<10240x128xf32, #tpu.memory_space<vmem_shared>>
      tpu.wait_indirect_dma semaphore(%run_scoped3A_562 : memref<!tpu.dma_semaphore, #tpu.memory_space<semaphore_mem>>) src(%dma_wait3A_572 : memref<128x128xf32, #tpu.memory_space<vmem>>) dst(%dma_wait3A_578 : memref<10240x128xf32, #tpu.memory_space<vmem_shared>>)
      tpu.yield
    }) : () -> ()
    %run_scoped3A_529 = arith.constant 4 : i32
    "tpu.region"() ({
      %run_scoped3A_562 = tpu.sem_alloc : memref<!tpu.dma_semaphore, #tpu.memory_space<semaphore_mem>>
      %dma_start3A = arith.constant 0 : i32
      %dma_start3A_563 = arith.constant 0 : i32
      %dma_start3A_564 = tpu.memref_slice %arg8[%dma_start3A, %dma_start3A_563] : memref<128x128xf32, #tpu.memory_space<vmem>> -> memref<128x128xf32, #tpu.memory_space<vmem>>
      %dma_start3A_565 = arith.constant 0 : i32
      %dma_start3A_566 = tpu.memref_slice %arg9[%run_scoped3A_529, %dma_start3A_565] : memref<5x128xi32, #tpu.memory_space<vmem>> -> memref<1x128xi32, #tpu.memory_space<vmem>>
      %dma_start3A_567 = tpu.memref_squeeze %dma_start3A_566 : memref<1x128xi32, #tpu.memory_space<vmem>> -> memref<128xi32, #tpu.memory_space<vmem>>
      %dma_start3A_568 = arith.constant 0 : i32
      %dma_start3A_569 = arith.constant 0 : i32
      %dma_start3A_570 = tpu.memref_slice %arg10[%dma_start3A_568, %dma_start3A_569] : memref<10240x128xf32, #tpu.memory_space<vmem_shared>> -> memref<10240x128xf32, #tpu.memory_space<vmem_shared>>
      tpu.enqueue_indirect_dma source(%dma_start3A_564 : memref<128x128xf32, #tpu.memory_space<vmem>>) target(%dma_start3A_570 : memref<10240x128xf32, #tpu.memory_space<vmem_shared>>) offsets(%dma_start3A_567 : memref<128xi32, #tpu.memory_space<vmem>>) semaphore(%run_scoped3A_562 : memref<!tpu.dma_semaphore, #tpu.memory_space<semaphore_mem>>)
      %dma_wait3A = arith.constant 0 : i32
      %dma_wait3A_571 = arith.constant 0 : i32
      %dma_wait3A_572 = tpu.memref_slice %arg8[%dma_wait3A, %dma_wait3A_571] : memref<128x128xf32, #tpu.memory_space<vmem>> -> memref<128x128xf32, #tpu.memory_space<vmem>>
      %dma_wait3A_573 = arith.constant 0 : i32
      %dma_wait3A_574 = tpu.memref_slice %arg9[%run_scoped3A_529, %dma_wait3A_573] : memref<5x128xi32, #tpu.memory_space<vmem>> -> memref<1x128xi32, #tpu.memory_space<vmem>>
      %dma_wait3A_575 = tpu.memref_squeeze %dma_wait3A_574 : memref<1x128xi32, #tpu.memory_space<vmem>> -> memref<128xi32, #tpu.memory_space<vmem>>
      %dma_wait3A_576 = arith.constant 0 : i32
      %dma_wait3A_577 = arith.constant 0 : i32
      %dma_wait3A_578 = tpu.memref_slice %arg10[%dma_wait3A_576, %dma_wait3A_577] : memref<10240x128xf32, #tpu.memory_space<vmem_shared>> -> memref<10240x128xf32, #tpu.memory_space<vmem_shared>>
      tpu.wait_indirect_dma semaphore(%run_scoped3A_562 : memref<!tpu.dma_semaphore, #tpu.memory_space<semaphore_mem>>) src(%dma_wait3A_572 : memref<128x128xf32, #tpu.memory_space<vmem>>) dst(%dma_wait3A_578 : memref<10240x128xf32, #tpu.memory_space<vmem_shared>>)
      tpu.yield
    }) : () -> ()
    %barrier3A = arith.constant 0 : index
    tpu.barrier barrier_id(%barrier3A)
    %scan3A_530 = arith.constant 0 : i32
    %scan3A_531 = arith.constant 0 : i32
    %scan3A_532 = arith.constant 80 : i32
    %scan3A_533 = arith.addi %scan3A_531, %scan3A_532 : i32
    %scan3A_534 = arith.constant 1 : i32
    scf.for %scan3A_562 = %scan3A_531 to %scan3A_533 step %scan3A_534  : i32 {
      %dma_start3A = arith.constant 0 : i32
      %dma_start3A_563 = tpu.memref_slice %arg6[%scan3A_562, %dma_start3A] : memref<80x128xi32, #tpu.memory_space<vmem>> -> memref<1x128xi32, #tpu.memory_space<vmem>>
      %dma_start3A_564 = tpu.memref_squeeze %dma_start3A_563 : memref<1x128xi32, #tpu.memory_space<vmem>> -> memref<128xi32, #tpu.memory_space<vmem>>
      %dma_start3A_565 = arith.constant 0 : i32
      %dma_start3A_566 = arith.constant 0 : i32
      %dma_start3A_567 = tpu.memref_slice %arg2[%dma_start3A_565, %dma_start3A_566] : memref<10240x128xf32, #tpu.memory_space<hbm>> -> memref<10240x128xf32, #tpu.memory_space<hbm>>
      tpu.enqueue_indirect_dma source(%dma_start3A_567 : memref<10240x128xf32, #tpu.memory_space<hbm>>) target(%arg8 : memref<128x128xf32, #tpu.memory_space<vmem>>) offsets(%dma_start3A_564 : memref<128xi32, #tpu.memory_space<vmem>>) semaphore(%arg11 : memref<!tpu.dma_semaphore, #tpu.memory_space<semaphore_mem>>)
      %dma_wait3A = arith.constant 0 : i32
      %dma_wait3A_568 = tpu.memref_slice %arg6[%scan3A_562, %dma_wait3A] : memref<80x128xi32, #tpu.memory_space<vmem>> -> memref<1x128xi32, #tpu.memory_space<vmem>>
      %dma_wait3A_569 = tpu.memref_squeeze %dma_wait3A_568 : memref<1x128xi32, #tpu.memory_space<vmem>> -> memref<128xi32, #tpu.memory_space<vmem>>
      %dma_wait3A_570 = arith.constant 0 : i32
      %dma_wait3A_571 = arith.constant 0 : i32
      %dma_wait3A_572 = tpu.memref_slice %arg2[%dma_wait3A_570, %dma_wait3A_571] : memref<10240x128xf32, #tpu.memory_space<hbm>> -> memref<10240x128xf32, #tpu.memory_space<hbm>>
      tpu.wait_indirect_dma semaphore(%arg11 : memref<!tpu.dma_semaphore, #tpu.memory_space<semaphore_mem>>) src(%dma_wait3A_572 : memref<10240x128xf32, #tpu.memory_space<hbm>>) dst(%arg8 : memref<128x128xf32, #tpu.memory_space<vmem>>)
      "tpu.region"() ({
        %run_scoped3A_573 = tpu.sem_alloc : memref<!tpu.dma_semaphore, #tpu.memory_space<semaphore_mem>>
        %dma_start3A_574 = arith.constant 0 : i32
        %dma_start3A_575 = tpu.memref_slice %arg7[%scan3A_562, %dma_start3A_574] : memref<80x128xi32, #tpu.memory_space<vmem>> -> memref<1x128xi32, #tpu.memory_space<vmem>>
        %dma_start3A_576 = tpu.memref_squeeze %dma_start3A_575 : memref<1x128xi32, #tpu.memory_space<vmem>> -> memref<128xi32, #tpu.memory_space<vmem>>
        %dma_start3A_577 = arith.constant 0 : i32
        %dma_start3A_578 = arith.constant 0 : i32
        %dma_start3A_579 = tpu.memref_slice %arg10[%dma_start3A_577, %dma_start3A_578] : memref<10240x128xf32, #tpu.memory_space<vmem_shared>> -> memref<10240x128xf32, #tpu.memory_space<vmem_shared>>
        tpu.enqueue_indirect_dma source(%arg8 : memref<128x128xf32, #tpu.memory_space<vmem>>) target(%dma_start3A_579 : memref<10240x128xf32, #tpu.memory_space<vmem_shared>>) offsets(%dma_start3A_576 : memref<128xi32, #tpu.memory_space<vmem>>) semaphore(%run_scoped3A_573 : memref<!tpu.dma_semaphore, #tpu.memory_space<semaphore_mem>>) {add = true}
        %dma_wait3A_580 = arith.constant 0 : i32
        %dma_wait3A_581 = tpu.memref_slice %arg7[%scan3A_562, %dma_wait3A_580] : memref<80x128xi32, #tpu.memory_space<vmem>> -> memref<1x128xi32, #tpu.memory_space<vmem>>
        %dma_wait3A_582 = tpu.memref_squeeze %dma_wait3A_581 : memref<1x128xi32, #tpu.memory_space<vmem>> -> memref<128xi32, #tpu.memory_space<vmem>>
        %dma_wait3A_583 = arith.constant 0 : i32
        %dma_wait3A_584 = arith.constant 0 : i32
        %dma_wait3A_585 = tpu.memref_slice %arg10[%dma_wait3A_583, %dma_wait3A_584] : memref<10240x128xf32, #tpu.memory_space<vmem_shared>> -> memref<10240x128xf32, #tpu.memory_space<vmem_shared>>
        tpu.wait_indirect_dma semaphore(%run_scoped3A_573 : memref<!tpu.dma_semaphore, #tpu.memory_space<semaphore_mem>>) src(%arg8 : memref<128x128xf32, #tpu.memory_space<vmem>>) dst(%dma_wait3A_585 : memref<10240x128xf32, #tpu.memory_space<vmem_shared>>)
        tpu.yield
      }) : () -> ()
    }
    %scan3A_535 = arith.constant 80 : i32
    %barrier3A_536 = arith.constant 0 : index
    tpu.barrier barrier_id(%barrier3A_536)
    %run_scoped3A_537 = arith.constant 0 : i32
    "tpu.region"() ({
      %run_scoped3A_562 = tpu.sem_alloc : memref<!tpu.dma_semaphore, #tpu.memory_space<semaphore_mem>>
      %dma_start3A = arith.constant 0 : i32
      %dma_start3A_563 = arith.constant 0 : i32
      %dma_start3A_564 = tpu.memref_slice %arg8[%dma_start3A, %dma_start3A_563] : memref<128x128xf32, #tpu.memory_space<vmem>> -> memref<128x128xf32, #tpu.memory_space<vmem>>
      %dma_start3A_565 = arith.constant 0 : i32
      %dma_start3A_566 = tpu.memref_slice %arg9[%run_scoped3A_537, %dma_start3A_565] : memref<5x128xi32, #tpu.memory_space<vmem>> -> memref<1x128xi32, #tpu.memory_space<vmem>>
      %dma_start3A_567 = tpu.memref_squeeze %dma_start3A_566 : memref<1x128xi32, #tpu.memory_space<vmem>> -> memref<128xi32, #tpu.memory_space<vmem>>
      %dma_start3A_568 = arith.constant 0 : i32
      %dma_start3A_569 = arith.constant 0 : i32
      %dma_start3A_570 = tpu.memref_slice %arg10[%dma_start3A_568, %dma_start3A_569] : memref<10240x128xf32, #tpu.memory_space<vmem_shared>> -> memref<10240x128xf32, #tpu.memory_space<vmem_shared>>
      tpu.enqueue_indirect_dma source(%dma_start3A_570 : memref<10240x128xf32, #tpu.memory_space<vmem_shared>>) target(%dma_start3A_564 : memref<128x128xf32, #tpu.memory_space<vmem>>) offsets(%dma_start3A_567 : memref<128xi32, #tpu.memory_space<vmem>>) semaphore(%run_scoped3A_562 : memref<!tpu.dma_semaphore, #tpu.memory_space<semaphore_mem>>)
      %dma_wait3A = arith.constant 0 : i32
      %dma_wait3A_571 = arith.constant 0 : i32
      %dma_wait3A_572 = tpu.memref_slice %arg8[%dma_wait3A, %dma_wait3A_571] : memref<128x128xf32, #tpu.memory_space<vmem>> -> memref<128x128xf32, #tpu.memory_space<vmem>>
      %dma_wait3A_573 = arith.constant 0 : i32
      %dma_wait3A_574 = tpu.memref_slice %arg9[%run_scoped3A_537, %dma_wait3A_573] : memref<5x128xi32, #tpu.memory_space<vmem>> -> memref<1x128xi32, #tpu.memory_space<vmem>>
      %dma_wait3A_575 = tpu.memref_squeeze %dma_wait3A_574 : memref<1x128xi32, #tpu.memory_space<vmem>> -> memref<128xi32, #tpu.memory_space<vmem>>
      %dma_wait3A_576 = arith.constant 0 : i32
      %dma_wait3A_577 = arith.constant 0 : i32
      %dma_wait3A_578 = tpu.memref_slice %arg10[%dma_wait3A_576, %dma_wait3A_577] : memref<10240x128xf32, #tpu.memory_space<vmem_shared>> -> memref<10240x128xf32, #tpu.memory_space<vmem_shared>>
      tpu.wait_indirect_dma semaphore(%run_scoped3A_562 : memref<!tpu.dma_semaphore, #tpu.memory_space<semaphore_mem>>) src(%dma_wait3A_578 : memref<10240x128xf32, #tpu.memory_space<vmem_shared>>) dst(%dma_wait3A_572 : memref<128x128xf32, #tpu.memory_space<vmem>>)
      tpu.yield
    }) : () -> ()
    %mul3A_538 = arith.constant 640 : i32
    %mul3A_539 = arith.muli %arg1, %mul3A_538 : i32
    %add3A_540 = arith.constant 0 : i32
    %add3A_541 = arith.addi %mul3A_539, %add3A_540 : i32
    "tpu.region"() ({
      %run_scoped3A_562 = tpu.sem_alloc : memref<!tpu.dma_semaphore, #tpu.memory_space<semaphore_mem>>
      %dma_start3A = arith.constant 0 : i32
      %dma_start3A_563 = arith.constant 0 : i32
      %dma_start3A_564 = tpu.memref_slice %arg8[%dma_start3A, %dma_start3A_563] : memref<128x128xf32, #tpu.memory_space<vmem>> -> memref<128x128xf32, #tpu.memory_space<vmem>>
      %dma_start3A_565 = arith.constant 0 : i32
      %dma_start3A_566 = tpu.memref_slice %arg5[%arg0, %add3A_541, %dma_start3A_565] : memref<2x10240x128xf32, #tpu.memory_space<hbm>> -> memref<1x128x128xf32, #tpu.memory_space<hbm>>
      %dma_start3A_567 = tpu.memref_squeeze %dma_start3A_566 : memref<1x128x128xf32, #tpu.memory_space<hbm>> -> memref<128x128xf32, #tpu.memory_space<hbm>>
      %dma_start3A_568 = arith.constant 0 : i32
      %dma_start3A_569 = tpu.memref_slice %arg5[%arg0, %add3A_541, %dma_start3A_568] : memref<2x10240x128xf32, #tpu.memory_space<hbm>> -> memref<1x128x128xf32, #tpu.memory_space<hbm>>
      %dma_start3A_570 = tpu.memref_squeeze %dma_start3A_569 : memref<1x128x128xf32, #tpu.memory_space<hbm>> -> memref<128x128xf32, #tpu.memory_space<hbm>>
      %dma_start3A_571 = arith.constant 0 : i32
      %dma_start3A_572 = arith.constant 0 : i32
      %dma_start3A_573 = tpu.memref_slice %arg8[%dma_start3A_571, %dma_start3A_572] : memref<128x128xf32, #tpu.memory_space<vmem>> -> memref<128x128xf32, #tpu.memory_space<vmem>>
      tpu.enqueue_dma source(%dma_start3A_573 : memref<128x128xf32, #tpu.memory_space<vmem>>) target(%dma_start3A_570 : memref<128x128xf32, #tpu.memory_space<hbm>>) target_semaphore(%run_scoped3A_562 : memref<!tpu.dma_semaphore, #tpu.memory_space<semaphore_mem>>)
      %dma_wait3A = arith.constant 0 : i32
      %dma_wait3A_574 = arith.constant 0 : i32
      %dma_wait3A_575 = tpu.memref_slice %arg8[%dma_wait3A, %dma_wait3A_574] : memref<128x128xf32, #tpu.memory_space<vmem>> -> memref<128x128xf32, #tpu.memory_space<vmem>>
      %dma_wait3A_576 = arith.constant 0 : i32
      %dma_wait3A_577 = tpu.memref_slice %arg5[%arg0, %add3A_541, %dma_wait3A_576] : memref<2x10240x128xf32, #tpu.memory_space<hbm>> -> memref<1x128x128xf32, #tpu.memory_space<hbm>>
      %dma_wait3A_578 = tpu.memref_squeeze %dma_wait3A_577 : memref<1x128x128xf32, #tpu.memory_space<hbm>> -> memref<128x128xf32, #tpu.memory_space<hbm>>
      %dma_wait3A_579 = arith.constant 0 : i32
      %dma_wait3A_580 = tpu.memref_slice %arg5[%arg0, %add3A_541, %dma_wait3A_579] : memref<2x10240x128xf32, #tpu.memory_space<hbm>> -> memref<1x128x128xf32, #tpu.memory_space<hbm>>
      %dma_wait3A_581 = tpu.memref_squeeze %dma_wait3A_580 : memref<1x128x128xf32, #tpu.memory_space<hbm>> -> memref<128x128xf32, #tpu.memory_space<hbm>>
      %dma_wait3A_582 = arith.constant 0 : i32
      %dma_wait3A_583 = arith.constant 0 : i32
      %dma_wait3A_584 = tpu.memref_slice %arg8[%dma_wait3A_582, %dma_wait3A_583] : memref<128x128xf32, #tpu.memory_space<vmem>> -> memref<128x128xf32, #tpu.memory_space<vmem>>
      tpu.wait_dma2 semaphore(%run_scoped3A_562 : memref<!tpu.dma_semaphore, #tpu.memory_space<semaphore_mem>>) src(%dma_wait3A_584 : memref<128x128xf32, #tpu.memory_space<vmem>>) dst(%dma_wait3A_581 : memref<128x128xf32, #tpu.memory_space<hbm>>)
      tpu.yield
    }) : () -> ()
    %run_scoped3A_542 = arith.constant 1 : i32
    "tpu.region"() ({
      %run_scoped3A_562 = tpu.sem_alloc : memref<!tpu.dma_semaphore, #tpu.memory_space<semaphore_mem>>
      %dma_start3A = arith.constant 0 : i32
      %dma_start3A_563 = arith.constant 0 : i32
      %dma_start3A_564 = tpu.memref_slice %arg8[%dma_start3A, %dma_start3A_563] : memref<128x128xf32, #tpu.memory_space<vmem>> -> memref<128x128xf32, #tpu.memory_space<vmem>>
      %dma_start3A_565 = arith.constant 0 : i32
      %dma_start3A_566 = tpu.memref_slice %arg9[%run_scoped3A_542, %dma_start3A_565] : memref<5x128xi32, #tpu.memory_space<vmem>> -> memref<1x128xi32, #tpu.memory_space<vmem>>
      %dma_start3A_567 = tpu.memref_squeeze %dma_start3A_566 : memref<1x128xi32, #tpu.memory_space<vmem>> -> memref<128xi32, #tpu.memory_space<vmem>>
      %dma_start3A_568 = arith.constant 0 : i32
      %dma_start3A_569 = arith.constant 0 : i32
      %dma_start3A_570 = tpu.memref_slice %arg10[%dma_start3A_568, %dma_start3A_569] : memref<10240x128xf32, #tpu.memory_space<vmem_shared>> -> memref<10240x128xf32, #tpu.memory_space<vmem_shared>>
      tpu.enqueue_indirect_dma source(%dma_start3A_570 : memref<10240x128xf32, #tpu.memory_space<vmem_shared>>) target(%dma_start3A_564 : memref<128x128xf32, #tpu.memory_space<vmem>>) offsets(%dma_start3A_567 : memref<128xi32, #tpu.memory_space<vmem>>) semaphore(%run_scoped3A_562 : memref<!tpu.dma_semaphore, #tpu.memory_space<semaphore_mem>>)
      %dma_wait3A = arith.constant 0 : i32
      %dma_wait3A_571 = arith.constant 0 : i32
      %dma_wait3A_572 = tpu.memref_slice %arg8[%dma_wait3A, %dma_wait3A_571] : memref<128x128xf32, #tpu.memory_space<vmem>> -> memref<128x128xf32, #tpu.memory_space<vmem>>
      %dma_wait3A_573 = arith.constant 0 : i32
      %dma_wait3A_574 = tpu.memref_slice %arg9[%run_scoped3A_542, %dma_wait3A_573] : memref<5x128xi32, #tpu.memory_space<vmem>> -> memref<1x128xi32, #tpu.memory_space<vmem>>
      %dma_wait3A_575 = tpu.memref_squeeze %dma_wait3A_574 : memref<1x128xi32, #tpu.memory_space<vmem>> -> memref<128xi32, #tpu.memory_space<vmem>>
      %dma_wait3A_576 = arith.constant 0 : i32
      %dma_wait3A_577 = arith.constant 0 : i32
      %dma_wait3A_578 = tpu.memref_slice %arg10[%dma_wait3A_576, %dma_wait3A_577] : memref<10240x128xf32, #tpu.memory_space<vmem_shared>> -> memref<10240x128xf32, #tpu.memory_space<vmem_shared>>
      tpu.wait_indirect_dma semaphore(%run_scoped3A_562 : memref<!tpu.dma_semaphore, #tpu.memory_space<semaphore_mem>>) src(%dma_wait3A_578 : memref<10240x128xf32, #tpu.memory_space<vmem_shared>>) dst(%dma_wait3A_572 : memref<128x128xf32, #tpu.memory_space<vmem>>)
      tpu.yield
    }) : () -> ()
    %mul3A_543 = arith.constant 640 : i32
    %mul3A_544 = arith.muli %arg1, %mul3A_543 : i32
    %add3A_545 = arith.constant 128 : i32
    %add3A_546 = arith.addi %mul3A_544, %add3A_545 : i32
    "tpu.region"() ({
      %run_scoped3A_562 = tpu.sem_alloc : memref<!tpu.dma_semaphore, #tpu.memory_space<semaphore_mem>>
      %dma_start3A = arith.constant 0 : i32
      %dma_start3A_563 = arith.constant 0 : i32
      %dma_start3A_564 = tpu.memref_slice %arg8[%dma_start3A, %dma_start3A_563] : memref<128x128xf32, #tpu.memory_space<vmem>> -> memref<128x128xf32, #tpu.memory_space<vmem>>
      %dma_start3A_565 = arith.constant 0 : i32
      %dma_start3A_566 = tpu.memref_slice %arg5[%arg0, %add3A_546, %dma_start3A_565] : memref<2x10240x128xf32, #tpu.memory_space<hbm>> -> memref<1x128x128xf32, #tpu.memory_space<hbm>>
      %dma_start3A_567 = tpu.memref_squeeze %dma_start3A_566 : memref<1x128x128xf32, #tpu.memory_space<hbm>> -> memref<128x128xf32, #tpu.memory_space<hbm>>
      %dma_start3A_568 = arith.constant 0 : i32
      %dma_start3A_569 = tpu.memref_slice %arg5[%arg0, %add3A_546, %dma_start3A_568] : memref<2x10240x128xf32, #tpu.memory_space<hbm>> -> memref<1x128x128xf32, #tpu.memory_space<hbm>>
      %dma_start3A_570 = tpu.memref_squeeze %dma_start3A_569 : memref<1x128x128xf32, #tpu.memory_space<hbm>> -> memref<128x128xf32, #tpu.memory_space<hbm>>
      %dma_start3A_571 = arith.constant 0 : i32
      %dma_start3A_572 = arith.constant 0 : i32
      %dma_start3A_573 = tpu.memref_slice %arg8[%dma_start3A_571, %dma_start3A_572] : memref<128x128xf32, #tpu.memory_space<vmem>> -> memref<128x128xf32, #tpu.memory_space<vmem>>
      tpu.enqueue_dma source(%dma_start3A_573 : memref<128x128xf32, #tpu.memory_space<vmem>>) target(%dma_start3A_570 : memref<128x128xf32, #tpu.memory_space<hbm>>) target_semaphore(%run_scoped3A_562 : memref<!tpu.dma_semaphore, #tpu.memory_space<semaphore_mem>>)
      %dma_wait3A = arith.constant 0 : i32
      %dma_wait3A_574 = arith.constant 0 : i32
      %dma_wait3A_575 = tpu.memref_slice %arg8[%dma_wait3A, %dma_wait3A_574] : memref<128x128xf32, #tpu.memory_space<vmem>> -> memref<128x128xf32, #tpu.memory_space<vmem>>
      %dma_wait3A_576 = arith.constant 0 : i32
      %dma_wait3A_577 = tpu.memref_slice %arg5[%arg0, %add3A_546, %dma_wait3A_576] : memref<2x10240x128xf32, #tpu.memory_space<hbm>> -> memref<1x128x128xf32, #tpu.memory_space<hbm>>
      %dma_wait3A_578 = tpu.memref_squeeze %dma_wait3A_577 : memref<1x128x128xf32, #tpu.memory_space<hbm>> -> memref<128x128xf32, #tpu.memory_space<hbm>>
      %dma_wait3A_579 = arith.constant 0 : i32
      %dma_wait3A_580 = tpu.memref_slice %arg5[%arg0, %add3A_546, %dma_wait3A_579] : memref<2x10240x128xf32, #tpu.memory_space<hbm>> -> memref<1x128x128xf32, #tpu.memory_space<hbm>>
      %dma_wait3A_581 = tpu.memref_squeeze %dma_wait3A_580 : memref<1x128x128xf32, #tpu.memory_space<hbm>> -> memref<128x128xf32, #tpu.memory_space<hbm>>
      %dma_wait3A_582 = arith.constant 0 : i32
      %dma_wait3A_583 = arith.constant 0 : i32
      %dma_wait3A_584 = tpu.memref_slice %arg8[%dma_wait3A_582, %dma_wait3A_583] : memref<128x128xf32, #tpu.memory_space<vmem>> -> memref<128x128xf32, #tpu.memory_space<vmem>>
      tpu.wait_dma2 semaphore(%run_scoped3A_562 : memref<!tpu.dma_semaphore, #tpu.memory_space<semaphore_mem>>) src(%dma_wait3A_584 : memref<128x128xf32, #tpu.memory_space<vmem>>) dst(%dma_wait3A_581 : memref<128x128xf32, #tpu.memory_space<hbm>>)
      tpu.yield
    }) : () -> ()
    %run_scoped3A_547 = arith.constant 2 : i32
    "tpu.region"() ({
      %run_scoped3A_562 = tpu.sem_alloc : memref<!tpu.dma_semaphore, #tpu.memory_space<semaphore_mem>>
      %dma_start3A = arith.constant 0 : i32
      %dma_start3A_563 = arith.constant 0 : i32
      %dma_start3A_564 = tpu.memref_slice %arg8[%dma_start3A, %dma_start3A_563] : memref<128x128xf32, #tpu.memory_space<vmem>> -> memref<128x128xf32, #tpu.memory_space<vmem>>
      %dma_start3A_565 = arith.constant 0 : i32
      %dma_start3A_566 = tpu.memref_slice %arg9[%run_scoped3A_547, %dma_start3A_565] : memref<5x128xi32, #tpu.memory_space<vmem>> -> memref<1x128xi32, #tpu.memory_space<vmem>>
      %dma_start3A_567 = tpu.memref_squeeze %dma_start3A_566 : memref<1x128xi32, #tpu.memory_space<vmem>> -> memref<128xi32, #tpu.memory_space<vmem>>
      %dma_start3A_568 = arith.constant 0 : i32
      %dma_start3A_569 = arith.constant 0 : i32
      %dma_start3A_570 = tpu.memref_slice %arg10[%dma_start3A_568, %dma_start3A_569] : memref<10240x128xf32, #tpu.memory_space<vmem_shared>> -> memref<10240x128xf32, #tpu.memory_space<vmem_shared>>
      tpu.enqueue_indirect_dma source(%dma_start3A_570 : memref<10240x128xf32, #tpu.memory_space<vmem_shared>>) target(%dma_start3A_564 : memref<128x128xf32, #tpu.memory_space<vmem>>) offsets(%dma_start3A_567 : memref<128xi32, #tpu.memory_space<vmem>>) semaphore(%run_scoped3A_562 : memref<!tpu.dma_semaphore, #tpu.memory_space<semaphore_mem>>)
      %dma_wait3A = arith.constant 0 : i32
      %dma_wait3A_571 = arith.constant 0 : i32
      %dma_wait3A_572 = tpu.memref_slice %arg8[%dma_wait3A, %dma_wait3A_571] : memref<128x128xf32, #tpu.memory_space<vmem>> -> memref<128x128xf32, #tpu.memory_space<vmem>>
      %dma_wait3A_573 = arith.constant 0 : i32
      %dma_wait3A_574 = tpu.memref_slice %arg9[%run_scoped3A_547, %dma_wait3A_573] : memref<5x128xi32, #tpu.memory_space<vmem>> -> memref<1x128xi32, #tpu.memory_space<vmem>>
      %dma_wait3A_575 = tpu.memref_squeeze %dma_wait3A_574 : memref<1x128xi32, #tpu.memory_space<vmem>> -> memref<128xi32, #tpu.memory_space<vmem>>
      %dma_wait3A_576 = arith.constant 0 : i32
      %dma_wait3A_577 = arith.constant 0 : i32
      %dma_wait3A_578 = tpu.memref_slice %arg10[%dma_wait3A_576, %dma_wait3A_577] : memref<10240x128xf32, #tpu.memory_space<vmem_shared>> -> memref<10240x128xf32, #tpu.memory_space<vmem_shared>>
      tpu.wait_indirect_dma semaphore(%run_scoped3A_562 : memref<!tpu.dma_semaphore, #tpu.memory_space<semaphore_mem>>) src(%dma_wait3A_578 : memref<10240x128xf32, #tpu.memory_space<vmem_shared>>) dst(%dma_wait3A_572 : memref<128x128xf32, #tpu.memory_space<vmem>>)
      tpu.yield
    }) : () -> ()
    %mul3A_548 = arith.constant 640 : i32
    %mul3A_549 = arith.muli %arg1, %mul3A_548 : i32
    %add3A_550 = arith.constant 256 : i32
    %add3A_551 = arith.addi %mul3A_549, %add3A_550 : i32
    "tpu.region"() ({
      %run_scoped3A_562 = tpu.sem_alloc : memref<!tpu.dma_semaphore, #tpu.memory_space<semaphore_mem>>
      %dma_start3A = arith.constant 0 : i32
      %dma_start3A_563 = arith.constant 0 : i32
      %dma_start3A_564 = tpu.memref_slice %arg8[%dma_start3A, %dma_start3A_563] : memref<128x128xf32, #tpu.memory_space<vmem>> -> memref<128x128xf32, #tpu.memory_space<vmem>>
      %dma_start3A_565 = arith.constant 0 : i32
      %dma_start3A_566 = tpu.memref_slice %arg5[%arg0, %add3A_551, %dma_start3A_565] : memref<2x10240x128xf32, #tpu.memory_space<hbm>> -> memref<1x128x128xf32, #tpu.memory_space<hbm>>
      %dma_start3A_567 = tpu.memref_squeeze %dma_start3A_566 : memref<1x128x128xf32, #tpu.memory_space<hbm>> -> memref<128x128xf32, #tpu.memory_space<hbm>>
      %dma_start3A_568 = arith.constant 0 : i32
      %dma_start3A_569 = tpu.memref_slice %arg5[%arg0, %add3A_551, %dma_start3A_568] : memref<2x10240x128xf32, #tpu.memory_space<hbm>> -> memref<1x128x128xf32, #tpu.memory_space<hbm>>
      %dma_start3A_570 = tpu.memref_squeeze %dma_start3A_569 : memref<1x128x128xf32, #tpu.memory_space<hbm>> -> memref<128x128xf32, #tpu.memory_space<hbm>>
      %dma_start3A_571 = arith.constant 0 : i32
      %dma_start3A_572 = arith.constant 0 : i32
      %dma_start3A_573 = tpu.memref_slice %arg8[%dma_start3A_571, %dma_start3A_572] : memref<128x128xf32, #tpu.memory_space<vmem>> -> memref<128x128xf32, #tpu.memory_space<vmem>>
      tpu.enqueue_dma source(%dma_start3A_573 : memref<128x128xf32, #tpu.memory_space<vmem>>) target(%dma_start3A_570 : memref<128x128xf32, #tpu.memory_space<hbm>>) target_semaphore(%run_scoped3A_562 : memref<!tpu.dma_semaphore, #tpu.memory_space<semaphore_mem>>)
      %dma_wait3A = arith.constant 0 : i32
      %dma_wait3A_574 = arith.constant 0 : i32
      %dma_wait3A_575 = tpu.memref_slice %arg8[%dma_wait3A, %dma_wait3A_574] : memref<128x128xf32, #tpu.memory_space<vmem>> -> memref<128x128xf32, #tpu.memory_space<vmem>>
      %dma_wait3A_576 = arith.constant 0 : i32
      %dma_wait3A_577 = tpu.memref_slice %arg5[%arg0, %add3A_551, %dma_wait3A_576] : memref<2x10240x128xf32, #tpu.memory_space<hbm>> -> memref<1x128x128xf32, #tpu.memory_space<hbm>>
      %dma_wait3A_578 = tpu.memref_squeeze %dma_wait3A_577 : memref<1x128x128xf32, #tpu.memory_space<hbm>> -> memref<128x128xf32, #tpu.memory_space<hbm>>
      %dma_wait3A_579 = arith.constant 0 : i32
      %dma_wait3A_580 = tpu.memref_slice %arg5[%arg0, %add3A_551, %dma_wait3A_579] : memref<2x10240x128xf32, #tpu.memory_space<hbm>> -> memref<1x128x128xf32, #tpu.memory_space<hbm>>
      %dma_wait3A_581 = tpu.memref_squeeze %dma_wait3A_580 : memref<1x128x128xf32, #tpu.memory_space<hbm>> -> memref<128x128xf32, #tpu.memory_space<hbm>>
      %dma_wait3A_582 = arith.constant 0 : i32
      %dma_wait3A_583 = arith.constant 0 : i32
      %dma_wait3A_584 = tpu.memref_slice %arg8[%dma_wait3A_582, %dma_wait3A_583] : memref<128x128xf32, #tpu.memory_space<vmem>> -> memref<128x128xf32, #tpu.memory_space<vmem>>
      tpu.wait_dma2 semaphore(%run_scoped3A_562 : memref<!tpu.dma_semaphore, #tpu.memory_space<semaphore_mem>>) src(%dma_wait3A_584 : memref<128x128xf32, #tpu.memory_space<vmem>>) dst(%dma_wait3A_581 : memref<128x128xf32, #tpu.memory_space<hbm>>)
      tpu.yield
    }) : () -> ()
    %run_scoped3A_552 = arith.constant 3 : i32
    "tpu.region"() ({
      %run_scoped3A_562 = tpu.sem_alloc : memref<!tpu.dma_semaphore, #tpu.memory_space<semaphore_mem>>
      %dma_start3A = arith.constant 0 : i32
      %dma_start3A_563 = arith.constant 0 : i32
      %dma_start3A_564 = tpu.memref_slice %arg8[%dma_start3A, %dma_start3A_563] : memref<128x128xf32, #tpu.memory_space<vmem>> -> memref<128x128xf32, #tpu.memory_space<vmem>>
      %dma_start3A_565 = arith.constant 0 : i32
      %dma_start3A_566 = tpu.memref_slice %arg9[%run_scoped3A_552, %dma_start3A_565] : memref<5x128xi32, #tpu.memory_space<vmem>> -> memref<1x128xi32, #tpu.memory_space<vmem>>
      %dma_start3A_567 = tpu.memref_squeeze %dma_start3A_566 : memref<1x128xi32, #tpu.memory_space<vmem>> -> memref<128xi32, #tpu.memory_space<vmem>>
      %dma_start3A_568 = arith.constant 0 : i32
      %dma_start3A_569 = arith.constant 0 : i32
      %dma_start3A_570 = tpu.memref_slice %arg10[%dma_start3A_568, %dma_start3A_569] : memref<10240x128xf32, #tpu.memory_space<vmem_shared>> -> memref<10240x128xf32, #tpu.memory_space<vmem_shared>>
      tpu.enqueue_indirect_dma source(%dma_start3A_570 : memref<10240x128xf32, #tpu.memory_space<vmem_shared>>) target(%dma_start3A_564 : memref<128x128xf32, #tpu.memory_space<vmem>>) offsets(%dma_start3A_567 : memref<128xi32, #tpu.memory_space<vmem>>) semaphore(%run_scoped3A_562 : memref<!tpu.dma_semaphore, #tpu.memory_space<semaphore_mem>>)
      %dma_wait3A = arith.constant 0 : i32
      %dma_wait3A_571 = arith.constant 0 : i32
      %dma_wait3A_572 = tpu.memref_slice %arg8[%dma_wait3A, %dma_wait3A_571] : memref<128x128xf32, #tpu.memory_space<vmem>> -> memref<128x128xf32, #tpu.memory_space<vmem>>
      %dma_wait3A_573 = arith.constant 0 : i32
      %dma_wait3A_574 = tpu.memref_slice %arg9[%run_scoped3A_552, %dma_wait3A_573] : memref<5x128xi32, #tpu.memory_space<vmem>> -> memref<1x128xi32, #tpu.memory_space<vmem>>
      %dma_wait3A_575 = tpu.memref_squeeze %dma_wait3A_574 : memref<1x128xi32, #tpu.memory_space<vmem>> -> memref<128xi32, #tpu.memory_space<vmem>>
      %dma_wait3A_576 = arith.constant 0 : i32
      %dma_wait3A_577 = arith.constant 0 : i32
      %dma_wait3A_578 = tpu.memref_slice %arg10[%dma_wait3A_576, %dma_wait3A_577] : memref<10240x128xf32, #tpu.memory_space<vmem_shared>> -> memref<10240x128xf32, #tpu.memory_space<vmem_shared>>
      tpu.wait_indirect_dma semaphore(%run_scoped3A_562 : memref<!tpu.dma_semaphore, #tpu.memory_space<semaphore_mem>>) src(%dma_wait3A_578 : memref<10240x128xf32, #tpu.memory_space<vmem_shared>>) dst(%dma_wait3A_572 : memref<128x128xf32, #tpu.memory_space<vmem>>)
      tpu.yield
    }) : () -> ()
    %mul3A_553 = arith.constant 640 : i32
    %mul3A_554 = arith.muli %arg1, %mul3A_553 : i32
    %add3A_555 = arith.constant 384 : i32
    %add3A_556 = arith.addi %mul3A_554, %add3A_555 : i32
    "tpu.region"() ({
      %run_scoped3A_562 = tpu.sem_alloc : memref<!tpu.dma_semaphore, #tpu.memory_space<semaphore_mem>>
      %dma_start3A = arith.constant 0 : i32
      %dma_start3A_563 = arith.constant 0 : i32
      %dma_start3A_564 = tpu.memref_slice %arg8[%dma_start3A, %dma_start3A_563] : memref<128x128xf32, #tpu.memory_space<vmem>> -> memref<128x128xf32, #tpu.memory_space<vmem>>
      %dma_start3A_565 = arith.constant 0 : i32
      %dma_start3A_566 = tpu.memref_slice %arg5[%arg0, %add3A_556, %dma_start3A_565] : memref<2x10240x128xf32, #tpu.memory_space<hbm>> -> memref<1x128x128xf32, #tpu.memory_space<hbm>>
      %dma_start3A_567 = tpu.memref_squeeze %dma_start3A_566 : memref<1x128x128xf32, #tpu.memory_space<hbm>> -> memref<128x128xf32, #tpu.memory_space<hbm>>
      %dma_start3A_568 = arith.constant 0 : i32
      %dma_start3A_569 = tpu.memref_slice %arg5[%arg0, %add3A_556, %dma_start3A_568] : memref<2x10240x128xf32, #tpu.memory_space<hbm>> -> memref<1x128x128xf32, #tpu.memory_space<hbm>>
      %dma_start3A_570 = tpu.memref_squeeze %dma_start3A_569 : memref<1x128x128xf32, #tpu.memory_space<hbm>> -> memref<128x128xf32, #tpu.memory_space<hbm>>
      %dma_start3A_571 = arith.constant 0 : i32
      %dma_start3A_572 = arith.constant 0 : i32
      %dma_start3A_573 = tpu.memref_slice %arg8[%dma_start3A_571, %dma_start3A_572] : memref<128x128xf32, #tpu.memory_space<vmem>> -> memref<128x128xf32, #tpu.memory_space<vmem>>
      tpu.enqueue_dma source(%dma_start3A_573 : memref<128x128xf32, #tpu.memory_space<vmem>>) target(%dma_start3A_570 : memref<128x128xf32, #tpu.memory_space<hbm>>) target_semaphore(%run_scoped3A_562 : memref<!tpu.dma_semaphore, #tpu.memory_space<semaphore_mem>>)
      %dma_wait3A = arith.constant 0 : i32
      %dma_wait3A_574 = arith.constant 0 : i32
      %dma_wait3A_575 = tpu.memref_slice %arg8[%dma_wait3A, %dma_wait3A_574] : memref<128x128xf32, #tpu.memory_space<vmem>> -> memref<128x128xf32, #tpu.memory_space<vmem>>
      %dma_wait3A_576 = arith.constant 0 : i32
      %dma_wait3A_577 = tpu.memref_slice %arg5[%arg0, %add3A_556, %dma_wait3A_576] : memref<2x10240x128xf32, #tpu.memory_space<hbm>> -> memref<1x128x128xf32, #tpu.memory_space<hbm>>
      %dma_wait3A_578 = tpu.memref_squeeze %dma_wait3A_577 : memref<1x128x128xf32, #tpu.memory_space<hbm>> -> memref<128x128xf32, #tpu.memory_space<hbm>>
      %dma_wait3A_579 = arith.constant 0 : i32
      %dma_wait3A_580 = tpu.memref_slice %arg5[%arg0, %add3A_556, %dma_wait3A_579] : memref<2x10240x128xf32, #tpu.memory_space<hbm>> -> memref<1x128x128xf32, #tpu.memory_space<hbm>>
      %dma_wait3A_581 = tpu.memref_squeeze %dma_wait3A_580 : memref<1x128x128xf32, #tpu.memory_space<hbm>> -> memref<128x128xf32, #tpu.memory_space<hbm>>
      %dma_wait3A_582 = arith.constant 0 : i32
      %dma_wait3A_583 = arith.constant 0 : i32
      %dma_wait3A_584 = tpu.memref_slice %arg8[%dma_wait3A_582, %dma_wait3A_583] : memref<128x128xf32, #tpu.memory_space<vmem>> -> memref<128x128xf32, #tpu.memory_space<vmem>>
      tpu.wait_dma2 semaphore(%run_scoped3A_562 : memref<!tpu.dma_semaphore, #tpu.memory_space<semaphore_mem>>) src(%dma_wait3A_584 : memref<128x128xf32, #tpu.memory_space<vmem>>) dst(%dma_wait3A_581 : memref<128x128xf32, #tpu.memory_space<hbm>>)
      tpu.yield
    }) : () -> ()
    %run_scoped3A_557 = arith.constant 4 : i32
    "tpu.region"() ({
      %run_scoped3A_562 = tpu.sem_alloc : memref<!tpu.dma_semaphore, #tpu.memory_space<semaphore_mem>>
      %dma_start3A = arith.constant 0 : i32
      %dma_start3A_563 = arith.constant 0 : i32
      %dma_start3A_564 = tpu.memref_slice %arg8[%dma_start3A, %dma_start3A_563] : memref<128x128xf32, #tpu.memory_space<vmem>> -> memref<128x128xf32, #tpu.memory_space<vmem>>
      %dma_start3A_565 = arith.constant 0 : i32
      %dma_start3A_566 = tpu.memref_slice %arg9[%run_scoped3A_557, %dma_start3A_565] : memref<5x128xi32, #tpu.memory_space<vmem>> -> memref<1x128xi32, #tpu.memory_space<vmem>>
      %dma_start3A_567 = tpu.memref_squeeze %dma_start3A_566 : memref<1x128xi32, #tpu.memory_space<vmem>> -> memref<128xi32, #tpu.memory_space<vmem>>
      %dma_start3A_568 = arith.constant 0 : i32
      %dma_start3A_569 = arith.constant 0 : i32
      %dma_start3A_570 = tpu.memref_slice %arg10[%dma_start3A_568, %dma_start3A_569] : memref<10240x128xf32, #tpu.memory_space<vmem_shared>> -> memref<10240x128xf32, #tpu.memory_space<vmem_shared>>
      tpu.enqueue_indirect_dma source(%dma_start3A_570 : memref<10240x128xf32, #tpu.memory_space<vmem_shared>>) target(%dma_start3A_564 : memref<128x128xf32, #tpu.memory_space<vmem>>) offsets(%dma_start3A_567 : memref<128xi32, #tpu.memory_space<vmem>>) semaphore(%run_scoped3A_562 : memref<!tpu.dma_semaphore, #tpu.memory_space<semaphore_mem>>)
      %dma_wait3A = arith.constant 0 : i32
      %dma_wait3A_571 = arith.constant 0 : i32
      %dma_wait3A_572 = tpu.memref_slice %arg8[%dma_wait3A, %dma_wait3A_571] : memref<128x128xf32, #tpu.memory_space<vmem>> -> memref<128x128xf32, #tpu.memory_space<vmem>>
      %dma_wait3A_573 = arith.constant 0 : i32
      %dma_wait3A_574 = tpu.memref_slice %arg9[%run_scoped3A_557, %dma_wait3A_573] : memref<5x128xi32, #tpu.memory_space<vmem>> -> memref<1x128xi32, #tpu.memory_space<vmem>>
      %dma_wait3A_575 = tpu.memref_squeeze %dma_wait3A_574 : memref<1x128xi32, #tpu.memory_space<vmem>> -> memref<128xi32, #tpu.memory_space<vmem>>
      %dma_wait3A_576 = arith.constant 0 : i32
      %dma_wait3A_577 = arith.constant 0 : i32
      %dma_wait3A_578 = tpu.memref_slice %arg10[%dma_wait3A_576, %dma_wait3A_577] : memref<10240x128xf32, #tpu.memory_space<vmem_shared>> -> memref<10240x128xf32, #tpu.memory_space<vmem_shared>>
      tpu.wait_indirect_dma semaphore(%run_scoped3A_562 : memref<!tpu.dma_semaphore, #tpu.memory_space<semaphore_mem>>) src(%dma_wait3A_578 : memref<10240x128xf32, #tpu.memory_space<vmem_shared>>) dst(%dma_wait3A_572 : memref<128x128xf32, #tpu.memory_space<vmem>>)
      tpu.yield
    }) : () -> ()
    %mul3A_558 = arith.constant 640 : i32
    %mul3A_559 = arith.muli %arg1, %mul3A_558 : i32
    %add3A_560 = arith.constant 512 : i32
    %add3A_561 = arith.addi %mul3A_559, %add3A_560 : i32
    "tpu.region"() ({
      %run_scoped3A_562 = tpu.sem_alloc : memref<!tpu.dma_semaphore, #tpu.memory_space<semaphore_mem>>
      %dma_start3A = arith.constant 0 : i32
      %dma_start3A_563 = arith.constant 0 : i32
      %dma_start3A_564 = tpu.memref_slice %arg8[%dma_start3A, %dma_start3A_563] : memref<128x128xf32, #tpu.memory_space<vmem>> -> memref<128x128xf32, #tpu.memory_space<vmem>>
      %dma_start3A_565 = arith.constant 0 : i32
      %dma_start3A_566 = tpu.memref_slice %arg5[%arg0, %add3A_561, %dma_start3A_565] : memref<2x10240x128xf32, #tpu.memory_space<hbm>> -> memref<1x128x128xf32, #tpu.memory_space<hbm>>
      %dma_start3A_567 = tpu.memref_squeeze %dma_start3A_566 : memref<1x128x128xf32, #tpu.memory_space<hbm>> -> memref<128x128xf32, #tpu.memory_space<hbm>>
      %dma_start3A_568 = arith.constant 0 : i32
      %dma_start3A_569 = tpu.memref_slice %arg5[%arg0, %add3A_561, %dma_start3A_568] : memref<2x10240x128xf32, #tpu.memory_space<hbm>> -> memref<1x128x128xf32, #tpu.memory_space<hbm>>
      %dma_start3A_570 = tpu.memref_squeeze %dma_start3A_569 : memref<1x128x128xf32, #tpu.memory_space<hbm>> -> memref<128x128xf32, #tpu.memory_space<hbm>>
      %dma_start3A_571 = arith.constant 0 : i32
      %dma_start3A_572 = arith.constant 0 : i32
      %dma_start3A_573 = tpu.memref_slice %arg8[%dma_start3A_571, %dma_start3A_572] : memref<128x128xf32, #tpu.memory_space<vmem>> -> memref<128x128xf32, #tpu.memory_space<vmem>>
      tpu.enqueue_dma source(%dma_start3A_573 : memref<128x128xf32, #tpu.memory_space<vmem>>) target(%dma_start3A_570 : memref<128x128xf32, #tpu.memory_space<hbm>>) target_semaphore(%run_scoped3A_562 : memref<!tpu.dma_semaphore, #tpu.memory_space<semaphore_mem>>)
      %dma_wait3A = arith.constant 0 : i32
      %dma_wait3A_574 = arith.constant 0 : i32
      %dma_wait3A_575 = tpu.memref_slice %arg8[%dma_wait3A, %dma_wait3A_574] : memref<128x128xf32, #tpu.memory_space<vmem>> -> memref<128x128xf32, #tpu.memory_space<vmem>>
      %dma_wait3A_576 = arith.constant 0 : i32
      %dma_wait3A_577 = tpu.memref_slice %arg5[%arg0, %add3A_561, %dma_wait3A_576] : memref<2x10240x128xf32, #tpu.memory_space<hbm>> -> memref<1x128x128xf32, #tpu.memory_space<hbm>>
      %dma_wait3A_578 = tpu.memref_squeeze %dma_wait3A_577 : memref<1x128x128xf32, #tpu.memory_space<hbm>> -> memref<128x128xf32, #tpu.memory_space<hbm>>
      %dma_wait3A_579 = arith.constant 0 : i32
      %dma_wait3A_580 = tpu.memref_slice %arg5[%arg0, %add3A_561, %dma_wait3A_579] : memref<2x10240x128xf32, #tpu.memory_space<hbm>> -> memref<1x128x128xf32, #tpu.memory_space<hbm>>
      %dma_wait3A_581 = tpu.memref_squeeze %dma_wait3A_580 : memref<1x128x128xf32, #tpu.memory_space<hbm>> -> memref<128x128xf32, #tpu.memory_space<hbm>>
      %dma_wait3A_582 = arith.constant 0 : i32
      %dma_wait3A_583 = arith.constant 0 : i32
      %dma_wait3A_584 = tpu.memref_slice %arg8[%dma_wait3A_582, %dma_wait3A_583] : memref<128x128xf32, #tpu.memory_space<vmem>> -> memref<128x128xf32, #tpu.memory_space<vmem>>
      tpu.wait_dma2 semaphore(%run_scoped3A_562 : memref<!tpu.dma_semaphore, #tpu.memory_space<semaphore_mem>>) src(%dma_wait3A_584 : memref<128x128xf32, #tpu.memory_space<vmem>>) dst(%dma_wait3A_581 : memref<128x128xf32, #tpu.memory_space<hbm>>)
      tpu.yield
    }) : () -> ()
    return
  }
}

module attributes {stable_mosaic.version = 14 : i64} {
  func.func @_mm_body(%arg0: i32, %arg1: memref<1024x128xf32, #tpu.memory_space<vmem>>, %arg2: memref<128x128xf32, #tpu.memory_space<vmem>>, %arg3: memref<1024x128xf32, #tpu.memory_space<vmem>>) attributes {dimension_semantics = [#tpu.dimension_semantics<arbitrary>], iteration_bounds = array<i64: 10>, scalar_prefetch = 0 : i64, scratch_operands = 0 : i64, tpu.core_type = #tpu.core_type<tc>, window_params = [{transform_indices = @transform_0, window_bounds = array<i64: 1024, 128>}, {pipeline_mode = #tpu.pipeline_mode<synchronous>, transform_indices = @transform_1, window_bounds = array<i64: 128, 128>}, {transform_indices = @transform_2, window_bounds = array<i64: 1024, 128>}]} {
    %get3A = arith.constant 0 : index
    %get3A_0 = arith.constant 0 : index
    %get3A_1 = vector.load %arg1[%get3A, %get3A_0] : memref<1024x128xf32, #tpu.memory_space<vmem>>, vector<1024x128xf32>
    %get3A_2 = arith.constant 0 : index
    %get3A_3 = arith.constant 0 : index
    %get3A_4 = vector.load %arg2[%get3A_2, %get3A_3] : memref<128x128xf32, #tpu.memory_space<vmem>>, vector<128x128xf32>
    %dot_general3A = arith.constant dense<0.000000e+00> : vector<1024x128xf32>
    %dot_general3A_5 = tpu.matmul %get3A_1, %get3A_4, %dot_general3A {dimension_numbers = #tpu.dot_dimension_numbers<[1], [0], [0], [1], [0, 0, 1, 1], [], []>, transpose_lhs_hint = false} : vector<1024x128xf32>, vector<128x128xf32>, vector<1024x128xf32> -> vector<1024x128xf32>
    %swap3A = arith.constant 0 : index
    %swap3A_6 = arith.constant 0 : index
    %swap3A_7 = vector.load %arg3[%swap3A, %swap3A_6] : memref<1024x128xf32, #tpu.memory_space<vmem>>, vector<1024x128xf32>
    tpu.vector_store %arg3[%swap3A, %swap3A_6], %dot_general3A_5 {strides = array<i32>} : memref<1024x128xf32, #tpu.memory_space<vmem>>, vector<1024x128xf32>,
    return
  }
  func.func @transform_0(%arg0: i32) -> (i32, i32) {
    %c0_i32 = arith.constant 0 : i32
    %c0_i32_0 = arith.constant 0 : i32
    return %arg0, %c0_i32 : i32, i32
  }
  func.func @transform_1(%arg0: i32) -> (i32, i32) {
    %c0_i32 = arith.constant 0 : i32
    %c0_i32_0 = arith.constant 0 : i32
    %c0_i32_1 = arith.constant 0 : i32
    return %c0_i32, %c0_i32_0 : i32, i32
  }
  func.func @transform_2(%arg0: i32) -> (i32, i32) {
    %c0_i32 = arith.constant 0 : i32
    %c0_i32_0 = arith.constant 0 : i32
    return %arg0, %c0_i32 : i32, i32
  }
}

module attributes {stable_mosaic.version = 14 : i64} {
  func.func @_fin1_body(%arg0: i32, %arg1: memref<2x1024x128xf32, #tpu.memory_space<vmem>>, %arg2: memref<1024x128xf32, #tpu.memory_space<vmem>>, %arg3: memref<1024x128xf32, #tpu.memory_space<vmem>>) attributes {dimension_semantics = [#tpu.dimension_semantics<arbitrary>], iteration_bounds = array<i64: 10>, scalar_prefetch = 0 : i64, scratch_operands = 0 : i64, tpu.core_type = #tpu.core_type<tc>, window_params = [{transform_indices = @transform_0, window_bounds = array<i64: 2, 1024, 128>}, {transform_indices = @transform_1, window_bounds = array<i64: 1024, 128>}, {transform_indices = @transform_2, window_bounds = array<i64: 1024, 128>}]} {
    %get3A = arith.constant 0 : index
    %get3A_0 = arith.constant 0 : index
    %get3A_1 = vector.load %arg2[%get3A, %get3A_0] : memref<1024x128xf32, #tpu.memory_space<vmem>>, vector<1024x128xf32>
    %get3A_2 = arith.constant 0 : index
    %get3A_3 = arith.constant 0 : index
    %get3A_4 = arith.constant 0 : index
    %get3A_5 = vector.load %arg1[%get3A_2, %get3A_3, %get3A_4] : memref<2x1024x128xf32, #tpu.memory_space<vmem>>, vector<2x1024x128xf32>
    %slice3A = vector.extract_strided_slice %get3A_5 {offsets = [0, 0, 0], sizes = [1, 1024, 128], strides = [1, 1, 1]} : vector<2x1024x128xf32> to vector<1x1024x128xf32>
    %squeeze3A = vector.shape_cast %slice3A : vector<1x1024x128xf32> to vector<1024x128xf32>
    %slice3A_6 = vector.extract_strided_slice %squeeze3A {offsets = [0, 0], sizes = [1024, 1], strides = [1, 1]} : vector<1024x128xf32> to vector<1024x1xf32>
    %slice3A_7 = vector.extract_strided_slice %get3A_5 {offsets = [1, 0, 0], sizes = [1, 1024, 128], strides = [1, 1, 1]} : vector<2x1024x128xf32> to vector<1x1024x128xf32>
    %squeeze3A_8 = vector.shape_cast %slice3A_7 : vector<1x1024x128xf32> to vector<1024x128xf32>
    %slice3A_9 = vector.extract_strided_slice %squeeze3A_8 {offsets = [0, 0], sizes = [1024, 1], strides = [1, 1]} : vector<1024x128xf32> to vector<1024x1xf32>
    %add3A = arith.addf %slice3A_6, %slice3A_9 : vector<1024x1xf32>
    %add3A_10 = arith.constant 1.000000e+00 : f32
    %add3A_11 = vector.broadcast %add3A_10 : f32 to vector<1024x1xf32>
    %add3A_12 = arith.addf %add3A, %add3A_11 : vector<1024x1xf32>
    %rsqrt3A = math.rsqrt %add3A_12 : vector<1024x1xf32>
    %mul3A = vector.broadcast %rsqrt3A : vector<1024x1xf32> to vector<1024x128xf32>
    %mul3A_13 = arith.mulf %get3A_1, %mul3A : vector<1024x128xf32>
    %swap3A = arith.constant 0 : index
    %swap3A_14 = arith.constant 0 : index
    %swap3A_15 = vector.load %arg3[%swap3A, %swap3A_14] : memref<1024x128xf32, #tpu.memory_space<vmem>>, vector<1024x128xf32>
    tpu.vector_store %arg3[%swap3A, %swap3A_14], %mul3A_13 {strides = array<i32>} : memref<1024x128xf32, #tpu.memory_space<vmem>>, vector<1024x128xf32>,
    return
  }
  func.func @transform_0(%arg0: i32) -> (i32, i32, i32) {
    %c0_i32 = arith.constant 0 : i32
    %c0_i32_0 = arith.constant 0 : i32
    %c0_i32_1 = arith.constant 0 : i32
    return %c0_i32, %arg0, %c0_i32_0 : i32, i32, i32
  }
  func.func @transform_1(%arg0: i32) -> (i32, i32) {
    %c0_i32 = arith.constant 0 : i32
    %c0_i32_0 = arith.constant 0 : i32
    return %arg0, %c0_i32 : i32, i32
  }
  func.func @transform_2(%arg0: i32) -> (i32, i32) {
    %c0_i32 = arith.constant 0 : i32
    %c0_i32_0 = arith.constant 0 : i32
    return %arg0, %c0_i32 : i32, i32
  }
}

module attributes {stable_mosaic.version = 14 : i64} {
  func.func @_mid_body(%arg0: i32, %arg1: memref<2x1024x128xf32, #tpu.memory_space<vmem>>, %arg2: memref<2x1024x128xf32, #tpu.memory_space<vmem>>, %arg3: memref<1024x128xf32, #tpu.memory_space<vmem>>, %arg4: memref<1x128xf32, #tpu.memory_space<vmem>>, %arg5: memref<128x128xf32, #tpu.memory_space<vmem>>, %arg6: memref<1024x128xf32, #tpu.memory_space<vmem>>) attributes {dimension_semantics = [#tpu.dimension_semantics<arbitrary>], iteration_bounds = array<i64: 10>, scalar_prefetch = 0 : i64, scratch_operands = 0 : i64, tpu.core_type = #tpu.core_type<tc>, window_params = [{transform_indices = @transform_0, window_bounds = array<i64: 2, 1024, 128>}, {transform_indices = @transform_1, window_bounds = array<i64: 2, 1024, 128>}, {transform_indices = @transform_2, window_bounds = array<i64: 1024, 128>}, {pipeline_mode = #tpu.pipeline_mode<synchronous>, transform_indices = @transform_3, window_bounds = array<i64: 1, 128>}, {pipeline_mode = #tpu.pipeline_mode<synchronous>, transform_indices = @transform_4, window_bounds = array<i64: 128, 128>}, {transform_indices = @transform_5, window_bounds = array<i64: 1024, 128>}]} {
    %get3A = arith.constant 0 : index
    %get3A_0 = arith.constant 0 : index
    %get3A_1 = arith.constant 0 : index
    %get3A_2 = vector.load %arg1[%get3A, %get3A_0, %get3A_1] : memref<2x1024x128xf32, #tpu.memory_space<vmem>>, vector<2x1024x128xf32>
    %slice3A = vector.extract_strided_slice %get3A_2 {offsets = [0, 0, 0], sizes = [1, 1024, 128], strides = [1, 1, 1]} : vector<2x1024x128xf32> to vector<1x1024x128xf32>
    %squeeze3A = vector.shape_cast %slice3A : vector<1x1024x128xf32> to vector<1024x128xf32>
    %slice3A_3 = vector.extract_strided_slice %squeeze3A {offsets = [0, 0], sizes = [1024, 1], strides = [1, 1]} : vector<1024x128xf32> to vector<1024x1xf32>
    %slice3A_4 = vector.extract_strided_slice %get3A_2 {offsets = [1, 0, 0], sizes = [1, 1024, 128], strides = [1, 1, 1]} : vector<2x1024x128xf32> to vector<1x1024x128xf32>
    %squeeze3A_5 = vector.shape_cast %slice3A_4 : vector<1x1024x128xf32> to vector<1024x128xf32>
    %slice3A_6 = vector.extract_strided_slice %squeeze3A_5 {offsets = [0, 0], sizes = [1024, 1], strides = [1, 1]} : vector<1024x128xf32> to vector<1024x1xf32>
    %add3A = arith.addf %slice3A_3, %slice3A_6 : vector<1024x1xf32>
    %add3A_7 = arith.constant 1.000000e+00 : f32
    %add3A_8 = vector.broadcast %add3A_7 : f32 to vector<1024x1xf32>
    %add3A_9 = arith.addf %add3A, %add3A_8 : vector<1024x1xf32>
    %rsqrt3A = math.rsqrt %add3A_9 : vector<1024x1xf32>
    %get3A_10 = arith.constant 0 : index
    %get3A_11 = arith.constant 0 : index
    %get3A_12 = arith.constant 0 : index
    %get3A_13 = vector.load %arg2[%get3A_10, %get3A_11, %get3A_12] : memref<2x1024x128xf32, #tpu.memory_space<vmem>>, vector<1x1024x128xf32>
    %get3A_14 = vector.shape_cast %get3A_13 : vector<1x1024x128xf32> to vector<1024x128xf32>
    %get3A_15 = arith.constant 1 : index
    %get3A_16 = arith.constant 0 : index
    %get3A_17 = arith.constant 0 : index
    %get3A_18 = vector.load %arg2[%get3A_15, %get3A_16, %get3A_17] : memref<2x1024x128xf32, #tpu.memory_space<vmem>>, vector<1x1024x128xf32>
    %get3A_19 = vector.shape_cast %get3A_18 : vector<1x1024x128xf32> to vector<1024x128xf32>
    %add3A_20 = arith.addf %get3A_14, %get3A_19 : vector<1024x128xf32>
    %get3A_21 = arith.constant 0 : index
    %get3A_22 = arith.constant 0 : index
    %get3A_23 = vector.load %arg3[%get3A_21, %get3A_22] : memref<1024x128xf32, #tpu.memory_space<vmem>>, vector<1024x128xf32>
    %add3A_24 = arith.addf %add3A_20, %get3A_23 : vector<1024x128xf32>
    %mul3A = vector.broadcast %rsqrt3A : vector<1024x1xf32> to vector<1024x128xf32>
    %mul3A_25 = arith.mulf %add3A_24, %mul3A : vector<1024x128xf32>
    %get3A_26 = arith.constant 0 : index
    %get3A_27 = arith.constant 0 : index
    %get3A_28 = vector.load %arg4[%get3A_26, %get3A_27] : memref<1x128xf32, #tpu.memory_space<vmem>>, vector<1x128xf32>
    %add3A_29 = vector.broadcast %get3A_28 : vector<1x128xf32> to vector<1024x128xf32>
    %add3A_30 = arith.addf %mul3A_25, %add3A_29 : vector<1024x128xf32>
    %max3A = arith.constant 0.000000e+00 : f32
    %max3A_31 = vector.broadcast %max3A : f32 to vector<1024x128xf32>
    %max3A_32 = arith.maximumf %add3A_30, %max3A_31 : vector<1024x128xf32>
    %get3A_33 = arith.constant 0 : index
    %get3A_34 = arith.constant 0 : index
    %get3A_35 = vector.load %arg5[%get3A_33, %get3A_34] : memref<128x128xf32, #tpu.memory_space<vmem>>, vector<128x128xf32>
    %dot_general3A = arith.constant dense<0.000000e+00> : vector<1024x128xf32>
    %dot_general3A_36 = tpu.matmul %max3A_32, %get3A_35, %dot_general3A {dimension_numbers = #tpu.dot_dimension_numbers<[1], [0], [0], [1], [0, 0, 1, 1], [], []>, transpose_lhs_hint = false} : vector<1024x128xf32>, vector<128x128xf32>, vector<1024x128xf32> -> vector<1024x128xf32>
    %mul3A_37 = vector.broadcast %rsqrt3A : vector<1024x1xf32> to vector<1024x128xf32>
    %mul3A_38 = arith.mulf %dot_general3A_36, %mul3A_37 : vector<1024x128xf32>
    %swap3A = arith.constant 0 : index
    %swap3A_39 = arith.constant 0 : index
    %swap3A_40 = vector.load %arg6[%swap3A, %swap3A_39] : memref<1024x128xf32, #tpu.memory_space<vmem>>, vector<1024x128xf32>
    tpu.vector_store %arg6[%swap3A, %swap3A_39], %mul3A_38 {strides = array<i32>} : memref<1024x128xf32, #tpu.memory_space<vmem>>, vector<1024x128xf32>,
    return
  }
  func.func @transform_0(%arg0: i32) -> (i32, i32, i32) {
    %c0_i32 = arith.constant 0 : i32
    %c0_i32_0 = arith.constant 0 : i32
    %c0_i32_1 = arith.constant 0 : i32
    return %c0_i32, %arg0, %c0_i32_0 : i32, i32, i32
  }
  func.func @transform_1(%arg0: i32) -> (i32, i32, i32) {
    %c0_i32 = arith.constant 0 : i32
    %c0_i32_0 = arith.constant 0 : i32
    %c0_i32_1 = arith.constant 0 : i32
    return %c0_i32, %arg0, %c0_i32_0 : i32, i32, i32
  }
  func.func @transform_2(%arg0: i32) -> (i32, i32) {
    %c0_i32 = arith.constant 0 : i32
    %c0_i32_0 = arith.constant 0 : i32
    return %arg0, %c0_i32 : i32, i32
  }
  func.func @transform_3(%arg0: i32) -> (i32, i32) {
    %c0_i32 = arith.constant 0 : i32
    %c0_i32_0 = arith.constant 0 : i32
    %c0_i32_1 = arith.constant 0 : i32
    return %c0_i32, %c0_i32_0 : i32, i32
  }
  func.func @transform_4(%arg0: i32) -> (i32, i32) {
    %c0_i32 = arith.constant 0 : i32
    %c0_i32_0 = arith.constant 0 : i32
    %c0_i32_1 = arith.constant 0 : i32
    return %c0_i32, %c0_i32_0 : i32, i32
  }
  func.func @transform_5(%arg0: i32) -> (i32, i32) {
    %c0_i32 = arith.constant 0 : i32
    %c0_i32_0 = arith.constant 0 : i32
    return %arg0, %c0_i32 : i32, i32
  }
}

module attributes {stable_mosaic.version = 14 : i64} {
  func.func @_final_body(%arg0: i32, %arg1: memref<2x1024x128xf32, #tpu.memory_space<vmem>>, %arg2: memref<2x1024x128xf32, #tpu.memory_space<vmem>>, %arg3: memref<1024x128xf32, #tpu.memory_space<vmem>>, %arg4: memref<1x128xf32, #tpu.memory_space<vmem>>, %arg5: memref<1024x128xf32, #tpu.memory_space<vmem>>) attributes {dimension_semantics = [#tpu.dimension_semantics<arbitrary>], iteration_bounds = array<i64: 10>, scalar_prefetch = 0 : i64, scratch_operands = 0 : i64, tpu.core_type = #tpu.core_type<tc>, window_params = [{transform_indices = @transform_0, window_bounds = array<i64: 2, 1024, 128>}, {transform_indices = @transform_1, window_bounds = array<i64: 2, 1024, 128>}, {transform_indices = @transform_2, window_bounds = array<i64: 1024, 128>}, {pipeline_mode = #tpu.pipeline_mode<synchronous>, transform_indices = @transform_3, window_bounds = array<i64: 1, 128>}, {transform_indices = @transform_4, window_bounds = array<i64: 1024, 128>}]} {
    %get3A = arith.constant 0 : index
    %get3A_0 = arith.constant 0 : index
    %get3A_1 = arith.constant 0 : index
    %get3A_2 = vector.load %arg1[%get3A, %get3A_0, %get3A_1] : memref<2x1024x128xf32, #tpu.memory_space<vmem>>, vector<2x1024x128xf32>
    %slice3A = vector.extract_strided_slice %get3A_2 {offsets = [0, 0, 0], sizes = [1, 1024, 128], strides = [1, 1, 1]} : vector<2x1024x128xf32> to vector<1x1024x128xf32>
    %squeeze3A = vector.shape_cast %slice3A : vector<1x1024x128xf32> to vector<1024x128xf32>
    %slice3A_3 = vector.extract_strided_slice %squeeze3A {offsets = [0, 0], sizes = [1024, 1], strides = [1, 1]} : vector<1024x128xf32> to vector<1024x1xf32>
    %slice3A_4 = vector.extract_strided_slice %get3A_2 {offsets = [1, 0, 0], sizes = [1, 1024, 128], strides = [1, 1, 1]} : vector<2x1024x128xf32> to vector<1x1024x128xf32>
    %squeeze3A_5 = vector.shape_cast %slice3A_4 : vector<1x1024x128xf32> to vector<1024x128xf32>
    %slice3A_6 = vector.extract_strided_slice %squeeze3A_5 {offsets = [0, 0], sizes = [1024, 1], strides = [1, 1]} : vector<1024x128xf32> to vector<1024x1xf32>
    %add3A = arith.addf %slice3A_3, %slice3A_6 : vector<1024x1xf32>
    %add3A_7 = arith.constant 1.000000e+00 : f32
    %add3A_8 = vector.broadcast %add3A_7 : f32 to vector<1024x1xf32>
    %add3A_9 = arith.addf %add3A, %add3A_8 : vector<1024x1xf32>
    %rsqrt3A = math.rsqrt %add3A_9 : vector<1024x1xf32>
    %get3A_10 = arith.constant 0 : index
    %get3A_11 = arith.constant 0 : index
    %get3A_12 = arith.constant 0 : index
    %get3A_13 = vector.load %arg2[%get3A_10, %get3A_11, %get3A_12] : memref<2x1024x128xf32, #tpu.memory_space<vmem>>, vector<1x1024x128xf32>
    %get3A_14 = vector.shape_cast %get3A_13 : vector<1x1024x128xf32> to vector<1024x128xf32>
    %get3A_15 = arith.constant 1 : index
    %get3A_16 = arith.constant 0 : index
    %get3A_17 = arith.constant 0 : index
    %get3A_18 = vector.load %arg2[%get3A_15, %get3A_16, %get3A_17] : memref<2x1024x128xf32, #tpu.memory_space<vmem>>, vector<1x1024x128xf32>
    %get3A_19 = vector.shape_cast %get3A_18 : vector<1x1024x128xf32> to vector<1024x128xf32>
    %add3A_20 = arith.addf %get3A_14, %get3A_19 : vector<1024x128xf32>
    %get3A_21 = arith.constant 0 : index
    %get3A_22 = arith.constant 0 : index
    %get3A_23 = vector.load %arg3[%get3A_21, %get3A_22] : memref<1024x128xf32, #tpu.memory_space<vmem>>, vector<1024x128xf32>
    %add3A_24 = arith.addf %add3A_20, %get3A_23 : vector<1024x128xf32>
    %mul3A = vector.broadcast %rsqrt3A : vector<1024x1xf32> to vector<1024x128xf32>
    %mul3A_25 = arith.mulf %add3A_24, %mul3A : vector<1024x128xf32>
    %get3A_26 = arith.constant 0 : index
    %get3A_27 = arith.constant 0 : index
    %get3A_28 = vector.load %arg4[%get3A_26, %get3A_27] : memref<1x128xf32, #tpu.memory_space<vmem>>, vector<1x128xf32>
    %add3A_29 = vector.broadcast %get3A_28 : vector<1x128xf32> to vector<1024x128xf32>
    %add3A_30 = arith.addf %mul3A_25, %add3A_29 : vector<1024x128xf32>
    %swap3A = arith.constant 0 : index
    %swap3A_31 = arith.constant 0 : index
    %swap3A_32 = vector.load %arg5[%swap3A, %swap3A_31] : memref<1024x128xf32, #tpu.memory_space<vmem>>, vector<1024x128xf32>
    tpu.vector_store %arg5[%swap3A, %swap3A_31], %add3A_30 {strides = array<i32>} : memref<1024x128xf32, #tpu.memory_space<vmem>>, vector<1024x128xf32>,
    return
  }
  func.func @transform_0(%arg0: i32) -> (i32, i32, i32) {
    %c0_i32 = arith.constant 0 : i32
    %c0_i32_0 = arith.constant 0 : i32
    %c0_i32_1 = arith.constant 0 : i32
    return %c0_i32, %arg0, %c0_i32_0 : i32, i32, i32
  }
  func.func @transform_1(%arg0: i32) -> (i32, i32, i32) {
    %c0_i32 = arith.constant 0 : i32
    %c0_i32_0 = arith.constant 0 : i32
    %c0_i32_1 = arith.constant 0 : i32
    return %c0_i32, %arg0, %c0_i32_0 : i32, i32, i32
  }
  func.func @transform_2(%arg0: i32) -> (i32, i32) {
    %c0_i32 = arith.constant 0 : i32
    %c0_i32_0 = arith.constant 0 : i32
    return %arg0, %c0_i32 : i32, i32
  }
  func.func @transform_3(%arg0: i32) -> (i32, i32) {
    %c0_i32 = arith.constant 0 : i32
    %c0_i32_0 = arith.constant 0 : i32
    %c0_i32_1 = arith.constant 0 : i32
    return %c0_i32, %c0_i32_0 : i32, i32
  }
  func.func @transform_4(%arg0: i32) -> (i32, i32) {
    %c0_i32 = arith.constant 0 : i32
    %c0_i32_0 = arith.constant 0 : i32
    return %arg0, %c0_i32 : i32, i32
  }
}

</mosaic_0001>

<sc_bundles>
// kernel: kernel.12.cloned.1.call-start
scs
__scs_entry_jumppad:
0x0: {  	(pc) =	sbr.rel $0x88, $3  }
0x1: {  	(tag) =	ssettag $0x0;
	lr =	simm.s32 $0x1  }
0x2: {  	[smem:$0x3F9B] =	sst lr;
	_ =	strace $0xD0000000  }
0x3: {  	_ = 	snop  }
0x4: {  	_ = 	snop  }
0x5: {  	_ = 	snop  }
0x6: {  	_ = 	snop  }
0x7: {  	_ = 	snop  }
__scs_overlays_trampoline_lowered:
0x8: {  	[smem:$0x3FAA] =	sst s0  }
0x9: {  	[smem:$0x3FAB] =	sst s1  }
0xa: {  	[smem:$0x3FAC] =	sst s2  }
0xb: {  	[smem:$0x3FAD] =	sst s3  }
0xc: {  	[smem:$0x3FAE] =	sst s4  }
0xd: {  	[smem:$0x3FAF] =	sst s5  }
0xe: {  	[smem:$0x3FB0] =	sst s6  }
0xf: {  	[smem:$0x3FB1] =	sst s7  }
0x10: {  	[smem:$0x3FB2] =	sst s8  }
0x11: {  	[smem:$0x3FB3] =	sst s9;
	s0 =	simm.s32 @!p0 $0x0  }
0x12: {  	s1 =	sld [smem:$0x3F99];
	s0 =	simm.s32 @p0 $0x1  }
0x13: {  	[smem:$0x3FB4] =	sst s0;
	s0 =	simm.s32 @!p1 $0x0  }
0x14: {  	s2 =	sld [smem:$0x3F98];
	s0 =	simm.s32 @p1 $0x1  }
0x15: {  	[smem:$0x3FB5] =	sst s0;
	s0 =	simm.s32 @!p2 $0x0  }
0x16: {  	s3 =	sld [smem:$0x3FDB];
	s0 =	simm.s32 @p2 $0x1  }
0x17: {  	s4 =	simm.s32 $0x1BF5;
	[smem:$0x3FB7] =	sst s0  }
0x18: {  	s0 =	sld [smem:$0x3F9A];
	_ =	swait.ge [sflag:s4], $0x0  }
0x19: {  	s7 =	sld [smem:$0x3F9B]  }
0x1a: {  	s8 =	sadd.s32 $0xFFFFE003, lr  }
0x1b: {  	s9 =	sadd.s32 $0xFFFFFEF7, lr;
	s5 =	simm.s32 $0xFFFFFFFF;
	p2 =	slt.u32 s8, $0xFFFFF086  }
0x1c: {  	p1 =	slt.u32 s9, $0xF7A;
	s5 =	simm.s32 @!p2 $0x0  }
0x1d: {  	s5 =	simm.s32 @p1 $0x1;
	p0 =	seq.s32 s7, s2  }
0x1e: {  	s7 =	smul.u32 @!p0 $0xF7A, s2;
	p2 =	seq.s32 @!p0 s5, $0x0  }
0x1f: {  	s9 =	smul.u32 $0xF7A, s1;
	s8 =	simm.s32 @!p0 $0x1BF5;
	p2 =	por !p2, p0  }
0x20: {  	[sflag:s8] =	ssyncset.s32 @!p0 $0xFFFFF086;
	s6 =	sadd.s32 @!p0 s3, s7;
	s7 =	simm.s32 @!p0 $0x108  }
0x21: {  	s3 =	sadd.s32 s3, s9;
	s6 =	sadd.s32 @!p0 $0x88, s6;
	s7 =	simm.s32 @p2 $0x1082  }
0x22: {  	[simem:s7], [sflag:s8] =	dma.local @!p0 [hbm:s6], $0xF7A  }
0x23: {  	s9 =	sor.u32 $0xD0000000, s2;
	s6 =	simm.s32 $0x108;
	_ =	swait.ge @!p0 [sflag:s8], $0x0  }
0x24: {  	s3 =	sadd.s32 $0x88, s3;
	s6 =	simm.s32 @!p1 $0x1082;
	[sflag:s4] =	ssyncset.s32 $0xFFFFF086  }
0x25: {  	[simem:s6], [sflag:s4] =	dma.local [hbm:s3], $0xF7A  }
0x26: {  	[smem:$0x3F9B] =	sst s1;
	(tag) =	ssettag s2;
	_ =	strace s9  }
0x27: {  	s1 =	sld [smem:$0x3FAB]  }
0x28: {  	s2 =	sld [smem:$0x3FAC]  }
0x29: {  	s4 =	sld [smem:$0x3FAE]  }
0x2a: {  	p0 =	seq.s32 s5, $0x0;
	s5 =	sld [smem:$0x3FAF]  }
0x2b: {  	s6 =	sld [smem:$0x3FB0]  }
0x2c: {  	s7 =	sld [smem:$0x3FB1]  }
0x2d: {  	s3 =	simm.s32 $0x108;
	s8 =	sld [smem:$0x3FB2]  }
0x2e: {  	s3 =	simm.s32 @!p0 $0x1082;
	s9 =	sld [smem:$0x3FB3]  }
0x2f: {  	lr =	sadd.s32 s0, s3;
	s0 =	sld [smem:$0x3FAA]  }
0x30: {  	s3 =	sld [smem:$0x3FAD]  }
0x31: {  	[smem:$0x3FB6] =	sst s10  }
0x32: {  	s10 =	sld [smem:$0x3FB4];
	_ =	sdelay $0x3  }
0x33: {  	p0 =	seq.s32 s10, $0x1;
	s10 =	sld [smem:$0x3FB6];
	_ =	sdelay $0x3  }
0x34: {  	[smem:$0x3FB6] =	sst s10  }
0x35: {  	s10 =	sld [smem:$0x3FB5];
	_ =	sdelay $0x3  }
0x36: {  	p1 =	seq.s32 s10, $0x1;
	s10 =	sld [smem:$0x3FB6];
	_ =	sdelay $0x3  }
0x37: {  	[smem:$0x3FB6] =	sst s10  }
0x38: {  	s10 =	sld [smem:$0x3FB7]  }
0x39: {  	_ = 	snop;
	(pc) =	sbr.ind lr, $3  }
0x3a: {  	_ = 	snop  }
0x3b: {  	_ = 	snop  }
0x3c: {  	p2 =	seq.s32 s10, $0x1;
	s10 =	sld [smem:$0x3FB6]  }
0x3d: {  	_ =	shalt  }
0x3e: {  	_ =	shalt  }
0x3f: {  	_ =	shalt  }
0x40: {  	_ =	shalt  }
0x41: {  	_ =	shalt  }
0x42: {  	_ =	shalt  }
0x43: {  	_ =	shalt  }
0x44: {  	_ =	shalt  }
0x45: {  	_ =	shalt  }
0x46: {  	_ =	shalt  }
0x47: {  	_ =	shalt  }
0x48: {  	_ =	shalt  }
0x49: {  	_ =	shalt  }
0x4a: {  	_ =	shalt  }
0x4b: {  	_ =	shalt  }
0x4c: {  	_ =	shalt  }
0x4d: {  	_ =	shalt  }
0x4e: {  	_ =	shalt  }
0x4f: {  	_ =	shalt  }
0x50: {  	_ =	shalt  }
0x51: {  	_ =	shalt  }
0x52: {  	_ =	shalt  }
0x53: {  	_ =	shalt  }
0x54: {  	_ =	shalt  }
0x55: {  	_ =	shalt  }
0x56: {  	_ =	shalt  }
0x57: {  	_ =	shalt  }
0x58: {  	_ =	shalt  }
0x59: {  	_ =	shalt  }
0x5a: {  	_ =	shalt  }
0x5b: {  	_ =	shalt  }
0x5c: {  	_ =	shalt  }
0x5d: {  	_ =	shalt  }
0x5e: {  	_ =	shalt  }
0x5f: {  	_ =	shalt  }
0x60: {  	_ =	shalt  }
0x61: {  	_ =	shalt  }
0x62: {  	_ =	shalt  }
0x63: {  	_ =	shalt  }
0x64: {  	_ =	shalt  }
0x65: {  	_ =	shalt  }
0x66: {  	_ =	shalt  }
0x67: {  	_ =	shalt  }
0x68: {  	_ =	shalt  }
0x69: {  	_ =	shalt  }
0x6a: {  	_ =	shalt  }
0x6b: {  	_ =	shalt  }
0x6c: {  	_ =	shalt  }
0x6d: {  	_ =	shalt  }
0x6e: {  	_ =	shalt  }
0x6f: {  	_ =	shalt  }
0x70: {  	_ =	shalt  }
0x71: {  	_ =	shalt  }
0x72: {  	_ =	shalt  }
0x73: {  	_ =	shalt  }
0x74: {  	_ =	shalt  }
0x75: {  	_ =	shalt  }
0x76: {  	_ =	shalt  }
0x77: {  	_ =	shalt  }
0x78: {  	_ =	shalt  }
0x79: {  	_ =	shalt  }
0x7a: {  	_ =	shalt  }
0x7b: {  	_ =	shalt  }
0x7c: {  	_ =	shalt  }
0x7d: {  	_ =	shalt  }
0x7e: {  	_ =	shalt  }
0x7f: {  	_ =	shalt  }
0x80: {  	_ =	shalt  }
0x81: {  	_ =	shalt  }
0x82: {  	_ =	shalt  }
0x83: {  	_ =	shalt  }
0x84: {  	_ =	shalt  }
0x85: {  	_ =	shalt  }
0x86: {  	_ =	shalt  }
0x87: {  	_ =	shalt  }
.Lfunc_end0:
.L_simem_size_0:
called_computation.1_lowered:
.L_overlay_start_0:
0x88: {  	s2 =	sld [smem:$0x3FD9]  }
0x89: {  	s3 =	sld [smem:$0x3FFE];
	_ =	sdelay $0x1  }
0x8a: {  	s1 =	srdreg.scid  }
0x8b: {  	s0 =	sand.u32 $0x1, s1  }
0x8c: {  	s17 =	sshll.u32 s0, $0xA;
	s2 =	sadd.s32 s3, s2  }
0x8d: {  	s2 =	sadd.s32 s2, s17  }
0x8e: {  	[smem:$0x3FC2] =	sst s2  }
0x8f: {  	_ = 	snop  }
0x90: {  	s2 =	sld [smem:$0x3FD0];
	(tm) =	ssettm $0x1  }
0x91: {  	s18 =	sld [smem:$0x3FFB];
	_ =	sdelay $0x3  }
0x92: {  	_ =	strace s18  }
0x93: {  	s3 =	sld [smem:$0x3FFC];
	_ =	sdelay $0x3  }
0x94: {  	_ =	strace s3  }
0x95: {  	s3 =	sld [smem:$0x3FFD];
	_ =	sdelay $0x3  }
0x96: {  	_ =	strace s3  }
0x97: {  	_ =	strace $0x8FFFFFFF  }
0x98: {  	s19 =	sld [smem:$0x3FDB];
	_ =	sdelay $0x1  }
0x99: {  	s4 =	simm.s32 $_scs_section_size  }
0x9a: {  	s5 =	simm.s32 $_size__tile_overlayer_lowered;
	s6 =	simm.s32 $_tile_overlayer_lowered  }
0x9b: {  	s22 =	simm.s32 $0x1BFF;
	s21 =	sshll.u32 s6, $0x1;
	s3 =	sadd.s32 s4, s19  }
0x9c: {  	s7 =	simm.s32 $0x0;
	s20 =	sshll.u32 s5, $0x1;
	s5 =	sadd.s32 s21, s3  }
0x9d: {  	[timem:s7], [sflag:s22] =	dma.local [hbm:s5], s20  }
0x9e: {  	_ =	swait.ge [sflag:s22], s20  }
0x9f: {  	s4 =	ssub.s32 $0x0, s20;
	[sflag:s22] =	ssyncset.done $0x0  }
0xa0: {  	[sflag:s22] =	ssyncadd.s32 s4;
	_ =	sdelay $0x1  }
0xa1: {  	s23 =	simm.s32 $0x1B8B  }
0xa2: {  	_ =	swait.ge [sflag:s23], $0x1  }
0xa3: {  	[sflag:s23] =	ssyncset.done $0x0  }
0xa4: {  	s25 =	simm.s32 $0x1B8E;
	s24 =	sld [smem:$0x3FFE];
	[sflag:s23] =	ssyncadd.s32 $0xFFFFFFFF  }
0xa5: {  	s26 =	simm.s32 $execute0_lowered;
	[smem:$0x3FD2] =	sst s25  }
0xa6: {  	s5 =	sshll.u32 s26, $0x1;
	_ =	strace $0x80000049;
	[dreg:$0x1] =	wrdreg $0xFFFFFFFF  }
0xa7: {  	s28 =	simm.s32 $_size_execute0_lowered;
	s3 =	sadd.s32 s3, s5;
	[dreg:$0x0] =	wrdreg $0x0  }
0xa8: {  	s5 =	sshll.u32 s28, $0x1;
	[dreg:$0x2] =	wrdreg s3  }
0xa9: {  	[dreg:$0x3] =	wrdreg s5  }
0xaa: {  	[dreg:$0x4] =	wrdreg $0xC0  }
0xab: {  	_ =	task [dreg:s7], $0x5FFFF  }
0xac: {  	[dreg:$0x1] =	wrdreg $0xFFFFFFFF  }
0xad: {  	[dreg:$0x0] =	wrdreg $0x60  }
0xae: {  	[dreg:$0x2] =	wrdreg s24  }
0xaf: {  	[dreg:$0x3] =	wrdreg s2  }
0xb0: {  	[dreg:$0x4] =	wrdreg $0x94000  }
0xb1: {  	[dreg:$0x5] =	wrdreg $0x9  }
0xb2: {  	_ =	task.clear_ibuf [dreg:s7], $0x6FFFF;
	_ =	strace $0x90000049  }
0xb3: {  	s29 =	simm.s32 $0x9;
	_ =	strace $0x8000004B  }
0xb4: {  	_ =	swait.ge [sflag:s29], $0x1  }
0xb5: {  	[sflag:s29] =	ssyncadd.s32 $0xFFFFFFFF  }
0xb6: {  	_ =	strace $0x9000004B  }
0xb7: {  	_ =	sfence  }
0xb8: {  	s30 =	sld [smem:$0x0];
	_ =	sdelay $0x2  }
0xb9: {  	s31 =	sshll.u32 s1, $0xD;
	s1 =	sshrl.u32 s1, $0x2  }
0xba: {  	s3 =	sand.u32 $0x4000, s31;
	s1 =	sadd.s32 s1, s30  }
0xbb: {  	s0 =	sor.u32 s3, s0;
	s1 =	sshll.u32 s1, $0x11  }
0xbc: {  	s0 =	sor.u32 s1, s0  }
0xbd: {  	s0 =	sadd.s32 $0x8F2B, s0  }
0xbe: {  	[sflag:s0] =	ssyncadd.remote.s32 $0x1  }
0xbf: {  	_ =	sfence.sel $0xFFFF  }
0xc0: {  	[dreg:$0x0] =	wrdreg $0xFFFFFFFF;
	(pc) =	sbr.abs _section_cstart, $3  }
0xc1: {  	[dreg:$0x1] =	wrdreg $0xFFFFFFFF  }
0xc2: {  	_ =	task.clear_ibuf [dreg:s7], $0x2FFFF;
	_ =	strace $0x9FFFFFFF  }
0xc3: {  	(tm) =	ssettm $0x7FFFFFFF  }
tec
execute0_lowered:
.L_overlay_start_1:
0x0: {  	(tag) =	ssettag $0x1  }
0x1: {  	s5 =	rddreg [dreg:$0x0]  }
0x2: {  	s6 =	rddreg [dreg:$0x1]  }
0x3: {  	s1 =	srdreg.scid;
	s0 =	stileid.u32  }
0x4: {  	s2 =	rddreg [dreg:$0x2];
	s3 =	simm.s32 $0x0;
	s7 =	sand.u32 $0x1, s1  }
0x5: {  	s4 =	sshll.u32 s0, $0x1;
	s1 =	rddreg [dreg:$0x3];
	s13 =	smul.u32 $0x280, s0  }
0x6: {  	[smem:$0x7FF] =	sst s3;
	s11 =	sadd.s32 $0x5BE00, s5;
	s25 =	smul.u32 $0x14000, s0  }
0x7: {  	s4 =	sor.u32 s7, s4;
	s10 =	ssub.s32 $0x2, s7;
	s7 =	smul.u32 $0x140000, s7  }
0x8: {  	_ =	strace $0x8000004A;
	s8 =	smul.u32 $0x500, s4;
	s4 =	sadd.s32 $0x1E00, s5  }
0x9: {  	s30 =	sshrl.u32 s10, $0x1;
	s31 =	sor.u32 $0x10, s13;
	s16 =	sor.u32 $0x20, s13  }
0xa: {  	s17 =	sor.u32 $0x30, s13;
	s18 =	sor.u32 $0x40, s13;
	s19 =	sor.u32 $0x50, s13  }
0xb: {  	s20 =	sor.u32 $0x60, s13;
	s21 =	sadd.s32 $0x80, s13;
	s22 =	sadd.s32 $0x100, s13  }
0xc: {  	v39 =	vlaneseq.u32;
	s15 =	sadd.s32 $0x200, s13;
	s12 =	ssub.s32 s10, s30;
	s14 =	sshll.u32 s21, $0x7  }
0xd: {  	s26 =	sshll.u32 s22, $0x7;
	v1 =	vor.u32 s16, v39;
	s30 =	sadd.s32 $0xB0, s13;
	s16 =	sadd.s32 $0xC0, s13  }
0xe: {  	v0 =	vor.u32 s31, v39;
	v3 =	vor.u32 s18, v39;
	v4 =	vor.u32 s19, v39;
	s18 =	sadd.s32 $0xE0, s13;
	s19 =	sadd.s32 $0xF0, s13;
	s31 =	sadd.s32 $0x110, s13  }
0xf: {  	v5 =	vor.u32 s20, v39;
	v7 =	vor.u32 s21, v39;
	s20 =	sadd.s32 $0x120, s13;
	s21 =	sadd.s32 $0x130, s13;
	s10 =	sadd.s32 $0x150, s13  }
0x10: {  	v2 =	vor.u32 s17, v39;
	s17 =	sadd.s32 $0x1A0, s13;
	v15 =	vor.u32 s22, v39;
	s22 =	sadd.s32 $0x1E0, s13;
	s9 =	sadd.s32 s8, s5  }
0x11: {  	s6 =	sadd.s32 s6, s8;
	s8 =	sadd.s32 s25, s7;
	s23 =	sadd.s32 s7, s14  }
0x12: {  	s25 =	sshll.u32 s15, $0x7;
	s26 =	sadd.s32 s7, s26;
	v10 =	vor.u32 s30, v39;
	s30 =	sadd.s32 $0x170, s13  }
0x13: {  	v11 =	vor.u32 s16, v39;
	s16 =	sadd.s32 $0x190, s13;
	v14 =	vor.u32 s19, v39;
	v16 =	vor.u32 s31, v39;
	s31 =	sadd.s32 $0x1C0, s13;
	s19 =	sadd.s32 $0x1D0, s13  }
0x14: {  	v17 =	vor.u32 s20, v39;
	v18 =	vor.u32 s21, v39;
	s20 =	sadd.s32 $0x1F0, s13;
	s21 =	sadd.s32 $0x210, s13;
	s12 =	smax.u32 s12, $0x1  }
0x15: {  	v32 =	vor.u32 s15, v39;
	v13 =	vor.u32 s18, v39;
	v25 =	vor.u32 s17, v39;
	s15 =	simm.s32 $0x80;
	s17 =	simm.s32 $0x5000;
	s18 =	simm.s32 $0x9080  }
0x16: {  	v30 =	vor.u32 s22, v39;
	s22 =	simm.s32 $0x1;
	s5 =	sadd.s32 $0x51E00, s9;
	s9 =	sadd.s32 $0x180, s13  }
0x17: {  	s14 =	sadd.s32 s7, s25;
	s25 =	sor.u32 $0x70, s13;
	s28 =	sshrl.u32 s8, $0x3  }
0x18: {  	s29 =	sshrl.u32 s23, $0x3;
	s23 =	sshrl.u32 s26, $0x3;
	s26 =	sadd.s32 $0x90, s13  }
0x19: {  	v22 =	vor.u32 s30, v39;
	s30 =	sadd.s32 $0x250, s13;
	v24 =	vor.u32 s16, v39;
	v27 =	vor.u32 s31, v39;
	s31 =	sadd.s32 $0x270, s13;
	s16 =	simm.s32 $0x9000  }
0x1a: {  	v29 =	vor.u32 s19, v39;
	v31 =	vor.u32 s20, v39;
	v33 =	vor.u32 s21, v39;
	s19 =	simm.s32 $0x9100;
	s20 =	simm.s32 $0x9180;
	s21 =	simm.s32 $0x9200  }
0x1b: {  	s24 =	sshll.u32 s9, $0x7;
	s8 =	sadd.s32 s11, s29;
	s29 =	sadd.s32 $0xD0, s13  }
0x1c: {  	v6 =	vor.u32 s25, v39;
	s25 =	sadd.s32 $0x140, s13;
	v8 =	vor.u32 s26, v39;
	s26 =	sadd.s32 $0x160, s13;
	v23 =	vor.u32 s9, v39;
	s9 =	sadd.s32 s11, s23  }
0x1d: {  	v40 =	vimm.f32 $0.0e+00;
	v28 =	vor.u32 s13, v39;
	s14 =	sshrl.u32 s14, $0x3;
	s23 =	simm.s32 $0x0;
	s24 =	sadd.s32 s7, s24  }
0x1e: {  	v20 =	vor.u32 s10, v39;
	v37 =	vor.u32 s30, v39;
	s7 =	sadd.s32 s11, s28;
	s28 =	sadd.s32 $0xA0, s13;
	v12 =	vor.u32 s29, v39;
	s29 =	sadd.s32 $0x1B0, s13  }
0x1f: {  	v19 =	vor.u32 s25, v39;
	s25 =	sadd.s32 $0x220, s13;
	v21 =	vor.u32 s26, v39;
	s26 =	sadd.s32 $0x230, s13;
	s24 =	sshrl.u32 s24, $0x3;
	v9 =	vor.u32 s28, v39  }
0x20: {  	s28 =	sadd.s32 $0x240, s13;
	v26 =	vor.u32 s29, v39;
	s29 =	sadd.s32 $0x260, s13;
	s13 =	simm.s32 $0x2;
	v34 =	vor.u32 s25, v39;
	v35 =	vor.u32 s26, v39  }
0x21: {  	s10 =	sadd.s32 s11, s24;
	s11 =	sadd.s32 s11, s14;
	s14 =	simm.s32 $0x2800;
	v36 =	vor.u32 s28, v39;
	v38 =	vor.u32 s29, v39;
	v39 =	vor.u32 s31, v39  }
.LBB2_1:
0x22: {  	[tilespmem:s3], [sflag:$0x2] =	stream.linear.gather [hbm4b:s5+s3], $0x2800, $0x38;
	[tilespmem:$0x1D400] =	vst v63  }
0x23: {  	_ =	swait.ge [sflag:s13], $0x2800  }
0x24: {  	[sflag:s13] =	ssyncset.done $0x0  }
0x25: {  	[sflag:s13] =	ssyncadd.s32 $0xFFFFD800  }
0x26: {  	[tilespmem:s14], [sflag:$0x2] =	stream.linear.gather [hbm4b:s6+s3], $0x2800, $0x38;
	[tilespmem:$0x1D400] =	vst v63  }
0x27: {  	_ =	swait.ge [sflag:s13], $0x2800  }
0x28: {  	[sflag:s13] =	ssyncset.done $0x0  }
0x29: {  	s24 =	simm.s32 $0x0;
	s25 =	simm.s32 $0x200;
	[sflag:s13] =	ssyncadd.s32 $0xFFFFD800  }
.LBB2_2:
0x2a: {  	p0 =	sne.s32 s25, $0xFE00;
	[tilespmem:s24+$0x5070] =	vst v40  }
0x2b: {  	[tilespmem:s24+$0x5000] =	vst v40  }
0x2c: {  	[tilespmem:s24+$0x5010] =	vst v40  }
.Ltmp0:
0x2d: {  	[tilespmem:s24+$0x5020] =	vst v40;
	(pc) =	sbr.rel @p0 .LBB2_2-.Ltmp0, $4  }
0x2e: {  	[tilespmem:s24+$0x5030] =	vst v40  }
0x2f: {  	[tilespmem:s24+$0x5040] =	vst v40  }
0x30: {  	[tilespmem:s24+$0x5050] =	vst v40  }
0x31: {  	[tilespmem:s24+$0x5060] =	vst v40;
	s24 =	sshra.s32 s25, $0x2;
	s25 =	sadd.s32 $0x200, s25  }
0x32: {  	[tilespmem:s24+$0x5070] =	vst v40  }
0x33: {  	[tilespmem:s24+$0x5000] =	vst v40  }
0x34: {  	[tilespmem:s24+$0x5010] =	vst v40  }
0x35: {  	[tilespmem:s24+$0x5020] =	vst v40  }
0x36: {  	[tilespmem:s24+$0x5030] =	vst v40  }
0x37: {  	[tilespmem:s24+$0x5040] =	vst v40  }
0x38: {  	[tilespmem:s24+$0x5050] =	vst v40  }
0x39: {  	[tilespmem:s24+$0x5060] =	vst v40  }
0x3a: {  	[tilespmem:$0x9000] =	vst v28  }
0x3b: {  	[tilespmem:$0x9010] =	vst v0  }
0x3c: {  	[tilespmem:$0x9020] =	vst v1  }
0x3d: {  	[tilespmem:$0x9030] =	vst v2  }
0x3e: {  	[tilespmem:$0x9040] =	vst v3  }
0x3f: {  	[tilespmem:$0x9050] =	vst v4  }
0x40: {  	[tilespmem:$0x9060] =	vst v5  }
0x41: {  	[tilespmem:$0x9070] =	vst v6  }
0x42: {  	[tilespmem:$0x9080] =	vst v7  }
0x43: {  	[tilespmem:$0x9090] =	vst v8  }
0x44: {  	[tilespmem:$0x90A0] =	vst v9  }
0x45: {  	[tilespmem:$0x90B0] =	vst v10  }
0x46: {  	[tilespmem:$0x90C0] =	vst v11  }
0x47: {  	[tilespmem:$0x90D0] =	vst v12  }
0x48: {  	[tilespmem:$0x90E0] =	vst v13  }
0x49: {  	[tilespmem:$0x90F0] =	vst v14  }
0x4a: {  	[tilespmem:$0x9100] =	vst v15  }
0x4b: {  	[tilespmem:$0x9110] =	vst v16  }
0x4c: {  	[tilespmem:$0x9120] =	vst v17  }
0x4d: {  	[tilespmem:$0x9130] =	vst v18  }
0x4e: {  	[tilespmem:$0x9140] =	vst v19  }
0x4f: {  	[tilespmem:$0x9150] =	vst v20  }
0x50: {  	[tilespmem:$0x9160] =	vst v21  }
0x51: {  	[tilespmem:$0x9170] =	vst v22  }
0x52: {  	[tilespmem:$0x9180] =	vst v23  }
0x53: {  	[tilespmem:$0x9190] =	vst v24  }
0x54: {  	[tilespmem:$0x91A0] =	vst v25  }
0x55: {  	[tilespmem:$0x91B0] =	vst v26  }
0x56: {  	[tilespmem:$0x91C0] =	vst v27  }
0x57: {  	[tilespmem:$0x91D0] =	vst v29  }
0x58: {  	[tilespmem:$0x91E0] =	vst v30  }
0x59: {  	[tilespmem:$0x91F0] =	vst v31  }
0x5a: {  	[tilespmem:$0x9200] =	vst v32  }
0x5b: {  	[tilespmem:$0x9210] =	vst v33  }
0x5c: {  	[tilespmem:$0x9220] =	vst v34  }
0x5d: {  	[tilespmem:$0x9230] =	vst v35  }
0x5e: {  	[tilespmem:$0x9240] =	vst v36  }
0x5f: {  	[tilespmem:$0x9250] =	vst v37  }
0x60: {  	[tilespmem:$0x9260] =	vst v38  }
0x61: {  	[tilespmem:$0x9270] =	vst v39  }
0x62: {  	[spmem:s2] =	stream.indirect.scatter [tilespmem:s17], [sflag:$0x2], $0x80, s16, s15, $0xb8;
	[tilespmem:$0x1D400] =	vst v63  }
0x63: {  	_ =	swait.ge [sflag:s13], $0x4000  }
0x64: {  	[sflag:s13] =	ssyncset.done $0x0  }
0x65: {  	[sflag:s13] =	ssyncadd.s32 $0xFFFFC000  }
0x66: {  	[spmem:s2] =	stream.indirect.scatter [tilespmem:s17], [sflag:$0x2], $0x80, s18, s15, $0xb8;
	[tilespmem:$0x1D400] =	vst v63  }
0x67: {  	_ =	swait.ge [sflag:s13], $0x4000  }
0x68: {  	[sflag:s13] =	ssyncset.done $0x0  }
0x69: {  	[sflag:s13] =	ssyncadd.s32 $0xFFFFC000  }
0x6a: {  	[spmem:s2] =	stream.indirect.scatter [tilespmem:s17], [sflag:$0x2], $0x80, s19, s15, $0xb8;
	[tilespmem:$0x1D400] =	vst v63  }
0x6b: {  	_ =	swait.ge [sflag:s13], $0x4000  }
0x6c: {  	[sflag:s13] =	ssyncset.done $0x0  }
0x6d: {  	[sflag:s13] =	ssyncadd.s32 $0xFFFFC000  }
0x6e: {  	[spmem:s2] =	stream.indirect.scatter [tilespmem:s17], [sflag:$0x2], $0x80, s20, s15, $0xb8;
	[tilespmem:$0x1D400] =	vst v63  }
0x6f: {  	_ =	swait.ge [sflag:s13], $0x4000  }
0x70: {  	[sflag:s13] =	ssyncset.done $0x0  }
0x71: {  	[sflag:s13] =	ssyncadd.s32 $0xFFFFC000  }
0x72: {  	[spmem:s2] =	stream.indirect.scatter [tilespmem:s17], [sflag:$0x2], $0x80, s21, s15, $0xb8;
	[tilespmem:$0x1D400] =	vst v63  }
0x73: {  	_ =	swait.ge [sflag:s13], $0x4000  }
0x74: {  	[sflag:s13] =	ssyncset.done $0x0  }
0x75: {  	[sflag:s13] =	ssyncadd.s32 $0xFFFFC000  }
0x76: {  	s30 =	simm.s32 $0x0;
	[bflag:$0x0] =	sbarrier.arrive $0xFFFF  }
0x77: {  	[tilespmem:s17], [sflag:$0x1] =	stream.indirect.gather [hbm4b:s4+s15], $0x80, s30, s15, $0xb8;
	[tilespmem:$0x1D400] =	vst v63  }
0x78: {  	_ =	swait.ge [sflag:s22], $0x4000  }
0x79: {  	[sflag:s22] =	ssyncset.done $0x0  }
0x7a: {  	s31 =	simm.s32 $0x2800;
	[sflag:s22] =	ssyncadd.s32 $0xFFFFC000  }
0x7b: {  	[spmem:s2] =	stream.indirect.scatter.add.f32 [tilespmem:s17], [sflag:$0x2], $0x80, s31, s15, $0xb8;
	[tilespmem:$0x1D400] =	vst v63  }
0x7c: {  	_ =	swait.ge [sflag:s13], $0x4000  }
0x7d: {  	s24 =	simm.s32 $0x200;
	s25 =	simm.s32 $0x400;
	[sflag:s13] =	ssyncset.done $0x0  }
.LBB2_4:
0x7e: {  	s26 =	sshra.s32 s24, $0x2  }
0x7f: {  	[sflag:s13] =	ssyncadd.s32 $0xFFFFC000;
	s24 =	smov.u32 s25;
	s28 =	sadd.s32 $0x200, s25  }
0x80: {  	[tilespmem:s17], [sflag:$0x1] =	stream.indirect.gather [hbm4b:s4+s15], $0x80, s26, s15, $0xb8;
	[tilespmem:$0x1D400] =	vst v63  }
0x81: {  	p0 =	sne.s32 s25, $0x9E00;
	_ =	swait.ge [sflag:s22], $0x4000  }
.Ltmp1:
0x82: {  	[sflag:s22] =	ssyncset.done $0x0;
	(pc) =	sbr.rel @p0 .LBB2_4-.Ltmp1, $4  }
0x83: {  	s25 =	sadd.s32 $0x2800, s26;
	[sflag:s22] =	ssyncadd.s32 $0xFFFFC000  }
0x84: {  	[spmem:s2] =	stream.indirect.scatter.add.f32 [tilespmem:s17], [sflag:$0x2], $0x80, s25, s15, $0xb8;
	[tilespmem:$0x1D400] =	vst v63  }
0x85: {  	_ =	swait.ge [sflag:s13], $0x4000  }
0x86: {  	s25 =	smov.u32 s28;
	[sflag:s13] =	ssyncset.done $0x0  }
0x87: {  	s24 =	sshra.s32 s24, $0x2;
	[sflag:s13] =	ssyncadd.s32 $0xFFFFC000  }
0x88: {  	[tilespmem:s17], [sflag:$0x1] =	stream.indirect.gather [hbm4b:s4+s15], $0x80, s24, s15, $0xb8;
	[tilespmem:$0x1D400] =	vst v63  }
0x89: {  	_ =	swait.ge [sflag:s22], $0x4000  }
0x8a: {  	[sflag:s22] =	ssyncset.done $0x0  }
0x8b: {  	s24 =	sadd.s32 $0x2800, s24;
	[sflag:s22] =	ssyncadd.s32 $0xFFFFC000  }
0x8c: {  	[spmem:s2] =	stream.indirect.scatter.add.f32 [tilespmem:s17], [sflag:$0x2], $0x80, s24, s15, $0xb8;
	[tilespmem:$0x1D400] =	vst v63  }
0x8d: {  	_ =	swait.ge [sflag:s13], $0x4000  }
0x8e: {  	[sflag:s13] =	ssyncset.done $0x0  }
0x8f: {  	[sflag:s13] =	ssyncadd.s32 $0xFFFFC000  }
0x90: {  	[bflag:$0x0] =	sbarrier.arrive $0xFFFF  }
0x91: {  	[tilespmem:s17], [sflag:$0x2] =	stream.indirect.gather [spmem:s2], $0x80, s16, s15, $0xb8;
	[tilespmem:$0x1D400] =	vst v63  }
0x92: {  	_ =	swait.ge [sflag:s13], $0x4000  }
0x93: {  	[sflag:s13] =	ssyncset.done $0x0  }
0x94: {  	[sflag:s13] =	ssyncadd.s32 $0xFFFFC000  }
0x95: {  	[hbm4b:s7+s3] =	stream.linear.scatter [tilespmem:s17], [sflag:$0x2], $0x4000, $0x38;
	[tilespmem:$0x1D400] =	vst v63  }
0x96: {  	_ =	swait.ge [sflag:s13], $0x4000  }
0x97: {  	[sflag:s13] =	ssyncset.done $0x0  }
0x98: {  	[sflag:s13] =	ssyncadd.s32 $0xFFFFC000  }
0x99: {  	[tilespmem:s17], [sflag:$0x2] =	stream.indirect.gather [spmem:s2], $0x80, s18, s15, $0xb8;
	[tilespmem:$0x1D400] =	vst v63  }
0x9a: {  	_ =	swait.ge [sflag:s13], $0x4000  }
0x9b: {  	[sflag:s13] =	ssyncset.done $0x0  }
0x9c: {  	[sflag:s13] =	ssyncadd.s32 $0xFFFFC000  }
0x9d: {  	[hbm4b:s8+s3] =	stream.linear.scatter [tilespmem:s17], [sflag:$0x2], $0x4000, $0x38;
	[tilespmem:$0x1D400] =	vst v63  }
0x9e: {  	_ =	swait.ge [sflag:s13], $0x4000  }
0x9f: {  	[sflag:s13] =	ssyncset.done $0x0  }
0xa0: {  	[sflag:s13] =	ssyncadd.s32 $0xFFFFC000  }
0xa1: {  	[tilespmem:s17], [sflag:$0x2] =	stream.indirect.gather [spmem:s2], $0x80, s19, s15, $0xb8;
	[tilespmem:$0x1D400] =	vst v63  }
0xa2: {  	_ =	swait.ge [sflag:s13], $0x4000  }
0xa3: {  	[sflag:s13] =	ssyncset.done $0x0  }
0xa4: {  	[sflag:s13] =	ssyncadd.s32 $0xFFFFC000  }
0xa5: {  	[hbm4b:s9+s3] =	stream.linear.scatter [tilespmem:s17], [sflag:$0x2], $0x4000, $0x38;
	[tilespmem:$0x1D400] =	vst v63  }
0xa6: {  	_ =	swait.ge [sflag:s13], $0x4000  }
0xa7: {  	[sflag:s13] =	ssyncset.done $0x0  }
0xa8: {  	[sflag:s13] =	ssyncadd.s32 $0xFFFFC000  }
0xa9: {  	[tilespmem:s17], [sflag:$0x2] =	stream.indirect.gather [spmem:s2], $0x80, s20, s15, $0xb8;
	[tilespmem:$0x1D400] =	vst v63  }
0xaa: {  	_ =	swait.ge [sflag:s13], $0x4000  }
0xab: {  	[sflag:s13] =	ssyncset.done $0x0  }
0xac: {  	[sflag:s13] =	ssyncadd.s32 $0xFFFFC000  }
0xad: {  	[hbm4b:s10+s3] =	stream.linear.scatter [tilespmem:s17], [sflag:$0x2], $0x4000, $0x38;
	[tilespmem:$0x1D400] =	vst v63  }
0xae: {  	_ =	swait.ge [sflag:s13], $0x4000  }
0xaf: {  	[sflag:s13] =	ssyncset.done $0x0  }
0xb0: {  	[sflag:s13] =	ssyncadd.s32 $0xFFFFC000  }
0xb1: {  	[tilespmem:s17], [sflag:$0x2] =	stream.indirect.gather [spmem:s2], $0x80, s21, s15, $0xb8;
	[tilespmem:$0x1D400] =	vst v63  }
0xb2: {  	s23 =	sadd.s32 $0x1, s23;
	_ =	swait.ge [sflag:s13], $0x4000  }
0xb3: {  	p0 =	sne.s32 s23, s12;
	[sflag:s13] =	ssyncset.done $0x0  }
.Ltmp2:
0xb4: {  	[sflag:s13] =	ssyncadd.s32 $0xFFFFC000;
	(pc) =	sbr.rel @p0 .LBB2_1-.Ltmp2, $4  }
0xb5: {  	[hbm4b:s11+s3] =	stream.linear.scatter [tilespmem:s17], [sflag:$0x2], $0x4000, $0x38;
	[tilespmem:$0x1D400] =	vst v63  }
0xb6: {  	_ =	swait.ge [sflag:s13], $0x4000  }
0xb7: {  	[sflag:s13] =	ssyncset.done $0x0  }
0xb8: {  	[sflag:s13] =	ssyncadd.s32 $0xFFFFC000  }
0xb9: {  	_ =	sfence.sel $0x180000  }
0xba: {  	[bflag:$0x0] =	sbarrier.arrive $0xFFFF  }
0xbb: {  	p0 =	sne.s32 s0, $0x0;
	_ =	strace $0x9000004A  }
0xbc: {  	s0 =	sadd.s32 @!p0 $0x100000, s1;
	[bflag:$0x2] =	sbarrier.arrive $0xFFFF  }
0xbd: {  	[sflag:s0] =	ssyncadd.tile.s32 @!p0 $0x1;
	_ =	shalt  }
.Lfunc_end2:
_tile_overlayer_lowered:
.L_overlay_start_2:
0xbe: {  	(tag) =	ssettag $0x2  }
0xbf: {  	s0 =	rddreg [dreg:$0x0];
	s2 =	stileid.u32  }
0xc0: {  	s1 =	rddreg [dreg:$0x1];
	p0 =	sne.s32 s2, $0x0  }
0xc1: {  	s3 =	rddreg [dreg:$0x2];
	[bflag:$0x3] =	sbarrier.arrive $0xFFFF;
	s2 =	simm.s32 @!p0 $0x1C02  }
0xc2: {  	[timem:s3], [sflag:s2] =	dma.local @!p0 [hbm:s0], s1  }
0xc3: {  	s0 =	simm.s32 @!p0 $0x2  }
0xc4: {  	_ =	swait.ge @!p0 [sflag:s0], s1  }
0xc5: {  	s1 =	ssub.s32 @!p0 $0x0, s1;
	[sflag:s0] =	ssyncset.done @!p0 $0x0  }
0xc6: {  	[sflag:s0] =	ssyncadd.s32 @!p0 s1  }
0xc7: {  	[bflag:$0x3] =	sbarrier.arrive $0xFFFF  }
0xc8: {  	_ =	shalt  }

// kernel: kernel.15.cloned.1.call-start
scs
__scs_entry_jumppad:
0x0: {  	(pc) =	sbr.rel $0x88, $3  }
0x1: {  	(tag) =	ssettag $0x0;
	lr =	simm.s32 $0x1  }
0x2: {  	[smem:$0x3F9B] =	sst lr;
	_ =	strace $0xD0000000  }
0x3: {  	_ = 	snop  }
0x4: {  	_ = 	snop  }
0x5: {  	_ = 	snop  }
0x6: {  	_ = 	snop  }
0x7: {  	_ = 	snop  }
__scs_overlays_trampoline_lowered:
0x8: {  	[smem:$0x3FAA] =	sst s0  }
0x9: {  	[smem:$0x3FAB] =	sst s1  }
0xa: {  	[smem:$0x3FAC] =	sst s2  }
0xb: {  	[smem:$0x3FAD] =	sst s3  }
0xc: {  	[smem:$0x3FAE] =	sst s4  }
0xd: {  	[smem:$0x3FAF] =	sst s5  }
0xe: {  	[smem:$0x3FB0] =	sst s6  }
0xf: {  	[smem:$0x3FB1] =	sst s7  }
0x10: {  	[smem:$0x3FB2] =	sst s8  }
0x11: {  	[smem:$0x3FB3] =	sst s9;
	s0 =	simm.s32 @!p0 $0x0  }
0x12: {  	s1 =	sld [smem:$0x3F99];
	s0 =	simm.s32 @p0 $0x1  }
0x13: {  	[smem:$0x3FB4] =	sst s0;
	s0 =	simm.s32 @!p1 $0x0  }
0x14: {  	s2 =	sld [smem:$0x3F98];
	s0 =	simm.s32 @p1 $0x1  }
0x15: {  	[smem:$0x3FB5] =	sst s0;
	s0 =	simm.s32 @!p2 $0x0  }
0x16: {  	s3 =	sld [smem:$0x3FDB];
	s0 =	simm.s32 @p2 $0x1  }
0x17: {  	s4 =	simm.s32 $0x1BF5;
	[smem:$0x3FB7] =	sst s0  }
0x18: {  	s0 =	sld [smem:$0x3F9A];
	_ =	swait.ge [sflag:s4], $0x0  }
0x19: {  	s7 =	sld [smem:$0x3F9B]  }
0x1a: {  	s8 =	sadd.s32 $0xFFFFE003, lr  }
0x1b: {  	s9 =	sadd.s32 $0xFFFFFEF7, lr;
	s5 =	simm.s32 $0xFFFFFFFF;
	p2 =	slt.u32 s8, $0xFFFFF086  }
0x1c: {  	p1 =	slt.u32 s9, $0xF7A;
	s5 =	simm.s32 @!p2 $0x0  }
0x1d: {  	s5 =	simm.s32 @p1 $0x1;
	p0 =	seq.s32 s7, s2  }
0x1e: {  	s7 =	smul.u32 @!p0 $0xF7A, s2;
	p2 =	seq.s32 @!p0 s5, $0x0  }
0x1f: {  	s9 =	smul.u32 $0xF7A, s1;
	s8 =	simm.s32 @!p0 $0x1BF5;
	p2 =	por !p2, p0  }
0x20: {  	[sflag:s8] =	ssyncset.s32 @!p0 $0xFFFFF086;
	s6 =	sadd.s32 @!p0 s3, s7;
	s7 =	simm.s32 @!p0 $0x108  }
0x21: {  	s3 =	sadd.s32 s3, s9;
	s6 =	sadd.s32 @!p0 $0x88, s6;
	s7 =	simm.s32 @p2 $0x1082  }
0x22: {  	[simem:s7], [sflag:s8] =	dma.local @!p0 [hbm:s6], $0xF7A  }
0x23: {  	s9 =	sor.u32 $0xD0000000, s2;
	s6 =	simm.s32 $0x108;
	_ =	swait.ge @!p0 [sflag:s8], $0x0  }
0x24: {  	s3 =	sadd.s32 $0x88, s3;
	s6 =	simm.s32 @!p1 $0x1082;
	[sflag:s4] =	ssyncset.s32 $0xFFFFF086  }
0x25: {  	[simem:s6], [sflag:s4] =	dma.local [hbm:s3], $0xF7A  }
0x26: {  	[smem:$0x3F9B] =	sst s1;
	(tag) =	ssettag s2;
	_ =	strace s9  }
0x27: {  	s1 =	sld [smem:$0x3FAB]  }
0x28: {  	s2 =	sld [smem:$0x3FAC]  }
0x29: {  	s4 =	sld [smem:$0x3FAE]  }
0x2a: {  	p0 =	seq.s32 s5, $0x0;
	s5 =	sld [smem:$0x3FAF]  }
0x2b: {  	s6 =	sld [smem:$0x3FB0]  }
0x2c: {  	s7 =	sld [smem:$0x3FB1]  }
0x2d: {  	s3 =	simm.s32 $0x108;
	s8 =	sld [smem:$0x3FB2]  }
0x2e: {  	s3 =	simm.s32 @!p0 $0x1082;
	s9 =	sld [smem:$0x3FB3]  }
0x2f: {  	lr =	sadd.s32 s0, s3;
	s0 =	sld [smem:$0x3FAA]  }
0x30: {  	s3 =	sld [smem:$0x3FAD]  }
0x31: {  	[smem:$0x3FB6] =	sst s10  }
0x32: {  	s10 =	sld [smem:$0x3FB4];
	_ =	sdelay $0x3  }
0x33: {  	p0 =	seq.s32 s10, $0x1;
	s10 =	sld [smem:$0x3FB6];
	_ =	sdelay $0x3  }
0x34: {  	[smem:$0x3FB6] =	sst s10  }
0x35: {  	s10 =	sld [smem:$0x3FB5];
	_ =	sdelay $0x3  }
0x36: {  	p1 =	seq.s32 s10, $0x1;
	s10 =	sld [smem:$0x3FB6];
	_ =	sdelay $0x3  }
0x37: {  	[smem:$0x3FB6] =	sst s10  }
0x38: {  	s10 =	sld [smem:$0x3FB7]  }
0x39: {  	_ = 	snop;
	(pc) =	sbr.ind lr, $3  }
0x3a: {  	_ = 	snop  }
0x3b: {  	_ = 	snop  }
0x3c: {  	p2 =	seq.s32 s10, $0x1;
	s10 =	sld [smem:$0x3FB6]  }
0x3d: {  	_ =	shalt  }
0x3e: {  	_ =	shalt  }
0x3f: {  	_ =	shalt  }
0x40: {  	_ =	shalt  }
0x41: {  	_ =	shalt  }
0x42: {  	_ =	shalt  }
0x43: {  	_ =	shalt  }
0x44: {  	_ =	shalt  }
0x45: {  	_ =	shalt  }
0x46: {  	_ =	shalt  }
0x47: {  	_ =	shalt  }
0x48: {  	_ =	shalt  }
0x49: {  	_ =	shalt  }
0x4a: {  	_ =	shalt  }
0x4b: {  	_ =	shalt  }
0x4c: {  	_ =	shalt  }
0x4d: {  	_ =	shalt  }
0x4e: {  	_ =	shalt  }
0x4f: {  	_ =	shalt  }
0x50: {  	_ =	shalt  }
0x51: {  	_ =	shalt  }
0x52: {  	_ =	shalt  }
0x53: {  	_ =	shalt  }
0x54: {  	_ =	shalt  }
0x55: {  	_ =	shalt  }
0x56: {  	_ =	shalt  }
0x57: {  	_ =	shalt  }
0x58: {  	_ =	shalt  }
0x59: {  	_ =	shalt  }
0x5a: {  	_ =	shalt  }
0x5b: {  	_ =	shalt  }
0x5c: {  	_ =	shalt  }
0x5d: {  	_ =	shalt  }
0x5e: {  	_ =	shalt  }
0x5f: {  	_ =	shalt  }
0x60: {  	_ =	shalt  }
0x61: {  	_ =	shalt  }
0x62: {  	_ =	shalt  }
0x63: {  	_ =	shalt  }
0x64: {  	_ =	shalt  }
0x65: {  	_ =	shalt  }
0x66: {  	_ =	shalt  }
0x67: {  	_ =	shalt  }
0x68: {  	_ =	shalt  }
0x69: {  	_ =	shalt  }
0x6a: {  	_ =	shalt  }
0x6b: {  	_ =	shalt  }
0x6c: {  	_ =	shalt  }
0x6d: {  	_ =	shalt  }
0x6e: {  	_ =	shalt  }
0x6f: {  	_ =	shalt  }
0x70: {  	_ =	shalt  }
0x71: {  	_ =	shalt  }
0x72: {  	_ =	shalt  }
0x73: {  	_ =	shalt  }
0x74: {  	_ =	shalt  }
0x75: {  	_ =	shalt  }
0x76: {  	_ =	shalt  }
0x77: {  	_ =	shalt  }
0x78: {  	_ =	shalt  }
0x79: {  	_ =	shalt  }
0x7a: {  	_ =	shalt  }
0x7b: {  	_ =	shalt  }
0x7c: {  	_ =	shalt  }
0x7d: {  	_ =	shalt  }
0x7e: {  	_ =	shalt  }
0x7f: {  	_ =	shalt  }
0x80: {  	_ =	shalt  }
0x81: {  	_ =	shalt  }
0x82: {  	_ =	shalt  }
0x83: {  	_ =	shalt  }
0x84: {  	_ =	shalt  }
0x85: {  	_ =	shalt  }
0x86: {  	_ =	shalt  }
0x87: {  	_ =	shalt  }
.Lfunc_end0:
.L_simem_size_0:
called_computation.2_lowered:
.L_overlay_start_0:
0x88: {  	s2 =	sld [smem:$0x3FD9]  }
0x89: {  	s3 =	sld [smem:$0x3FFE];
	_ =	sdelay $0x1  }
0x8a: {  	s1 =	srdreg.scid  }
0x8b: {  	s0 =	sand.u32 $0x1, s1  }
0x8c: {  	s17 =	sshll.u32 s0, $0xA;
	s2 =	sadd.s32 s3, s2  }
0x8d: {  	s2 =	sadd.s32 s2, s17  }
0x8e: {  	[smem:$0x3FC2] =	sst s2  }
0x8f: {  	_ = 	snop  }
0x90: {  	s2 =	sld [smem:$0x3FD0];
	(tm) =	ssettm $0x1  }
0x91: {  	s18 =	sld [smem:$0x3FFB];
	_ =	sdelay $0x3  }
0x92: {  	_ =	strace s18  }
0x93: {  	s3 =	sld [smem:$0x3FFC];
	_ =	sdelay $0x3  }
0x94: {  	_ =	strace s3  }
0x95: {  	s3 =	sld [smem:$0x3FFD];
	_ =	sdelay $0x3  }
0x96: {  	_ =	strace s3  }
0x97: {  	_ =	strace $0x8FFFFFFF  }
0x98: {  	s19 =	sld [smem:$0x3FDB];
	_ =	sdelay $0x1  }
0x99: {  	s4 =	simm.s32 $_scs_section_size  }
0x9a: {  	s5 =	simm.s32 $_size__tile_overlayer_lowered;
	s6 =	simm.s32 $_tile_overlayer_lowered  }
0x9b: {  	s22 =	simm.s32 $0x1BFF;
	s21 =	sshll.u32 s6, $0x1;
	s3 =	sadd.s32 s4, s19  }
0x9c: {  	s7 =	simm.s32 $0x0;
	s20 =	sshll.u32 s5, $0x1;
	s5 =	sadd.s32 s21, s3  }
0x9d: {  	[timem:s7], [sflag:s22] =	dma.local [hbm:s5], s20  }
0x9e: {  	_ =	swait.ge [sflag:s22], s20  }
0x9f: {  	s4 =	ssub.s32 $0x0, s20;
	[sflag:s22] =	ssyncset.done $0x0  }
0xa0: {  	[sflag:s22] =	ssyncadd.s32 s4;
	_ =	sdelay $0x1  }
0xa1: {  	s23 =	simm.s32 $0x1B8B  }
0xa2: {  	_ =	swait.ge [sflag:s23], $0x1  }
0xa3: {  	[sflag:s23] =	ssyncset.done $0x0  }
0xa4: {  	s25 =	simm.s32 $0x1B8E;
	s24 =	sld [smem:$0x3FFE];
	[sflag:s23] =	ssyncadd.s32 $0xFFFFFFFF  }
0xa5: {  	s26 =	simm.s32 $execute0_lowered;
	[smem:$0x3FD2] =	sst s25  }
0xa6: {  	s5 =	sshll.u32 s26, $0x1;
	_ =	strace $0x8000004C;
	[dreg:$0x1] =	wrdreg $0xFFFFFFFF  }
0xa7: {  	s28 =	simm.s32 $_size_execute0_lowered;
	s3 =	sadd.s32 s3, s5;
	[dreg:$0x0] =	wrdreg $0x0  }
0xa8: {  	s5 =	sshll.u32 s28, $0x1;
	[dreg:$0x2] =	wrdreg s3  }
0xa9: {  	[dreg:$0x3] =	wrdreg s5  }
0xaa: {  	[dreg:$0x4] =	wrdreg $0xC0  }
0xab: {  	_ =	task [dreg:s7], $0x5FFFF  }
0xac: {  	[dreg:$0x1] =	wrdreg $0xFFFFFFFF  }
0xad: {  	[dreg:$0x0] =	wrdreg $0x60  }
0xae: {  	[dreg:$0x2] =	wrdreg s24  }
0xaf: {  	[dreg:$0x3] =	wrdreg s2  }
0xb0: {  	[dreg:$0x4] =	wrdreg $0x94000  }
0xb1: {  	[dreg:$0x5] =	wrdreg $0x9  }
0xb2: {  	_ =	task.clear_ibuf [dreg:s7], $0x6FFFF;
	_ =	strace $0x9000004C  }
0xb3: {  	s29 =	simm.s32 $0x9;
	_ =	strace $0x8000004E  }
0xb4: {  	_ =	swait.ge [sflag:s29], $0x1  }
0xb5: {  	[sflag:s29] =	ssyncadd.s32 $0xFFFFFFFF  }
0xb6: {  	_ =	strace $0x9000004E  }
0xb7: {  	_ =	sfence  }
0xb8: {  	s30 =	sld [smem:$0x0];
	_ =	sdelay $0x2  }
0xb9: {  	s31 =	sshll.u32 s1, $0xD;
	s1 =	sshrl.u32 s1, $0x2  }
0xba: {  	s3 =	sand.u32 $0x4000, s31;
	s1 =	sadd.s32 s1, s30  }
0xbb: {  	s0 =	sor.u32 s3, s0;
	s1 =	sshll.u32 s1, $0x11  }
0xbc: {  	s0 =	sor.u32 s1, s0  }
0xbd: {  	s0 =	sadd.s32 $0x8F2B, s0  }
0xbe: {  	[sflag:s0] =	ssyncadd.remote.s32 $0x1  }
0xbf: {  	_ =	sfence.sel $0xFFFF  }
0xc0: {  	[dreg:$0x0] =	wrdreg $0xFFFFFFFF;
	(pc) =	sbr.abs _section_cstart, $3  }
0xc1: {  	[dreg:$0x1] =	wrdreg $0xFFFFFFFF  }
0xc2: {  	_ =	task.clear_ibuf [dreg:s7], $0x2FFFF;
	_ =	strace $0x9FFFFFFF  }
0xc3: {  	(tm) =	ssettm $0x7FFFFFFF  }
tec
execute0_lowered:
.L_overlay_start_1:
0x0: {  	(tag) =	ssettag $0x1  }
0x1: {  	s5 =	rddreg [dreg:$0x0]  }
0x2: {  	s6 =	rddreg [dreg:$0x1]  }
0x3: {  	s1 =	srdreg.scid;
	s0 =	stileid.u32  }
0x4: {  	s2 =	rddreg [dreg:$0x2];
	s3 =	simm.s32 $0x0;
	s7 =	sand.u32 $0x1, s1  }
0x5: {  	s4 =	sshll.u32 s0, $0x1;
	s1 =	rddreg [dreg:$0x3];
	s13 =	smul.u32 $0x280, s0  }
0x6: {  	[smem:$0x7FF] =	sst s3;
	s11 =	sadd.s32 $0x5BE00, s5;
	s25 =	smul.u32 $0x14000, s0  }
0x7: {  	s4 =	sor.u32 s7, s4;
	s10 =	ssub.s32 $0x2, s7;
	s7 =	smul.u32 $0x140000, s7  }
0x8: {  	_ =	strace $0x8000004D;
	s8 =	smul.u32 $0x500, s4;
	s4 =	sadd.s32 $0x1E00, s5  }
0x9: {  	s30 =	sshrl.u32 s10, $0x1;
	s31 =	sor.u32 $0x10, s13;
	s16 =	sor.u32 $0x20, s13  }
0xa: {  	s17 =	sor.u32 $0x30, s13;
	s18 =	sor.u32 $0x40, s13;
	s19 =	sor.u32 $0x50, s13  }
0xb: {  	s20 =	sor.u32 $0x60, s13;
	s21 =	sadd.s32 $0x80, s13;
	s22 =	sadd.s32 $0x100, s13  }
0xc: {  	v39 =	vlaneseq.u32;
	s15 =	sadd.s32 $0x200, s13;
	s12 =	ssub.s32 s10, s30;
	s14 =	sshll.u32 s21, $0x7  }
0xd: {  	s26 =	sshll.u32 s22, $0x7;
	v1 =	vor.u32 s16, v39;
	s30 =	sadd.s32 $0xB0, s13;
	s16 =	sadd.s32 $0xC0, s13  }
0xe: {  	v0 =	vor.u32 s31, v39;
	v3 =	vor.u32 s18, v39;
	v4 =	vor.u32 s19, v39;
	s18 =	sadd.s32 $0xE0, s13;
	s19 =	sadd.s32 $0xF0, s13;
	s31 =	sadd.s32 $0x110, s13  }
0xf: {  	v5 =	vor.u32 s20, v39;
	v7 =	vor.u32 s21, v39;
	s20 =	sadd.s32 $0x120, s13;
	s21 =	sadd.s32 $0x130, s13;
	s10 =	sadd.s32 $0x150, s13  }
0x10: {  	v2 =	vor.u32 s17, v39;
	s17 =	sadd.s32 $0x1A0, s13;
	v15 =	vor.u32 s22, v39;
	s22 =	sadd.s32 $0x1E0, s13;
	s9 =	sadd.s32 s8, s5  }
0x11: {  	s6 =	sadd.s32 s6, s8;
	s8 =	sadd.s32 s25, s7;
	s23 =	sadd.s32 s7, s14  }
0x12: {  	s25 =	sshll.u32 s15, $0x7;
	s26 =	sadd.s32 s7, s26;
	v10 =	vor.u32 s30, v39;
	s30 =	sadd.s32 $0x170, s13  }
0x13: {  	v11 =	vor.u32 s16, v39;
	s16 =	sadd.s32 $0x190, s13;
	v14 =	vor.u32 s19, v39;
	v16 =	vor.u32 s31, v39;
	s31 =	sadd.s32 $0x1C0, s13;
	s19 =	sadd.s32 $0x1D0, s13  }
0x14: {  	v17 =	vor.u32 s20, v39;
	v18 =	vor.u32 s21, v39;
	s20 =	sadd.s32 $0x1F0, s13;
	s21 =	sadd.s32 $0x210, s13;
	s12 =	smax.u32 s12, $0x1  }
0x15: {  	v32 =	vor.u32 s15, v39;
	v13 =	vor.u32 s18, v39;
	v25 =	vor.u32 s17, v39;
	s15 =	simm.s32 $0x80;
	s17 =	simm.s32 $0x5000;
	s18 =	simm.s32 $0x9080  }
0x16: {  	v30 =	vor.u32 s22, v39;
	s22 =	simm.s32 $0x1;
	s5 =	sadd.s32 $0x51E00, s9;
	s9 =	sadd.s32 $0x180, s13  }
0x17: {  	s14 =	sadd.s32 s7, s25;
	s25 =	sor.u32 $0x70, s13;
	s28 =	sshrl.u32 s8, $0x3  }
0x18: {  	s29 =	sshrl.u32 s23, $0x3;
	s23 =	sshrl.u32 s26, $0x3;
	s26 =	sadd.s32 $0x90, s13  }
0x19: {  	v22 =	vor.u32 s30, v39;
	s30 =	sadd.s32 $0x250, s13;
	v24 =	vor.u32 s16, v39;
	v27 =	vor.u32 s31, v39;
	s31 =	sadd.s32 $0x270, s13;
	s16 =	simm.s32 $0x9000  }
0x1a: {  	v29 =	vor.u32 s19, v39;
	v31 =	vor.u32 s20, v39;
	v33 =	vor.u32 s21, v39;
	s19 =	simm.s32 $0x9100;
	s20 =	simm.s32 $0x9180;
	s21 =	simm.s32 $0x9200  }
0x1b: {  	s24 =	sshll.u32 s9, $0x7;
	s8 =	sadd.s32 s11, s29;
	s29 =	sadd.s32 $0xD0, s13  }
0x1c: {  	v6 =	vor.u32 s25, v39;
	s25 =	sadd.s32 $0x140, s13;
	v8 =	vor.u32 s26, v39;
	s26 =	sadd.s32 $0x160, s13;
	v23 =	vor.u32 s9, v39;
	s9 =	sadd.s32 s11, s23  }
0x1d: {  	v40 =	vimm.f32 $0.0e+00;
	v28 =	vor.u32 s13, v39;
	s14 =	sshrl.u32 s14, $0x3;
	s23 =	simm.s32 $0x0;
	s24 =	sadd.s32 s7, s24  }
0x1e: {  	v20 =	vor.u32 s10, v39;
	v37 =	vor.u32 s30, v39;
	s7 =	sadd.s32 s11, s28;
	s28 =	sadd.s32 $0xA0, s13;
	v12 =	vor.u32 s29, v39;
	s29 =	sadd.s32 $0x1B0, s13  }
0x1f: {  	v19 =	vor.u32 s25, v39;
	s25 =	sadd.s32 $0x220, s13;
	v21 =	vor.u32 s26, v39;
	s26 =	sadd.s32 $0x230, s13;
	s24 =	sshrl.u32 s24, $0x3;
	v9 =	vor.u32 s28, v39  }
0x20: {  	s28 =	sadd.s32 $0x240, s13;
	v26 =	vor.u32 s29, v39;
	s29 =	sadd.s32 $0x260, s13;
	s13 =	simm.s32 $0x2;
	v34 =	vor.u32 s25, v39;
	v35 =	vor.u32 s26, v39  }
0x21: {  	s10 =	sadd.s32 s11, s24;
	s11 =	sadd.s32 s11, s14;
	s14 =	simm.s32 $0x2800;
	v36 =	vor.u32 s28, v39;
	v38 =	vor.u32 s29, v39;
	v39 =	vor.u32 s31, v39  }
.LBB2_1:
0x22: {  	[tilespmem:s3], [sflag:$0x2] =	stream.linear.gather [hbm4b:s5+s3], $0x2800, $0x38;
	[tilespmem:$0x1D400] =	vst v63  }
0x23: {  	_ =	swait.ge [sflag:s13], $0x2800  }
0x24: {  	[sflag:s13] =	ssyncset.done $0x0  }
0x25: {  	[sflag:s13] =	ssyncadd.s32 $0xFFFFD800  }
0x26: {  	[tilespmem:s14], [sflag:$0x2] =	stream.linear.gather [hbm4b:s6+s3], $0x2800, $0x38;
	[tilespmem:$0x1D400] =	vst v63  }
0x27: {  	_ =	swait.ge [sflag:s13], $0x2800  }
0x28: {  	[sflag:s13] =	ssyncset.done $0x0  }
0x29: {  	s24 =	simm.s32 $0x0;
	s25 =	simm.s32 $0x200;
	[sflag:s13] =	ssyncadd.s32 $0xFFFFD800  }
.LBB2_2:
0x2a: {  	p0 =	sne.s32 s25, $0xFE00;
	[tilespmem:s24+$0x5070] =	vst v40  }
0x2b: {  	[tilespmem:s24+$0x5000] =	vst v40  }
0x2c: {  	[tilespmem:s24+$0x5010] =	vst v40  }
.Ltmp0:
0x2d: {  	[tilespmem:s24+$0x5020] =	vst v40;
	(pc) =	sbr.rel @p0 .LBB2_2-.Ltmp0, $4  }
0x2e: {  	[tilespmem:s24+$0x5030] =	vst v40  }
0x2f: {  	[tilespmem:s24+$0x5040] =	vst v40  }
0x30: {  	[tilespmem:s24+$0x5050] =	vst v40  }
0x31: {  	[tilespmem:s24+$0x5060] =	vst v40;
	s24 =	sshra.s32 s25, $0x2;
	s25 =	sadd.s32 $0x200, s25  }
0x32: {  	[tilespmem:s24+$0x5070] =	vst v40  }
0x33: {  	[tilespmem:s24+$0x5000] =	vst v40  }
0x34: {  	[tilespmem:s24+$0x5010] =	vst v40  }
0x35: {  	[tilespmem:s24+$0x5020] =	vst v40  }
0x36: {  	[tilespmem:s24+$0x5030] =	vst v40  }
0x37: {  	[tilespmem:s24+$0x5040] =	vst v40  }
0x38: {  	[tilespmem:s24+$0x5050] =	vst v40  }
0x39: {  	[tilespmem:s24+$0x5060] =	vst v40  }
0x3a: {  	[tilespmem:$0x9000] =	vst v28  }
0x3b: {  	[tilespmem:$0x9010] =	vst v0  }
0x3c: {  	[tilespmem:$0x9020] =	vst v1  }
0x3d: {  	[tilespmem:$0x9030] =	vst v2  }
0x3e: {  	[tilespmem:$0x9040] =	vst v3  }
0x3f: {  	[tilespmem:$0x9050] =	vst v4  }
0x40: {  	[tilespmem:$0x9060] =	vst v5  }
0x41: {  	[tilespmem:$0x9070] =	vst v6  }
0x42: {  	[tilespmem:$0x9080] =	vst v7  }
0x43: {  	[tilespmem:$0x9090] =	vst v8  }
0x44: {  	[tilespmem:$0x90A0] =	vst v9  }
0x45: {  	[tilespmem:$0x90B0] =	vst v10  }
0x46: {  	[tilespmem:$0x90C0] =	vst v11  }
0x47: {  	[tilespmem:$0x90D0] =	vst v12  }
0x48: {  	[tilespmem:$0x90E0] =	vst v13  }
0x49: {  	[tilespmem:$0x90F0] =	vst v14  }
0x4a: {  	[tilespmem:$0x9100] =	vst v15  }
0x4b: {  	[tilespmem:$0x9110] =	vst v16  }
0x4c: {  	[tilespmem:$0x9120] =	vst v17  }
0x4d: {  	[tilespmem:$0x9130] =	vst v18  }
0x4e: {  	[tilespmem:$0x9140] =	vst v19  }
0x4f: {  	[tilespmem:$0x9150] =	vst v20  }
0x50: {  	[tilespmem:$0x9160] =	vst v21  }
0x51: {  	[tilespmem:$0x9170] =	vst v22  }
0x52: {  	[tilespmem:$0x9180] =	vst v23  }
0x53: {  	[tilespmem:$0x9190] =	vst v24  }
0x54: {  	[tilespmem:$0x91A0] =	vst v25  }
0x55: {  	[tilespmem:$0x91B0] =	vst v26  }
0x56: {  	[tilespmem:$0x91C0] =	vst v27  }
0x57: {  	[tilespmem:$0x91D0] =	vst v29  }
0x58: {  	[tilespmem:$0x91E0] =	vst v30  }
0x59: {  	[tilespmem:$0x91F0] =	vst v31  }
0x5a: {  	[tilespmem:$0x9200] =	vst v32  }
0x5b: {  	[tilespmem:$0x9210] =	vst v33  }
0x5c: {  	[tilespmem:$0x9220] =	vst v34  }
0x5d: {  	[tilespmem:$0x9230] =	vst v35  }
0x5e: {  	[tilespmem:$0x9240] =	vst v36  }
0x5f: {  	[tilespmem:$0x9250] =	vst v37  }
0x60: {  	[tilespmem:$0x9260] =	vst v38  }
0x61: {  	[tilespmem:$0x9270] =	vst v39  }
0x62: {  	[spmem:s2] =	stream.indirect.scatter [tilespmem:s17], [sflag:$0x2], $0x80, s16, s15, $0xb8;
	[tilespmem:$0x1D400] =	vst v63  }
0x63: {  	_ =	swait.ge [sflag:s13], $0x4000  }
0x64: {  	[sflag:s13] =	ssyncset.done $0x0  }
0x65: {  	[sflag:s13] =	ssyncadd.s32 $0xFFFFC000  }
0x66: {  	[spmem:s2] =	stream.indirect.scatter [tilespmem:s17], [sflag:$0x2], $0x80, s18, s15, $0xb8;
	[tilespmem:$0x1D400] =	vst v63  }
0x67: {  	_ =	swait.ge [sflag:s13], $0x4000  }
0x68: {  	[sflag:s13] =	ssyncset.done $0x0  }
0x69: {  	[sflag:s13] =	ssyncadd.s32 $0xFFFFC000  }
0x6a: {  	[spmem:s2] =	stream.indirect.scatter [tilespmem:s17], [sflag:$0x2], $0x80, s19, s15, $0xb8;
	[tilespmem:$0x1D400] =	vst v63  }
0x6b: {  	_ =	swait.ge [sflag:s13], $0x4000  }
0x6c: {  	[sflag:s13] =	ssyncset.done $0x0  }
0x6d: {  	[sflag:s13] =	ssyncadd.s32 $0xFFFFC000  }
0x6e: {  	[spmem:s2] =	stream.indirect.scatter [tilespmem:s17], [sflag:$0x2], $0x80, s20, s15, $0xb8;
	[tilespmem:$0x1D400] =	vst v63  }
0x6f: {  	_ =	swait.ge [sflag:s13], $0x4000  }
0x70: {  	[sflag:s13] =	ssyncset.done $0x0  }
0x71: {  	[sflag:s13] =	ssyncadd.s32 $0xFFFFC000  }
0x72: {  	[spmem:s2] =	stream.indirect.scatter [tilespmem:s17], [sflag:$0x2], $0x80, s21, s15, $0xb8;
	[tilespmem:$0x1D400] =	vst v63  }
0x73: {  	_ =	swait.ge [sflag:s13], $0x4000  }
0x74: {  	[sflag:s13] =	ssyncset.done $0x0  }
0x75: {  	[sflag:s13] =	ssyncadd.s32 $0xFFFFC000  }
0x76: {  	s30 =	simm.s32 $0x0;
	[bflag:$0x0] =	sbarrier.arrive $0xFFFF  }
0x77: {  	[tilespmem:s17], [sflag:$0x1] =	stream.indirect.gather [hbm4b:s4+s15], $0x80, s30, s15, $0xb8;
	[tilespmem:$0x1D400] =	vst v63  }
0x78: {  	_ =	swait.ge [sflag:s22], $0x4000  }
0x79: {  	[sflag:s22] =	ssyncset.done $0x0  }
0x7a: {  	s31 =	simm.s32 $0x2800;
	[sflag:s22] =	ssyncadd.s32 $0xFFFFC000  }
0x7b: {  	[spmem:s2] =	stream.indirect.scatter.add.f32 [tilespmem:s17], [sflag:$0x2], $0x80, s31, s15, $0xb8;
	[tilespmem:$0x1D400] =	vst v63  }
0x7c: {  	_ =	swait.ge [sflag:s13], $0x4000  }
0x7d: {  	s24 =	simm.s32 $0x200;
	s25 =	simm.s32 $0x400;
	[sflag:s13] =	ssyncset.done $0x0  }
.LBB2_4:
0x7e: {  	s26 =	sshra.s32 s24, $0x2  }
0x7f: {  	[sflag:s13] =	ssyncadd.s32 $0xFFFFC000;
	s24 =	smov.u32 s25;
	s28 =	sadd.s32 $0x200, s25  }
0x80: {  	[tilespmem:s17], [sflag:$0x1] =	stream.indirect.gather [hbm4b:s4+s15], $0x80, s26, s15, $0xb8;
	[tilespmem:$0x1D400] =	vst v63  }
0x81: {  	p0 =	sne.s32 s25, $0x9E00;
	_ =	swait.ge [sflag:s22], $0x4000  }
.Ltmp1:
0x82: {  	[sflag:s22] =	ssyncset.done $0x0;
	(pc) =	sbr.rel @p0 .LBB2_4-.Ltmp1, $4  }
0x83: {  	s25 =	sadd.s32 $0x2800, s26;
	[sflag:s22] =	ssyncadd.s32 $0xFFFFC000  }
0x84: {  	[spmem:s2] =	stream.indirect.scatter.add.f32 [tilespmem:s17], [sflag:$0x2], $0x80, s25, s15, $0xb8;
	[tilespmem:$0x1D400] =	vst v63  }
0x85: {  	_ =	swait.ge [sflag:s13], $0x4000  }
0x86: {  	s25 =	smov.u32 s28;
	[sflag:s13] =	ssyncset.done $0x0  }
0x87: {  	s24 =	sshra.s32 s24, $0x2;
	[sflag:s13] =	ssyncadd.s32 $0xFFFFC000  }
0x88: {  	[tilespmem:s17], [sflag:$0x1] =	stream.indirect.gather [hbm4b:s4+s15], $0x80, s24, s15, $0xb8;
	[tilespmem:$0x1D400] =	vst v63  }
0x89: {  	_ =	swait.ge [sflag:s22], $0x4000  }
0x8a: {  	[sflag:s22] =	ssyncset.done $0x0  }
0x8b: {  	s24 =	sadd.s32 $0x2800, s24;
	[sflag:s22] =	ssyncadd.s32 $0xFFFFC000  }
0x8c: {  	[spmem:s2] =	stream.indirect.scatter.add.f32 [tilespmem:s17], [sflag:$0x2], $0x80, s24, s15, $0xb8;
	[tilespmem:$0x1D400] =	vst v63  }
0x8d: {  	_ =	swait.ge [sflag:s13], $0x4000  }
0x8e: {  	[sflag:s13] =	ssyncset.done $0x0  }
0x8f: {  	[sflag:s13] =	ssyncadd.s32 $0xFFFFC000  }
0x90: {  	[bflag:$0x0] =	sbarrier.arrive $0xFFFF  }
0x91: {  	[tilespmem:s17], [sflag:$0x2] =	stream.indirect.gather [spmem:s2], $0x80, s16, s15, $0xb8;
	[tilespmem:$0x1D400] =	vst v63  }
0x92: {  	_ =	swait.ge [sflag:s13], $0x4000  }
0x93: {  	[sflag:s13] =	ssyncset.done $0x0  }
0x94: {  	[sflag:s13] =	ssyncadd.s32 $0xFFFFC000  }
0x95: {  	[hbm4b:s7+s3] =	stream.linear.scatter [tilespmem:s17], [sflag:$0x2], $0x4000, $0x38;
	[tilespmem:$0x1D400] =	vst v63  }
0x96: {  	_ =	swait.ge [sflag:s13], $0x4000  }
0x97: {  	[sflag:s13] =	ssyncset.done $0x0  }
0x98: {  	[sflag:s13] =	ssyncadd.s32 $0xFFFFC000  }
0x99: {  	[tilespmem:s17], [sflag:$0x2] =	stream.indirect.gather [spmem:s2], $0x80, s18, s15, $0xb8;
	[tilespmem:$0x1D400] =	vst v63  }
0x9a: {  	_ =	swait.ge [sflag:s13], $0x4000  }
0x9b: {  	[sflag:s13] =	ssyncset.done $0x0  }
0x9c: {  	[sflag:s13] =	ssyncadd.s32 $0xFFFFC000  }
0x9d: {  	[hbm4b:s8+s3] =	stream.linear.scatter [tilespmem:s17], [sflag:$0x2], $0x4000, $0x38;
	[tilespmem:$0x1D400] =	vst v63  }
0x9e: {  	_ =	swait.ge [sflag:s13], $0x4000  }
0x9f: {  	[sflag:s13] =	ssyncset.done $0x0  }
0xa0: {  	[sflag:s13] =	ssyncadd.s32 $0xFFFFC000  }
0xa1: {  	[tilespmem:s17], [sflag:$0x2] =	stream.indirect.gather [spmem:s2], $0x80, s19, s15, $0xb8;
	[tilespmem:$0x1D400] =	vst v63  }
0xa2: {  	_ =	swait.ge [sflag:s13], $0x4000  }
0xa3: {  	[sflag:s13] =	ssyncset.done $0x0  }
0xa4: {  	[sflag:s13] =	ssyncadd.s32 $0xFFFFC000  }
0xa5: {  	[hbm4b:s9+s3] =	stream.linear.scatter [tilespmem:s17], [sflag:$0x2], $0x4000, $0x38;
	[tilespmem:$0x1D400] =	vst v63  }
0xa6: {  	_ =	swait.ge [sflag:s13], $0x4000  }
0xa7: {  	[sflag:s13] =	ssyncset.done $0x0  }
0xa8: {  	[sflag:s13] =	ssyncadd.s32 $0xFFFFC000  }
0xa9: {  	[tilespmem:s17], [sflag:$0x2] =	stream.indirect.gather [spmem:s2], $0x80, s20, s15, $0xb8;
	[tilespmem:$0x1D400] =	vst v63  }
0xaa: {  	_ =	swait.ge [sflag:s13], $0x4000  }
0xab: {  	[sflag:s13] =	ssyncset.done $0x0  }
0xac: {  	[sflag:s13] =	ssyncadd.s32 $0xFFFFC000  }
0xad: {  	[hbm4b:s10+s3] =	stream.linear.scatter [tilespmem:s17], [sflag:$0x2], $0x4000, $0x38;
	[tilespmem:$0x1D400] =	vst v63  }
0xae: {  	_ =	swait.ge [sflag:s13], $0x4000  }
0xaf: {  	[sflag:s13] =	ssyncset.done $0x0  }
0xb0: {  	[sflag:s13] =	ssyncadd.s32 $0xFFFFC000  }
0xb1: {  	[tilespmem:s17], [sflag:$0x2] =	stream.indirect.gather [spmem:s2], $0x80, s21, s15, $0xb8;
	[tilespmem:$0x1D400] =	vst v63  }
0xb2: {  	s23 =	sadd.s32 $0x1, s23;
	_ =	swait.ge [sflag:s13], $0x4000  }
0xb3: {  	p0 =	sne.s32 s23, s12;
	[sflag:s13] =	ssyncset.done $0x0  }
.Ltmp2:
0xb4: {  	[sflag:s13] =	ssyncadd.s32 $0xFFFFC000;
	(pc) =	sbr.rel @p0 .LBB2_1-.Ltmp2, $4  }
0xb5: {  	[hbm4b:s11+s3] =	stream.linear.scatter [tilespmem:s17], [sflag:$0x2], $0x4000, $0x38;
	[tilespmem:$0x1D400] =	vst v63  }
0xb6: {  	_ =	swait.ge [sflag:s13], $0x4000  }
0xb7: {  	[sflag:s13] =	ssyncset.done $0x0  }
0xb8: {  	[sflag:s13] =	ssyncadd.s32 $0xFFFFC000  }
0xb9: {  	_ =	sfence.sel $0x180000  }
0xba: {  	[bflag:$0x0] =	sbarrier.arrive $0xFFFF  }
0xbb: {  	p0 =	sne.s32 s0, $0x0;
	_ =	strace $0x9000004D  }
0xbc: {  	s0 =	sadd.s32 @!p0 $0x100000, s1;
	[bflag:$0x2] =	sbarrier.arrive $0xFFFF  }
0xbd: {  	[sflag:s0] =	ssyncadd.tile.s32 @!p0 $0x1;
	_ =	shalt  }
.Lfunc_end2:
_tile_overlayer_lowered:
.L_overlay_start_2:
0xbe: {  	(tag) =	ssettag $0x2  }
0xbf: {  	s0 =	rddreg [dreg:$0x0];
	s2 =	stileid.u32  }
0xc0: {  	s1 =	rddreg [dreg:$0x1];
	p0 =	sne.s32 s2, $0x0  }
0xc1: {  	s3 =	rddreg [dreg:$0x2];
	[bflag:$0x3] =	sbarrier.arrive $0xFFFF;
	s2 =	simm.s32 @!p0 $0x1C02  }
0xc2: {  	[timem:s3], [sflag:s2] =	dma.local @!p0 [hbm:s0], s1  }
0xc3: {  	s0 =	simm.s32 @!p0 $0x2  }
0xc4: {  	_ =	swait.ge @!p0 [sflag:s0], s1  }
0xc5: {  	s1 =	ssub.s32 @!p0 $0x0, s1;
	[sflag:s0] =	ssyncset.done @!p0 $0x0  }
0xc6: {  	[sflag:s0] =	ssyncadd.s32 @!p0 s1  }
0xc7: {  	[bflag:$0x3] =	sbarrier.arrive $0xFFFF  }
0xc8: {  	_ =	shalt  }

// kernel: kernel.9.cloned.1.call-start
scs
__scs_entry_jumppad:
0x0: {  	(pc) =	sbr.rel $0x88, $3  }
0x1: {  	(tag) =	ssettag $0x0;
	lr =	simm.s32 $0x1  }
0x2: {  	[smem:$0x3F9B] =	sst lr;
	_ =	strace $0xD0000000  }
0x3: {  	_ = 	snop  }
0x4: {  	_ = 	snop  }
0x5: {  	_ = 	snop  }
0x6: {  	_ = 	snop  }
0x7: {  	_ = 	snop  }
__scs_overlays_trampoline_lowered:
0x8: {  	[smem:$0x3FAA] =	sst s0  }
0x9: {  	[smem:$0x3FAB] =	sst s1  }
0xa: {  	[smem:$0x3FAC] =	sst s2  }
0xb: {  	[smem:$0x3FAD] =	sst s3  }
0xc: {  	[smem:$0x3FAE] =	sst s4  }
0xd: {  	[smem:$0x3FAF] =	sst s5  }
0xe: {  	[smem:$0x3FB0] =	sst s6  }
0xf: {  	[smem:$0x3FB1] =	sst s7  }
0x10: {  	[smem:$0x3FB2] =	sst s8  }
0x11: {  	[smem:$0x3FB3] =	sst s9;
	s0 =	simm.s32 @!p0 $0x0  }
0x12: {  	s1 =	sld [smem:$0x3F99];
	s0 =	simm.s32 @p0 $0x1  }
0x13: {  	[smem:$0x3FB4] =	sst s0;
	s0 =	simm.s32 @!p1 $0x0  }
0x14: {  	s2 =	sld [smem:$0x3F98];
	s0 =	simm.s32 @p1 $0x1  }
0x15: {  	[smem:$0x3FB5] =	sst s0;
	s0 =	simm.s32 @!p2 $0x0  }
0x16: {  	s3 =	sld [smem:$0x3FDB];
	s0 =	simm.s32 @p2 $0x1  }
0x17: {  	s4 =	simm.s32 $0x1BF5;
	[smem:$0x3FB7] =	sst s0  }
0x18: {  	s0 =	sld [smem:$0x3F9A];
	_ =	swait.ge [sflag:s4], $0x0  }
0x19: {  	s7 =	sld [smem:$0x3F9B]  }
0x1a: {  	s8 =	sadd.s32 $0xFFFFE003, lr  }
0x1b: {  	s9 =	sadd.s32 $0xFFFFFEF7, lr;
	s5 =	simm.s32 $0xFFFFFFFF;
	p2 =	slt.u32 s8, $0xFFFFF086  }
0x1c: {  	p1 =	slt.u32 s9, $0xF7A;
	s5 =	simm.s32 @!p2 $0x0  }
0x1d: {  	s5 =	simm.s32 @p1 $0x1;
	p0 =	seq.s32 s7, s2  }
0x1e: {  	s7 =	smul.u32 @!p0 $0xF7A, s2;
	p2 =	seq.s32 @!p0 s5, $0x0  }
0x1f: {  	s9 =	smul.u32 $0xF7A, s1;
	s8 =	simm.s32 @!p0 $0x1BF5;
	p2 =	por !p2, p0  }
0x20: {  	[sflag:s8] =	ssyncset.s32 @!p0 $0xFFFFF086;
	s6 =	sadd.s32 @!p0 s3, s7;
	s7 =	simm.s32 @!p0 $0x108  }
0x21: {  	s3 =	sadd.s32 s3, s9;
	s6 =	sadd.s32 @!p0 $0x88, s6;
	s7 =	simm.s32 @p2 $0x1082  }
0x22: {  	[simem:s7], [sflag:s8] =	dma.local @!p0 [hbm:s6], $0xF7A  }
0x23: {  	s9 =	sor.u32 $0xD0000000, s2;
	s6 =	simm.s32 $0x108;
	_ =	swait.ge @!p0 [sflag:s8], $0x0  }
0x24: {  	s3 =	sadd.s32 $0x88, s3;
	s6 =	simm.s32 @!p1 $0x1082;
	[sflag:s4] =	ssyncset.s32 $0xFFFFF086  }
0x25: {  	[simem:s6], [sflag:s4] =	dma.local [hbm:s3], $0xF7A  }
0x26: {  	[smem:$0x3F9B] =	sst s1;
	(tag) =	ssettag s2;
	_ =	strace s9  }
0x27: {  	s1 =	sld [smem:$0x3FAB]  }
0x28: {  	s2 =	sld [smem:$0x3FAC]  }
0x29: {  	s4 =	sld [smem:$0x3FAE]  }
0x2a: {  	p0 =	seq.s32 s5, $0x0;
	s5 =	sld [smem:$0x3FAF]  }
0x2b: {  	s6 =	sld [smem:$0x3FB0]  }
0x2c: {  	s7 =	sld [smem:$0x3FB1]  }
0x2d: {  	s3 =	simm.s32 $0x108;
	s8 =	sld [smem:$0x3FB2]  }
0x2e: {  	s3 =	simm.s32 @!p0 $0x1082;
	s9 =	sld [smem:$0x3FB3]  }
0x2f: {  	lr =	sadd.s32 s0, s3;
	s0 =	sld [smem:$0x3FAA]  }
0x30: {  	s3 =	sld [smem:$0x3FAD]  }
0x31: {  	[smem:$0x3FB6] =	sst s10  }
0x32: {  	s10 =	sld [smem:$0x3FB4];
	_ =	sdelay $0x3  }
0x33: {  	p0 =	seq.s32 s10, $0x1;
	s10 =	sld [smem:$0x3FB6];
	_ =	sdelay $0x3  }
0x34: {  	[smem:$0x3FB6] =	sst s10  }
0x35: {  	s10 =	sld [smem:$0x3FB5];
	_ =	sdelay $0x3  }
0x36: {  	p1 =	seq.s32 s10, $0x1;
	s10 =	sld [smem:$0x3FB6];
	_ =	sdelay $0x3  }
0x37: {  	[smem:$0x3FB6] =	sst s10  }
0x38: {  	s10 =	sld [smem:$0x3FB7]  }
0x39: {  	_ = 	snop;
	(pc) =	sbr.ind lr, $3  }
0x3a: {  	_ = 	snop  }
0x3b: {  	_ = 	snop  }
0x3c: {  	p2 =	seq.s32 s10, $0x1;
	s10 =	sld [smem:$0x3FB6]  }
0x3d: {  	_ =	shalt  }
0x3e: {  	_ =	shalt  }
0x3f: {  	_ =	shalt  }
0x40: {  	_ =	shalt  }
0x41: {  	_ =	shalt  }
0x42: {  	_ =	shalt  }
0x43: {  	_ =	shalt  }
0x44: {  	_ =	shalt  }
0x45: {  	_ =	shalt  }
0x46: {  	_ =	shalt  }
0x47: {  	_ =	shalt  }
0x48: {  	_ =	shalt  }
0x49: {  	_ =	shalt  }
0x4a: {  	_ =	shalt  }
0x4b: {  	_ =	shalt  }
0x4c: {  	_ =	shalt  }
0x4d: {  	_ =	shalt  }
0x4e: {  	_ =	shalt  }
0x4f: {  	_ =	shalt  }
0x50: {  	_ =	shalt  }
0x51: {  	_ =	shalt  }
0x52: {  	_ =	shalt  }
0x53: {  	_ =	shalt  }
0x54: {  	_ =	shalt  }
0x55: {  	_ =	shalt  }
0x56: {  	_ =	shalt  }
0x57: {  	_ =	shalt  }
0x58: {  	_ =	shalt  }
0x59: {  	_ =	shalt  }
0x5a: {  	_ =	shalt  }
0x5b: {  	_ =	shalt  }
0x5c: {  	_ =	shalt  }
0x5d: {  	_ =	shalt  }
0x5e: {  	_ =	shalt  }
0x5f: {  	_ =	shalt  }
0x60: {  	_ =	shalt  }
0x61: {  	_ =	shalt  }
0x62: {  	_ =	shalt  }
0x63: {  	_ =	shalt  }
0x64: {  	_ =	shalt  }
0x65: {  	_ =	shalt  }
0x66: {  	_ =	shalt  }
0x67: {  	_ =	shalt  }
0x68: {  	_ =	shalt  }
0x69: {  	_ =	shalt  }
0x6a: {  	_ =	shalt  }
0x6b: {  	_ =	shalt  }
0x6c: {  	_ =	shalt  }
0x6d: {  	_ =	shalt  }
0x6e: {  	_ =	shalt  }
0x6f: {  	_ =	shalt  }
0x70: {  	_ =	shalt  }
0x71: {  	_ =	shalt  }
0x72: {  	_ =	shalt  }
0x73: {  	_ =	shalt  }
0x74: {  	_ =	shalt  }
0x75: {  	_ =	shalt  }
0x76: {  	_ =	shalt  }
0x77: {  	_ =	shalt  }
0x78: {  	_ =	shalt  }
0x79: {  	_ =	shalt  }
0x7a: {  	_ =	shalt  }
0x7b: {  	_ =	shalt  }
0x7c: {  	_ =	shalt  }
0x7d: {  	_ =	shalt  }
0x7e: {  	_ =	shalt  }
0x7f: {  	_ =	shalt  }
0x80: {  	_ =	shalt  }
0x81: {  	_ =	shalt  }
0x82: {  	_ =	shalt  }
0x83: {  	_ =	shalt  }
0x84: {  	_ =	shalt  }
0x85: {  	_ =	shalt  }
0x86: {  	_ =	shalt  }
0x87: {  	_ =	shalt  }
.Lfunc_end0:
.L_simem_size_0:
called_computation_lowered:
.L_overlay_start_0:
0x88: {  	s2 =	sld [smem:$0x3FD9]  }
0x89: {  	s3 =	sld [smem:$0x3FFE];
	_ =	sdelay $0x1  }
0x8a: {  	s1 =	srdreg.scid  }
0x8b: {  	s0 =	sand.u32 $0x1, s1  }
0x8c: {  	s17 =	sshll.u32 s0, $0xA;
	s2 =	sadd.s32 s3, s2  }
0x8d: {  	s2 =	sadd.s32 s2, s17  }
0x8e: {  	[smem:$0x3FC2] =	sst s2  }
0x8f: {  	_ = 	snop  }
0x90: {  	s2 =	sld [smem:$0x3FD0];
	(tm) =	ssettm $0x1  }
0x91: {  	s18 =	sld [smem:$0x3FFB];
	_ =	sdelay $0x3  }
0x92: {  	_ =	strace s18  }
0x93: {  	s3 =	sld [smem:$0x3FFC];
	_ =	sdelay $0x3  }
0x94: {  	_ =	strace s3  }
0x95: {  	s3 =	sld [smem:$0x3FFD];
	_ =	sdelay $0x3  }
0x96: {  	_ =	strace s3  }
0x97: {  	_ =	strace $0x8FFFFFFF  }
0x98: {  	s19 =	sld [smem:$0x3FDB];
	_ =	sdelay $0x1  }
0x99: {  	s4 =	simm.s32 $_scs_section_size  }
0x9a: {  	s5 =	simm.s32 $_size__tile_overlayer_lowered;
	s6 =	simm.s32 $_tile_overlayer_lowered  }
0x9b: {  	s22 =	simm.s32 $0x1BFF;
	s21 =	sshll.u32 s6, $0x1;
	s3 =	sadd.s32 s4, s19  }
0x9c: {  	s7 =	simm.s32 $0x0;
	s20 =	sshll.u32 s5, $0x1;
	s5 =	sadd.s32 s21, s3  }
0x9d: {  	[timem:s7], [sflag:s22] =	dma.local [hbm:s5], s20  }
0x9e: {  	_ =	swait.ge [sflag:s22], s20  }
0x9f: {  	s4 =	ssub.s32 $0x0, s20;
	[sflag:s22] =	ssyncset.done $0x0  }
0xa0: {  	[sflag:s22] =	ssyncadd.s32 s4;
	_ =	sdelay $0x1  }
0xa1: {  	s23 =	simm.s32 $0x1B8B  }
0xa2: {  	_ =	swait.ge [sflag:s23], $0x1  }
0xa3: {  	[sflag:s23] =	ssyncset.done $0x0  }
0xa4: {  	s25 =	simm.s32 $0x1B8E;
	s24 =	sld [smem:$0x3FFE];
	[sflag:s23] =	ssyncadd.s32 $0xFFFFFFFF  }
0xa5: {  	s26 =	simm.s32 $execute0_lowered;
	[smem:$0x3FD2] =	sst s25  }
0xa6: {  	s5 =	sshll.u32 s26, $0x1;
	_ =	strace $0x80000046;
	[dreg:$0x1] =	wrdreg $0xFFFFFFFF  }
0xa7: {  	s28 =	simm.s32 $_size_execute0_lowered;
	s3 =	sadd.s32 s3, s5;
	[dreg:$0x0] =	wrdreg $0x0  }
0xa8: {  	s5 =	sshll.u32 s28, $0x1;
	[dreg:$0x2] =	wrdreg s3  }
0xa9: {  	[dreg:$0x3] =	wrdreg s5  }
0xaa: {  	[dreg:$0x4] =	wrdreg $0xC0  }
0xab: {  	_ =	task [dreg:s7], $0x5FFFF  }
0xac: {  	[dreg:$0x1] =	wrdreg $0xFFFFFFFF  }
0xad: {  	[dreg:$0x0] =	wrdreg $0x60  }
0xae: {  	[dreg:$0x2] =	wrdreg s2  }
0xaf: {  	[dreg:$0x3] =	wrdreg s24  }
0xb0: {  	[dreg:$0x4] =	wrdreg $0xAC000  }
0xb1: {  	[dreg:$0x5] =	wrdreg $0x9  }
0xb2: {  	_ =	task.clear_ibuf [dreg:s7], $0x6FFFF;
	_ =	strace $0x90000046  }
0xb3: {  	s29 =	simm.s32 $0x9;
	_ =	strace $0x80000048  }
0xb4: {  	_ =	swait.ge [sflag:s29], $0x1  }
0xb5: {  	[sflag:s29] =	ssyncadd.s32 $0xFFFFFFFF  }
0xb6: {  	_ =	strace $0x90000048  }
0xb7: {  	_ =	sfence  }
0xb8: {  	s30 =	sld [smem:$0x0];
	_ =	sdelay $0x2  }
0xb9: {  	s31 =	sshll.u32 s1, $0xD;
	s1 =	sshrl.u32 s1, $0x2  }
0xba: {  	s3 =	sand.u32 $0x4000, s31;
	s1 =	sadd.s32 s1, s30  }
0xbb: {  	s0 =	sor.u32 s3, s0;
	s1 =	sshll.u32 s1, $0x11  }
0xbc: {  	s0 =	sor.u32 s1, s0  }
0xbd: {  	s0 =	sadd.s32 $0x8F2B, s0  }
0xbe: {  	[sflag:s0] =	ssyncadd.remote.s32 $0x1  }
0xbf: {  	_ =	sfence.sel $0xFFFF  }
0xc0: {  	[dreg:$0x0] =	wrdreg $0xFFFFFFFF;
	(pc) =	sbr.abs _section_cstart, $3  }
0xc1: {  	[dreg:$0x1] =	wrdreg $0xFFFFFFFF  }
0xc2: {  	_ =	task.clear_ibuf [dreg:s7], $0x2FFFF;
	_ =	strace $0x9FFFFFFF  }
0xc3: {  	(tm) =	ssettm $0x7FFFFFFF  }
tec
execute0_lowered:
.L_overlay_start_1:
0x0: {  	(tag) =	ssettag $0x1  }
0x1: {  	s4 =	rddreg [dreg:$0x0]  }
0x2: {  	s6 =	rddreg [dreg:$0x1];
	s1 =	srdreg.scid  }
0x3: {  	s0 =	stileid.u32;
	s2 =	rddreg [dreg:$0x2];
	s7 =	sand.u32 $0x1, s1  }
0x4: {  	s3 =	sshll.u32 s0, $0x1;
	s1 =	rddreg [dreg:$0x3];
	s12 =	smul.u32 $0x14000, s0  }
0x5: {  	s5 =	sor.u32 s7, s3;
	s8 =	ssub.s32 $0x2, s7;
	s7 =	smul.u32 $0x140000, s7  }
0x6: {  	s9 =	sadd.s32 $0x1E00, s6;
	s3 =	simm.s32 $0x0;
	s11 =	smul.u32 $0x500, s5  }
0x7: {  	[smem:$0x7FF] =	sst s3;
	s10 =	sshrl.u32 s8, $0x1;
	s5 =	smul.u32 $0x280, s0  }
0x8: {  	_ =	strace $0x80000047;
	s10 =	ssub.s32 s8, s10;
	s23 =	sadd.s32 s12, s7  }
0x9: {  	s4 =	sadd.s32 s4, s11;
	s8 =	sor.u32 $0x10, s5;
	s13 =	sor.u32 $0x20, s5  }
0xa: {  	s14 =	sor.u32 $0x30, s5;
	s15 =	sor.u32 $0x40, s5;
	s16 =	sor.u32 $0x50, s5  }
0xb: {  	s17 =	sor.u32 $0x60, s5;
	s18 =	sor.u32 $0x70, s5;
	s19 =	sadd.s32 $0x80, s5  }
0xc: {  	s20 =	sadd.s32 $0x90, s5;
	s21 =	sadd.s32 $0x100, s5;
	s6 =	sadd.s32 $0x180, s5  }
0xd: {  	s11 =	sadd.s32 $0x200, s5;
	s23 =	sshrl.u32 s23, $0x3;
	s28 =	sadd.s32 $0xC0, s5  }
0xe: {  	s29 =	sadd.s32 $0xD0, s5;
	s30 =	sadd.s32 $0xE0, s5;
	s10 =	smax.u32 s10, $0x1  }
0xf: {  	v39 =	vlaneseq.u32;
	s22 =	sshll.u32 s19, $0x7;
	s31 =	sshll.u32 s21, $0x7;
	s24 =	sshll.u32 s6, $0x7  }
0x10: {  	s25 =	sshll.u32 s11, $0x7;
	v0 =	vor.u32 s8, v39;
	v1 =	vor.u32 s13, v39;
	s8 =	sadd.s32 $0xF0, s5;
	s13 =	sadd.s32 $0x110, s5  }
0x11: {  	v2 =	vor.u32 s14, v39;
	s14 =	sadd.s32 $0x120, s5;
	v3 =	vor.u32 s15, v39;
	v4 =	vor.u32 s16, v39;
	s15 =	sadd.s32 $0x130, s5;
	s16 =	sadd.s32 $0x140, s5  }
0x12: {  	v5 =	vor.u32 s17, v39;
	s17 =	sadd.s32 $0x150, s5;
	v6 =	vor.u32 s18, v39;
	v7 =	vor.u32 s19, v39;
	s18 =	sadd.s32 $0x160, s5;
	s19 =	sadd.s32 $0x170, s5  }
0x13: {  	v8 =	vor.u32 s20, v39;
	s20 =	sadd.s32 $0x190, s5;
	v11 =	vor.u32 s28, v39;
	s28 =	sadd.s32 $0x1C0, s5;
	v12 =	vor.u32 s29, v39;
	s29 =	sadd.s32 $0x1E0, s5  }
0x14: {  	v13 =	vor.u32 s30, v39;
	s30 =	sadd.s32 $0x1F0, s5;
	v15 =	vor.u32 s21, v39;
	s21 =	sadd.s32 $0x230, s5;
	v32 =	vor.u32 s11, v39;
	s11 =	simm.s32 $0x1  }
0x15: {  	s22 =	sadd.s32 s7, s22;
	s26 =	sadd.s32 s7, s31;
	s24 =	sadd.s32 s7, s24  }
0x16: {  	v23 =	vor.u32 s5, v39;
	v24 =	vor.u32 s6, v39;
	s12 =	sadd.s32 s7, s25;
	s25 =	sadd.s32 $0xA0, s5;
	s31 =	sadd.s32 $0xB0, s5  }
0x17: {  	v14 =	vor.u32 s8, v39;
	s8 =	sadd.s32 $0x1D0, s5;
	v16 =	vor.u32 s13, v39;
	v17 =	vor.u32 s14, v39;
	s13 =	sadd.s32 $0x210, s5;
	s14 =	sadd.s32 $0x220, s5  }
0x18: {  	v18 =	vor.u32 s15, v39;
	v19 =	vor.u32 s16, v39;
	v20 =	vor.u32 s17, v39;
	s15 =	sadd.s32 $0x240, s5;
	s16 =	sadd.s32 $0x250, s5;
	s17 =	sadd.s32 $0x260, s5  }
0x19: {  	v21 =	vor.u32 s18, v39;
	v22 =	vor.u32 s19, v39;
	s18 =	sadd.s32 $0x270, s5;
	v25 =	vor.u32 s20, v39;
	s19 =	simm.s32 $0x2800;
	s20 =	simm.s32 $0x0  }
0x1a: {  	v28 =	vor.u32 s28, v39;
	v9 =	vor.u32 s25, v39;
	v10 =	vor.u32 s31, v39;
	s31 =	sadd.s32 $0x1A0, s5;
	s25 =	sadd.s32 $0x1B0, s5;
	s5 =	sadd.s32 s9, s23  }
0x1b: {  	v30 =	vor.u32 s29, v39;
	v31 =	vor.u32 s30, v39;
	v35 =	vor.u32 s21, v39;
	s23 =	sshrl.u32 s22, $0x3;
	s26 =	sshrl.u32 s26, $0x3;
	s12 =	sshrl.u32 s12, $0x3  }
0x1c: {  	v33 =	vor.u32 s13, v39;
	v34 =	vor.u32 s14, v39;
	s13 =	simm.s32 $0xA800;
	s14 =	simm.s32 $0x6800;
	v36 =	vor.u32 s15, v39;
	s15 =	simm.s32 $0xA880  }
0x1d: {  	v29 =	vor.u32 s8, v39;
	v37 =	vor.u32 s16, v39;
	v38 =	vor.u32 s17, v39;
	s16 =	simm.s32 $0xA900;
	s17 =	simm.s32 $0xA980;
	s6 =	sadd.s32 s9, s23  }
0x1e: {  	v26 =	vor.u32 s31, v39;
	s31 =	sshrl.u32 s24, $0x3;
	v27 =	vor.u32 s25, v39;
	s7 =	sadd.s32 s9, s26;
	v39 =	vor.u32 s18, v39;
	s18 =	simm.s32 $0xAA00  }
0x1f: {  	v40 =	vimm.f32 $1.000000000e+00;
	v41 =	vimm.f32 $0.0e+00;
	s8 =	sadd.s32 s9, s31;
	s9 =	sadd.s32 s9, s12;
	s12 =	simm.s32 $0x80  }
.LBB2_1:
0x20: {  	[tilespmem:s3], [sflag:$0x1] =	stream.linear.gather [hbm4b:s4+s3], $0x2800, $0x38;
	[tilespmem:$0x1EC00] =	vst v63  }
0x21: {  	_ =	swait.ge [sflag:s11], $0x2800  }
0x22: {  	[sflag:s11] =	ssyncset.done $0x0  }
0x23: {  	s21 =	simm.s32 $0x0;
	s22 =	simm.s32 $0x200;
	[sflag:s11] =	ssyncadd.s32 $0xFFFFD800  }
.LBB2_2:
0x24: {  	p0 =	sne.s32 s22, $0xFE00;
	[tilespmem:s21+$0x6870] =	vst v41  }
0x25: {  	[tilespmem:s21+$0x2800] =	vst v40  }
0x26: {  	[tilespmem:s21+$0x6800] =	vst v41  }
0x27: {  	[tilespmem:s21+$0x2810] =	vst v40  }
0x28: {  	[tilespmem:s21+$0x6810] =	vst v41  }
0x29: {  	[tilespmem:s21+$0x2820] =	vst v40  }
0x2a: {  	[tilespmem:s21+$0x6820] =	vst v41  }
0x2b: {  	[tilespmem:s21+$0x2830] =	vst v40  }
0x2c: {  	[tilespmem:s21+$0x6830] =	vst v41  }
0x2d: {  	[tilespmem:s21+$0x2840] =	vst v40  }
0x2e: {  	[tilespmem:s21+$0x6840] =	vst v41  }
.Ltmp0:
0x2f: {  	[tilespmem:s21+$0x2850] =	vst v40;
	(pc) =	sbr.rel @p0 .LBB2_2-.Ltmp0, $4  }
0x30: {  	[tilespmem:s21+$0x6850] =	vst v41  }
0x31: {  	[tilespmem:s21+$0x2860] =	vst v40  }
0x32: {  	[tilespmem:s21+$0x6860] =	vst v41  }
0x33: {  	[tilespmem:s21+$0x2870] =	vst v40;
	s21 =	sshra.s32 s22, $0x2;
	s22 =	sadd.s32 $0x200, s22  }
0x34: {  	[tilespmem:s21+$0x6870] =	vst v41  }
0x35: {  	[tilespmem:s21+$0x2800] =	vst v40  }
0x36: {  	[tilespmem:s21+$0x6800] =	vst v41  }
0x37: {  	[tilespmem:s21+$0x2810] =	vst v40  }
0x38: {  	[tilespmem:s21+$0x6810] =	vst v41  }
0x39: {  	[tilespmem:s21+$0x2820] =	vst v40  }
0x3a: {  	[tilespmem:s21+$0x6820] =	vst v41  }
0x3b: {  	[tilespmem:s21+$0x2830] =	vst v40  }
0x3c: {  	[tilespmem:s21+$0x6830] =	vst v41  }
0x3d: {  	[tilespmem:s21+$0x2840] =	vst v40  }
0x3e: {  	[tilespmem:s21+$0x6840] =	vst v41  }
0x3f: {  	[tilespmem:s21+$0x2850] =	vst v40  }
0x40: {  	[tilespmem:s21+$0x6850] =	vst v41  }
0x41: {  	[tilespmem:s21+$0x2860] =	vst v40  }
0x42: {  	[tilespmem:s21+$0x6860] =	vst v41  }
0x43: {  	[tilespmem:s21+$0x2870] =	vst v40  }
0x44: {  	[tilespmem:$0xA800] =	vst v23  }
0x45: {  	[tilespmem:$0xA810] =	vst v0  }
0x46: {  	[tilespmem:$0xA820] =	vst v1  }
0x47: {  	[tilespmem:$0xA830] =	vst v2  }
0x48: {  	[tilespmem:$0xA840] =	vst v3  }
0x49: {  	[tilespmem:$0xA850] =	vst v4  }
0x4a: {  	[tilespmem:$0xA860] =	vst v5  }
0x4b: {  	[tilespmem:$0xA870] =	vst v6  }
0x4c: {  	[tilespmem:$0xA880] =	vst v7  }
0x4d: {  	[tilespmem:$0xA890] =	vst v8  }
0x4e: {  	[tilespmem:$0xA8A0] =	vst v9  }
0x4f: {  	[tilespmem:$0xA8B0] =	vst v10  }
0x50: {  	[tilespmem:$0xA8C0] =	vst v11  }
0x51: {  	[tilespmem:$0xA8D0] =	vst v12  }
0x52: {  	[tilespmem:$0xA8E0] =	vst v13  }
0x53: {  	[tilespmem:$0xA8F0] =	vst v14  }
0x54: {  	[tilespmem:$0xA900] =	vst v15  }
0x55: {  	[tilespmem:$0xA910] =	vst v16  }
0x56: {  	[tilespmem:$0xA920] =	vst v17  }
0x57: {  	[tilespmem:$0xA930] =	vst v18  }
0x58: {  	[tilespmem:$0xA940] =	vst v19  }
0x59: {  	[tilespmem:$0xA950] =	vst v20  }
0x5a: {  	[tilespmem:$0xA960] =	vst v21  }
0x5b: {  	[tilespmem:$0xA970] =	vst v22  }
0x5c: {  	[tilespmem:$0xA980] =	vst v24  }
0x5d: {  	[tilespmem:$0xA990] =	vst v25  }
0x5e: {  	[tilespmem:$0xA9A0] =	vst v26  }
0x5f: {  	[tilespmem:$0xA9B0] =	vst v27  }
0x60: {  	[tilespmem:$0xA9C0] =	vst v28  }
0x61: {  	[tilespmem:$0xA9D0] =	vst v29  }
0x62: {  	[tilespmem:$0xA9E0] =	vst v30  }
0x63: {  	[tilespmem:$0xA9F0] =	vst v31  }
0x64: {  	[tilespmem:$0xAA00] =	vst v32  }
0x65: {  	[tilespmem:$0xAA10] =	vst v33  }
0x66: {  	[tilespmem:$0xAA20] =	vst v34  }
0x67: {  	[tilespmem:$0xAA30] =	vst v35  }
0x68: {  	[tilespmem:$0xAA40] =	vst v36  }
0x69: {  	[tilespmem:$0xAA50] =	vst v37  }
0x6a: {  	[tilespmem:$0xAA60] =	vst v38  }
0x6b: {  	[tilespmem:$0xAA70] =	vst v39  }
0x6c: {  	[spmem:s2] =	stream.indirect.scatter [tilespmem:s14], [sflag:$0x1], $0x80, s13, s12, $0xb8;
	[tilespmem:$0x1EC00] =	vst v63  }
0x6d: {  	_ =	swait.ge [sflag:s11], $0x4000  }
0x6e: {  	[sflag:s11] =	ssyncset.done $0x0  }
0x6f: {  	[sflag:s11] =	ssyncadd.s32 $0xFFFFC000  }
0x70: {  	[spmem:s2] =	stream.indirect.scatter [tilespmem:s14], [sflag:$0x1], $0x80, s15, s12, $0xb8;
	[tilespmem:$0x1EC00] =	vst v63  }
0x71: {  	_ =	swait.ge [sflag:s11], $0x4000  }
0x72: {  	[sflag:s11] =	ssyncset.done $0x0  }
0x73: {  	[sflag:s11] =	ssyncadd.s32 $0xFFFFC000  }
0x74: {  	[spmem:s2] =	stream.indirect.scatter [tilespmem:s14], [sflag:$0x1], $0x80, s16, s12, $0xb8;
	[tilespmem:$0x1EC00] =	vst v63  }
0x75: {  	_ =	swait.ge [sflag:s11], $0x4000  }
0x76: {  	[sflag:s11] =	ssyncset.done $0x0  }
0x77: {  	[sflag:s11] =	ssyncadd.s32 $0xFFFFC000  }
0x78: {  	[spmem:s2] =	stream.indirect.scatter [tilespmem:s14], [sflag:$0x1], $0x80, s17, s12, $0xb8;
	[tilespmem:$0x1EC00] =	vst v63  }
0x79: {  	_ =	swait.ge [sflag:s11], $0x4000  }
0x7a: {  	[sflag:s11] =	ssyncset.done $0x0  }
0x7b: {  	[sflag:s11] =	ssyncadd.s32 $0xFFFFC000  }
0x7c: {  	[spmem:s2] =	stream.indirect.scatter [tilespmem:s14], [sflag:$0x1], $0x80, s18, s12, $0xb8;
	[tilespmem:$0x1EC00] =	vst v63  }
0x7d: {  	_ =	swait.ge [sflag:s11], $0x4000  }
0x7e: {  	[sflag:s11] =	ssyncset.done $0x0  }
0x7f: {  	[sflag:s11] =	ssyncadd.s32 $0xFFFFC000  }
0x80: {  	s31 =	simm.s32 $0x0;
	[bflag:$0x0] =	sbarrier.arrive $0xFFFF  }
0x81: {  	[spmem:s2] =	stream.indirect.scatter.add.f32 [tilespmem:s19], [sflag:$0x1], $0x80, s31, s12, $0xb8;
	[tilespmem:$0x1EC00] =	vst v63  }
0x82: {  	_ =	swait.ge [sflag:s11], $0x4000  }
0x83: {  	s21 =	simm.s32 $0x200;
	[sflag:s11] =	ssyncset.done $0x0  }
.LBB2_4:
0x84: {  	s22 =	sshra.s32 s21, $0x2;
	[sflag:s11] =	ssyncadd.s32 $0xFFFFC000;
	p0 =	sne.s32 s21, $0x9E00  }
0x85: {  	[spmem:s2] =	stream.indirect.scatter.add.f32 [tilespmem:s19], [sflag:$0x1], $0x80, s22, s12, $0xb8;
	[tilespmem:$0x1EC00] =	vst v63  }
.Ltmp1:
0x86: {  	_ = 	snop;
	(pc) =	sbr.rel @p0 .LBB2_4-.Ltmp1, $4  }
0x87: {  	_ = 	snop  }
0x88: {  	s21 =	sadd.s32 $0x200, s21  }
0x89: {  	_ =	swait.ge [sflag:s11], $0x4000  }
0x8a: {  	[sflag:s11] =	ssyncset.done $0x0  }
0x8b: {  	[sflag:s11] =	ssyncadd.s32 $0xFFFFC000  }
0x8c: {  	[bflag:$0x0] =	sbarrier.arrive $0xFFFF  }
0x8d: {  	[tilespmem:s14], [sflag:$0x1] =	stream.indirect.gather [spmem:s2], $0x80, s13, s12, $0xb8;
	[tilespmem:$0x1EC00] =	vst v63  }
0x8e: {  	_ =	swait.ge [sflag:s11], $0x4000  }
0x8f: {  	[sflag:s11] =	ssyncset.done $0x0  }
0x90: {  	[sflag:s11] =	ssyncadd.s32 $0xFFFFC000  }
0x91: {  	[hbm4b:s5+s3] =	stream.linear.scatter [tilespmem:s14], [sflag:$0x1], $0x4000, $0x38;
	[tilespmem:$0x1EC00] =	vst v63  }
0x92: {  	_ =	swait.ge [sflag:s11], $0x4000  }
0x93: {  	[sflag:s11] =	ssyncset.done $0x0  }
0x94: {  	[sflag:s11] =	ssyncadd.s32 $0xFFFFC000  }
0x95: {  	[tilespmem:s14], [sflag:$0x1] =	stream.indirect.gather [spmem:s2], $0x80, s15, s12, $0xb8;
	[tilespmem:$0x1EC00] =	vst v63  }
0x96: {  	_ =	swait.ge [sflag:s11], $0x4000  }
0x97: {  	[sflag:s11] =	ssyncset.done $0x0  }
0x98: {  	[sflag:s11] =	ssyncadd.s32 $0xFFFFC000  }
0x99: {  	[hbm4b:s6+s3] =	stream.linear.scatter [tilespmem:s14], [sflag:$0x1], $0x4000, $0x38;
	[tilespmem:$0x1EC00] =	vst v63  }
0x9a: {  	_ =	swait.ge [sflag:s11], $0x4000  }
0x9b: {  	[sflag:s11] =	ssyncset.done $0x0  }
0x9c: {  	[sflag:s11] =	ssyncadd.s32 $0xFFFFC000  }
0x9d: {  	[tilespmem:s14], [sflag:$0x1] =	stream.indirect.gather [spmem:s2], $0x80, s16, s12, $0xb8;
	[tilespmem:$0x1EC00] =	vst v63  }
0x9e: {  	_ =	swait.ge [sflag:s11], $0x4000  }
0x9f: {  	[sflag:s11] =	ssyncset.done $0x0  }
0xa0: {  	[sflag:s11] =	ssyncadd.s32 $0xFFFFC000  }
0xa1: {  	[hbm4b:s7+s3] =	stream.linear.scatter [tilespmem:s14], [sflag:$0x1], $0x4000, $0x38;
	[tilespmem:$0x1EC00] =	vst v63  }
0xa2: {  	_ =	swait.ge [sflag:s11], $0x4000  }
0xa3: {  	[sflag:s11] =	ssyncset.done $0x0  }
0xa4: {  	[sflag:s11] =	ssyncadd.s32 $0xFFFFC000  }
0xa5: {  	[tilespmem:s14], [sflag:$0x1] =	stream.indirect.gather [spmem:s2], $0x80, s17, s12, $0xb8;
	[tilespmem:$0x1EC00] =	vst v63  }
0xa6: {  	_ =	swait.ge [sflag:s11], $0x4000  }
0xa7: {  	[sflag:s11] =	ssyncset.done $0x0  }
0xa8: {  	[sflag:s11] =	ssyncadd.s32 $0xFFFFC000  }
0xa9: {  	[hbm4b:s8+s3] =	stream.linear.scatter [tilespmem:s14], [sflag:$0x1], $0x4000, $0x38;
	[tilespmem:$0x1EC00] =	vst v63  }
0xaa: {  	_ =	swait.ge [sflag:s11], $0x4000  }
0xab: {  	[sflag:s11] =	ssyncset.done $0x0  }
0xac: {  	[sflag:s11] =	ssyncadd.s32 $0xFFFFC000  }
0xad: {  	[tilespmem:s14], [sflag:$0x1] =	stream.indirect.gather [spmem:s2], $0x80, s18, s12, $0xb8;
	[tilespmem:$0x1EC00] =	vst v63  }
0xae: {  	s20 =	sadd.s32 $0x1, s20;
	_ =	swait.ge [sflag:s11], $0x4000  }
0xaf: {  	p0 =	sne.s32 s20, s10;
	[sflag:s11] =	ssyncset.done $0x0  }
.Ltmp2:
0xb0: {  	[sflag:s11] =	ssyncadd.s32 $0xFFFFC000;
	(pc) =	sbr.rel @p0 .LBB2_1-.Ltmp2, $4  }
0xb1: {  	[hbm4b:s9+s3] =	stream.linear.scatter [tilespmem:s14], [sflag:$0x1], $0x4000, $0x38;
	[tilespmem:$0x1EC00] =	vst v63  }
0xb2: {  	_ =	swait.ge [sflag:s11], $0x4000  }
0xb3: {  	[sflag:s11] =	ssyncset.done $0x0  }
0xb4: {  	[sflag:s11] =	ssyncadd.s32 $0xFFFFC000  }
0xb5: {  	_ =	sfence.sel $0x180000  }
0xb6: {  	[bflag:$0x0] =	sbarrier.arrive $0xFFFF  }
0xb7: {  	p0 =	sne.s32 s0, $0x0;
	_ =	strace $0x90000047  }
0xb8: {  	s0 =	sadd.s32 @!p0 $0x100000, s1;
	[bflag:$0x2] =	sbarrier.arrive $0xFFFF  }
0xb9: {  	[sflag:s0] =	ssyncadd.tile.s32 @!p0 $0x1;
	_ =	shalt  }
.Lfunc_end2:
_tile_overlayer_lowered:
.L_overlay_start_2:
0xba: {  	(tag) =	ssettag $0x2  }
0xbb: {  	s0 =	rddreg [dreg:$0x0];
	s2 =	stileid.u32  }
0xbc: {  	s1 =	rddreg [dreg:$0x1];
	p0 =	sne.s32 s2, $0x0  }
0xbd: {  	s3 =	rddreg [dreg:$0x2];
	[bflag:$0x3] =	sbarrier.arrive $0xFFFF;
	s2 =	simm.s32 @!p0 $0x1C01  }
0xbe: {  	[timem:s3], [sflag:s2] =	dma.local @!p0 [hbm:s0], s1  }
0xbf: {  	s0 =	simm.s32 @!p0 $0x1  }
0xc0: {  	_ =	swait.ge @!p0 [sflag:s0], s1  }
0xc1: {  	s1 =	ssub.s32 @!p0 $0x0, s1;
	[sflag:s0] =	ssyncset.done @!p0 $0x0  }
0xc2: {  	[sflag:s0] =	ssyncadd.s32 @!p0 s1  }
0xc3: {  	[bflag:$0x3] =	sbarrier.arrive $0xFFFF  }
0xc4: {  	_ =	shalt  }

</sc_bundles>
